<compile_context>
chip_gen: v7x
topology: tpu7x:2x2x1
jax: 0.10.2.dev20260603
libtpu: 0.0.44.dev20260713+nightly
codegen_flags: <defaults>
</compile_context>

<pallas_src>
import jax
import jax.numpy as jnp
from jax import lax
from jax.experimental import pallas as pl
from jax.experimental.pallas import tpu as pltpu
from jax.experimental.pallas import tpu_sc as plsc

B = 4096
F = 26
D = 32
NFEAT = 100000
NW = 32
RPW = B // NW
IPW = RPW * F
CROWS = 32
CIDX = CROWS * F
NCHUNK = RPW // CROWS
NBUF = 3

_DNUMS = lax.GatherDimensionNumbers(
    offset_dims=(), collapsed_slice_dims=(0,), start_index_map=(0,))


def _vec_helpers():
    lane = lax.iota(jnp.int32, 16)
    mask10 = jnp.where(lane < 10, 1.0, 0.0).astype(jnp.float32)
    perms = [jnp.bitwise_xor(lane, sh) for sh in (1, 2, 4, 8)]

    def allsum(t):
        for p in perms:
            t = t + lax.gather(t, p[:, None], _DNUMS, slice_sizes=(1,),
                               mode=lax.GatherScatterMode.PROMISE_IN_BOUNDS)
        return t

    return lane, mask10, allsum


def _wid():
    nc = plsc.get_sparse_core_info().num_cores
    return lax.axis_index("s") * nc + lax.axis_index("c")


def _first_body(fi_hbm, fv_hbm, fw_hbm, bias_hbm, y1_hbm,
                idx_v, fv_v, fw_tab, out_v, bias_v, sem_tab):
    wid = _wid()
    htab = pltpu.async_copy(fw_hbm, fw_tab, sem_tab)
    pltpu.sync_copy(fi_hbm.at[pl.ds(wid * IPW, IPW)], idx_v.at[pl.ds(0, IPW)])
    pltpu.sync_copy(fv_hbm.at[pl.ds(wid * IPW, IPW)], fv_v.at[pl.ds(0, IPW)])
    pltpu.sync_copy(bias_hbm, bias_v)
    htab.wait()

    lane, mask10, allsum = _vec_helpers()
    z = jnp.zeros((16,), jnp.float32)

    def grp_body(g, carry):
        def row_body(j, acc):
            k0 = (g * 16 + j) * F
            v0 = fv_v[pl.ds(k0, 16)]
            v1 = fv_v[pl.ds(k0 + 16, 16)] * mask10
            i0 = idx_v[pl.ds(k0, 16)]
            i1 = jnp.where(lane < 10, idx_v[pl.ds(k0 + 16, 16)], 0)
            t = plsc.load_gather(fw_tab, [i0]) * v0 \
                + plsc.load_gather(fw_tab, [i1]) * v1
            return jnp.where(lane == j, allsum(t), acc)

        acc = lax.fori_loop(0, 16, row_body, z)
        out_v[pl.ds(g * 16, 16)] = acc + bias_v[...]
        return carry

    lax.fori_loop(0, RPW // 16, grp_body, 0)
    pltpu.sync_copy(out_v, y1_hbm.at[pl.ds(wid * RPW, RPW)])


def _secd_body(fi_hbm, fv_hbm, emb_hbm, y1_hbm, out_hbm,
               idx_v, fv_v, rows_v, y1_v, out_v,
               sem_a, sem_b, sem_c):
    wid = _wid()
    pltpu.sync_copy(fi_hbm.at[pl.ds(wid * IPW, IPW)], idx_v.at[pl.ds(0, IPW)])

    sems = [sem_a, sem_b, sem_c]

    def issue(c):
        return pltpu.async_copy(
            emb_hbm.at[idx_v.at[pl.ds(c * CIDX, CIDX)]],
            rows_v.at[pl.ds((c % NBUF) * CIDX, CIDX)],
            sems[c % NBUF])

    handles = [issue(0), issue(1), None]
    pltpu.sync_copy(fv_hbm.at[pl.ds(wid * IPW, IPW)], fv_v.at[pl.ds(0, IPW)])
    pltpu.sync_copy(y1_hbm.at[pl.ds(wid * RPW, RPW)], y1_v)

    lane, mask10, allsum = _vec_helpers()
    z = jnp.zeros((16,), jnp.float32)

    for c in range(NCHUNK):
        if c + 2 < NCHUNK:
            handles[(c + 2) % NBUF] = issue(c + 2)
        handles[c % NBUF].wait()
        rbase = (c % NBUF) * CIDX

        def row_body(j, accs, c=c, rbase=rbase):
            acc0, acc1 = accs
            k0 = (c * CROWS + j) * F
            v0 = fv_v[pl.ds(k0, 16)]
            v1 = fv_v[pl.ds(k0 + 16, 16)] * mask10
            s0, s1, q0, q1 = z, z, z, z
            for f in range(F):
                fvs = v0[f] if f < 16 else v1[f - 16]
                r = rbase + j * F + f
                e0 = rows_v[r, pl.ds(0, 16)] * fvs
                e1 = rows_v[r, pl.ds(16, 16)] * fvs
                s0 = s0 + e0
                s1 = s1 + e1
                q0 = q0 + e0 * e0
                q1 = q1 + e1 * e1
            t = ((s0 * s0 - q0) + (s1 * s1 - q1)) * 0.5
            y = allsum(t)
            return (jnp.where(lane == j, y, acc0),
                    jnp.where(lane == j - 16, y, acc1))

        acc0, acc1 = lax.fori_loop(0, CROWS, row_body, (z, z))
        out_v[pl.ds(c * CROWS, 16)] = acc0 + y1_v[pl.ds(c * CROWS, 16)]
        out_v[pl.ds(c * CROWS + 16, 16)] = (
            acc1 + y1_v[pl.ds(c * CROWS + 16, 16)])

    pltpu.sync_copy(out_v, out_hbm.at[pl.ds(wid * RPW, RPW)])


@jax.jit
def _fm_call(fi2, fv2, fw1, emb1, bias16):
    emb = emb1.reshape(NFEAT, D)
    mesh = plsc.VectorSubcoreMesh(core_axis_name="c", subcore_axis_name="s")
    params = pltpu.CompilerParams(
        use_tc_tiling_on_sc=False, needs_layout_passes=False)

    first = pl.kernel(
        _first_body,
        out_type=jax.ShapeDtypeStruct((B,), jnp.float32),
        mesh=mesh,
        compiler_params=params,
        scratch_types=[
            pltpu.VMEM((IPW + 16,), jnp.int32),
            pltpu.VMEM((IPW + 16,), jnp.float32),
            pltpu.VMEM((NFEAT,), jnp.float32),
            pltpu.VMEM((RPW,), jnp.float32),
            pltpu.VMEM((16,), jnp.float32),
            pltpu.SemaphoreType.DMA,
        ],
    )
    y1 = first(fi2, fv2, fw1, bias16)

    secd = pl.kernel(
        _secd_body,
        out_type=jax.ShapeDtypeStruct((B,), jnp.float32),
        mesh=mesh,
        compiler_params=params,
        scratch_types=[
            pltpu.VMEM((IPW + 16,), jnp.int32),
            pltpu.VMEM((IPW + 16,), jnp.float32),
            pltpu.VMEM((NBUF * CIDX, D), jnp.float32),
            pltpu.VMEM((RPW,), jnp.float32),
            pltpu.VMEM((RPW,), jnp.float32),
            pltpu.SemaphoreType.DMA,
            pltpu.SemaphoreType.DMA,
            pltpu.SemaphoreType.DMA,
        ],
    )
    return secd(fi2, fv2, emb, y1)


def kernel(feat_index, feat_value, first_weights, feat_embeddings, bias):
    emb1 = feat_embeddings.reshape(NFEAT * D)
    fi2 = feat_index.astype(jnp.int32).reshape(NW * IPW)
    fv2 = feat_value.reshape(NW * IPW)
    fw1 = first_weights.reshape(NFEAT)
    bias16 = jnp.broadcast_to(bias, (16,))
    out = _fm_call(fi2, fv2, fw1, emb1, bias16)
    return out.reshape(B, 1)

# --- scband reference (transcript-rebuilt; emitter-appended) ---
"""Pipeline reference for scband-fm-layer-20564303413566 (READ-ONLY COPY).

The authoritative reference and input builder live on the scoring server;
editing this copy changes nothing except your own understanding.
"""

import jax, jax.numpy as jnp
import numpy as np

NUM_FEAT = 100000
NUM_FIELD = 26
EMB = 32
BATCH = 4096


def setup_inputs(seed: int = 0) -> dict:
    key = jax.random.key(seed)
    k1, k2, k3, k4 = jax.random.split(key, 4)
    feat_index = jax.random.randint(k1, (BATCH, NUM_FIELD), 0, NUM_FEAT, dtype=jnp.int64 if jax.config.jax_enable_x64 else jnp.int32)
    feat_value = jax.random.uniform(k2, (BATCH, NUM_FIELD), dtype=jnp.float32)
    # Keras Embedding default 'uniform' initializer: U(-0.05, 0.05)
    first_weights = jax.random.uniform(k3, (NUM_FEAT, 1), minval=-0.05, maxval=0.05, dtype=jnp.float32)
    feat_embeddings = jax.random.uniform(k4, (NUM_FEAT, EMB), minval=-0.05, maxval=0.05, dtype=jnp.float32)
    bias = jnp.zeros((1,), dtype=jnp.float32)
    return {"feat_index": feat_index, "feat_value": feat_value,
            "first_weights": first_weights, "feat_embeddings": feat_embeddings,
            "bias": bias}


def reference(feat_index, feat_value, first_weights, feat_embeddings, bias):
    fv = jnp.expand_dims(feat_value, axis=-1)                      # [B, F, 1]
    fw = jnp.take(first_weights, feat_index, axis=0)               # [B, F, 1]
    first_weight_value = jnp.squeeze(fw * fv, axis=-1)             # [B, F]
    y_first_order = jnp.sum(first_weight_value, axis=1)            # [B]
    secd_feat_emb = jnp.take(feat_embeddings, feat_index, axis=0)  # [B, F, D]
    feat_emd_value = secd_feat_emb * fv                            # [B, F, D]
    summed_feat_emb = jnp.sum(feat_emd_value, axis=1)              # [B, D]
    interaction_part1 = jnp.power(summed_feat_emb, 2)              # [B, D]
    squared_feat_emd_value = jnp.power(feat_emd_value, 2)          # [B, F, D]
    interaction_part2 = jnp.sum(squared_feat_emd_value, axis=1)    # [B, D]
    y_secd_order = 0.5 * (interaction_part1 - interaction_part2)   # [B, D]
    y_secd_order = jnp.sum(y_secd_order, axis=1)                   # [B]
    output = y_first_order + y_secd_order + bias                   # [B]
    output = jnp.expand_dims(output, axis=1)                       # [B, 1]
    return output

if __name__ == "__main__":
    import jax
    _d = setup_inputs()
    print(jax.jit(kernel)(*tuple(_d.values())))

</pallas_src>

<mosaic_0001>
#map = affine_map<(d0, d1) -> (0)>
#map1 = affine_map<(d0, d1) -> (0, 0)>
module attributes {stable_mosaic.version = 14 : i64} {
  func.func @_secd_body(%arg0: i32, %arg1: i32, %arg2: memref<106496xi32, #tpu.memory_space<hbm>>, %arg3: memref<106496xf32, #tpu.memory_space<hbm>>, %arg4: memref<100000x32xf32, #tpu.memory_space<hbm>>, %arg5: memref<4096xf32, #tpu.memory_space<hbm>>, %arg6: memref<4096xf32, #tpu.memory_space<hbm>>, %arg7: memref<3344xi32, #tpu.memory_space<vmem>>, %arg8: memref<3344xf32, #tpu.memory_space<vmem>>, %arg9: memref<2496x32xf32, #tpu.memory_space<vmem>>, %arg10: memref<128xf32, #tpu.memory_space<vmem>>, %arg11: memref<128xf32, #tpu.memory_space<vmem>>, %arg12: memref<!tpu.dma_semaphore, #tpu.memory_space<semaphore_mem>>, %arg13: memref<!tpu.dma_semaphore, #tpu.memory_space<semaphore_mem>>, %arg14: memref<!tpu.dma_semaphore, #tpu.memory_space<semaphore_mem>>) attributes {dimension_semantics = [#tpu.dimension_semantics<core_parallel>, #tpu.dimension_semantics<subcore_parallel>], iteration_bounds = array<i64: 2, 16>, scalar_prefetch = 0 : i64, scratch_operands = 8 : i64, tpu.core_type = #tpu.core_type<sc_vector_subcore>, window_params = [{transform_indices = #map}, {transform_indices = #map}, {transform_indices = #map1}, {transform_indices = #map}, {transform_indices = #map}]} {
    %mul3A = arith.constant 2 : i32
    %mul3A_0 = arith.muli %arg1, %mul3A : i32
    %add3A = arith.addi %mul3A_0, %arg0 : i32
    %mul3A_1 = arith.constant 3328 : i32
    %mul3A_2 = arith.muli %add3A, %mul3A_1 : i32
    "tpu.region"() ({
      %run_scoped3A = tpu.sem_alloc : memref<!tpu.dma_semaphore, #tpu.memory_space<semaphore_mem>>
      %dma_start3A_149 = arith.constant 0 : i32
      %dma_start3A_150 = tpu.memref_slice %arg7[%dma_start3A_149] : memref<3344xi32, #tpu.memory_space<vmem>> -> memref<3328xi32, #tpu.memory_space<vmem>>
      %dma_start3A_151 = tpu.memref_slice %arg2[%mul3A_2] : memref<106496xi32, #tpu.memory_space<hbm>> -> memref<3328xi32, #tpu.memory_space<hbm>>
      %dma_start3A_152 = arith.constant 0 : i32
      %dma_start3A_153 = tpu.memref_slice %arg7[%dma_start3A_152] : memref<3344xi32, #tpu.memory_space<vmem>> -> memref<3328xi32, #tpu.memory_space<vmem>>
      %dma_start3A_154 = tpu.memref_slice %arg2[%mul3A_2] : memref<106496xi32, #tpu.memory_space<hbm>> -> memref<3328xi32, #tpu.memory_space<hbm>>
      tpu.enqueue_dma source(%dma_start3A_154 : memref<3328xi32, #tpu.memory_space<hbm>>) target(%dma_start3A_153 : memref<3328xi32, #tpu.memory_space<vmem>>) target_semaphore(%run_scoped3A : memref<!tpu.dma_semaphore, #tpu.memory_space<semaphore_mem>>)
      %dma_wait3A_155 = arith.constant 0 : i32
      %dma_wait3A_156 = tpu.memref_slice %arg7[%dma_wait3A_155] : memref<3344xi32, #tpu.memory_space<vmem>> -> memref<3328xi32, #tpu.memory_space<vmem>>
      %dma_wait3A_157 = tpu.memref_slice %arg2[%mul3A_2] : memref<106496xi32, #tpu.memory_space<hbm>> -> memref<3328xi32, #tpu.memory_space<hbm>>
      %dma_wait3A_158 = arith.constant 0 : i32
      %dma_wait3A_159 = tpu.memref_slice %arg7[%dma_wait3A_158] : memref<3344xi32, #tpu.memory_space<vmem>> -> memref<3328xi32, #tpu.memory_space<vmem>>
      %dma_wait3A_160 = tpu.memref_slice %arg2[%mul3A_2] : memref<106496xi32, #tpu.memory_space<hbm>> -> memref<3328xi32, #tpu.memory_space<hbm>>
      tpu.wait_dma2 semaphore(%run_scoped3A : memref<!tpu.dma_semaphore, #tpu.memory_space<semaphore_mem>>) src(%dma_wait3A_160 : memref<3328xi32, #tpu.memory_space<hbm>>) dst(%dma_wait3A_159 : memref<3328xi32, #tpu.memory_space<vmem>>)
      tpu.yield
    }) : () -> ()
    %dma_start3A = arith.constant 0 : i32
    %dma_start3A_3 = arith.constant 0 : i32
    %dma_start3A_4 = tpu.memref_slice %arg9[%dma_start3A, %dma_start3A_3] : memref<2496x32xf32, #tpu.memory_space<vmem>> -> memref<832x32xf32, #tpu.memory_space<vmem>>
    %dma_start3A_5 = arith.constant 0 : i32
    %dma_start3A_6 = tpu.memref_slice %arg7[%dma_start3A_5] : memref<3344xi32, #tpu.memory_space<vmem>> -> memref<832xi32, #tpu.memory_space<vmem>>
    %dma_start3A_7 = arith.constant 0 : i32
    %dma_start3A_8 = arith.constant 0 : i32
    %dma_start3A_9 = tpu.memref_slice %arg4[%dma_start3A_7, %dma_start3A_8] : memref<100000x32xf32, #tpu.memory_space<hbm>> -> memref<100000x32xf32, #tpu.memory_space<hbm>>
    tpu.enqueue_indirect_dma source(%dma_start3A_9 : memref<100000x32xf32, #tpu.memory_space<hbm>>) target(%dma_start3A_4 : memref<832x32xf32, #tpu.memory_space<vmem>>) offsets(%dma_start3A_6 : memref<832xi32, #tpu.memory_space<vmem>>) semaphore(%arg12 : memref<!tpu.dma_semaphore, #tpu.memory_space<semaphore_mem>>)
    %dma_start3A_10 = arith.constant 832 : i32
    %dma_start3A_11 = arith.constant 0 : i32
    %dma_start3A_12 = tpu.memref_slice %arg9[%dma_start3A_10, %dma_start3A_11] : memref<2496x32xf32, #tpu.memory_space<vmem>> -> memref<832x32xf32, #tpu.memory_space<vmem>>
    %dma_start3A_13 = arith.constant 832 : i32
    %dma_start3A_14 = tpu.memref_slice %arg7[%dma_start3A_13] : memref<3344xi32, #tpu.memory_space<vmem>> -> memref<832xi32, #tpu.memory_space<vmem>>
    %dma_start3A_15 = arith.constant 0 : i32
    %dma_start3A_16 = arith.constant 0 : i32
    %dma_start3A_17 = tpu.memref_slice %arg4[%dma_start3A_15, %dma_start3A_16] : memref<100000x32xf32, #tpu.memory_space<hbm>> -> memref<100000x32xf32, #tpu.memory_space<hbm>>
    tpu.enqueue_indirect_dma source(%dma_start3A_17 : memref<100000x32xf32, #tpu.memory_space<hbm>>) target(%dma_start3A_12 : memref<832x32xf32, #tpu.memory_space<vmem>>) offsets(%dma_start3A_14 : memref<832xi32, #tpu.memory_space<vmem>>) semaphore(%arg13 : memref<!tpu.dma_semaphore, #tpu.memory_space<semaphore_mem>>)
    %mul3A_18 = arith.constant 3328 : i32
    %mul3A_19 = arith.muli %add3A, %mul3A_18 : i32
    "tpu.region"() ({
      %run_scoped3A = tpu.sem_alloc : memref<!tpu.dma_semaphore, #tpu.memory_space<semaphore_mem>>
      %dma_start3A_149 = arith.constant 0 : i32
      %dma_start3A_150 = tpu.memref_slice %arg8[%dma_start3A_149] : memref<3344xf32, #tpu.memory_space<vmem>> -> memref<3328xf32, #tpu.memory_space<vmem>>
      %dma_start3A_151 = tpu.memref_slice %arg3[%mul3A_19] : memref<106496xf32, #tpu.memory_space<hbm>> -> memref<3328xf32, #tpu.memory_space<hbm>>
      %dma_start3A_152 = arith.constant 0 : i32
      %dma_start3A_153 = tpu.memref_slice %arg8[%dma_start3A_152] : memref<3344xf32, #tpu.memory_space<vmem>> -> memref<3328xf32, #tpu.memory_space<vmem>>
      %dma_start3A_154 = tpu.memref_slice %arg3[%mul3A_19] : memref<106496xf32, #tpu.memory_space<hbm>> -> memref<3328xf32, #tpu.memory_space<hbm>>
      tpu.enqueue_dma source(%dma_start3A_154 : memref<3328xf32, #tpu.memory_space<hbm>>) target(%dma_start3A_153 : memref<3328xf32, #tpu.memory_space<vmem>>) target_semaphore(%run_scoped3A : memref<!tpu.dma_semaphore, #tpu.memory_space<semaphore_mem>>)
      %dma_wait3A_155 = arith.constant 0 : i32
      %dma_wait3A_156 = tpu.memref_slice %arg8[%dma_wait3A_155] : memref<3344xf32, #tpu.memory_space<vmem>> -> memref<3328xf32, #tpu.memory_space<vmem>>
      %dma_wait3A_157 = tpu.memref_slice %arg3[%mul3A_19] : memref<106496xf32, #tpu.memory_space<hbm>> -> memref<3328xf32, #tpu.memory_space<hbm>>
      %dma_wait3A_158 = arith.constant 0 : i32
      %dma_wait3A_159 = tpu.memref_slice %arg8[%dma_wait3A_158] : memref<3344xf32, #tpu.memory_space<vmem>> -> memref<3328xf32, #tpu.memory_space<vmem>>
      %dma_wait3A_160 = tpu.memref_slice %arg3[%mul3A_19] : memref<106496xf32, #tpu.memory_space<hbm>> -> memref<3328xf32, #tpu.memory_space<hbm>>
      tpu.wait_dma2 semaphore(%run_scoped3A : memref<!tpu.dma_semaphore, #tpu.memory_space<semaphore_mem>>) src(%dma_wait3A_160 : memref<3328xf32, #tpu.memory_space<hbm>>) dst(%dma_wait3A_159 : memref<3328xf32, #tpu.memory_space<vmem>>)
      tpu.yield
    }) : () -> ()
    %mul3A_20 = arith.constant 128 : i32
    %mul3A_21 = arith.muli %add3A, %mul3A_20 : i32
    "tpu.region"() ({
      %run_scoped3A = tpu.sem_alloc : memref<!tpu.dma_semaphore, #tpu.memory_space<semaphore_mem>>
      %dma_start3A_149 = tpu.memref_slice %arg5[%mul3A_21] : memref<4096xf32, #tpu.memory_space<hbm>> -> memref<128xf32, #tpu.memory_space<hbm>>
      %dma_start3A_150 = tpu.memref_slice %arg5[%mul3A_21] : memref<4096xf32, #tpu.memory_space<hbm>> -> memref<128xf32, #tpu.memory_space<hbm>>
      tpu.enqueue_dma source(%dma_start3A_150 : memref<128xf32, #tpu.memory_space<hbm>>) target(%arg10 : memref<128xf32, #tpu.memory_space<vmem>>) target_semaphore(%run_scoped3A : memref<!tpu.dma_semaphore, #tpu.memory_space<semaphore_mem>>)
      %dma_wait3A_151 = tpu.memref_slice %arg5[%mul3A_21] : memref<4096xf32, #tpu.memory_space<hbm>> -> memref<128xf32, #tpu.memory_space<hbm>>
      %dma_wait3A_152 = tpu.memref_slice %arg5[%mul3A_21] : memref<4096xf32, #tpu.memory_space<hbm>> -> memref<128xf32, #tpu.memory_space<hbm>>
      tpu.wait_dma2 semaphore(%run_scoped3A : memref<!tpu.dma_semaphore, #tpu.memory_space<semaphore_mem>>) src(%dma_wait3A_152 : memref<128xf32, #tpu.memory_space<hbm>>) dst(%arg10 : memref<128xf32, #tpu.memory_space<vmem>>)
      tpu.yield
    }) : () -> ()
    %iota3A = tpu.iota {dimensions = array<i32: 0>} : vector<16xi32>
    %lt3A = arith.constant 10 : i32
    %lt3A_22 = vector.broadcast %lt3A : i32 to vector<16xi32>
    %lt3A_23 = arith.cmpi slt, %iota3A, %lt3A_22 : vector<16xi32>
    %jit3A = arith.constant 1.000000e+00 : f32
    %jit3A_24 = arith.constant 0.000000e+00 : f32
    %broadcast_in_dim3A = vector.broadcast %jit3A : f32 to vector<16xf32>
    %broadcast_in_dim3A_25 = vector.broadcast %jit3A_24 : f32 to vector<16xf32>
    %select_n3A = arith.select %lt3A_23, %broadcast_in_dim3A, %broadcast_in_dim3A_25 : vector<16xi1>, vector<16xf32>
    %xor3A = arith.constant 1 : i32
    %xor3A_26 = vector.broadcast %xor3A : i32 to vector<16xi32>
    %xor3A_27 = arith.xori %iota3A, %xor3A_26 : vector<16xi32>
    %xor3A_28 = arith.constant 2 : i32
    %xor3A_29 = vector.broadcast %xor3A_28 : i32 to vector<16xi32>
    %xor3A_30 = arith.xori %iota3A, %xor3A_29 : vector<16xi32>
    %xor3A_31 = arith.constant 4 : i32
    %xor3A_32 = vector.broadcast %xor3A_31 : i32 to vector<16xi32>
    %xor3A_33 = arith.xori %iota3A, %xor3A_32 : vector<16xi32>
    %xor3A_34 = arith.constant 8 : i32
    %xor3A_35 = vector.broadcast %xor3A_34 : i32 to vector<16xi32>
    %xor3A_36 = arith.xori %iota3A, %xor3A_35 : vector<16xi32>
    %broadcast_in_dim3A_37 = arith.constant 0.000000e+00 : f32
    %broadcast_in_dim3A_38 = vector.broadcast %broadcast_in_dim3A_37 : f32 to vector<16xf32>
    %dma_start3A_39 = arith.constant 1664 : i32
    %dma_start3A_40 = arith.constant 0 : i32
    %dma_start3A_41 = tpu.memref_slice %arg9[%dma_start3A_39, %dma_start3A_40] : memref<2496x32xf32, #tpu.memory_space<vmem>> -> memref<832x32xf32, #tpu.memory_space<vmem>>
    %dma_start3A_42 = arith.constant 1664 : i32
    %dma_start3A_43 = tpu.memref_slice %arg7[%dma_start3A_42] : memref<3344xi32, #tpu.memory_space<vmem>> -> memref<832xi32, #tpu.memory_space<vmem>>
    %dma_start3A_44 = arith.constant 0 : i32
    %dma_start3A_45 = arith.constant 0 : i32
    %dma_start3A_46 = tpu.memref_slice %arg4[%dma_start3A_44, %dma_start3A_45] : memref<100000x32xf32, #tpu.memory_space<hbm>> -> memref<100000x32xf32, #tpu.memory_space<hbm>>
    tpu.enqueue_indirect_dma source(%dma_start3A_46 : memref<100000x32xf32, #tpu.memory_space<hbm>>) target(%dma_start3A_41 : memref<832x32xf32, #tpu.memory_space<vmem>>) offsets(%dma_start3A_43 : memref<832xi32, #tpu.memory_space<vmem>>) semaphore(%arg14 : memref<!tpu.dma_semaphore, #tpu.memory_space<semaphore_mem>>)
    %dma_wait3A = arith.constant 0 : i32
    %dma_wait3A_47 = arith.constant 0 : i32
    %dma_wait3A_48 = tpu.memref_slice %arg9[%dma_wait3A, %dma_wait3A_47] : memref<2496x32xf32, #tpu.memory_space<vmem>> -> memref<832x32xf32, #tpu.memory_space<vmem>>
    %dma_wait3A_49 = arith.constant 0 : i32
    %dma_wait3A_50 = tpu.memref_slice %arg7[%dma_wait3A_49] : memref<3344xi32, #tpu.memory_space<vmem>> -> memref<832xi32, #tpu.memory_space<vmem>>
    %dma_wait3A_51 = arith.constant 0 : i32
    %dma_wait3A_52 = arith.constant 0 : i32
    %dma_wait3A_53 = tpu.memref_slice %arg4[%dma_wait3A_51, %dma_wait3A_52] : memref<100000x32xf32, #tpu.memory_space<hbm>> -> memref<100000x32xf32, #tpu.memory_space<hbm>>
    tpu.wait_indirect_dma semaphore(%arg12 : memref<!tpu.dma_semaphore, #tpu.memory_space<semaphore_mem>>) src(%dma_wait3A_53 : memref<100000x32xf32, #tpu.memory_space<hbm>>) dst(%dma_wait3A_48 : memref<832x32xf32, #tpu.memory_space<vmem>>)
    %scan3A = arith.constant 0 : i32
    %scan3A_54 = arith.constant 32 : i32
    %scan3A_55 = arith.addi %scan3A, %scan3A_54 : i32
    %scan3A_56 = arith.constant 1 : i32
    %scan3A_57:2 = scf.for %scan3A_149 = %scan3A to %scan3A_55 step %scan3A_56 iter_args(%scan3A_150 = %broadcast_in_dim3A_38, %scan3A_151 = %broadcast_in_dim3A_38) -> (vector<16xf32>, vector<16xf32>)  : i32 {
      %add3A_152 = arith.constant 0 : i32
      %add3A_153 = arith.addi %add3A_152, %scan3A_149 : i32
      %mul3A_154 = arith.constant 26 : i32
      %mul3A_155 = arith.muli %add3A_153, %mul3A_154 : i32
      %get3A_156 = arith.index_cast %mul3A_155 : i32 to index
      %get3A_157 = tpu.vector_load %arg8[%get3A_156] {strides = array<i32>} : memref<3344xf32, #tpu.memory_space<vmem>>, vector<16xf32>,
      %add3A_158 = arith.constant 16 : i32
      %add3A_159 = arith.addi %mul3A_155, %add3A_158 : i32
      %get3A_160 = arith.index_cast %add3A_159 : i32 to index
      %get3A_161 = tpu.vector_load %arg8[%get3A_160] {strides = array<i32>} : memref<3344xf32, #tpu.memory_space<vmem>>, vector<16xf32>,
      %mul3A_162 = arith.mulf %get3A_161, %select_n3A : vector<16xf32>
      %slice3A = vector.extract_strided_slice %get3A_157 {offsets = [0], sizes = [1], strides = [1]} : vector<16xf32> to vector<1xf32>
      %squeeze3A = vector.extract %slice3A[0] : f32 from vector<1xf32>
      %mul3A_163 = arith.constant 26 : i32
      %mul3A_164 = arith.muli %scan3A_149, %mul3A_163 : i32
      %add3A_165 = arith.constant 0 : i32
      %add3A_166 = arith.addi %add3A_165, %mul3A_164 : i32
      %add3A_167 = arith.constant 0 : i32
      %add3A_168 = arith.addi %add3A_166, %add3A_167 : i32
      %get3A_169 = arith.index_cast %add3A_168 : i32 to index
      %get3A_170 = arith.constant 0 : index
      %get3A_171 = tpu.vector_load %arg9[%get3A_169, %get3A_170] {strides = array<i32>} : memref<2496x32xf32, #tpu.memory_space<vmem>>, vector<16xf32>,
      %mul3A_172 = vector.broadcast %squeeze3A : f32 to vector<16xf32>
      %mul3A_173 = arith.mulf %get3A_171, %mul3A_172 : vector<16xf32>
      %get3A_174 = arith.index_cast %add3A_168 : i32 to index
      %get3A_175 = arith.constant 16 : index
      %get3A_176 = tpu.vector_load %arg9[%get3A_174, %get3A_175] {strides = array<i32>} : memref<2496x32xf32, #tpu.memory_space<vmem>>, vector<16xf32>,
      %mul3A_177 = vector.broadcast %squeeze3A : f32 to vector<16xf32>
      %mul3A_178 = arith.mulf %get3A_176, %mul3A_177 : vector<16xf32>
      %add3A_179 = arith.addf %broadcast_in_dim3A_38, %mul3A_173 : vector<16xf32>
      %add3A_180 = arith.addf %broadcast_in_dim3A_38, %mul3A_178 : vector<16xf32>
      %mul3A_181 = arith.mulf %mul3A_173, %mul3A_173 : vector<16xf32>
      %add3A_182 = arith.addf %broadcast_in_dim3A_38, %mul3A_181 : vector<16xf32>
      %mul3A_183 = arith.mulf %mul3A_178, %mul3A_178 : vector<16xf32>
      %add3A_184 = arith.addf %broadcast_in_dim3A_38, %mul3A_183 : vector<16xf32>
      %slice3A_185 = vector.extract_strided_slice %get3A_157 {offsets = [1], sizes = [1], strides = [1]} : vector<16xf32> to vector<1xf32>
      %squeeze3A_186 = vector.extract %slice3A_185[0] : f32 from vector<1xf32>
      %mul3A_187 = arith.constant 26 : i32
      %mul3A_188 = arith.muli %scan3A_149, %mul3A_187 : i32
      %add3A_189 = arith.constant 0 : i32
      %add3A_190 = arith.addi %add3A_189, %mul3A_188 : i32
      %add3A_191 = arith.constant 1 : i32
      %add3A_192 = arith.addi %add3A_190, %add3A_191 : i32
      %get3A_193 = arith.index_cast %add3A_192 : i32 to index
      %get3A_194 = arith.constant 0 : index
      %get3A_195 = tpu.vector_load %arg9[%get3A_193, %get3A_194] {strides = array<i32>} : memref<2496x32xf32, #tpu.memory_space<vmem>>, vector<16xf32>,
      %mul3A_196 = vector.broadcast %squeeze3A_186 : f32 to vector<16xf32>
      %mul3A_197 = arith.mulf %get3A_195, %mul3A_196 : vector<16xf32>
      %get3A_198 = arith.index_cast %add3A_192 : i32 to index
      %get3A_199 = arith.constant 16 : index
      %get3A_200 = tpu.vector_load %arg9[%get3A_198, %get3A_199] {strides = array<i32>} : memref<2496x32xf32, #tpu.memory_space<vmem>>, vector<16xf32>,
      %mul3A_201 = vector.broadcast %squeeze3A_186 : f32 to vector<16xf32>
      %mul3A_202 = arith.mulf %get3A_200, %mul3A_201 : vector<16xf32>
      %add3A_203 = arith.addf %add3A_179, %mul3A_197 : vector<16xf32>
      %add3A_204 = arith.addf %add3A_180, %mul3A_202 : vector<16xf32>
      %mul3A_205 = arith.mulf %mul3A_197, %mul3A_197 : vector<16xf32>
      %add3A_206 = arith.addf %add3A_182, %mul3A_205 : vector<16xf32>
      %mul3A_207 = arith.mulf %mul3A_202, %mul3A_202 : vector<16xf32>
      %add3A_208 = arith.addf %add3A_184, %mul3A_207 : vector<16xf32>
      %slice3A_209 = vector.extract_strided_slice %get3A_157 {offsets = [2], sizes = [1], strides = [1]} : vector<16xf32> to vector<1xf32>
      %squeeze3A_210 = vector.extract %slice3A_209[0] : f32 from vector<1xf32>
      %mul3A_211 = arith.constant 26 : i32
      %mul3A_212 = arith.muli %scan3A_149, %mul3A_211 : i32
      %add3A_213 = arith.constant 0 : i32
      %add3A_214 = arith.addi %add3A_213, %mul3A_212 : i32
      %add3A_215 = arith.constant 2 : i32
      %add3A_216 = arith.addi %add3A_214, %add3A_215 : i32
      %get3A_217 = arith.index_cast %add3A_216 : i32 to index
      %get3A_218 = arith.constant 0 : index
      %get3A_219 = tpu.vector_load %arg9[%get3A_217, %get3A_218] {strides = array<i32>} : memref<2496x32xf32, #tpu.memory_space<vmem>>, vector<16xf32>,
      %mul3A_220 = vector.broadcast %squeeze3A_210 : f32 to vector<16xf32>
      %mul3A_221 = arith.mulf %get3A_219, %mul3A_220 : vector<16xf32>
      %get3A_222 = arith.index_cast %add3A_216 : i32 to index
      %get3A_223 = arith.constant 16 : index
      %get3A_224 = tpu.vector_load %arg9[%get3A_222, %get3A_223] {strides = array<i32>} : memref<2496x32xf32, #tpu.memory_space<vmem>>, vector<16xf32>,
      %mul3A_225 = vector.broadcast %squeeze3A_210 : f32 to vector<16xf32>
      %mul3A_226 = arith.mulf %get3A_224, %mul3A_225 : vector<16xf32>
      %add3A_227 = arith.addf %add3A_203, %mul3A_221 : vector<16xf32>
      %add3A_228 = arith.addf %add3A_204, %mul3A_226 : vector<16xf32>
      %mul3A_229 = arith.mulf %mul3A_221, %mul3A_221 : vector<16xf32>
      %add3A_230 = arith.addf %add3A_206, %mul3A_229 : vector<16xf32>
      %mul3A_231 = arith.mulf %mul3A_226, %mul3A_226 : vector<16xf32>
      %add3A_232 = arith.addf %add3A_208, %mul3A_231 : vector<16xf32>
      %slice3A_233 = vector.extract_strided_slice %get3A_157 {offsets = [3], sizes = [1], strides = [1]} : vector<16xf32> to vector<1xf32>
      %squeeze3A_234 = vector.extract %slice3A_233[0] : f32 from vector<1xf32>
      %mul3A_235 = arith.constant 26 : i32
      %mul3A_236 = arith.muli %scan3A_149, %mul3A_235 : i32
      %add3A_237 = arith.constant 0 : i32
      %add3A_238 = arith.addi %add3A_237, %mul3A_236 : i32
      %add3A_239 = arith.constant 3 : i32
      %add3A_240 = arith.addi %add3A_238, %add3A_239 : i32
      %get3A_241 = arith.index_cast %add3A_240 : i32 to index
      %get3A_242 = arith.constant 0 : index
      %get3A_243 = tpu.vector_load %arg9[%get3A_241, %get3A_242] {strides = array<i32>} : memref<2496x32xf32, #tpu.memory_space<vmem>>, vector<16xf32>,
      %mul3A_244 = vector.broadcast %squeeze3A_234 : f32 to vector<16xf32>
      %mul3A_245 = arith.mulf %get3A_243, %mul3A_244 : vector<16xf32>
      %get3A_246 = arith.index_cast %add3A_240 : i32 to index
      %get3A_247 = arith.constant 16 : index
      %get3A_248 = tpu.vector_load %arg9[%get3A_246, %get3A_247] {strides = array<i32>} : memref<2496x32xf32, #tpu.memory_space<vmem>>, vector<16xf32>,
      %mul3A_249 = vector.broadcast %squeeze3A_234 : f32 to vector<16xf32>
      %mul3A_250 = arith.mulf %get3A_248, %mul3A_249 : vector<16xf32>
      %add3A_251 = arith.addf %add3A_227, %mul3A_245 : vector<16xf32>
      %add3A_252 = arith.addf %add3A_228, %mul3A_250 : vector<16xf32>
      %mul3A_253 = arith.mulf %mul3A_245, %mul3A_245 : vector<16xf32>
      %add3A_254 = arith.addf %add3A_230, %mul3A_253 : vector<16xf32>
      %mul3A_255 = arith.mulf %mul3A_250, %mul3A_250 : vector<16xf32>
      %add3A_256 = arith.addf %add3A_232, %mul3A_255 : vector<16xf32>
      %slice3A_257 = vector.extract_strided_slice %get3A_157 {offsets = [4], sizes = [1], strides = [1]} : vector<16xf32> to vector<1xf32>
      %squeeze3A_258 = vector.extract %slice3A_257[0] : f32 from vector<1xf32>
      %mul3A_259 = arith.constant 26 : i32
      %mul3A_260 = arith.muli %scan3A_149, %mul3A_259 : i32
      %add3A_261 = arith.constant 0 : i32
      %add3A_262 = arith.addi %add3A_261, %mul3A_260 : i32
      %add3A_263 = arith.constant 4 : i32
      %add3A_264 = arith.addi %add3A_262, %add3A_263 : i32
      %get3A_265 = arith.index_cast %add3A_264 : i32 to index
      %get3A_266 = arith.constant 0 : index
      %get3A_267 = tpu.vector_load %arg9[%get3A_265, %get3A_266] {strides = array<i32>} : memref<2496x32xf32, #tpu.memory_space<vmem>>, vector<16xf32>,
      %mul3A_268 = vector.broadcast %squeeze3A_258 : f32 to vector<16xf32>
      %mul3A_269 = arith.mulf %get3A_267, %mul3A_268 : vector<16xf32>
      %get3A_270 = arith.index_cast %add3A_264 : i32 to index
      %get3A_271 = arith.constant 16 : index
      %get3A_272 = tpu.vector_load %arg9[%get3A_270, %get3A_271] {strides = array<i32>} : memref<2496x32xf32, #tpu.memory_space<vmem>>, vector<16xf32>,
      %mul3A_273 = vector.broadcast %squeeze3A_258 : f32 to vector<16xf32>
      %mul3A_274 = arith.mulf %get3A_272, %mul3A_273 : vector<16xf32>
      %add3A_275 = arith.addf %add3A_251, %mul3A_269 : vector<16xf32>
      %add3A_276 = arith.addf %add3A_252, %mul3A_274 : vector<16xf32>
      %mul3A_277 = arith.mulf %mul3A_269, %mul3A_269 : vector<16xf32>
      %add3A_278 = arith.addf %add3A_254, %mul3A_277 : vector<16xf32>
      %mul3A_279 = arith.mulf %mul3A_274, %mul3A_274 : vector<16xf32>
      %add3A_280 = arith.addf %add3A_256, %mul3A_279 : vector<16xf32>
      %slice3A_281 = vector.extract_strided_slice %get3A_157 {offsets = [5], sizes = [1], strides = [1]} : vector<16xf32> to vector<1xf32>
      %squeeze3A_282 = vector.extract %slice3A_281[0] : f32 from vector<1xf32>
      %mul3A_283 = arith.constant 26 : i32
      %mul3A_284 = arith.muli %scan3A_149, %mul3A_283 : i32
      %add3A_285 = arith.constant 0 : i32
      %add3A_286 = arith.addi %add3A_285, %mul3A_284 : i32
      %add3A_287 = arith.constant 5 : i32
      %add3A_288 = arith.addi %add3A_286, %add3A_287 : i32
      %get3A_289 = arith.index_cast %add3A_288 : i32 to index
      %get3A_290 = arith.constant 0 : index
      %get3A_291 = tpu.vector_load %arg9[%get3A_289, %get3A_290] {strides = array<i32>} : memref<2496x32xf32, #tpu.memory_space<vmem>>, vector<16xf32>,
      %mul3A_292 = vector.broadcast %squeeze3A_282 : f32 to vector<16xf32>
      %mul3A_293 = arith.mulf %get3A_291, %mul3A_292 : vector<16xf32>
      %get3A_294 = arith.index_cast %add3A_288 : i32 to index
      %get3A_295 = arith.constant 16 : index
      %get3A_296 = tpu.vector_load %arg9[%get3A_294, %get3A_295] {strides = array<i32>} : memref<2496x32xf32, #tpu.memory_space<vmem>>, vector<16xf32>,
      %mul3A_297 = vector.broadcast %squeeze3A_282 : f32 to vector<16xf32>
      %mul3A_298 = arith.mulf %get3A_296, %mul3A_297 : vector<16xf32>
      %add3A_299 = arith.addf %add3A_275, %mul3A_293 : vector<16xf32>
      %add3A_300 = arith.addf %add3A_276, %mul3A_298 : vector<16xf32>
      %mul3A_301 = arith.mulf %mul3A_293, %mul3A_293 : vector<16xf32>
      %add3A_302 = arith.addf %add3A_278, %mul3A_301 : vector<16xf32>
      %mul3A_303 = arith.mulf %mul3A_298, %mul3A_298 : vector<16xf32>
      %add3A_304 = arith.addf %add3A_280, %mul3A_303 : vector<16xf32>
      %slice3A_305 = vector.extract_strided_slice %get3A_157 {offsets = [6], sizes = [1], strides = [1]} : vector<16xf32> to vector<1xf32>
      %squeeze3A_306 = vector.extract %slice3A_305[0] : f32 from vector<1xf32>
      %mul3A_307 = arith.constant 26 : i32
      %mul3A_308 = arith.muli %scan3A_149, %mul3A_307 : i32
      %add3A_309 = arith.constant 0 : i32
      %add3A_310 = arith.addi %add3A_309, %mul3A_308 : i32
      %add3A_311 = arith.constant 6 : i32
      %add3A_312 = arith.addi %add3A_310, %add3A_311 : i32
      %get3A_313 = arith.index_cast %add3A_312 : i32 to index
      %get3A_314 = arith.constant 0 : index
      %get3A_315 = tpu.vector_load %arg9[%get3A_313, %get3A_314] {strides = array<i32>} : memref<2496x32xf32, #tpu.memory_space<vmem>>, vector<16xf32>,
      %mul3A_316 = vector.broadcast %squeeze3A_306 : f32 to vector<16xf32>
      %mul3A_317 = arith.mulf %get3A_315, %mul3A_316 : vector<16xf32>
      %get3A_318 = arith.index_cast %add3A_312 : i32 to index
      %get3A_319 = arith.constant 16 : index
      %get3A_320 = tpu.vector_load %arg9[%get3A_318, %get3A_319] {strides = array<i32>} : memref<2496x32xf32, #tpu.memory_space<vmem>>, vector<16xf32>,
      %mul3A_321 = vector.broadcast %squeeze3A_306 : f32 to vector<16xf32>
      %mul3A_322 = arith.mulf %get3A_320, %mul3A_321 : vector<16xf32>
      %add3A_323 = arith.addf %add3A_299, %mul3A_317 : vector<16xf32>
      %add3A_324 = arith.addf %add3A_300, %mul3A_322 : vector<16xf32>
      %mul3A_325 = arith.mulf %mul3A_317, %mul3A_317 : vector<16xf32>
      %add3A_326 = arith.addf %add3A_302, %mul3A_325 : vector<16xf32>
      %mul3A_327 = arith.mulf %mul3A_322, %mul3A_322 : vector<16xf32>
      %add3A_328 = arith.addf %add3A_304, %mul3A_327 : vector<16xf32>
      %slice3A_329 = vector.extract_strided_slice %get3A_157 {offsets = [7], sizes = [1], strides = [1]} : vector<16xf32> to vector<1xf32>
      %squeeze3A_330 = vector.extract %slice3A_329[0] : f32 from vector<1xf32>
      %mul3A_331 = arith.constant 26 : i32
      %mul3A_332 = arith.muli %scan3A_149, %mul3A_331 : i32
      %add3A_333 = arith.constant 0 : i32
      %add3A_334 = arith.addi %add3A_333, %mul3A_332 : i32
      %add3A_335 = arith.constant 7 : i32
      %add3A_336 = arith.addi %add3A_334, %add3A_335 : i32
      %get3A_337 = arith.index_cast %add3A_336 : i32 to index
      %get3A_338 = arith.constant 0 : index
      %get3A_339 = tpu.vector_load %arg9[%get3A_337, %get3A_338] {strides = array<i32>} : memref<2496x32xf32, #tpu.memory_space<vmem>>, vector<16xf32>,
      %mul3A_340 = vector.broadcast %squeeze3A_330 : f32 to vector<16xf32>
      %mul3A_341 = arith.mulf %get3A_339, %mul3A_340 : vector<16xf32>
      %get3A_342 = arith.index_cast %add3A_336 : i32 to index
      %get3A_343 = arith.constant 16 : index
      %get3A_344 = tpu.vector_load %arg9[%get3A_342, %get3A_343] {strides = array<i32>} : memref<2496x32xf32, #tpu.memory_space<vmem>>, vector<16xf32>,
      %mul3A_345 = vector.broadcast %squeeze3A_330 : f32 to vector<16xf32>
      %mul3A_346 = arith.mulf %get3A_344, %mul3A_345 : vector<16xf32>
      %add3A_347 = arith.addf %add3A_323, %mul3A_341 : vector<16xf32>
      %add3A_348 = arith.addf %add3A_324, %mul3A_346 : vector<16xf32>
      %mul3A_349 = arith.mulf %mul3A_341, %mul3A_341 : vector<16xf32>
      %add3A_350 = arith.addf %add3A_326, %mul3A_349 : vector<16xf32>
      %mul3A_351 = arith.mulf %mul3A_346, %mul3A_346 : vector<16xf32>
      %add3A_352 = arith.addf %add3A_328, %mul3A_351 : vector<16xf32>
      %slice3A_353 = vector.extract_strided_slice %get3A_157 {offsets = [8], sizes = [1], strides = [1]} : vector<16xf32> to vector<1xf32>
      %squeeze3A_354 = vector.extract %slice3A_353[0] : f32 from vector<1xf32>
      %mul3A_355 = arith.constant 26 : i32
      %mul3A_356 = arith.muli %scan3A_149, %mul3A_355 : i32
      %add3A_357 = arith.constant 0 : i32
      %add3A_358 = arith.addi %add3A_357, %mul3A_356 : i32
      %add3A_359 = arith.constant 8 : i32
      %add3A_360 = arith.addi %add3A_358, %add3A_359 : i32
      %get3A_361 = arith.index_cast %add3A_360 : i32 to index
      %get3A_362 = arith.constant 0 : index
      %get3A_363 = tpu.vector_load %arg9[%get3A_361, %get3A_362] {strides = array<i32>} : memref<2496x32xf32, #tpu.memory_space<vmem>>, vector<16xf32>,
      %mul3A_364 = vector.broadcast %squeeze3A_354 : f32 to vector<16xf32>
      %mul3A_365 = arith.mulf %get3A_363, %mul3A_364 : vector<16xf32>
      %get3A_366 = arith.index_cast %add3A_360 : i32 to index
      %get3A_367 = arith.constant 16 : index
      %get3A_368 = tpu.vector_load %arg9[%get3A_366, %get3A_367] {strides = array<i32>} : memref<2496x32xf32, #tpu.memory_space<vmem>>, vector<16xf32>,
      %mul3A_369 = vector.broadcast %squeeze3A_354 : f32 to vector<16xf32>
      %mul3A_370 = arith.mulf %get3A_368, %mul3A_369 : vector<16xf32>
      %add3A_371 = arith.addf %add3A_347, %mul3A_365 : vector<16xf32>
      %add3A_372 = arith.addf %add3A_348, %mul3A_370 : vector<16xf32>
      %mul3A_373 = arith.mulf %mul3A_365, %mul3A_365 : vector<16xf32>
      %add3A_374 = arith.addf %add3A_350, %mul3A_373 : vector<16xf32>
      %mul3A_375 = arith.mulf %mul3A_370, %mul3A_370 : vector<16xf32>
      %add3A_376 = arith.addf %add3A_352, %mul3A_375 : vector<16xf32>
      %slice3A_377 = vector.extract_strided_slice %get3A_157 {offsets = [9], sizes = [1], strides = [1]} : vector<16xf32> to vector<1xf32>
      %squeeze3A_378 = vector.extract %slice3A_377[0] : f32 from vector<1xf32>
      %mul3A_379 = arith.constant 26 : i32
      %mul3A_380 = arith.muli %scan3A_149, %mul3A_379 : i32
      %add3A_381 = arith.constant 0 : i32
      %add3A_382 = arith.addi %add3A_381, %mul3A_380 : i32
      %add3A_383 = arith.constant 9 : i32
      %add3A_384 = arith.addi %add3A_382, %add3A_383 : i32
      %get3A_385 = arith.index_cast %add3A_384 : i32 to index
      %get3A_386 = arith.constant 0 : index
      %get3A_387 = tpu.vector_load %arg9[%get3A_385, %get3A_386] {strides = array<i32>} : memref<2496x32xf32, #tpu.memory_space<vmem>>, vector<16xf32>,
      %mul3A_388 = vector.broadcast %squeeze3A_378 : f32 to vector<16xf32>
      %mul3A_389 = arith.mulf %get3A_387, %mul3A_388 : vector<16xf32>
      %get3A_390 = arith.index_cast %add3A_384 : i32 to index
      %get3A_391 = arith.constant 16 : index
      %get3A_392 = tpu.vector_load %arg9[%get3A_390, %get3A_391] {strides = array<i32>} : memref<2496x32xf32, #tpu.memory_space<vmem>>, vector<16xf32>,
      %mul3A_393 = vector.broadcast %squeeze3A_378 : f32 to vector<16xf32>
      %mul3A_394 = arith.mulf %get3A_392, %mul3A_393 : vector<16xf32>
      %add3A_395 = arith.addf %add3A_371, %mul3A_389 : vector<16xf32>
      %add3A_396 = arith.addf %add3A_372, %mul3A_394 : vector<16xf32>
      %mul3A_397 = arith.mulf %mul3A_389, %mul3A_389 : vector<16xf32>
      %add3A_398 = arith.addf %add3A_374, %mul3A_397 : vector<16xf32>
      %mul3A_399 = arith.mulf %mul3A_394, %mul3A_394 : vector<16xf32>
      %add3A_400 = arith.addf %add3A_376, %mul3A_399 : vector<16xf32>
      %slice3A_401 = vector.extract_strided_slice %get3A_157 {offsets = [10], sizes = [1], strides = [1]} : vector<16xf32> to vector<1xf32>
      %squeeze3A_402 = vector.extract %slice3A_401[0] : f32 from vector<1xf32>
      %mul3A_403 = arith.constant 26 : i32
      %mul3A_404 = arith.muli %scan3A_149, %mul3A_403 : i32
      %add3A_405 = arith.constant 0 : i32
      %add3A_406 = arith.addi %add3A_405, %mul3A_404 : i32
      %add3A_407 = arith.constant 10 : i32
      %add3A_408 = arith.addi %add3A_406, %add3A_407 : i32
      %get3A_409 = arith.index_cast %add3A_408 : i32 to index
      %get3A_410 = arith.constant 0 : index
      %get3A_411 = tpu.vector_load %arg9[%get3A_409, %get3A_410] {strides = array<i32>} : memref<2496x32xf32, #tpu.memory_space<vmem>>, vector<16xf32>,
      %mul3A_412 = vector.broadcast %squeeze3A_402 : f32 to vector<16xf32>
      %mul3A_413 = arith.mulf %get3A_411, %mul3A_412 : vector<16xf32>
      %get3A_414 = arith.index_cast %add3A_408 : i32 to index
      %get3A_415 = arith.constant 16 : index
      %get3A_416 = tpu.vector_load %arg9[%get3A_414, %get3A_415] {strides = array<i32>} : memref<2496x32xf32, #tpu.memory_space<vmem>>, vector<16xf32>,
      %mul3A_417 = vector.broadcast %squeeze3A_402 : f32 to vector<16xf32>
      %mul3A_418 = arith.mulf %get3A_416, %mul3A_417 : vector<16xf32>
      %add3A_419 = arith.addf %add3A_395, %mul3A_413 : vector<16xf32>
      %add3A_420 = arith.addf %add3A_396, %mul3A_418 : vector<16xf32>
      %mul3A_421 = arith.mulf %mul3A_413, %mul3A_413 : vector<16xf32>
      %add3A_422 = arith.addf %add3A_398, %mul3A_421 : vector<16xf32>
      %mul3A_423 = arith.mulf %mul3A_418, %mul3A_418 : vector<16xf32>
      %add3A_424 = arith.addf %add3A_400, %mul3A_423 : vector<16xf32>
      %slice3A_425 = vector.extract_strided_slice %get3A_157 {offsets = [11], sizes = [1], strides = [1]} : vector<16xf32> to vector<1xf32>
      %squeeze3A_426 = vector.extract %slice3A_425[0] : f32 from vector<1xf32>
      %mul3A_427 = arith.constant 26 : i32
      %mul3A_428 = arith.muli %scan3A_149, %mul3A_427 : i32
      %add3A_429 = arith.constant 0 : i32
      %add3A_430 = arith.addi %add3A_429, %mul3A_428 : i32
      %add3A_431 = arith.constant 11 : i32
      %add3A_432 = arith.addi %add3A_430, %add3A_431 : i32
      %get3A_433 = arith.index_cast %add3A_432 : i32 to index
      %get3A_434 = arith.constant 0 : index
      %get3A_435 = tpu.vector_load %arg9[%get3A_433, %get3A_434] {strides = array<i32>} : memref<2496x32xf32, #tpu.memory_space<vmem>>, vector<16xf32>,
      %mul3A_436 = vector.broadcast %squeeze3A_426 : f32 to vector<16xf32>
      %mul3A_437 = arith.mulf %get3A_435, %mul3A_436 : vector<16xf32>
      %get3A_438 = arith.index_cast %add3A_432 : i32 to index
      %get3A_439 = arith.constant 16 : index
      %get3A_440 = tpu.vector_load %arg9[%get3A_438, %get3A_439] {strides = array<i32>} : memref<2496x32xf32, #tpu.memory_space<vmem>>, vector<16xf32>,
      %mul3A_441 = vector.broadcast %squeeze3A_426 : f32 to vector<16xf32>
      %mul3A_442 = arith.mulf %get3A_440, %mul3A_441 : vector<16xf32>
      %add3A_443 = arith.addf %add3A_419, %mul3A_437 : vector<16xf32>
      %add3A_444 = arith.addf %add3A_420, %mul3A_442 : vector<16xf32>
      %mul3A_445 = arith.mulf %mul3A_437, %mul3A_437 : vector<16xf32>
      %add3A_446 = arith.addf %add3A_422, %mul3A_445 : vector<16xf32>
      %mul3A_447 = arith.mulf %mul3A_442, %mul3A_442 : vector<16xf32>
      %add3A_448 = arith.addf %add3A_424, %mul3A_447 : vector<16xf32>
      %slice3A_449 = vector.extract_strided_slice %get3A_157 {offsets = [12], sizes = [1], strides = [1]} : vector<16xf32> to vector<1xf32>
      %squeeze3A_450 = vector.extract %slice3A_449[0] : f32 from vector<1xf32>
      %mul3A_451 = arith.constant 26 : i32
      %mul3A_452 = arith.muli %scan3A_149, %mul3A_451 : i32
      %add3A_453 = arith.constant 0 : i32
      %add3A_454 = arith.addi %add3A_453, %mul3A_452 : i32
      %add3A_455 = arith.constant 12 : i32
      %add3A_456 = arith.addi %add3A_454, %add3A_455 : i32
      %get3A_457 = arith.index_cast %add3A_456 : i32 to index
      %get3A_458 = arith.constant 0 : index
      %get3A_459 = tpu.vector_load %arg9[%get3A_457, %get3A_458] {strides = array<i32>} : memref<2496x32xf32, #tpu.memory_space<vmem>>, vector<16xf32>,
      %mul3A_460 = vector.broadcast %squeeze3A_450 : f32 to vector<16xf32>
      %mul3A_461 = arith.mulf %get3A_459, %mul3A_460 : vector<16xf32>
      %get3A_462 = arith.index_cast %add3A_456 : i32 to index
      %get3A_463 = arith.constant 16 : index
      %get3A_464 = tpu.vector_load %arg9[%get3A_462, %get3A_463] {strides = array<i32>} : memref<2496x32xf32, #tpu.memory_space<vmem>>, vector<16xf32>,
      %mul3A_465 = vector.broadcast %squeeze3A_450 : f32 to vector<16xf32>
      %mul3A_466 = arith.mulf %get3A_464, %mul3A_465 : vector<16xf32>
      %add3A_467 = arith.addf %add3A_443, %mul3A_461 : vector<16xf32>
      %add3A_468 = arith.addf %add3A_444, %mul3A_466 : vector<16xf32>
      %mul3A_469 = arith.mulf %mul3A_461, %mul3A_461 : vector<16xf32>
      %add3A_470 = arith.addf %add3A_446, %mul3A_469 : vector<16xf32>
      %mul3A_471 = arith.mulf %mul3A_466, %mul3A_466 : vector<16xf32>
      %add3A_472 = arith.addf %add3A_448, %mul3A_471 : vector<16xf32>
      %slice3A_473 = vector.extract_strided_slice %get3A_157 {offsets = [13], sizes = [1], strides = [1]} : vector<16xf32> to vector<1xf32>
      %squeeze3A_474 = vector.extract %slice3A_473[0] : f32 from vector<1xf32>
      %mul3A_475 = arith.constant 26 : i32
      %mul3A_476 = arith.muli %scan3A_149, %mul3A_475 : i32
      %add3A_477 = arith.constant 0 : i32
      %add3A_478 = arith.addi %add3A_477, %mul3A_476 : i32
      %add3A_479 = arith.constant 13 : i32
      %add3A_480 = arith.addi %add3A_478, %add3A_479 : i32
      %get3A_481 = arith.index_cast %add3A_480 : i32 to index
      %get3A_482 = arith.constant 0 : index
      %get3A_483 = tpu.vector_load %arg9[%get3A_481, %get3A_482] {strides = array<i32>} : memref<2496x32xf32, #tpu.memory_space<vmem>>, vector<16xf32>,
      %mul3A_484 = vector.broadcast %squeeze3A_474 : f32 to vector<16xf32>
      %mul3A_485 = arith.mulf %get3A_483, %mul3A_484 : vector<16xf32>
      %get3A_486 = arith.index_cast %add3A_480 : i32 to index
      %get3A_487 = arith.constant 16 : index
      %get3A_488 = tpu.vector_load %arg9[%get3A_486, %get3A_487] {strides = array<i32>} : memref<2496x32xf32, #tpu.memory_space<vmem>>, vector<16xf32>,
      %mul3A_489 = vector.broadcast %squeeze3A_474 : f32 to vector<16xf32>
      %mul3A_490 = arith.mulf %get3A_488, %mul3A_489 : vector<16xf32>
      %add3A_491 = arith.addf %add3A_467, %mul3A_485 : vector<16xf32>
      %add3A_492 = arith.addf %add3A_468, %mul3A_490 : vector<16xf32>
      %mul3A_493 = arith.mulf %mul3A_485, %mul3A_485 : vector<16xf32>
      %add3A_494 = arith.addf %add3A_470, %mul3A_493 : vector<16xf32>
      %mul3A_495 = arith.mulf %mul3A_490, %mul3A_490 : vector<16xf32>
      %add3A_496 = arith.addf %add3A_472, %mul3A_495 : vector<16xf32>
      %slice3A_497 = vector.extract_strided_slice %get3A_157 {offsets = [14], sizes = [1], strides = [1]} : vector<16xf32> to vector<1xf32>
      %squeeze3A_498 = vector.extract %slice3A_497[0] : f32 from vector<1xf32>
      %mul3A_499 = arith.constant 26 : i32
      %mul3A_500 = arith.muli %scan3A_149, %mul3A_499 : i32
      %add3A_501 = arith.constant 0 : i32
      %add3A_502 = arith.addi %add3A_501, %mul3A_500 : i32
      %add3A_503 = arith.constant 14 : i32
      %add3A_504 = arith.addi %add3A_502, %add3A_503 : i32
      %get3A_505 = arith.index_cast %add3A_504 : i32 to index
      %get3A_506 = arith.constant 0 : index
      %get3A_507 = tpu.vector_load %arg9[%get3A_505, %get3A_506] {strides = array<i32>} : memref<2496x32xf32, #tpu.memory_space<vmem>>, vector<16xf32>,
      %mul3A_508 = vector.broadcast %squeeze3A_498 : f32 to vector<16xf32>
      %mul3A_509 = arith.mulf %get3A_507, %mul3A_508 : vector<16xf32>
      %get3A_510 = arith.index_cast %add3A_504 : i32 to index
      %get3A_511 = arith.constant 16 : index
      %get3A_512 = tpu.vector_load %arg9[%get3A_510, %get3A_511] {strides = array<i32>} : memref<2496x32xf32, #tpu.memory_space<vmem>>, vector<16xf32>,
      %mul3A_513 = vector.broadcast %squeeze3A_498 : f32 to vector<16xf32>
      %mul3A_514 = arith.mulf %get3A_512, %mul3A_513 : vector<16xf32>
      %add3A_515 = arith.addf %add3A_491, %mul3A_509 : vector<16xf32>
      %add3A_516 = arith.addf %add3A_492, %mul3A_514 : vector<16xf32>
      %mul3A_517 = arith.mulf %mul3A_509, %mul3A_509 : vector<16xf32>
      %add3A_518 = arith.addf %add3A_494, %mul3A_517 : vector<16xf32>
      %mul3A_519 = arith.mulf %mul3A_514, %mul3A_514 : vector<16xf32>
      %add3A_520 = arith.addf %add3A_496, %mul3A_519 : vector<16xf32>
      %slice3A_521 = vector.extract_strided_slice %get3A_157 {offsets = [15], sizes = [1], strides = [1]} : vector<16xf32> to vector<1xf32>
      %squeeze3A_522 = vector.extract %slice3A_521[0] : f32 from vector<1xf32>
      %mul3A_523 = arith.constant 26 : i32
      %mul3A_524 = arith.muli %scan3A_149, %mul3A_523 : i32
      %add3A_525 = arith.constant 0 : i32
      %add3A_526 = arith.addi %add3A_525, %mul3A_524 : i32
      %add3A_527 = arith.constant 15 : i32
      %add3A_528 = arith.addi %add3A_526, %add3A_527 : i32
      %get3A_529 = arith.index_cast %add3A_528 : i32 to index
      %get3A_530 = arith.constant 0 : index
      %get3A_531 = tpu.vector_load %arg9[%get3A_529, %get3A_530] {strides = array<i32>} : memref<2496x32xf32, #tpu.memory_space<vmem>>, vector<16xf32>,
      %mul3A_532 = vector.broadcast %squeeze3A_522 : f32 to vector<16xf32>
      %mul3A_533 = arith.mulf %get3A_531, %mul3A_532 : vector<16xf32>
      %get3A_534 = arith.index_cast %add3A_528 : i32 to index
      %get3A_535 = arith.constant 16 : index
      %get3A_536 = tpu.vector_load %arg9[%get3A_534, %get3A_535] {strides = array<i32>} : memref<2496x32xf32, #tpu.memory_space<vmem>>, vector<16xf32>,
      %mul3A_537 = vector.broadcast %squeeze3A_522 : f32 to vector<16xf32>
      %mul3A_538 = arith.mulf %get3A_536, %mul3A_537 : vector<16xf32>
      %add3A_539 = arith.addf %add3A_515, %mul3A_533 : vector<16xf32>
      %add3A_540 = arith.addf %add3A_516, %mul3A_538 : vector<16xf32>
      %mul3A_541 = arith.mulf %mul3A_533, %mul3A_533 : vector<16xf32>
      %add3A_542 = arith.addf %add3A_518, %mul3A_541 : vector<16xf32>
      %mul3A_543 = arith.mulf %mul3A_538, %mul3A_538 : vector<16xf32>
      %add3A_544 = arith.addf %add3A_520, %mul3A_543 : vector<16xf32>
      %slice3A_545 = vector.extract_strided_slice %mul3A_162 {offsets = [0], sizes = [1], strides = [1]} : vector<16xf32> to vector<1xf32>
      %squeeze3A_546 = vector.extract %slice3A_545[0] : f32 from vector<1xf32>
      %mul3A_547 = arith.constant 26 : i32
      %mul3A_548 = arith.muli %scan3A_149, %mul3A_547 : i32
      %add3A_549 = arith.constant 0 : i32
      %add3A_550 = arith.addi %add3A_549, %mul3A_548 : i32
      %add3A_551 = arith.constant 16 : i32
      %add3A_552 = arith.addi %add3A_550, %add3A_551 : i32
      %get3A_553 = arith.index_cast %add3A_552 : i32 to index
      %get3A_554 = arith.constant 0 : index
      %get3A_555 = tpu.vector_load %arg9[%get3A_553, %get3A_554] {strides = array<i32>} : memref<2496x32xf32, #tpu.memory_space<vmem>>, vector<16xf32>,
      %mul3A_556 = vector.broadcast %squeeze3A_546 : f32 to vector<16xf32>
      %mul3A_557 = arith.mulf %get3A_555, %mul3A_556 : vector<16xf32>
      %get3A_558 = arith.index_cast %add3A_552 : i32 to index
      %get3A_559 = arith.constant 16 : index
      %get3A_560 = tpu.vector_load %arg9[%get3A_558, %get3A_559] {strides = array<i32>} : memref<2496x32xf32, #tpu.memory_space<vmem>>, vector<16xf32>,
      %mul3A_561 = vector.broadcast %squeeze3A_546 : f32 to vector<16xf32>
      %mul3A_562 = arith.mulf %get3A_560, %mul3A_561 : vector<16xf32>
      %add3A_563 = arith.addf %add3A_539, %mul3A_557 : vector<16xf32>
      %add3A_564 = arith.addf %add3A_540, %mul3A_562 : vector<16xf32>
      %mul3A_565 = arith.mulf %mul3A_557, %mul3A_557 : vector<16xf32>
      %add3A_566 = arith.addf %add3A_542, %mul3A_565 : vector<16xf32>
      %mul3A_567 = arith.mulf %mul3A_562, %mul3A_562 : vector<16xf32>
      %add3A_568 = arith.addf %add3A_544, %mul3A_567 : vector<16xf32>
      %slice3A_569 = vector.extract_strided_slice %mul3A_162 {offsets = [1], sizes = [1], strides = [1]} : vector<16xf32> to vector<1xf32>
      %squeeze3A_570 = vector.extract %slice3A_569[0] : f32 from vector<1xf32>
      %mul3A_571 = arith.constant 26 : i32
      %mul3A_572 = arith.muli %scan3A_149, %mul3A_571 : i32
      %add3A_573 = arith.constant 0 : i32
      %add3A_574 = arith.addi %add3A_573, %mul3A_572 : i32
      %add3A_575 = arith.constant 17 : i32
      %add3A_576 = arith.addi %add3A_574, %add3A_575 : i32
      %get3A_577 = arith.index_cast %add3A_576 : i32 to index
      %get3A_578 = arith.constant 0 : index
      %get3A_579 = tpu.vector_load %arg9[%get3A_577, %get3A_578] {strides = array<i32>} : memref<2496x32xf32, #tpu.memory_space<vmem>>, vector<16xf32>,
      %mul3A_580 = vector.broadcast %squeeze3A_570 : f32 to vector<16xf32>
      %mul3A_581 = arith.mulf %get3A_579, %mul3A_580 : vector<16xf32>
      %get3A_582 = arith.index_cast %add3A_576 : i32 to index
      %get3A_583 = arith.constant 16 : index
      %get3A_584 = tpu.vector_load %arg9[%get3A_582, %get3A_583] {strides = array<i32>} : memref<2496x32xf32, #tpu.memory_space<vmem>>, vector<16xf32>,
      %mul3A_585 = vector.broadcast %squeeze3A_570 : f32 to vector<16xf32>
      %mul3A_586 = arith.mulf %get3A_584, %mul3A_585 : vector<16xf32>
      %add3A_587 = arith.addf %add3A_563, %mul3A_581 : vector<16xf32>
      %add3A_588 = arith.addf %add3A_564, %mul3A_586 : vector<16xf32>
      %mul3A_589 = arith.mulf %mul3A_581, %mul3A_581 : vector<16xf32>
      %add3A_590 = arith.addf %add3A_566, %mul3A_589 : vector<16xf32>
      %mul3A_591 = arith.mulf %mul3A_586, %mul3A_586 : vector<16xf32>
      %add3A_592 = arith.addf %add3A_568, %mul3A_591 : vector<16xf32>
      %slice3A_593 = vector.extract_strided_slice %mul3A_162 {offsets = [2], sizes = [1], strides = [1]} : vector<16xf32> to vector<1xf32>
      %squeeze3A_594 = vector.extract %slice3A_593[0] : f32 from vector<1xf32>
      %mul3A_595 = arith.constant 26 : i32
      %mul3A_596 = arith.muli %scan3A_149, %mul3A_595 : i32
      %add3A_597 = arith.constant 0 : i32
      %add3A_598 = arith.addi %add3A_597, %mul3A_596 : i32
      %add3A_599 = arith.constant 18 : i32
      %add3A_600 = arith.addi %add3A_598, %add3A_599 : i32
      %get3A_601 = arith.index_cast %add3A_600 : i32 to index
      %get3A_602 = arith.constant 0 : index
      %get3A_603 = tpu.vector_load %arg9[%get3A_601, %get3A_602] {strides = array<i32>} : memref<2496x32xf32, #tpu.memory_space<vmem>>, vector<16xf32>,
      %mul3A_604 = vector.broadcast %squeeze3A_594 : f32 to vector<16xf32>
      %mul3A_605 = arith.mulf %get3A_603, %mul3A_604 : vector<16xf32>
      %get3A_606 = arith.index_cast %add3A_600 : i32 to index
      %get3A_607 = arith.constant 16 : index
      %get3A_608 = tpu.vector_load %arg9[%get3A_606, %get3A_607] {strides = array<i32>} : memref<2496x32xf32, #tpu.memory_space<vmem>>, vector<16xf32>,
      %mul3A_609 = vector.broadcast %squeeze3A_594 : f32 to vector<16xf32>
      %mul3A_610 = arith.mulf %get3A_608, %mul3A_609 : vector<16xf32>
      %add3A_611 = arith.addf %add3A_587, %mul3A_605 : vector<16xf32>
      %add3A_612 = arith.addf %add3A_588, %mul3A_610 : vector<16xf32>
      %mul3A_613 = arith.mulf %mul3A_605, %mul3A_605 : vector<16xf32>
      %add3A_614 = arith.addf %add3A_590, %mul3A_613 : vector<16xf32>
      %mul3A_615 = arith.mulf %mul3A_610, %mul3A_610 : vector<16xf32>
      %add3A_616 = arith.addf %add3A_592, %mul3A_615 : vector<16xf32>
      %slice3A_617 = vector.extract_strided_slice %mul3A_162 {offsets = [3], sizes = [1], strides = [1]} : vector<16xf32> to vector<1xf32>
      %squeeze3A_618 = vector.extract %slice3A_617[0] : f32 from vector<1xf32>
      %mul3A_619 = arith.constant 26 : i32
      %mul3A_620 = arith.muli %scan3A_149, %mul3A_619 : i32
      %add3A_621 = arith.constant 0 : i32
      %add3A_622 = arith.addi %add3A_621, %mul3A_620 : i32
      %add3A_623 = arith.constant 19 : i32
      %add3A_624 = arith.addi %add3A_622, %add3A_623 : i32
      %get3A_625 = arith.index_cast %add3A_624 : i32 to index
      %get3A_626 = arith.constant 0 : index
      %get3A_627 = tpu.vector_load %arg9[%get3A_625, %get3A_626] {strides = array<i32>} : memref<2496x32xf32, #tpu.memory_space<vmem>>, vector<16xf32>,
      %mul3A_628 = vector.broadcast %squeeze3A_618 : f32 to vector<16xf32>
      %mul3A_629 = arith.mulf %get3A_627, %mul3A_628 : vector<16xf32>
      %get3A_630 = arith.index_cast %add3A_624 : i32 to index
      %get3A_631 = arith.constant 16 : index
      %get3A_632 = tpu.vector_load %arg9[%get3A_630, %get3A_631] {strides = array<i32>} : memref<2496x32xf32, #tpu.memory_space<vmem>>, vector<16xf32>,
      %mul3A_633 = vector.broadcast %squeeze3A_618 : f32 to vector<16xf32>
      %mul3A_634 = arith.mulf %get3A_632, %mul3A_633 : vector<16xf32>
      %add3A_635 = arith.addf %add3A_611, %mul3A_629 : vector<16xf32>
      %add3A_636 = arith.addf %add3A_612, %mul3A_634 : vector<16xf32>
      %mul3A_637 = arith.mulf %mul3A_629, %mul3A_629 : vector<16xf32>
      %add3A_638 = arith.addf %add3A_614, %mul3A_637 : vector<16xf32>
      %mul3A_639 = arith.mulf %mul3A_634, %mul3A_634 : vector<16xf32>
      %add3A_640 = arith.addf %add3A_616, %mul3A_639 : vector<16xf32>
      %slice3A_641 = vector.extract_strided_slice %mul3A_162 {offsets = [4], sizes = [1], strides = [1]} : vector<16xf32> to vector<1xf32>
      %squeeze3A_642 = vector.extract %slice3A_641[0] : f32 from vector<1xf32>
      %mul3A_643 = arith.constant 26 : i32
      %mul3A_644 = arith.muli %scan3A_149, %mul3A_643 : i32
      %add3A_645 = arith.constant 0 : i32
      %add3A_646 = arith.addi %add3A_645, %mul3A_644 : i32
      %add3A_647 = arith.constant 20 : i32
      %add3A_648 = arith.addi %add3A_646, %add3A_647 : i32
      %get3A_649 = arith.index_cast %add3A_648 : i32 to index
      %get3A_650 = arith.constant 0 : index
      %get3A_651 = tpu.vector_load %arg9[%get3A_649, %get3A_650] {strides = array<i32>} : memref<2496x32xf32, #tpu.memory_space<vmem>>, vector<16xf32>,
      %mul3A_652 = vector.broadcast %squeeze3A_642 : f32 to vector<16xf32>
      %mul3A_653 = arith.mulf %get3A_651, %mul3A_652 : vector<16xf32>
      %get3A_654 = arith.index_cast %add3A_648 : i32 to index
      %get3A_655 = arith.constant 16 : index
      %get3A_656 = tpu.vector_load %arg9[%get3A_654, %get3A_655] {strides = array<i32>} : memref<2496x32xf32, #tpu.memory_space<vmem>>, vector<16xf32>,
      %mul3A_657 = vector.broadcast %squeeze3A_642 : f32 to vector<16xf32>
      %mul3A_658 = arith.mulf %get3A_656, %mul3A_657 : vector<16xf32>
      %add3A_659 = arith.addf %add3A_635, %mul3A_653 : vector<16xf32>
      %add3A_660 = arith.addf %add3A_636, %mul3A_658 : vector<16xf32>
      %mul3A_661 = arith.mulf %mul3A_653, %mul3A_653 : vector<16xf32>
      %add3A_662 = arith.addf %add3A_638, %mul3A_661 : vector<16xf32>
      %mul3A_663 = arith.mulf %mul3A_658, %mul3A_658 : vector<16xf32>
      %add3A_664 = arith.addf %add3A_640, %mul3A_663 : vector<16xf32>
      %slice3A_665 = vector.extract_strided_slice %mul3A_162 {offsets = [5], sizes = [1], strides = [1]} : vector<16xf32> to vector<1xf32>
      %squeeze3A_666 = vector.extract %slice3A_665[0] : f32 from vector<1xf32>
      %mul3A_667 = arith.constant 26 : i32
      %mul3A_668 = arith.muli %scan3A_149, %mul3A_667 : i32
      %add3A_669 = arith.constant 0 : i32
      %add3A_670 = arith.addi %add3A_669, %mul3A_668 : i32
      %add3A_671 = arith.constant 21 : i32
      %add3A_672 = arith.addi %add3A_670, %add3A_671 : i32
      %get3A_673 = arith.index_cast %add3A_672 : i32 to index
      %get3A_674 = arith.constant 0 : index
      %get3A_675 = tpu.vector_load %arg9[%get3A_673, %get3A_674] {strides = array<i32>} : memref<2496x32xf32, #tpu.memory_space<vmem>>, vector<16xf32>,
      %mul3A_676 = vector.broadcast %squeeze3A_666 : f32 to vector<16xf32>
      %mul3A_677 = arith.mulf %get3A_675, %mul3A_676 : vector<16xf32>
      %get3A_678 = arith.index_cast %add3A_672 : i32 to index
      %get3A_679 = arith.constant 16 : index
      %get3A_680 = tpu.vector_load %arg9[%get3A_678, %get3A_679] {strides = array<i32>} : memref<2496x32xf32, #tpu.memory_space<vmem>>, vector<16xf32>,
      %mul3A_681 = vector.broadcast %squeeze3A_666 : f32 to vector<16xf32>
      %mul3A_682 = arith.mulf %get3A_680, %mul3A_681 : vector<16xf32>
      %add3A_683 = arith.addf %add3A_659, %mul3A_677 : vector<16xf32>
      %add3A_684 = arith.addf %add3A_660, %mul3A_682 : vector<16xf32>
      %mul3A_685 = arith.mulf %mul3A_677, %mul3A_677 : vector<16xf32>
      %add3A_686 = arith.addf %add3A_662, %mul3A_685 : vector<16xf32>
      %mul3A_687 = arith.mulf %mul3A_682, %mul3A_682 : vector<16xf32>
      %add3A_688 = arith.addf %add3A_664, %mul3A_687 : vector<16xf32>
      %slice3A_689 = vector.extract_strided_slice %mul3A_162 {offsets = [6], sizes = [1], strides = [1]} : vector<16xf32> to vector<1xf32>
      %squeeze3A_690 = vector.extract %slice3A_689[0] : f32 from vector<1xf32>
      %mul3A_691 = arith.constant 26 : i32
      %mul3A_692 = arith.muli %scan3A_149, %mul3A_691 : i32
      %add3A_693 = arith.constant 0 : i32
      %add3A_694 = arith.addi %add3A_693, %mul3A_692 : i32
      %add3A_695 = arith.constant 22 : i32
      %add3A_696 = arith.addi %add3A_694, %add3A_695 : i32
      %get3A_697 = arith.index_cast %add3A_696 : i32 to index
      %get3A_698 = arith.constant 0 : index
      %get3A_699 = tpu.vector_load %arg9[%get3A_697, %get3A_698] {strides = array<i32>} : memref<2496x32xf32, #tpu.memory_space<vmem>>, vector<16xf32>,
      %mul3A_700 = vector.broadcast %squeeze3A_690 : f32 to vector<16xf32>
      %mul3A_701 = arith.mulf %get3A_699, %mul3A_700 : vector<16xf32>
      %get3A_702 = arith.index_cast %add3A_696 : i32 to index
      %get3A_703 = arith.constant 16 : index
      %get3A_704 = tpu.vector_load %arg9[%get3A_702, %get3A_703] {strides = array<i32>} : memref<2496x32xf32, #tpu.memory_space<vmem>>, vector<16xf32>,
      %mul3A_705 = vector.broadcast %squeeze3A_690 : f32 to vector<16xf32>
      %mul3A_706 = arith.mulf %get3A_704, %mul3A_705 : vector<16xf32>
      %add3A_707 = arith.addf %add3A_683, %mul3A_701 : vector<16xf32>
      %add3A_708 = arith.addf %add3A_684, %mul3A_706 : vector<16xf32>
      %mul3A_709 = arith.mulf %mul3A_701, %mul3A_701 : vector<16xf32>
      %add3A_710 = arith.addf %add3A_686, %mul3A_709 : vector<16xf32>
      %mul3A_711 = arith.mulf %mul3A_706, %mul3A_706 : vector<16xf32>
      %add3A_712 = arith.addf %add3A_688, %mul3A_711 : vector<16xf32>
      %slice3A_713 = vector.extract_strided_slice %mul3A_162 {offsets = [7], sizes = [1], strides = [1]} : vector<16xf32> to vector<1xf32>
      %squeeze3A_714 = vector.extract %slice3A_713[0] : f32 from vector<1xf32>
      %mul3A_715 = arith.constant 26 : i32
      %mul3A_716 = arith.muli %scan3A_149, %mul3A_715 : i32
      %add3A_717 = arith.constant 0 : i32
      %add3A_718 = arith.addi %add3A_717, %mul3A_716 : i32
      %add3A_719 = arith.constant 23 : i32
      %add3A_720 = arith.addi %add3A_718, %add3A_719 : i32
      %get3A_721 = arith.index_cast %add3A_720 : i32 to index
      %get3A_722 = arith.constant 0 : index
      %get3A_723 = tpu.vector_load %arg9[%get3A_721, %get3A_722] {strides = array<i32>} : memref<2496x32xf32, #tpu.memory_space<vmem>>, vector<16xf32>,
      %mul3A_724 = vector.broadcast %squeeze3A_714 : f32 to vector<16xf32>
      %mul3A_725 = arith.mulf %get3A_723, %mul3A_724 : vector<16xf32>
      %get3A_726 = arith.index_cast %add3A_720 : i32 to index
      %get3A_727 = arith.constant 16 : index
      %get3A_728 = tpu.vector_load %arg9[%get3A_726, %get3A_727] {strides = array<i32>} : memref<2496x32xf32, #tpu.memory_space<vmem>>, vector<16xf32>,
      %mul3A_729 = vector.broadcast %squeeze3A_714 : f32 to vector<16xf32>
      %mul3A_730 = arith.mulf %get3A_728, %mul3A_729 : vector<16xf32>
      %add3A_731 = arith.addf %add3A_707, %mul3A_725 : vector<16xf32>
      %add3A_732 = arith.addf %add3A_708, %mul3A_730 : vector<16xf32>
      %mul3A_733 = arith.mulf %mul3A_725, %mul3A_725 : vector<16xf32>
      %add3A_734 = arith.addf %add3A_710, %mul3A_733 : vector<16xf32>
      %mul3A_735 = arith.mulf %mul3A_730, %mul3A_730 : vector<16xf32>
      %add3A_736 = arith.addf %add3A_712, %mul3A_735 : vector<16xf32>
      %slice3A_737 = vector.extract_strided_slice %mul3A_162 {offsets = [8], sizes = [1], strides = [1]} : vector<16xf32> to vector<1xf32>
      %squeeze3A_738 = vector.extract %slice3A_737[0] : f32 from vector<1xf32>
      %mul3A_739 = arith.constant 26 : i32
      %mul3A_740 = arith.muli %scan3A_149, %mul3A_739 : i32
      %add3A_741 = arith.constant 0 : i32
      %add3A_742 = arith.addi %add3A_741, %mul3A_740 : i32
      %add3A_743 = arith.constant 24 : i32
      %add3A_744 = arith.addi %add3A_742, %add3A_743 : i32
      %get3A_745 = arith.index_cast %add3A_744 : i32 to index
      %get3A_746 = arith.constant 0 : index
      %get3A_747 = tpu.vector_load %arg9[%get3A_745, %get3A_746] {strides = array<i32>} : memref<2496x32xf32, #tpu.memory_space<vmem>>, vector<16xf32>,
      %mul3A_748 = vector.broadcast %squeeze3A_738 : f32 to vector<16xf32>
      %mul3A_749 = arith.mulf %get3A_747, %mul3A_748 : vector<16xf32>
      %get3A_750 = arith.index_cast %add3A_744 : i32 to index
      %get3A_751 = arith.constant 16 : index
      %get3A_752 = tpu.vector_load %arg9[%get3A_750, %get3A_751] {strides = array<i32>} : memref<2496x32xf32, #tpu.memory_space<vmem>>, vector<16xf32>,
      %mul3A_753 = vector.broadcast %squeeze3A_738 : f32 to vector<16xf32>
      %mul3A_754 = arith.mulf %get3A_752, %mul3A_753 : vector<16xf32>
      %add3A_755 = arith.addf %add3A_731, %mul3A_749 : vector<16xf32>
      %add3A_756 = arith.addf %add3A_732, %mul3A_754 : vector<16xf32>
      %mul3A_757 = arith.mulf %mul3A_749, %mul3A_749 : vector<16xf32>
      %add3A_758 = arith.addf %add3A_734, %mul3A_757 : vector<16xf32>
      %mul3A_759 = arith.mulf %mul3A_754, %mul3A_754 : vector<16xf32>
      %add3A_760 = arith.addf %add3A_736, %mul3A_759 : vector<16xf32>
      %slice3A_761 = vector.extract_strided_slice %mul3A_162 {offsets = [9], sizes = [1], strides = [1]} : vector<16xf32> to vector<1xf32>
      %squeeze3A_762 = vector.extract %slice3A_761[0] : f32 from vector<1xf32>
      %mul3A_763 = arith.constant 26 : i32
      %mul3A_764 = arith.muli %scan3A_149, %mul3A_763 : i32
      %add3A_765 = arith.constant 0 : i32
      %add3A_766 = arith.addi %add3A_765, %mul3A_764 : i32
      %add3A_767 = arith.constant 25 : i32
      %add3A_768 = arith.addi %add3A_766, %add3A_767 : i32
      %get3A_769 = arith.index_cast %add3A_768 : i32 to index
      %get3A_770 = arith.constant 0 : index
      %get3A_771 = tpu.vector_load %arg9[%get3A_769, %get3A_770] {strides = array<i32>} : memref<2496x32xf32, #tpu.memory_space<vmem>>, vector<16xf32>,
      %mul3A_772 = vector.broadcast %squeeze3A_762 : f32 to vector<16xf32>
      %mul3A_773 = arith.mulf %get3A_771, %mul3A_772 : vector<16xf32>
      %get3A_774 = arith.index_cast %add3A_768 : i32 to index
      %get3A_775 = arith.constant 16 : index
      %get3A_776 = tpu.vector_load %arg9[%get3A_774, %get3A_775] {strides = array<i32>} : memref<2496x32xf32, #tpu.memory_space<vmem>>, vector<16xf32>,
      %mul3A_777 = vector.broadcast %squeeze3A_762 : f32 to vector<16xf32>
      %mul3A_778 = arith.mulf %get3A_776, %mul3A_777 : vector<16xf32>
      %add3A_779 = arith.addf %add3A_755, %mul3A_773 : vector<16xf32>
      %add3A_780 = arith.addf %add3A_756, %mul3A_778 : vector<16xf32>
      %mul3A_781 = arith.mulf %mul3A_773, %mul3A_773 : vector<16xf32>
      %add3A_782 = arith.addf %add3A_758, %mul3A_781 : vector<16xf32>
      %mul3A_783 = arith.mulf %mul3A_778, %mul3A_778 : vector<16xf32>
      %add3A_784 = arith.addf %add3A_760, %mul3A_783 : vector<16xf32>
      %mul3A_785 = arith.mulf %add3A_779, %add3A_779 : vector<16xf32>
      %sub3A = arith.subf %mul3A_785, %add3A_782 : vector<16xf32>
      %mul3A_786 = arith.mulf %add3A_780, %add3A_780 : vector<16xf32>
      %sub3A_787 = arith.subf %mul3A_786, %add3A_784 : vector<16xf32>
      %add3A_788 = arith.addf %sub3A, %sub3A_787 : vector<16xf32>
      %mul3A_789 = arith.constant 5.000000e-01 : f32
      %mul3A_790 = vector.broadcast %mul3A_789 : f32 to vector<16xf32>
      %mul3A_791 = arith.mulf %add3A_788, %mul3A_790 : vector<16xf32>
      %broadcast_in_dim3A_792 = vector.shape_cast %xor3A_27 : vector<16xi32> to vector<16x1xi32>
      %gather3A = vector.shape_cast %broadcast_in_dim3A_792 : vector<16x1xi32> to vector<16xi32>
      %gather3A_793 = tpu.dynamic_gather %mul3A_791[%gather3A] in [0] : vector<16xf32>, vector<16xi32> -> vector<16xf32>
      %add3A_794 = arith.addf %mul3A_791, %gather3A_793 : vector<16xf32>
      %broadcast_in_dim3A_795 = vector.shape_cast %xor3A_30 : vector<16xi32> to vector<16x1xi32>
      %gather3A_796 = vector.shape_cast %broadcast_in_dim3A_795 : vector<16x1xi32> to vector<16xi32>
      %gather3A_797 = tpu.dynamic_gather %add3A_794[%gather3A_796] in [0] : vector<16xf32>, vector<16xi32> -> vector<16xf32>
      %add3A_798 = arith.addf %add3A_794, %gather3A_797 : vector<16xf32>
      %broadcast_in_dim3A_799 = vector.shape_cast %xor3A_33 : vector<16xi32> to vector<16x1xi32>
      %gather3A_800 = vector.shape_cast %broadcast_in_dim3A_799 : vector<16x1xi32> to vector<16xi32>
      %gather3A_801 = tpu.dynamic_gather %add3A_798[%gather3A_800] in [0] : vector<16xf32>, vector<16xi32> -> vector<16xf32>
      %add3A_802 = arith.addf %add3A_798, %gather3A_801 : vector<16xf32>
      %broadcast_in_dim3A_803 = vector.shape_cast %xor3A_36 : vector<16xi32> to vector<16x1xi32>
      %gather3A_804 = vector.shape_cast %broadcast_in_dim3A_803 : vector<16x1xi32> to vector<16xi32>
      %gather3A_805 = tpu.dynamic_gather %add3A_802[%gather3A_804] in [0] : vector<16xf32>, vector<16xi32> -> vector<16xf32>
      %add3A_806 = arith.addf %add3A_802, %gather3A_805 : vector<16xf32>
      %eq3A = vector.broadcast %scan3A_149 : i32 to vector<16xi32>
      %eq3A_807 = arith.cmpi eq, %iota3A, %eq3A : vector<16xi32>
      %select_n3A_808 = arith.select %eq3A_807, %add3A_806, %scan3A_150 : vector<16xi1>, vector<16xf32>
      %sub3A_809 = arith.constant 16 : i32
      %sub3A_810 = arith.subi %scan3A_149, %sub3A_809 : i32
      %eq3A_811 = vector.broadcast %sub3A_810 : i32 to vector<16xi32>
      %eq3A_812 = arith.cmpi eq, %iota3A, %eq3A_811 : vector<16xi32>
      %select_n3A_813 = arith.select %eq3A_812, %add3A_806, %scan3A_151 : vector<16xi1>, vector<16xf32>
      scf.yield %select_n3A_808, %select_n3A_813 : vector<16xf32>, vector<16xf32>
    }
    %scan3A_58 = arith.constant 32 : i32
    %get3A = arith.constant 0 : index
    %get3A_59 = tpu.vector_load %arg10[%get3A] {strides = array<i32>} : memref<128xf32, #tpu.memory_space<vmem>>, vector<16xf32>,
    %add3A_60 = arith.addf %scan3A_57#0, %get3A_59 : vector<16xf32>
    %swap3A = arith.constant 0 : index
    %swap3A_61 = tpu.vector_load %arg11[%swap3A] {strides = array<i32>} : memref<128xf32, #tpu.memory_space<vmem>>, vector<16xf32>,
    tpu.vector_store %arg11[%swap3A], %add3A_60 {strides = array<i32>} : memref<128xf32, #tpu.memory_space<vmem>>, vector<16xf32>,
    %get3A_62 = arith.constant 16 : index
    %get3A_63 = tpu.vector_load %arg10[%get3A_62] {strides = array<i32>} : memref<128xf32, #tpu.memory_space<vmem>>, vector<16xf32>,
    %add3A_64 = arith.addf %scan3A_57#1, %get3A_63 : vector<16xf32>
    %swap3A_65 = arith.constant 16 : index
    %swap3A_66 = tpu.vector_load %arg11[%swap3A_65] {strides = array<i32>} : memref<128xf32, #tpu.memory_space<vmem>>, vector<16xf32>,
    tpu.vector_store %arg11[%swap3A_65], %add3A_64 {strides = array<i32>} : memref<128xf32, #tpu.memory_space<vmem>>, vector<16xf32>,
    %dma_start3A_67 = arith.constant 0 : i32
    %dma_start3A_68 = arith.constant 0 : i32
    %dma_start3A_69 = tpu.memref_slice %arg9[%dma_start3A_67, %dma_start3A_68] : memref<2496x32xf32, #tpu.memory_space<vmem>> -> memref<832x32xf32, #tpu.memory_space<vmem>>
    %dma_start3A_70 = arith.constant 2496 : i32
    %dma_start3A_71 = tpu.memref_slice %arg7[%dma_start3A_70] : memref<3344xi32, #tpu.memory_space<vmem>> -> memref<832xi32, #tpu.memory_space<vmem>>
    %dma_start3A_72 = arith.constant 0 : i32
    %dma_start3A_73 = arith.constant 0 : i32
    %dma_start3A_74 = tpu.memref_slice %arg4[%dma_start3A_72, %dma_start3A_73] : memref<100000x32xf32, #tpu.memory_space<hbm>> -> memref<100000x32xf32, #tpu.memory_space<hbm>>
    tpu.enqueue_indirect_dma source(%dma_start3A_74 : memref<100000x32xf32, #tpu.memory_space<hbm>>) target(%dma_start3A_69 : memref<832x32xf32, #tpu.memory_space<vmem>>) offsets(%dma_start3A_71 : memref<832xi32, #tpu.memory_space<vmem>>) semaphore(%arg12 : memref<!tpu.dma_semaphore, #tpu.memory_space<semaphore_mem>>)
    %dma_wait3A_75 = arith.constant 832 : i32
    %dma_wait3A_76 = arith.constant 0 : i32
    %dma_wait3A_77 = tpu.memref_slice %arg9[%dma_wait3A_75, %dma_wait3A_76] : memref<2496x32xf32, #tpu.memory_space<vmem>> -> memref<832x32xf32, #tpu.memory_space<vmem>>
    %dma_wait3A_78 = arith.constant 832 : i32
    %dma_wait3A_79 = tpu.memref_slice %arg7[%dma_wait3A_78] : memref<3344xi32, #tpu.memory_space<vmem>> -> memref<832xi32, #tpu.memory_space<vmem>>
    %dma_wait3A_80 = arith.constant 0 : i32
    %dma_wait3A_81 = arith.constant 0 : i32
    %dma_wait3A_82 = tpu.memref_slice %arg4[%dma_wait3A_80, %dma_wait3A_81] : memref<100000x32xf32, #tpu.memory_space<hbm>> -> memref<100000x32xf32, #tpu.memory_space<hbm>>
    tpu.wait_indirect_dma semaphore(%arg13 : memref<!tpu.dma_semaphore, #tpu.memory_space<semaphore_mem>>) src(%dma_wait3A_82 : memref<100000x32xf32, #tpu.memory_space<hbm>>) dst(%dma_wait3A_77 : memref<832x32xf32, #tpu.memory_space<vmem>>)
    %scan3A_83 = arith.constant 0 : i32
    %scan3A_84 = arith.constant 32 : i32
    %scan3A_85 = arith.addi %scan3A_83, %scan3A_84 : i32
    %scan3A_86 = arith.constant 1 : i32
    %scan3A_87:2 = scf.for %scan3A_149 = %scan3A_83 to %scan3A_85 step %scan3A_86 iter_args(%scan3A_150 = %broadcast_in_dim3A_38, %scan3A_151 = %broadcast_in_dim3A_38) -> (vector<16xf32>, vector<16xf32>)  : i32 {
      %add3A_152 = arith.constant 32 : i32
      %add3A_153 = arith.addi %add3A_152, %scan3A_149 : i32
      %mul3A_154 = arith.constant 26 : i32
      %mul3A_155 = arith.muli %add3A_153, %mul3A_154 : i32
      %get3A_156 = arith.index_cast %mul3A_155 : i32 to index
      %get3A_157 = tpu.vector_load %arg8[%get3A_156] {strides = array<i32>} : memref<3344xf32, #tpu.memory_space<vmem>>, vector<16xf32>,
      %add3A_158 = arith.constant 16 : i32
      %add3A_159 = arith.addi %mul3A_155, %add3A_158 : i32
      %get3A_160 = arith.index_cast %add3A_159 : i32 to index
      %get3A_161 = tpu.vector_load %arg8[%get3A_160] {strides = array<i32>} : memref<3344xf32, #tpu.memory_space<vmem>>, vector<16xf32>,
      %mul3A_162 = arith.mulf %get3A_161, %select_n3A : vector<16xf32>
      %slice3A = vector.extract_strided_slice %get3A_157 {offsets = [0], sizes = [1], strides = [1]} : vector<16xf32> to vector<1xf32>
      %squeeze3A = vector.extract %slice3A[0] : f32 from vector<1xf32>
      %mul3A_163 = arith.constant 26 : i32
      %mul3A_164 = arith.muli %scan3A_149, %mul3A_163 : i32
      %add3A_165 = arith.constant 832 : i32
      %add3A_166 = arith.addi %add3A_165, %mul3A_164 : i32
      %add3A_167 = arith.constant 0 : i32
      %add3A_168 = arith.addi %add3A_166, %add3A_167 : i32
      %get3A_169 = arith.index_cast %add3A_168 : i32 to index
      %get3A_170 = arith.constant 0 : index
      %get3A_171 = tpu.vector_load %arg9[%get3A_169, %get3A_170] {strides = array<i32>} : memref<2496x32xf32, #tpu.memory_space<vmem>>, vector<16xf32>,
      %mul3A_172 = vector.broadcast %squeeze3A : f32 to vector<16xf32>
      %mul3A_173 = arith.mulf %get3A_171, %mul3A_172 : vector<16xf32>
      %get3A_174 = arith.index_cast %add3A_168 : i32 to index
      %get3A_175 = arith.constant 16 : index
      %get3A_176 = tpu.vector_load %arg9[%get3A_174, %get3A_175] {strides = array<i32>} : memref<2496x32xf32, #tpu.memory_space<vmem>>, vector<16xf32>,
      %mul3A_177 = vector.broadcast %squeeze3A : f32 to vector<16xf32>
      %mul3A_178 = arith.mulf %get3A_176, %mul3A_177 : vector<16xf32>
      %add3A_179 = arith.addf %broadcast_in_dim3A_38, %mul3A_173 : vector<16xf32>
      %add3A_180 = arith.addf %broadcast_in_dim3A_38, %mul3A_178 : vector<16xf32>
      %mul3A_181 = arith.mulf %mul3A_173, %mul3A_173 : vector<16xf32>
      %add3A_182 = arith.addf %broadcast_in_dim3A_38, %mul3A_181 : vector<16xf32>
      %mul3A_183 = arith.mulf %mul3A_178, %mul3A_178 : vector<16xf32>
      %add3A_184 = arith.addf %broadcast_in_dim3A_38, %mul3A_183 : vector<16xf32>
      %slice3A_185 = vector.extract_strided_slice %get3A_157 {offsets = [1], sizes = [1], strides = [1]} : vector<16xf32> to vector<1xf32>
      %squeeze3A_186 = vector.extract %slice3A_185[0] : f32 from vector<1xf32>
      %mul3A_187 = arith.constant 26 : i32
      %mul3A_188 = arith.muli %scan3A_149, %mul3A_187 : i32
      %add3A_189 = arith.constant 832 : i32
      %add3A_190 = arith.addi %add3A_189, %mul3A_188 : i32
      %add3A_191 = arith.constant 1 : i32
      %add3A_192 = arith.addi %add3A_190, %add3A_191 : i32
      %get3A_193 = arith.index_cast %add3A_192 : i32 to index
      %get3A_194 = arith.constant 0 : index
      %get3A_195 = tpu.vector_load %arg9[%get3A_193, %get3A_194] {strides = array<i32>} : memref<2496x32xf32, #tpu.memory_space<vmem>>, vector<16xf32>,
      %mul3A_196 = vector.broadcast %squeeze3A_186 : f32 to vector<16xf32>
      %mul3A_197 = arith.mulf %get3A_195, %mul3A_196 : vector<16xf32>
      %get3A_198 = arith.index_cast %add3A_192 : i32 to index
      %get3A_199 = arith.constant 16 : index
      %get3A_200 = tpu.vector_load %arg9[%get3A_198, %get3A_199] {strides = array<i32>} : memref<2496x32xf32, #tpu.memory_space<vmem>>, vector<16xf32>,
      %mul3A_201 = vector.broadcast %squeeze3A_186 : f32 to vector<16xf32>
      %mul3A_202 = arith.mulf %get3A_200, %mul3A_201 : vector<16xf32>
      %add3A_203 = arith.addf %add3A_179, %mul3A_197 : vector<16xf32>
      %add3A_204 = arith.addf %add3A_180, %mul3A_202 : vector<16xf32>
      %mul3A_205 = arith.mulf %mul3A_197, %mul3A_197 : vector<16xf32>
      %add3A_206 = arith.addf %add3A_182, %mul3A_205 : vector<16xf32>
      %mul3A_207 = arith.mulf %mul3A_202, %mul3A_202 : vector<16xf32>
      %add3A_208 = arith.addf %add3A_184, %mul3A_207 : vector<16xf32>
      %slice3A_209 = vector.extract_strided_slice %get3A_157 {offsets = [2], sizes = [1], strides = [1]} : vector<16xf32> to vector<1xf32>
      %squeeze3A_210 = vector.extract %slice3A_209[0] : f32 from vector<1xf32>
      %mul3A_211 = arith.constant 26 : i32
      %mul3A_212 = arith.muli %scan3A_149, %mul3A_211 : i32
      %add3A_213 = arith.constant 832 : i32
      %add3A_214 = arith.addi %add3A_213, %mul3A_212 : i32
      %add3A_215 = arith.constant 2 : i32
      %add3A_216 = arith.addi %add3A_214, %add3A_215 : i32
      %get3A_217 = arith.index_cast %add3A_216 : i32 to index
      %get3A_218 = arith.constant 0 : index
      %get3A_219 = tpu.vector_load %arg9[%get3A_217, %get3A_218] {strides = array<i32>} : memref<2496x32xf32, #tpu.memory_space<vmem>>, vector<16xf32>,
      %mul3A_220 = vector.broadcast %squeeze3A_210 : f32 to vector<16xf32>
      %mul3A_221 = arith.mulf %get3A_219, %mul3A_220 : vector<16xf32>
      %get3A_222 = arith.index_cast %add3A_216 : i32 to index
      %get3A_223 = arith.constant 16 : index
      %get3A_224 = tpu.vector_load %arg9[%get3A_222, %get3A_223] {strides = array<i32>} : memref<2496x32xf32, #tpu.memory_space<vmem>>, vector<16xf32>,
      %mul3A_225 = vector.broadcast %squeeze3A_210 : f32 to vector<16xf32>
      %mul3A_226 = arith.mulf %get3A_224, %mul3A_225 : vector<16xf32>
      %add3A_227 = arith.addf %add3A_203, %mul3A_221 : vector<16xf32>
      %add3A_228 = arith.addf %add3A_204, %mul3A_226 : vector<16xf32>
      %mul3A_229 = arith.mulf %mul3A_221, %mul3A_221 : vector<16xf32>
      %add3A_230 = arith.addf %add3A_206, %mul3A_229 : vector<16xf32>
      %mul3A_231 = arith.mulf %mul3A_226, %mul3A_226 : vector<16xf32>
      %add3A_232 = arith.addf %add3A_208, %mul3A_231 : vector<16xf32>
      %slice3A_233 = vector.extract_strided_slice %get3A_157 {offsets = [3], sizes = [1], strides = [1]} : vector<16xf32> to vector<1xf32>
      %squeeze3A_234 = vector.extract %slice3A_233[0] : f32 from vector<1xf32>
      %mul3A_235 = arith.constant 26 : i32
      %mul3A_236 = arith.muli %scan3A_149, %mul3A_235 : i32
      %add3A_237 = arith.constant 832 : i32
      %add3A_238 = arith.addi %add3A_237, %mul3A_236 : i32
      %add3A_239 = arith.constant 3 : i32
      %add3A_240 = arith.addi %add3A_238, %add3A_239 : i32
      %get3A_241 = arith.index_cast %add3A_240 : i32 to index
      %get3A_242 = arith.constant 0 : index
      %get3A_243 = tpu.vector_load %arg9[%get3A_241, %get3A_242] {strides = array<i32>} : memref<2496x32xf32, #tpu.memory_space<vmem>>, vector<16xf32>,
      %mul3A_244 = vector.broadcast %squeeze3A_234 : f32 to vector<16xf32>
      %mul3A_245 = arith.mulf %get3A_243, %mul3A_244 : vector<16xf32>
      %get3A_246 = arith.index_cast %add3A_240 : i32 to index
      %get3A_247 = arith.constant 16 : index
      %get3A_248 = tpu.vector_load %arg9[%get3A_246, %get3A_247] {strides = array<i32>} : memref<2496x32xf32, #tpu.memory_space<vmem>>, vector<16xf32>,
      %mul3A_249 = vector.broadcast %squeeze3A_234 : f32 to vector<16xf32>
      %mul3A_250 = arith.mulf %get3A_248, %mul3A_249 : vector<16xf32>
      %add3A_251 = arith.addf %add3A_227, %mul3A_245 : vector<16xf32>
      %add3A_252 = arith.addf %add3A_228, %mul3A_250 : vector<16xf32>
      %mul3A_253 = arith.mulf %mul3A_245, %mul3A_245 : vector<16xf32>
      %add3A_254 = arith.addf %add3A_230, %mul3A_253 : vector<16xf32>
      %mul3A_255 = arith.mulf %mul3A_250, %mul3A_250 : vector<16xf32>
      %add3A_256 = arith.addf %add3A_232, %mul3A_255 : vector<16xf32>
      %slice3A_257 = vector.extract_strided_slice %get3A_157 {offsets = [4], sizes = [1], strides = [1]} : vector<16xf32> to vector<1xf32>
      %squeeze3A_258 = vector.extract %slice3A_257[0] : f32 from vector<1xf32>
      %mul3A_259 = arith.constant 26 : i32
      %mul3A_260 = arith.muli %scan3A_149, %mul3A_259 : i32
      %add3A_261 = arith.constant 832 : i32
      %add3A_262 = arith.addi %add3A_261, %mul3A_260 : i32
      %add3A_263 = arith.constant 4 : i32
      %add3A_264 = arith.addi %add3A_262, %add3A_263 : i32
      %get3A_265 = arith.index_cast %add3A_264 : i32 to index
      %get3A_266 = arith.constant 0 : index
      %get3A_267 = tpu.vector_load %arg9[%get3A_265, %get3A_266] {strides = array<i32>} : memref<2496x32xf32, #tpu.memory_space<vmem>>, vector<16xf32>,
      %mul3A_268 = vector.broadcast %squeeze3A_258 : f32 to vector<16xf32>
      %mul3A_269 = arith.mulf %get3A_267, %mul3A_268 : vector<16xf32>
      %get3A_270 = arith.index_cast %add3A_264 : i32 to index
      %get3A_271 = arith.constant 16 : index
      %get3A_272 = tpu.vector_load %arg9[%get3A_270, %get3A_271] {strides = array<i32>} : memref<2496x32xf32, #tpu.memory_space<vmem>>, vector<16xf32>,
      %mul3A_273 = vector.broadcast %squeeze3A_258 : f32 to vector<16xf32>
      %mul3A_274 = arith.mulf %get3A_272, %mul3A_273 : vector<16xf32>
      %add3A_275 = arith.addf %add3A_251, %mul3A_269 : vector<16xf32>
      %add3A_276 = arith.addf %add3A_252, %mul3A_274 : vector<16xf32>
      %mul3A_277 = arith.mulf %mul3A_269, %mul3A_269 : vector<16xf32>
      %add3A_278 = arith.addf %add3A_254, %mul3A_277 : vector<16xf32>
      %mul3A_279 = arith.mulf %mul3A_274, %mul3A_274 : vector<16xf32>
      %add3A_280 = arith.addf %add3A_256, %mul3A_279 : vector<16xf32>
      %slice3A_281 = vector.extract_strided_slice %get3A_157 {offsets = [5], sizes = [1], strides = [1]} : vector<16xf32> to vector<1xf32>
      %squeeze3A_282 = vector.extract %slice3A_281[0] : f32 from vector<1xf32>
      %mul3A_283 = arith.constant 26 : i32
      %mul3A_284 = arith.muli %scan3A_149, %mul3A_283 : i32
      %add3A_285 = arith.constant 832 : i32
      %add3A_286 = arith.addi %add3A_285, %mul3A_284 : i32
      %add3A_287 = arith.constant 5 : i32
      %add3A_288 = arith.addi %add3A_286, %add3A_287 : i32
      %get3A_289 = arith.index_cast %add3A_288 : i32 to index
      %get3A_290 = arith.constant 0 : index
      %get3A_291 = tpu.vector_load %arg9[%get3A_289, %get3A_290] {strides = array<i32>} : memref<2496x32xf32, #tpu.memory_space<vmem>>, vector<16xf32>,
      %mul3A_292 = vector.broadcast %squeeze3A_282 : f32 to vector<16xf32>
      %mul3A_293 = arith.mulf %get3A_291, %mul3A_292 : vector<16xf32>
      %get3A_294 = arith.index_cast %add3A_288 : i32 to index
      %get3A_295 = arith.constant 16 : index
      %get3A_296 = tpu.vector_load %arg9[%get3A_294, %get3A_295] {strides = array<i32>} : memref<2496x32xf32, #tpu.memory_space<vmem>>, vector<16xf32>,
      %mul3A_297 = vector.broadcast %squeeze3A_282 : f32 to vector<16xf32>
      %mul3A_298 = arith.mulf %get3A_296, %mul3A_297 : vector<16xf32>
      %add3A_299 = arith.addf %add3A_275, %mul3A_293 : vector<16xf32>
      %add3A_300 = arith.addf %add3A_276, %mul3A_298 : vector<16xf32>
      %mul3A_301 = arith.mulf %mul3A_293, %mul3A_293 : vector<16xf32>
      %add3A_302 = arith.addf %add3A_278, %mul3A_301 : vector<16xf32>
      %mul3A_303 = arith.mulf %mul3A_298, %mul3A_298 : vector<16xf32>
      %add3A_304 = arith.addf %add3A_280, %mul3A_303 : vector<16xf32>
      %slice3A_305 = vector.extract_strided_slice %get3A_157 {offsets = [6], sizes = [1], strides = [1]} : vector<16xf32> to vector<1xf32>
      %squeeze3A_306 = vector.extract %slice3A_305[0] : f32 from vector<1xf32>
      %mul3A_307 = arith.constant 26 : i32
      %mul3A_308 = arith.muli %scan3A_149, %mul3A_307 : i32
      %add3A_309 = arith.constant 832 : i32
      %add3A_310 = arith.addi %add3A_309, %mul3A_308 : i32
      %add3A_311 = arith.constant 6 : i32
      %add3A_312 = arith.addi %add3A_310, %add3A_311 : i32
      %get3A_313 = arith.index_cast %add3A_312 : i32 to index
      %get3A_314 = arith.constant 0 : index
      %get3A_315 = tpu.vector_load %arg9[%get3A_313, %get3A_314] {strides = array<i32>} : memref<2496x32xf32, #tpu.memory_space<vmem>>, vector<16xf32>,
      %mul3A_316 = vector.broadcast %squeeze3A_306 : f32 to vector<16xf32>
      %mul3A_317 = arith.mulf %get3A_315, %mul3A_316 : vector<16xf32>
      %get3A_318 = arith.index_cast %add3A_312 : i32 to index
      %get3A_319 = arith.constant 16 : index
      %get3A_320 = tpu.vector_load %arg9[%get3A_318, %get3A_319] {strides = array<i32>} : memref<2496x32xf32, #tpu.memory_space<vmem>>, vector<16xf32>,
      %mul3A_321 = vector.broadcast %squeeze3A_306 : f32 to vector<16xf32>
      %mul3A_322 = arith.mulf %get3A_320, %mul3A_321 : vector<16xf32>
      %add3A_323 = arith.addf %add3A_299, %mul3A_317 : vector<16xf32>
      %add3A_324 = arith.addf %add3A_300, %mul3A_322 : vector<16xf32>
      %mul3A_325 = arith.mulf %mul3A_317, %mul3A_317 : vector<16xf32>
      %add3A_326 = arith.addf %add3A_302, %mul3A_325 : vector<16xf32>
      %mul3A_327 = arith.mulf %mul3A_322, %mul3A_322 : vector<16xf32>
      %add3A_328 = arith.addf %add3A_304, %mul3A_327 : vector<16xf32>
      %slice3A_329 = vector.extract_strided_slice %get3A_157 {offsets = [7], sizes = [1], strides = [1]} : vector<16xf32> to vector<1xf32>
      %squeeze3A_330 = vector.extract %slice3A_329[0] : f32 from vector<1xf32>
      %mul3A_331 = arith.constant 26 : i32
      %mul3A_332 = arith.muli %scan3A_149, %mul3A_331 : i32
      %add3A_333 = arith.constant 832 : i32
      %add3A_334 = arith.addi %add3A_333, %mul3A_332 : i32
      %add3A_335 = arith.constant 7 : i32
      %add3A_336 = arith.addi %add3A_334, %add3A_335 : i32
      %get3A_337 = arith.index_cast %add3A_336 : i32 to index
      %get3A_338 = arith.constant 0 : index
      %get3A_339 = tpu.vector_load %arg9[%get3A_337, %get3A_338] {strides = array<i32>} : memref<2496x32xf32, #tpu.memory_space<vmem>>, vector<16xf32>,
      %mul3A_340 = vector.broadcast %squeeze3A_330 : f32 to vector<16xf32>
      %mul3A_341 = arith.mulf %get3A_339, %mul3A_340 : vector<16xf32>
      %get3A_342 = arith.index_cast %add3A_336 : i32 to index
      %get3A_343 = arith.constant 16 : index
      %get3A_344 = tpu.vector_load %arg9[%get3A_342, %get3A_343] {strides = array<i32>} : memref<2496x32xf32, #tpu.memory_space<vmem>>, vector<16xf32>,
      %mul3A_345 = vector.broadcast %squeeze3A_330 : f32 to vector<16xf32>
      %mul3A_346 = arith.mulf %get3A_344, %mul3A_345 : vector<16xf32>
      %add3A_347 = arith.addf %add3A_323, %mul3A_341 : vector<16xf32>
      %add3A_348 = arith.addf %add3A_324, %mul3A_346 : vector<16xf32>
      %mul3A_349 = arith.mulf %mul3A_341, %mul3A_341 : vector<16xf32>
      %add3A_350 = arith.addf %add3A_326, %mul3A_349 : vector<16xf32>
      %mul3A_351 = arith.mulf %mul3A_346, %mul3A_346 : vector<16xf32>
      %add3A_352 = arith.addf %add3A_328, %mul3A_351 : vector<16xf32>
      %slice3A_353 = vector.extract_strided_slice %get3A_157 {offsets = [8], sizes = [1], strides = [1]} : vector<16xf32> to vector<1xf32>
      %squeeze3A_354 = vector.extract %slice3A_353[0] : f32 from vector<1xf32>
      %mul3A_355 = arith.constant 26 : i32
      %mul3A_356 = arith.muli %scan3A_149, %mul3A_355 : i32
      %add3A_357 = arith.constant 832 : i32
      %add3A_358 = arith.addi %add3A_357, %mul3A_356 : i32
      %add3A_359 = arith.constant 8 : i32
      %add3A_360 = arith.addi %add3A_358, %add3A_359 : i32
      %get3A_361 = arith.index_cast %add3A_360 : i32 to index
      %get3A_362 = arith.constant 0 : index
      %get3A_363 = tpu.vector_load %arg9[%get3A_361, %get3A_362] {strides = array<i32>} : memref<2496x32xf32, #tpu.memory_space<vmem>>, vector<16xf32>,
      %mul3A_364 = vector.broadcast %squeeze3A_354 : f32 to vector<16xf32>
      %mul3A_365 = arith.mulf %get3A_363, %mul3A_364 : vector<16xf32>
      %get3A_366 = arith.index_cast %add3A_360 : i32 to index
      %get3A_367 = arith.constant 16 : index
      %get3A_368 = tpu.vector_load %arg9[%get3A_366, %get3A_367] {strides = array<i32>} : memref<2496x32xf32, #tpu.memory_space<vmem>>, vector<16xf32>,
      %mul3A_369 = vector.broadcast %squeeze3A_354 : f32 to vector<16xf32>
      %mul3A_370 = arith.mulf %get3A_368, %mul3A_369 : vector<16xf32>
      %add3A_371 = arith.addf %add3A_347, %mul3A_365 : vector<16xf32>
      %add3A_372 = arith.addf %add3A_348, %mul3A_370 : vector<16xf32>
      %mul3A_373 = arith.mulf %mul3A_365, %mul3A_365 : vector<16xf32>
      %add3A_374 = arith.addf %add3A_350, %mul3A_373 : vector<16xf32>
      %mul3A_375 = arith.mulf %mul3A_370, %mul3A_370 : vector<16xf32>
      %add3A_376 = arith.addf %add3A_352, %mul3A_375 : vector<16xf32>
      %slice3A_377 = vector.extract_strided_slice %get3A_157 {offsets = [9], sizes = [1], strides = [1]} : vector<16xf32> to vector<1xf32>
      %squeeze3A_378 = vector.extract %slice3A_377[0] : f32 from vector<1xf32>
      %mul3A_379 = arith.constant 26 : i32
      %mul3A_380 = arith.muli %scan3A_149, %mul3A_379 : i32
      %add3A_381 = arith.constant 832 : i32
      %add3A_382 = arith.addi %add3A_381, %mul3A_380 : i32
      %add3A_383 = arith.constant 9 : i32
      %add3A_384 = arith.addi %add3A_382, %add3A_383 : i32
      %get3A_385 = arith.index_cast %add3A_384 : i32 to index
      %get3A_386 = arith.constant 0 : index
      %get3A_387 = tpu.vector_load %arg9[%get3A_385, %get3A_386] {strides = array<i32>} : memref<2496x32xf32, #tpu.memory_space<vmem>>, vector<16xf32>,
      %mul3A_388 = vector.broadcast %squeeze3A_378 : f32 to vector<16xf32>
      %mul3A_389 = arith.mulf %get3A_387, %mul3A_388 : vector<16xf32>
      %get3A_390 = arith.index_cast %add3A_384 : i32 to index
      %get3A_391 = arith.constant 16 : index
      %get3A_392 = tpu.vector_load %arg9[%get3A_390, %get3A_391] {strides = array<i32>} : memref<2496x32xf32, #tpu.memory_space<vmem>>, vector<16xf32>,
      %mul3A_393 = vector.broadcast %squeeze3A_378 : f32 to vector<16xf32>
      %mul3A_394 = arith.mulf %get3A_392, %mul3A_393 : vector<16xf32>
      %add3A_395 = arith.addf %add3A_371, %mul3A_389 : vector<16xf32>
      %add3A_396 = arith.addf %add3A_372, %mul3A_394 : vector<16xf32>
      %mul3A_397 = arith.mulf %mul3A_389, %mul3A_389 : vector<16xf32>
      %add3A_398 = arith.addf %add3A_374, %mul3A_397 : vector<16xf32>
      %mul3A_399 = arith.mulf %mul3A_394, %mul3A_394 : vector<16xf32>
      %add3A_400 = arith.addf %add3A_376, %mul3A_399 : vector<16xf32>
      %slice3A_401 = vector.extract_strided_slice %get3A_157 {offsets = [10], sizes = [1], strides = [1]} : vector<16xf32> to vector<1xf32>
      %squeeze3A_402 = vector.extract %slice3A_401[0] : f32 from vector<1xf32>
      %mul3A_403 = arith.constant 26 : i32
      %mul3A_404 = arith.muli %scan3A_149, %mul3A_403 : i32
      %add3A_405 = arith.constant 832 : i32
      %add3A_406 = arith.addi %add3A_405, %mul3A_404 : i32
      %add3A_407 = arith.constant 10 : i32
      %add3A_408 = arith.addi %add3A_406, %add3A_407 : i32
      %get3A_409 = arith.index_cast %add3A_408 : i32 to index
      %get3A_410 = arith.constant 0 : index
      %get3A_411 = tpu.vector_load %arg9[%get3A_409, %get3A_410] {strides = array<i32>} : memref<2496x32xf32, #tpu.memory_space<vmem>>, vector<16xf32>,
      %mul3A_412 = vector.broadcast %squeeze3A_402 : f32 to vector<16xf32>
      %mul3A_413 = arith.mulf %get3A_411, %mul3A_412 : vector<16xf32>
      %get3A_414 = arith.index_cast %add3A_408 : i32 to index
      %get3A_415 = arith.constant 16 : index
      %get3A_416 = tpu.vector_load %arg9[%get3A_414, %get3A_415] {strides = array<i32>} : memref<2496x32xf32, #tpu.memory_space<vmem>>, vector<16xf32>,
      %mul3A_417 = vector.broadcast %squeeze3A_402 : f32 to vector<16xf32>
      %mul3A_418 = arith.mulf %get3A_416, %mul3A_417 : vector<16xf32>
      %add3A_419 = arith.addf %add3A_395, %mul3A_413 : vector<16xf32>
      %add3A_420 = arith.addf %add3A_396, %mul3A_418 : vector<16xf32>
      %mul3A_421 = arith.mulf %mul3A_413, %mul3A_413 : vector<16xf32>
      %add3A_422 = arith.addf %add3A_398, %mul3A_421 : vector<16xf32>
      %mul3A_423 = arith.mulf %mul3A_418, %mul3A_418 : vector<16xf32>
      %add3A_424 = arith.addf %add3A_400, %mul3A_423 : vector<16xf32>
      %slice3A_425 = vector.extract_strided_slice %get3A_157 {offsets = [11], sizes = [1], strides = [1]} : vector<16xf32> to vector<1xf32>
      %squeeze3A_426 = vector.extract %slice3A_425[0] : f32 from vector<1xf32>
      %mul3A_427 = arith.constant 26 : i32
      %mul3A_428 = arith.muli %scan3A_149, %mul3A_427 : i32
      %add3A_429 = arith.constant 832 : i32
      %add3A_430 = arith.addi %add3A_429, %mul3A_428 : i32
      %add3A_431 = arith.constant 11 : i32
      %add3A_432 = arith.addi %add3A_430, %add3A_431 : i32
      %get3A_433 = arith.index_cast %add3A_432 : i32 to index
      %get3A_434 = arith.constant 0 : index
      %get3A_435 = tpu.vector_load %arg9[%get3A_433, %get3A_434] {strides = array<i32>} : memref<2496x32xf32, #tpu.memory_space<vmem>>, vector<16xf32>,
      %mul3A_436 = vector.broadcast %squeeze3A_426 : f32 to vector<16xf32>
      %mul3A_437 = arith.mulf %get3A_435, %mul3A_436 : vector<16xf32>
      %get3A_438 = arith.index_cast %add3A_432 : i32 to index
      %get3A_439 = arith.constant 16 : index
      %get3A_440 = tpu.vector_load %arg9[%get3A_438, %get3A_439] {strides = array<i32>} : memref<2496x32xf32, #tpu.memory_space<vmem>>, vector<16xf32>,
      %mul3A_441 = vector.broadcast %squeeze3A_426 : f32 to vector<16xf32>
      %mul3A_442 = arith.mulf %get3A_440, %mul3A_441 : vector<16xf32>
      %add3A_443 = arith.addf %add3A_419, %mul3A_437 : vector<16xf32>
      %add3A_444 = arith.addf %add3A_420, %mul3A_442 : vector<16xf32>
      %mul3A_445 = arith.mulf %mul3A_437, %mul3A_437 : vector<16xf32>
      %add3A_446 = arith.addf %add3A_422, %mul3A_445 : vector<16xf32>
      %mul3A_447 = arith.mulf %mul3A_442, %mul3A_442 : vector<16xf32>
      %add3A_448 = arith.addf %add3A_424, %mul3A_447 : vector<16xf32>
      %slice3A_449 = vector.extract_strided_slice %get3A_157 {offsets = [12], sizes = [1], strides = [1]} : vector<16xf32> to vector<1xf32>
      %squeeze3A_450 = vector.extract %slice3A_449[0] : f32 from vector<1xf32>
      %mul3A_451 = arith.constant 26 : i32
      %mul3A_452 = arith.muli %scan3A_149, %mul3A_451 : i32
      %add3A_453 = arith.constant 832 : i32
      %add3A_454 = arith.addi %add3A_453, %mul3A_452 : i32
      %add3A_455 = arith.constant 12 : i32
      %add3A_456 = arith.addi %add3A_454, %add3A_455 : i32
      %get3A_457 = arith.index_cast %add3A_456 : i32 to index
      %get3A_458 = arith.constant 0 : index
      %get3A_459 = tpu.vector_load %arg9[%get3A_457, %get3A_458] {strides = array<i32>} : memref<2496x32xf32, #tpu.memory_space<vmem>>, vector<16xf32>,
      %mul3A_460 = vector.broadcast %squeeze3A_450 : f32 to vector<16xf32>
      %mul3A_461 = arith.mulf %get3A_459, %mul3A_460 : vector<16xf32>
      %get3A_462 = arith.index_cast %add3A_456 : i32 to index
      %get3A_463 = arith.constant 16 : index
      %get3A_464 = tpu.vector_load %arg9[%get3A_462, %get3A_463] {strides = array<i32>} : memref<2496x32xf32, #tpu.memory_space<vmem>>, vector<16xf32>,
      %mul3A_465 = vector.broadcast %squeeze3A_450 : f32 to vector<16xf32>
      %mul3A_466 = arith.mulf %get3A_464, %mul3A_465 : vector<16xf32>
      %add3A_467 = arith.addf %add3A_443, %mul3A_461 : vector<16xf32>
      %add3A_468 = arith.addf %add3A_444, %mul3A_466 : vector<16xf32>
      %mul3A_469 = arith.mulf %mul3A_461, %mul3A_461 : vector<16xf32>
      %add3A_470 = arith.addf %add3A_446, %mul3A_469 : vector<16xf32>
      %mul3A_471 = arith.mulf %mul3A_466, %mul3A_466 : vector<16xf32>
      %add3A_472 = arith.addf %add3A_448, %mul3A_471 : vector<16xf32>
      %slice3A_473 = vector.extract_strided_slice %get3A_157 {offsets = [13], sizes = [1], strides = [1]} : vector<16xf32> to vector<1xf32>
      %squeeze3A_474 = vector.extract %slice3A_473[0] : f32 from vector<1xf32>
      %mul3A_475 = arith.constant 26 : i32
      %mul3A_476 = arith.muli %scan3A_149, %mul3A_475 : i32
      %add3A_477 = arith.constant 832 : i32
      %add3A_478 = arith.addi %add3A_477, %mul3A_476 : i32
      %add3A_479 = arith.constant 13 : i32
      %add3A_480 = arith.addi %add3A_478, %add3A_479 : i32
      %get3A_481 = arith.index_cast %add3A_480 : i32 to index
      %get3A_482 = arith.constant 0 : index
      %get3A_483 = tpu.vector_load %arg9[%get3A_481, %get3A_482] {strides = array<i32>} : memref<2496x32xf32, #tpu.memory_space<vmem>>, vector<16xf32>,
      %mul3A_484 = vector.broadcast %squeeze3A_474 : f32 to vector<16xf32>
      %mul3A_485 = arith.mulf %get3A_483, %mul3A_484 : vector<16xf32>
      %get3A_486 = arith.index_cast %add3A_480 : i32 to index
      %get3A_487 = arith.constant 16 : index
      %get3A_488 = tpu.vector_load %arg9[%get3A_486, %get3A_487] {strides = array<i32>} : memref<2496x32xf32, #tpu.memory_space<vmem>>, vector<16xf32>,
      %mul3A_489 = vector.broadcast %squeeze3A_474 : f32 to vector<16xf32>
      %mul3A_490 = arith.mulf %get3A_488, %mul3A_489 : vector<16xf32>
      %add3A_491 = arith.addf %add3A_467, %mul3A_485 : vector<16xf32>
      %add3A_492 = arith.addf %add3A_468, %mul3A_490 : vector<16xf32>
      %mul3A_493 = arith.mulf %mul3A_485, %mul3A_485 : vector<16xf32>
      %add3A_494 = arith.addf %add3A_470, %mul3A_493 : vector<16xf32>
      %mul3A_495 = arith.mulf %mul3A_490, %mul3A_490 : vector<16xf32>
      %add3A_496 = arith.addf %add3A_472, %mul3A_495 : vector<16xf32>
      %slice3A_497 = vector.extract_strided_slice %get3A_157 {offsets = [14], sizes = [1], strides = [1]} : vector<16xf32> to vector<1xf32>
      %squeeze3A_498 = vector.extract %slice3A_497[0] : f32 from vector<1xf32>
      %mul3A_499 = arith.constant 26 : i32
      %mul3A_500 = arith.muli %scan3A_149, %mul3A_499 : i32
      %add3A_501 = arith.constant 832 : i32
      %add3A_502 = arith.addi %add3A_501, %mul3A_500 : i32
      %add3A_503 = arith.constant 14 : i32
      %add3A_504 = arith.addi %add3A_502, %add3A_503 : i32
      %get3A_505 = arith.index_cast %add3A_504 : i32 to index
      %get3A_506 = arith.constant 0 : index
      %get3A_507 = tpu.vector_load %arg9[%get3A_505, %get3A_506] {strides = array<i32>} : memref<2496x32xf32, #tpu.memory_space<vmem>>, vector<16xf32>,
      %mul3A_508 = vector.broadcast %squeeze3A_498 : f32 to vector<16xf32>
      %mul3A_509 = arith.mulf %get3A_507, %mul3A_508 : vector<16xf32>
      %get3A_510 = arith.index_cast %add3A_504 : i32 to index
      %get3A_511 = arith.constant 16 : index
      %get3A_512 = tpu.vector_load %arg9[%get3A_510, %get3A_511] {strides = array<i32>} : memref<2496x32xf32, #tpu.memory_space<vmem>>, vector<16xf32>,
      %mul3A_513 = vector.broadcast %squeeze3A_498 : f32 to vector<16xf32>
      %mul3A_514 = arith.mulf %get3A_512, %mul3A_513 : vector<16xf32>
      %add3A_515 = arith.addf %add3A_491, %mul3A_509 : vector<16xf32>
      %add3A_516 = arith.addf %add3A_492, %mul3A_514 : vector<16xf32>
      %mul3A_517 = arith.mulf %mul3A_509, %mul3A_509 : vector<16xf32>
      %add3A_518 = arith.addf %add3A_494, %mul3A_517 : vector<16xf32>
      %mul3A_519 = arith.mulf %mul3A_514, %mul3A_514 : vector<16xf32>
      %add3A_520 = arith.addf %add3A_496, %mul3A_519 : vector<16xf32>
      %slice3A_521 = vector.extract_strided_slice %get3A_157 {offsets = [15], sizes = [1], strides = [1]} : vector<16xf32> to vector<1xf32>
      %squeeze3A_522 = vector.extract %slice3A_521[0] : f32 from vector<1xf32>
      %mul3A_523 = arith.constant 26 : i32
      %mul3A_524 = arith.muli %scan3A_149, %mul3A_523 : i32
      %add3A_525 = arith.constant 832 : i32
      %add3A_526 = arith.addi %add3A_525, %mul3A_524 : i32
      %add3A_527 = arith.constant 15 : i32
      %add3A_528 = arith.addi %add3A_526, %add3A_527 : i32
      %get3A_529 = arith.index_cast %add3A_528 : i32 to index
      %get3A_530 = arith.constant 0 : index
      %get3A_531 = tpu.vector_load %arg9[%get3A_529, %get3A_530] {strides = array<i32>} : memref<2496x32xf32, #tpu.memory_space<vmem>>, vector<16xf32>,
      %mul3A_532 = vector.broadcast %squeeze3A_522 : f32 to vector<16xf32>
      %mul3A_533 = arith.mulf %get3A_531, %mul3A_532 : vector<16xf32>
      %get3A_534 = arith.index_cast %add3A_528 : i32 to index
      %get3A_535 = arith.constant 16 : index
      %get3A_536 = tpu.vector_load %arg9[%get3A_534, %get3A_535] {strides = array<i32>} : memref<2496x32xf32, #tpu.memory_space<vmem>>, vector<16xf32>,
      %mul3A_537 = vector.broadcast %squeeze3A_522 : f32 to vector<16xf32>
      %mul3A_538 = arith.mulf %get3A_536, %mul3A_537 : vector<16xf32>
      %add3A_539 = arith.addf %add3A_515, %mul3A_533 : vector<16xf32>
      %add3A_540 = arith.addf %add3A_516, %mul3A_538 : vector<16xf32>
      %mul3A_541 = arith.mulf %mul3A_533, %mul3A_533 : vector<16xf32>
      %add3A_542 = arith.addf %add3A_518, %mul3A_541 : vector<16xf32>
      %mul3A_543 = arith.mulf %mul3A_538, %mul3A_538 : vector<16xf32>
      %add3A_544 = arith.addf %add3A_520, %mul3A_543 : vector<16xf32>
      %slice3A_545 = vector.extract_strided_slice %mul3A_162 {offsets = [0], sizes = [1], strides = [1]} : vector<16xf32> to vector<1xf32>
      %squeeze3A_546 = vector.extract %slice3A_545[0] : f32 from vector<1xf32>
      %mul3A_547 = arith.constant 26 : i32
      %mul3A_548 = arith.muli %scan3A_149, %mul3A_547 : i32
      %add3A_549 = arith.constant 832 : i32
      %add3A_550 = arith.addi %add3A_549, %mul3A_548 : i32
      %add3A_551 = arith.constant 16 : i32
      %add3A_552 = arith.addi %add3A_550, %add3A_551 : i32
      %get3A_553 = arith.index_cast %add3A_552 : i32 to index
      %get3A_554 = arith.constant 0 : index
      %get3A_555 = tpu.vector_load %arg9[%get3A_553, %get3A_554] {strides = array<i32>} : memref<2496x32xf32, #tpu.memory_space<vmem>>, vector<16xf32>,
      %mul3A_556 = vector.broadcast %squeeze3A_546 : f32 to vector<16xf32>
      %mul3A_557 = arith.mulf %get3A_555, %mul3A_556 : vector<16xf32>
      %get3A_558 = arith.index_cast %add3A_552 : i32 to index
      %get3A_559 = arith.constant 16 : index
      %get3A_560 = tpu.vector_load %arg9[%get3A_558, %get3A_559] {strides = array<i32>} : memref<2496x32xf32, #tpu.memory_space<vmem>>, vector<16xf32>,
      %mul3A_561 = vector.broadcast %squeeze3A_546 : f32 to vector<16xf32>
      %mul3A_562 = arith.mulf %get3A_560, %mul3A_561 : vector<16xf32>
      %add3A_563 = arith.addf %add3A_539, %mul3A_557 : vector<16xf32>
      %add3A_564 = arith.addf %add3A_540, %mul3A_562 : vector<16xf32>
      %mul3A_565 = arith.mulf %mul3A_557, %mul3A_557 : vector<16xf32>
      %add3A_566 = arith.addf %add3A_542, %mul3A_565 : vector<16xf32>
      %mul3A_567 = arith.mulf %mul3A_562, %mul3A_562 : vector<16xf32>
      %add3A_568 = arith.addf %add3A_544, %mul3A_567 : vector<16xf32>
      %slice3A_569 = vector.extract_strided_slice %mul3A_162 {offsets = [1], sizes = [1], strides = [1]} : vector<16xf32> to vector<1xf32>
      %squeeze3A_570 = vector.extract %slice3A_569[0] : f32 from vector<1xf32>
      %mul3A_571 = arith.constant 26 : i32
      %mul3A_572 = arith.muli %scan3A_149, %mul3A_571 : i32
      %add3A_573 = arith.constant 832 : i32
      %add3A_574 = arith.addi %add3A_573, %mul3A_572 : i32
      %add3A_575 = arith.constant 17 : i32
      %add3A_576 = arith.addi %add3A_574, %add3A_575 : i32
      %get3A_577 = arith.index_cast %add3A_576 : i32 to index
      %get3A_578 = arith.constant 0 : index
      %get3A_579 = tpu.vector_load %arg9[%get3A_577, %get3A_578] {strides = array<i32>} : memref<2496x32xf32, #tpu.memory_space<vmem>>, vector<16xf32>,
      %mul3A_580 = vector.broadcast %squeeze3A_570 : f32 to vector<16xf32>
      %mul3A_581 = arith.mulf %get3A_579, %mul3A_580 : vector<16xf32>
      %get3A_582 = arith.index_cast %add3A_576 : i32 to index
      %get3A_583 = arith.constant 16 : index
      %get3A_584 = tpu.vector_load %arg9[%get3A_582, %get3A_583] {strides = array<i32>} : memref<2496x32xf32, #tpu.memory_space<vmem>>, vector<16xf32>,
      %mul3A_585 = vector.broadcast %squeeze3A_570 : f32 to vector<16xf32>
      %mul3A_586 = arith.mulf %get3A_584, %mul3A_585 : vector<16xf32>
      %add3A_587 = arith.addf %add3A_563, %mul3A_581 : vector<16xf32>
      %add3A_588 = arith.addf %add3A_564, %mul3A_586 : vector<16xf32>
      %mul3A_589 = arith.mulf %mul3A_581, %mul3A_581 : vector<16xf32>
      %add3A_590 = arith.addf %add3A_566, %mul3A_589 : vector<16xf32>
      %mul3A_591 = arith.mulf %mul3A_586, %mul3A_586 : vector<16xf32>
      %add3A_592 = arith.addf %add3A_568, %mul3A_591 : vector<16xf32>
      %slice3A_593 = vector.extract_strided_slice %mul3A_162 {offsets = [2], sizes = [1], strides = [1]} : vector<16xf32> to vector<1xf32>
      %squeeze3A_594 = vector.extract %slice3A_593[0] : f32 from vector<1xf32>
      %mul3A_595 = arith.constant 26 : i32
      %mul3A_596 = arith.muli %scan3A_149, %mul3A_595 : i32
      %add3A_597 = arith.constant 832 : i32
      %add3A_598 = arith.addi %add3A_597, %mul3A_596 : i32
      %add3A_599 = arith.constant 18 : i32
      %add3A_600 = arith.addi %add3A_598, %add3A_599 : i32
      %get3A_601 = arith.index_cast %add3A_600 : i32 to index
      %get3A_602 = arith.constant 0 : index
      %get3A_603 = tpu.vector_load %arg9[%get3A_601, %get3A_602] {strides = array<i32>} : memref<2496x32xf32, #tpu.memory_space<vmem>>, vector<16xf32>,
      %mul3A_604 = vector.broadcast %squeeze3A_594 : f32 to vector<16xf32>
      %mul3A_605 = arith.mulf %get3A_603, %mul3A_604 : vector<16xf32>
      %get3A_606 = arith.index_cast %add3A_600 : i32 to index
      %get3A_607 = arith.constant 16 : index
      %get3A_608 = tpu.vector_load %arg9[%get3A_606, %get3A_607] {strides = array<i32>} : memref<2496x32xf32, #tpu.memory_space<vmem>>, vector<16xf32>,
      %mul3A_609 = vector.broadcast %squeeze3A_594 : f32 to vector<16xf32>
      %mul3A_610 = arith.mulf %get3A_608, %mul3A_609 : vector<16xf32>
      %add3A_611 = arith.addf %add3A_587, %mul3A_605 : vector<16xf32>
      %add3A_612 = arith.addf %add3A_588, %mul3A_610 : vector<16xf32>
      %mul3A_613 = arith.mulf %mul3A_605, %mul3A_605 : vector<16xf32>
      %add3A_614 = arith.addf %add3A_590, %mul3A_613 : vector<16xf32>
      %mul3A_615 = arith.mulf %mul3A_610, %mul3A_610 : vector<16xf32>
      %add3A_616 = arith.addf %add3A_592, %mul3A_615 : vector<16xf32>
      %slice3A_617 = vector.extract_strided_slice %mul3A_162 {offsets = [3], sizes = [1], strides = [1]} : vector<16xf32> to vector<1xf32>
      %squeeze3A_618 = vector.extract %slice3A_617[0] : f32 from vector<1xf32>
      %mul3A_619 = arith.constant 26 : i32
      %mul3A_620 = arith.muli %scan3A_149, %mul3A_619 : i32
      %add3A_621 = arith.constant 832 : i32
      %add3A_622 = arith.addi %add3A_621, %mul3A_620 : i32
      %add3A_623 = arith.constant 19 : i32
      %add3A_624 = arith.addi %add3A_622, %add3A_623 : i32
      %get3A_625 = arith.index_cast %add3A_624 : i32 to index
      %get3A_626 = arith.constant 0 : index
      %get3A_627 = tpu.vector_load %arg9[%get3A_625, %get3A_626] {strides = array<i32>} : memref<2496x32xf32, #tpu.memory_space<vmem>>, vector<16xf32>,
      %mul3A_628 = vector.broadcast %squeeze3A_618 : f32 to vector<16xf32>
      %mul3A_629 = arith.mulf %get3A_627, %mul3A_628 : vector<16xf32>
      %get3A_630 = arith.index_cast %add3A_624 : i32 to index
      %get3A_631 = arith.constant 16 : index
      %get3A_632 = tpu.vector_load %arg9[%get3A_630, %get3A_631] {strides = array<i32>} : memref<2496x32xf32, #tpu.memory_space<vmem>>, vector<16xf32>,
      %mul3A_633 = vector.broadcast %squeeze3A_618 : f32 to vector<16xf32>
      %mul3A_634 = arith.mulf %get3A_632, %mul3A_633 : vector<16xf32>
      %add3A_635 = arith.addf %add3A_611, %mul3A_629 : vector<16xf32>
      %add3A_636 = arith.addf %add3A_612, %mul3A_634 : vector<16xf32>
      %mul3A_637 = arith.mulf %mul3A_629, %mul3A_629 : vector<16xf32>
      %add3A_638 = arith.addf %add3A_614, %mul3A_637 : vector<16xf32>
      %mul3A_639 = arith.mulf %mul3A_634, %mul3A_634 : vector<16xf32>
      %add3A_640 = arith.addf %add3A_616, %mul3A_639 : vector<16xf32>
      %slice3A_641 = vector.extract_strided_slice %mul3A_162 {offsets = [4], sizes = [1], strides = [1]} : vector<16xf32> to vector<1xf32>
      %squeeze3A_642 = vector.extract %slice3A_641[0] : f32 from vector<1xf32>
      %mul3A_643 = arith.constant 26 : i32
      %mul3A_644 = arith.muli %scan3A_149, %mul3A_643 : i32
      %add3A_645 = arith.constant 832 : i32
      %add3A_646 = arith.addi %add3A_645, %mul3A_644 : i32
      %add3A_647 = arith.constant 20 : i32
      %add3A_648 = arith.addi %add3A_646, %add3A_647 : i32
      %get3A_649 = arith.index_cast %add3A_648 : i32 to index
      %get3A_650 = arith.constant 0 : index
      %get3A_651 = tpu.vector_load %arg9[%get3A_649, %get3A_650] {strides = array<i32>} : memref<2496x32xf32, #tpu.memory_space<vmem>>, vector<16xf32>,
      %mul3A_652 = vector.broadcast %squeeze3A_642 : f32 to vector<16xf32>
      %mul3A_653 = arith.mulf %get3A_651, %mul3A_652 : vector<16xf32>
      %get3A_654 = arith.index_cast %add3A_648 : i32 to index
      %get3A_655 = arith.constant 16 : index
      %get3A_656 = tpu.vector_load %arg9[%get3A_654, %get3A_655] {strides = array<i32>} : memref<2496x32xf32, #tpu.memory_space<vmem>>, vector<16xf32>,
      %mul3A_657 = vector.broadcast %squeeze3A_642 : f32 to vector<16xf32>
      %mul3A_658 = arith.mulf %get3A_656, %mul3A_657 : vector<16xf32>
      %add3A_659 = arith.addf %add3A_635, %mul3A_653 : vector<16xf32>
      %add3A_660 = arith.addf %add3A_636, %mul3A_658 : vector<16xf32>
      %mul3A_661 = arith.mulf %mul3A_653, %mul3A_653 : vector<16xf32>
      %add3A_662 = arith.addf %add3A_638, %mul3A_661 : vector<16xf32>
      %mul3A_663 = arith.mulf %mul3A_658, %mul3A_658 : vector<16xf32>
      %add3A_664 = arith.addf %add3A_640, %mul3A_663 : vector<16xf32>
      %slice3A_665 = vector.extract_strided_slice %mul3A_162 {offsets = [5], sizes = [1], strides = [1]} : vector<16xf32> to vector<1xf32>
      %squeeze3A_666 = vector.extract %slice3A_665[0] : f32 from vector<1xf32>
      %mul3A_667 = arith.constant 26 : i32
      %mul3A_668 = arith.muli %scan3A_149, %mul3A_667 : i32
      %add3A_669 = arith.constant 832 : i32
      %add3A_670 = arith.addi %add3A_669, %mul3A_668 : i32
      %add3A_671 = arith.constant 21 : i32
      %add3A_672 = arith.addi %add3A_670, %add3A_671 : i32
      %get3A_673 = arith.index_cast %add3A_672 : i32 to index
      %get3A_674 = arith.constant 0 : index
      %get3A_675 = tpu.vector_load %arg9[%get3A_673, %get3A_674] {strides = array<i32>} : memref<2496x32xf32, #tpu.memory_space<vmem>>, vector<16xf32>,
      %mul3A_676 = vector.broadcast %squeeze3A_666 : f32 to vector<16xf32>
      %mul3A_677 = arith.mulf %get3A_675, %mul3A_676 : vector<16xf32>
      %get3A_678 = arith.index_cast %add3A_672 : i32 to index
      %get3A_679 = arith.constant 16 : index
      %get3A_680 = tpu.vector_load %arg9[%get3A_678, %get3A_679] {strides = array<i32>} : memref<2496x32xf32, #tpu.memory_space<vmem>>, vector<16xf32>,
      %mul3A_681 = vector.broadcast %squeeze3A_666 : f32 to vector<16xf32>
      %mul3A_682 = arith.mulf %get3A_680, %mul3A_681 : vector<16xf32>
      %add3A_683 = arith.addf %add3A_659, %mul3A_677 : vector<16xf32>
      %add3A_684 = arith.addf %add3A_660, %mul3A_682 : vector<16xf32>
      %mul3A_685 = arith.mulf %mul3A_677, %mul3A_677 : vector<16xf32>
      %add3A_686 = arith.addf %add3A_662, %mul3A_685 : vector<16xf32>
      %mul3A_687 = arith.mulf %mul3A_682, %mul3A_682 : vector<16xf32>
      %add3A_688 = arith.addf %add3A_664, %mul3A_687 : vector<16xf32>
      %slice3A_689 = vector.extract_strided_slice %mul3A_162 {offsets = [6], sizes = [1], strides = [1]} : vector<16xf32> to vector<1xf32>
      %squeeze3A_690 = vector.extract %slice3A_689[0] : f32 from vector<1xf32>
      %mul3A_691 = arith.constant 26 : i32
      %mul3A_692 = arith.muli %scan3A_149, %mul3A_691 : i32
      %add3A_693 = arith.constant 832 : i32
      %add3A_694 = arith.addi %add3A_693, %mul3A_692 : i32
      %add3A_695 = arith.constant 22 : i32
      %add3A_696 = arith.addi %add3A_694, %add3A_695 : i32
      %get3A_697 = arith.index_cast %add3A_696 : i32 to index
      %get3A_698 = arith.constant 0 : index
      %get3A_699 = tpu.vector_load %arg9[%get3A_697, %get3A_698] {strides = array<i32>} : memref<2496x32xf32, #tpu.memory_space<vmem>>, vector<16xf32>,
      %mul3A_700 = vector.broadcast %squeeze3A_690 : f32 to vector<16xf32>
      %mul3A_701 = arith.mulf %get3A_699, %mul3A_700 : vector<16xf32>
      %get3A_702 = arith.index_cast %add3A_696 : i32 to index
      %get3A_703 = arith.constant 16 : index
      %get3A_704 = tpu.vector_load %arg9[%get3A_702, %get3A_703] {strides = array<i32>} : memref<2496x32xf32, #tpu.memory_space<vmem>>, vector<16xf32>,
      %mul3A_705 = vector.broadcast %squeeze3A_690 : f32 to vector<16xf32>
      %mul3A_706 = arith.mulf %get3A_704, %mul3A_705 : vector<16xf32>
      %add3A_707 = arith.addf %add3A_683, %mul3A_701 : vector<16xf32>
      %add3A_708 = arith.addf %add3A_684, %mul3A_706 : vector<16xf32>
      %mul3A_709 = arith.mulf %mul3A_701, %mul3A_701 : vector<16xf32>
      %add3A_710 = arith.addf %add3A_686, %mul3A_709 : vector<16xf32>
      %mul3A_711 = arith.mulf %mul3A_706, %mul3A_706 : vector<16xf32>
      %add3A_712 = arith.addf %add3A_688, %mul3A_711 : vector<16xf32>
      %slice3A_713 = vector.extract_strided_slice %mul3A_162 {offsets = [7], sizes = [1], strides = [1]} : vector<16xf32> to vector<1xf32>
      %squeeze3A_714 = vector.extract %slice3A_713[0] : f32 from vector<1xf32>
      %mul3A_715 = arith.constant 26 : i32
      %mul3A_716 = arith.muli %scan3A_149, %mul3A_715 : i32
      %add3A_717 = arith.constant 832 : i32
      %add3A_718 = arith.addi %add3A_717, %mul3A_716 : i32
      %add3A_719 = arith.constant 23 : i32
      %add3A_720 = arith.addi %add3A_718, %add3A_719 : i32
      %get3A_721 = arith.index_cast %add3A_720 : i32 to index
      %get3A_722 = arith.constant 0 : index
      %get3A_723 = tpu.vector_load %arg9[%get3A_721, %get3A_722] {strides = array<i32>} : memref<2496x32xf32, #tpu.memory_space<vmem>>, vector<16xf32>,
      %mul3A_724 = vector.broadcast %squeeze3A_714 : f32 to vector<16xf32>
      %mul3A_725 = arith.mulf %get3A_723, %mul3A_724 : vector<16xf32>
      %get3A_726 = arith.index_cast %add3A_720 : i32 to index
      %get3A_727 = arith.constant 16 : index
      %get3A_728 = tpu.vector_load %arg9[%get3A_726, %get3A_727] {strides = array<i32>} : memref<2496x32xf32, #tpu.memory_space<vmem>>, vector<16xf32>,
      %mul3A_729 = vector.broadcast %squeeze3A_714 : f32 to vector<16xf32>
      %mul3A_730 = arith.mulf %get3A_728, %mul3A_729 : vector<16xf32>
      %add3A_731 = arith.addf %add3A_707, %mul3A_725 : vector<16xf32>
      %add3A_732 = arith.addf %add3A_708, %mul3A_730 : vector<16xf32>
      %mul3A_733 = arith.mulf %mul3A_725, %mul3A_725 : vector<16xf32>
      %add3A_734 = arith.addf %add3A_710, %mul3A_733 : vector<16xf32>
      %mul3A_735 = arith.mulf %mul3A_730, %mul3A_730 : vector<16xf32>
      %add3A_736 = arith.addf %add3A_712, %mul3A_735 : vector<16xf32>
      %slice3A_737 = vector.extract_strided_slice %mul3A_162 {offsets = [8], sizes = [1], strides = [1]} : vector<16xf32> to vector<1xf32>
      %squeeze3A_738 = vector.extract %slice3A_737[0] : f32 from vector<1xf32>
      %mul3A_739 = arith.constant 26 : i32
      %mul3A_740 = arith.muli %scan3A_149, %mul3A_739 : i32
      %add3A_741 = arith.constant 832 : i32
      %add3A_742 = arith.addi %add3A_741, %mul3A_740 : i32
      %add3A_743 = arith.constant 24 : i32
      %add3A_744 = arith.addi %add3A_742, %add3A_743 : i32
      %get3A_745 = arith.index_cast %add3A_744 : i32 to index
      %get3A_746 = arith.constant 0 : index
      %get3A_747 = tpu.vector_load %arg9[%get3A_745, %get3A_746] {strides = array<i32>} : memref<2496x32xf32, #tpu.memory_space<vmem>>, vector<16xf32>,
      %mul3A_748 = vector.broadcast %squeeze3A_738 : f32 to vector<16xf32>
      %mul3A_749 = arith.mulf %get3A_747, %mul3A_748 : vector<16xf32>
      %get3A_750 = arith.index_cast %add3A_744 : i32 to index
      %get3A_751 = arith.constant 16 : index
      %get3A_752 = tpu.vector_load %arg9[%get3A_750, %get3A_751] {strides = array<i32>} : memref<2496x32xf32, #tpu.memory_space<vmem>>, vector<16xf32>,
      %mul3A_753 = vector.broadcast %squeeze3A_738 : f32 to vector<16xf32>
      %mul3A_754 = arith.mulf %get3A_752, %mul3A_753 : vector<16xf32>
      %add3A_755 = arith.addf %add3A_731, %mul3A_749 : vector<16xf32>
      %add3A_756 = arith.addf %add3A_732, %mul3A_754 : vector<16xf32>
      %mul3A_757 = arith.mulf %mul3A_749, %mul3A_749 : vector<16xf32>
      %add3A_758 = arith.addf %add3A_734, %mul3A_757 : vector<16xf32>
      %mul3A_759 = arith.mulf %mul3A_754, %mul3A_754 : vector<16xf32>
      %add3A_760 = arith.addf %add3A_736, %mul3A_759 : vector<16xf32>
      %slice3A_761 = vector.extract_strided_slice %mul3A_162 {offsets = [9], sizes = [1], strides = [1]} : vector<16xf32> to vector<1xf32>
      %squeeze3A_762 = vector.extract %slice3A_761[0] : f32 from vector<1xf32>
      %mul3A_763 = arith.constant 26 : i32
      %mul3A_764 = arith.muli %scan3A_149, %mul3A_763 : i32
      %add3A_765 = arith.constant 832 : i32
      %add3A_766 = arith.addi %add3A_765, %mul3A_764 : i32
      %add3A_767 = arith.constant 25 : i32
      %add3A_768 = arith.addi %add3A_766, %add3A_767 : i32
      %get3A_769 = arith.index_cast %add3A_768 : i32 to index
      %get3A_770 = arith.constant 0 : index
      %get3A_771 = tpu.vector_load %arg9[%get3A_769, %get3A_770] {strides = array<i32>} : memref<2496x32xf32, #tpu.memory_space<vmem>>, vector<16xf32>,
      %mul3A_772 = vector.broadcast %squeeze3A_762 : f32 to vector<16xf32>
      %mul3A_773 = arith.mulf %get3A_771, %mul3A_772 : vector<16xf32>
      %get3A_774 = arith.index_cast %add3A_768 : i32 to index
      %get3A_775 = arith.constant 16 : index
      %get3A_776 = tpu.vector_load %arg9[%get3A_774, %get3A_775] {strides = array<i32>} : memref<2496x32xf32, #tpu.memory_space<vmem>>, vector<16xf32>,
      %mul3A_777 = vector.broadcast %squeeze3A_762 : f32 to vector<16xf32>
      %mul3A_778 = arith.mulf %get3A_776, %mul3A_777 : vector<16xf32>
      %add3A_779 = arith.addf %add3A_755, %mul3A_773 : vector<16xf32>
      %add3A_780 = arith.addf %add3A_756, %mul3A_778 : vector<16xf32>
      %mul3A_781 = arith.mulf %mul3A_773, %mul3A_773 : vector<16xf32>
      %add3A_782 = arith.addf %add3A_758, %mul3A_781 : vector<16xf32>
      %mul3A_783 = arith.mulf %mul3A_778, %mul3A_778 : vector<16xf32>
      %add3A_784 = arith.addf %add3A_760, %mul3A_783 : vector<16xf32>
      %mul3A_785 = arith.mulf %add3A_779, %add3A_779 : vector<16xf32>
      %sub3A = arith.subf %mul3A_785, %add3A_782 : vector<16xf32>
      %mul3A_786 = arith.mulf %add3A_780, %add3A_780 : vector<16xf32>
      %sub3A_787 = arith.subf %mul3A_786, %add3A_784 : vector<16xf32>
      %add3A_788 = arith.addf %sub3A, %sub3A_787 : vector<16xf32>
      %mul3A_789 = arith.constant 5.000000e-01 : f32
      %mul3A_790 = vector.broadcast %mul3A_789 : f32 to vector<16xf32>
      %mul3A_791 = arith.mulf %add3A_788, %mul3A_790 : vector<16xf32>
      %broadcast_in_dim3A_792 = vector.shape_cast %xor3A_27 : vector<16xi32> to vector<16x1xi32>
      %gather3A = vector.shape_cast %broadcast_in_dim3A_792 : vector<16x1xi32> to vector<16xi32>
      %gather3A_793 = tpu.dynamic_gather %mul3A_791[%gather3A] in [0] : vector<16xf32>, vector<16xi32> -> vector<16xf32>
      %add3A_794 = arith.addf %mul3A_791, %gather3A_793 : vector<16xf32>
      %broadcast_in_dim3A_795 = vector.shape_cast %xor3A_30 : vector<16xi32> to vector<16x1xi32>
      %gather3A_796 = vector.shape_cast %broadcast_in_dim3A_795 : vector<16x1xi32> to vector<16xi32>
      %gather3A_797 = tpu.dynamic_gather %add3A_794[%gather3A_796] in [0] : vector<16xf32>, vector<16xi32> -> vector<16xf32>
      %add3A_798 = arith.addf %add3A_794, %gather3A_797 : vector<16xf32>
      %broadcast_in_dim3A_799 = vector.shape_cast %xor3A_33 : vector<16xi32> to vector<16x1xi32>
      %gather3A_800 = vector.shape_cast %broadcast_in_dim3A_799 : vector<16x1xi32> to vector<16xi32>
      %gather3A_801 = tpu.dynamic_gather %add3A_798[%gather3A_800] in [0] : vector<16xf32>, vector<16xi32> -> vector<16xf32>
      %add3A_802 = arith.addf %add3A_798, %gather3A_801 : vector<16xf32>
      %broadcast_in_dim3A_803 = vector.shape_cast %xor3A_36 : vector<16xi32> to vector<16x1xi32>
      %gather3A_804 = vector.shape_cast %broadcast_in_dim3A_803 : vector<16x1xi32> to vector<16xi32>
      %gather3A_805 = tpu.dynamic_gather %add3A_802[%gather3A_804] in [0] : vector<16xf32>, vector<16xi32> -> vector<16xf32>
      %add3A_806 = arith.addf %add3A_802, %gather3A_805 : vector<16xf32>
      %eq3A = vector.broadcast %scan3A_149 : i32 to vector<16xi32>
      %eq3A_807 = arith.cmpi eq, %iota3A, %eq3A : vector<16xi32>
      %select_n3A_808 = arith.select %eq3A_807, %add3A_806, %scan3A_150 : vector<16xi1>, vector<16xf32>
      %sub3A_809 = arith.constant 16 : i32
      %sub3A_810 = arith.subi %scan3A_149, %sub3A_809 : i32
      %eq3A_811 = vector.broadcast %sub3A_810 : i32 to vector<16xi32>
      %eq3A_812 = arith.cmpi eq, %iota3A, %eq3A_811 : vector<16xi32>
      %select_n3A_813 = arith.select %eq3A_812, %add3A_806, %scan3A_151 : vector<16xi1>, vector<16xf32>
      scf.yield %select_n3A_808, %select_n3A_813 : vector<16xf32>, vector<16xf32>
    }
    %scan3A_88 = arith.constant 32 : i32
    %get3A_89 = arith.constant 32 : index
    %get3A_90 = tpu.vector_load %arg10[%get3A_89] {strides = array<i32>} : memref<128xf32, #tpu.memory_space<vmem>>, vector<16xf32>,
    %add3A_91 = arith.addf %scan3A_87#0, %get3A_90 : vector<16xf32>
    %swap3A_92 = arith.constant 32 : index
    %swap3A_93 = tpu.vector_load %arg11[%swap3A_92] {strides = array<i32>} : memref<128xf32, #tpu.memory_space<vmem>>, vector<16xf32>,
    tpu.vector_store %arg11[%swap3A_92], %add3A_91 {strides = array<i32>} : memref<128xf32, #tpu.memory_space<vmem>>, vector<16xf32>,
    %get3A_94 = arith.constant 48 : index
    %get3A_95 = tpu.vector_load %arg10[%get3A_94] {strides = array<i32>} : memref<128xf32, #tpu.memory_space<vmem>>, vector<16xf32>,
    %add3A_96 = arith.addf %scan3A_87#1, %get3A_95 : vector<16xf32>
    %swap3A_97 = arith.constant 48 : index
    %swap3A_98 = tpu.vector_load %arg11[%swap3A_97] {strides = array<i32>} : memref<128xf32, #tpu.memory_space<vmem>>, vector<16xf32>,
    tpu.vector_store %arg11[%swap3A_97], %add3A_96 {strides = array<i32>} : memref<128xf32, #tpu.memory_space<vmem>>, vector<16xf32>,
    %dma_wait3A_99 = arith.constant 1664 : i32
    %dma_wait3A_100 = arith.constant 0 : i32
    %dma_wait3A_101 = tpu.memref_slice %arg9[%dma_wait3A_99, %dma_wait3A_100] : memref<2496x32xf32, #tpu.memory_space<vmem>> -> memref<832x32xf32, #tpu.memory_space<vmem>>
    %dma_wait3A_102 = arith.constant 1664 : i32
    %dma_wait3A_103 = tpu.memref_slice %arg7[%dma_wait3A_102] : memref<3344xi32, #tpu.memory_space<vmem>> -> memref<832xi32, #tpu.memory_space<vmem>>
    %dma_wait3A_104 = arith.constant 0 : i32
    %dma_wait3A_105 = arith.constant 0 : i32
    %dma_wait3A_106 = tpu.memref_slice %arg4[%dma_wait3A_104, %dma_wait3A_105] : memref<100000x32xf32, #tpu.memory_space<hbm>> -> memref<100000x32xf32, #tpu.memory_space<hbm>>
    tpu.wait_indirect_dma semaphore(%arg14 : memref<!tpu.dma_semaphore, #tpu.memory_space<semaphore_mem>>) src(%dma_wait3A_106 : memref<100000x32xf32, #tpu.memory_space<hbm>>) dst(%dma_wait3A_101 : memref<832x32xf32, #tpu.memory_space<vmem>>)
    %scan3A_107 = arith.constant 0 : i32
    %scan3A_108 = arith.constant 32 : i32
    %scan3A_109 = arith.addi %scan3A_107, %scan3A_108 : i32
    %scan3A_110 = arith.constant 1 : i32
    %scan3A_111:2 = scf.for %scan3A_149 = %scan3A_107 to %scan3A_109 step %scan3A_110 iter_args(%scan3A_150 = %broadcast_in_dim3A_38, %scan3A_151 = %broadcast_in_dim3A_38) -> (vector<16xf32>, vector<16xf32>)  : i32 {
      %add3A_152 = arith.constant 64 : i32
      %add3A_153 = arith.addi %add3A_152, %scan3A_149 : i32
      %mul3A_154 = arith.constant 26 : i32
      %mul3A_155 = arith.muli %add3A_153, %mul3A_154 : i32
      %get3A_156 = arith.index_cast %mul3A_155 : i32 to index
      %get3A_157 = tpu.vector_load %arg8[%get3A_156] {strides = array<i32>} : memref<3344xf32, #tpu.memory_space<vmem>>, vector<16xf32>,
      %add3A_158 = arith.constant 16 : i32
      %add3A_159 = arith.addi %mul3A_155, %add3A_158 : i32
      %get3A_160 = arith.index_cast %add3A_159 : i32 to index
      %get3A_161 = tpu.vector_load %arg8[%get3A_160] {strides = array<i32>} : memref<3344xf32, #tpu.memory_space<vmem>>, vector<16xf32>,
      %mul3A_162 = arith.mulf %get3A_161, %select_n3A : vector<16xf32>
      %slice3A = vector.extract_strided_slice %get3A_157 {offsets = [0], sizes = [1], strides = [1]} : vector<16xf32> to vector<1xf32>
      %squeeze3A = vector.extract %slice3A[0] : f32 from vector<1xf32>
      %mul3A_163 = arith.constant 26 : i32
      %mul3A_164 = arith.muli %scan3A_149, %mul3A_163 : i32
      %add3A_165 = arith.constant 1664 : i32
      %add3A_166 = arith.addi %add3A_165, %mul3A_164 : i32
      %add3A_167 = arith.constant 0 : i32
      %add3A_168 = arith.addi %add3A_166, %add3A_167 : i32
      %get3A_169 = arith.index_cast %add3A_168 : i32 to index
      %get3A_170 = arith.constant 0 : index
      %get3A_171 = tpu.vector_load %arg9[%get3A_169, %get3A_170] {strides = array<i32>} : memref<2496x32xf32, #tpu.memory_space<vmem>>, vector<16xf32>,
      %mul3A_172 = vector.broadcast %squeeze3A : f32 to vector<16xf32>
      %mul3A_173 = arith.mulf %get3A_171, %mul3A_172 : vector<16xf32>
      %get3A_174 = arith.index_cast %add3A_168 : i32 to index
      %get3A_175 = arith.constant 16 : index
      %get3A_176 = tpu.vector_load %arg9[%get3A_174, %get3A_175] {strides = array<i32>} : memref<2496x32xf32, #tpu.memory_space<vmem>>, vector<16xf32>,
      %mul3A_177 = vector.broadcast %squeeze3A : f32 to vector<16xf32>
      %mul3A_178 = arith.mulf %get3A_176, %mul3A_177 : vector<16xf32>
      %add3A_179 = arith.addf %broadcast_in_dim3A_38, %mul3A_173 : vector<16xf32>
      %add3A_180 = arith.addf %broadcast_in_dim3A_38, %mul3A_178 : vector<16xf32>
      %mul3A_181 = arith.mulf %mul3A_173, %mul3A_173 : vector<16xf32>
      %add3A_182 = arith.addf %broadcast_in_dim3A_38, %mul3A_181 : vector<16xf32>
      %mul3A_183 = arith.mulf %mul3A_178, %mul3A_178 : vector<16xf32>
      %add3A_184 = arith.addf %broadcast_in_dim3A_38, %mul3A_183 : vector<16xf32>
      %slice3A_185 = vector.extract_strided_slice %get3A_157 {offsets = [1], sizes = [1], strides = [1]} : vector<16xf32> to vector<1xf32>
      %squeeze3A_186 = vector.extract %slice3A_185[0] : f32 from vector<1xf32>
      %mul3A_187 = arith.constant 26 : i32
      %mul3A_188 = arith.muli %scan3A_149, %mul3A_187 : i32
      %add3A_189 = arith.constant 1664 : i32
      %add3A_190 = arith.addi %add3A_189, %mul3A_188 : i32
      %add3A_191 = arith.constant 1 : i32
      %add3A_192 = arith.addi %add3A_190, %add3A_191 : i32
      %get3A_193 = arith.index_cast %add3A_192 : i32 to index
      %get3A_194 = arith.constant 0 : index
      %get3A_195 = tpu.vector_load %arg9[%get3A_193, %get3A_194] {strides = array<i32>} : memref<2496x32xf32, #tpu.memory_space<vmem>>, vector<16xf32>,
      %mul3A_196 = vector.broadcast %squeeze3A_186 : f32 to vector<16xf32>
      %mul3A_197 = arith.mulf %get3A_195, %mul3A_196 : vector<16xf32>
      %get3A_198 = arith.index_cast %add3A_192 : i32 to index
      %get3A_199 = arith.constant 16 : index
      %get3A_200 = tpu.vector_load %arg9[%get3A_198, %get3A_199] {strides = array<i32>} : memref<2496x32xf32, #tpu.memory_space<vmem>>, vector<16xf32>,
      %mul3A_201 = vector.broadcast %squeeze3A_186 : f32 to vector<16xf32>
      %mul3A_202 = arith.mulf %get3A_200, %mul3A_201 : vector<16xf32>
      %add3A_203 = arith.addf %add3A_179, %mul3A_197 : vector<16xf32>
      %add3A_204 = arith.addf %add3A_180, %mul3A_202 : vector<16xf32>
      %mul3A_205 = arith.mulf %mul3A_197, %mul3A_197 : vector<16xf32>
      %add3A_206 = arith.addf %add3A_182, %mul3A_205 : vector<16xf32>
      %mul3A_207 = arith.mulf %mul3A_202, %mul3A_202 : vector<16xf32>
      %add3A_208 = arith.addf %add3A_184, %mul3A_207 : vector<16xf32>
      %slice3A_209 = vector.extract_strided_slice %get3A_157 {offsets = [2], sizes = [1], strides = [1]} : vector<16xf32> to vector<1xf32>
      %squeeze3A_210 = vector.extract %slice3A_209[0] : f32 from vector<1xf32>
      %mul3A_211 = arith.constant 26 : i32
      %mul3A_212 = arith.muli %scan3A_149, %mul3A_211 : i32
      %add3A_213 = arith.constant 1664 : i32
      %add3A_214 = arith.addi %add3A_213, %mul3A_212 : i32
      %add3A_215 = arith.constant 2 : i32
      %add3A_216 = arith.addi %add3A_214, %add3A_215 : i32
      %get3A_217 = arith.index_cast %add3A_216 : i32 to index
      %get3A_218 = arith.constant 0 : index
      %get3A_219 = tpu.vector_load %arg9[%get3A_217, %get3A_218] {strides = array<i32>} : memref<2496x32xf32, #tpu.memory_space<vmem>>, vector<16xf32>,
      %mul3A_220 = vector.broadcast %squeeze3A_210 : f32 to vector<16xf32>
      %mul3A_221 = arith.mulf %get3A_219, %mul3A_220 : vector<16xf32>
      %get3A_222 = arith.index_cast %add3A_216 : i32 to index
      %get3A_223 = arith.constant 16 : index
      %get3A_224 = tpu.vector_load %arg9[%get3A_222, %get3A_223] {strides = array<i32>} : memref<2496x32xf32, #tpu.memory_space<vmem>>, vector<16xf32>,
      %mul3A_225 = vector.broadcast %squeeze3A_210 : f32 to vector<16xf32>
      %mul3A_226 = arith.mulf %get3A_224, %mul3A_225 : vector<16xf32>
      %add3A_227 = arith.addf %add3A_203, %mul3A_221 : vector<16xf32>
      %add3A_228 = arith.addf %add3A_204, %mul3A_226 : vector<16xf32>
      %mul3A_229 = arith.mulf %mul3A_221, %mul3A_221 : vector<16xf32>
      %add3A_230 = arith.addf %add3A_206, %mul3A_229 : vector<16xf32>
      %mul3A_231 = arith.mulf %mul3A_226, %mul3A_226 : vector<16xf32>
      %add3A_232 = arith.addf %add3A_208, %mul3A_231 : vector<16xf32>
      %slice3A_233 = vector.extract_strided_slice %get3A_157 {offsets = [3], sizes = [1], strides = [1]} : vector<16xf32> to vector<1xf32>
      %squeeze3A_234 = vector.extract %slice3A_233[0] : f32 from vector<1xf32>
      %mul3A_235 = arith.constant 26 : i32
      %mul3A_236 = arith.muli %scan3A_149, %mul3A_235 : i32
      %add3A_237 = arith.constant 1664 : i32
      %add3A_238 = arith.addi %add3A_237, %mul3A_236 : i32
      %add3A_239 = arith.constant 3 : i32
      %add3A_240 = arith.addi %add3A_238, %add3A_239 : i32
      %get3A_241 = arith.index_cast %add3A_240 : i32 to index
      %get3A_242 = arith.constant 0 : index
      %get3A_243 = tpu.vector_load %arg9[%get3A_241, %get3A_242] {strides = array<i32>} : memref<2496x32xf32, #tpu.memory_space<vmem>>, vector<16xf32>,
      %mul3A_244 = vector.broadcast %squeeze3A_234 : f32 to vector<16xf32>
      %mul3A_245 = arith.mulf %get3A_243, %mul3A_244 : vector<16xf32>
      %get3A_246 = arith.index_cast %add3A_240 : i32 to index
      %get3A_247 = arith.constant 16 : index
      %get3A_248 = tpu.vector_load %arg9[%get3A_246, %get3A_247] {strides = array<i32>} : memref<2496x32xf32, #tpu.memory_space<vmem>>, vector<16xf32>,
      %mul3A_249 = vector.broadcast %squeeze3A_234 : f32 to vector<16xf32>
      %mul3A_250 = arith.mulf %get3A_248, %mul3A_249 : vector<16xf32>
      %add3A_251 = arith.addf %add3A_227, %mul3A_245 : vector<16xf32>
      %add3A_252 = arith.addf %add3A_228, %mul3A_250 : vector<16xf32>
      %mul3A_253 = arith.mulf %mul3A_245, %mul3A_245 : vector<16xf32>
      %add3A_254 = arith.addf %add3A_230, %mul3A_253 : vector<16xf32>
      %mul3A_255 = arith.mulf %mul3A_250, %mul3A_250 : vector<16xf32>
      %add3A_256 = arith.addf %add3A_232, %mul3A_255 : vector<16xf32>
      %slice3A_257 = vector.extract_strided_slice %get3A_157 {offsets = [4], sizes = [1], strides = [1]} : vector<16xf32> to vector<1xf32>
      %squeeze3A_258 = vector.extract %slice3A_257[0] : f32 from vector<1xf32>
      %mul3A_259 = arith.constant 26 : i32
      %mul3A_260 = arith.muli %scan3A_149, %mul3A_259 : i32
      %add3A_261 = arith.constant 1664 : i32
      %add3A_262 = arith.addi %add3A_261, %mul3A_260 : i32
      %add3A_263 = arith.constant 4 : i32
      %add3A_264 = arith.addi %add3A_262, %add3A_263 : i32
      %get3A_265 = arith.index_cast %add3A_264 : i32 to index
      %get3A_266 = arith.constant 0 : index
      %get3A_267 = tpu.vector_load %arg9[%get3A_265, %get3A_266] {strides = array<i32>} : memref<2496x32xf32, #tpu.memory_space<vmem>>, vector<16xf32>,
      %mul3A_268 = vector.broadcast %squeeze3A_258 : f32 to vector<16xf32>
      %mul3A_269 = arith.mulf %get3A_267, %mul3A_268 : vector<16xf32>
      %get3A_270 = arith.index_cast %add3A_264 : i32 to index
      %get3A_271 = arith.constant 16 : index
      %get3A_272 = tpu.vector_load %arg9[%get3A_270, %get3A_271] {strides = array<i32>} : memref<2496x32xf32, #tpu.memory_space<vmem>>, vector<16xf32>,
      %mul3A_273 = vector.broadcast %squeeze3A_258 : f32 to vector<16xf32>
      %mul3A_274 = arith.mulf %get3A_272, %mul3A_273 : vector<16xf32>
      %add3A_275 = arith.addf %add3A_251, %mul3A_269 : vector<16xf32>
      %add3A_276 = arith.addf %add3A_252, %mul3A_274 : vector<16xf32>
      %mul3A_277 = arith.mulf %mul3A_269, %mul3A_269 : vector<16xf32>
      %add3A_278 = arith.addf %add3A_254, %mul3A_277 : vector<16xf32>
      %mul3A_279 = arith.mulf %mul3A_274, %mul3A_274 : vector<16xf32>
      %add3A_280 = arith.addf %add3A_256, %mul3A_279 : vector<16xf32>
      %slice3A_281 = vector.extract_strided_slice %get3A_157 {offsets = [5], sizes = [1], strides = [1]} : vector<16xf32> to vector<1xf32>
      %squeeze3A_282 = vector.extract %slice3A_281[0] : f32 from vector<1xf32>
      %mul3A_283 = arith.constant 26 : i32
      %mul3A_284 = arith.muli %scan3A_149, %mul3A_283 : i32
      %add3A_285 = arith.constant 1664 : i32
      %add3A_286 = arith.addi %add3A_285, %mul3A_284 : i32
      %add3A_287 = arith.constant 5 : i32
      %add3A_288 = arith.addi %add3A_286, %add3A_287 : i32
      %get3A_289 = arith.index_cast %add3A_288 : i32 to index
      %get3A_290 = arith.constant 0 : index
      %get3A_291 = tpu.vector_load %arg9[%get3A_289, %get3A_290] {strides = array<i32>} : memref<2496x32xf32, #tpu.memory_space<vmem>>, vector<16xf32>,
      %mul3A_292 = vector.broadcast %squeeze3A_282 : f32 to vector<16xf32>
      %mul3A_293 = arith.mulf %get3A_291, %mul3A_292 : vector<16xf32>
      %get3A_294 = arith.index_cast %add3A_288 : i32 to index
      %get3A_295 = arith.constant 16 : index
      %get3A_296 = tpu.vector_load %arg9[%get3A_294, %get3A_295] {strides = array<i32>} : memref<2496x32xf32, #tpu.memory_space<vmem>>, vector<16xf32>,
      %mul3A_297 = vector.broadcast %squeeze3A_282 : f32 to vector<16xf32>
      %mul3A_298 = arith.mulf %get3A_296, %mul3A_297 : vector<16xf32>
      %add3A_299 = arith.addf %add3A_275, %mul3A_293 : vector<16xf32>
      %add3A_300 = arith.addf %add3A_276, %mul3A_298 : vector<16xf32>
      %mul3A_301 = arith.mulf %mul3A_293, %mul3A_293 : vector<16xf32>
      %add3A_302 = arith.addf %add3A_278, %mul3A_301 : vector<16xf32>
      %mul3A_303 = arith.mulf %mul3A_298, %mul3A_298 : vector<16xf32>
      %add3A_304 = arith.addf %add3A_280, %mul3A_303 : vector<16xf32>
      %slice3A_305 = vector.extract_strided_slice %get3A_157 {offsets = [6], sizes = [1], strides = [1]} : vector<16xf32> to vector<1xf32>
      %squeeze3A_306 = vector.extract %slice3A_305[0] : f32 from vector<1xf32>
      %mul3A_307 = arith.constant 26 : i32
      %mul3A_308 = arith.muli %scan3A_149, %mul3A_307 : i32
      %add3A_309 = arith.constant 1664 : i32
      %add3A_310 = arith.addi %add3A_309, %mul3A_308 : i32
      %add3A_311 = arith.constant 6 : i32
      %add3A_312 = arith.addi %add3A_310, %add3A_311 : i32
      %get3A_313 = arith.index_cast %add3A_312 : i32 to index
      %get3A_314 = arith.constant 0 : index
      %get3A_315 = tpu.vector_load %arg9[%get3A_313, %get3A_314] {strides = array<i32>} : memref<2496x32xf32, #tpu.memory_space<vmem>>, vector<16xf32>,
      %mul3A_316 = vector.broadcast %squeeze3A_306 : f32 to vector<16xf32>
      %mul3A_317 = arith.mulf %get3A_315, %mul3A_316 : vector<16xf32>
      %get3A_318 = arith.index_cast %add3A_312 : i32 to index
      %get3A_319 = arith.constant 16 : index
      %get3A_320 = tpu.vector_load %arg9[%get3A_318, %get3A_319] {strides = array<i32>} : memref<2496x32xf32, #tpu.memory_space<vmem>>, vector<16xf32>,
      %mul3A_321 = vector.broadcast %squeeze3A_306 : f32 to vector<16xf32>
      %mul3A_322 = arith.mulf %get3A_320, %mul3A_321 : vector<16xf32>
      %add3A_323 = arith.addf %add3A_299, %mul3A_317 : vector<16xf32>
      %add3A_324 = arith.addf %add3A_300, %mul3A_322 : vector<16xf32>
      %mul3A_325 = arith.mulf %mul3A_317, %mul3A_317 : vector<16xf32>
      %add3A_326 = arith.addf %add3A_302, %mul3A_325 : vector<16xf32>
      %mul3A_327 = arith.mulf %mul3A_322, %mul3A_322 : vector<16xf32>
      %add3A_328 = arith.addf %add3A_304, %mul3A_327 : vector<16xf32>
      %slice3A_329 = vector.extract_strided_slice %get3A_157 {offsets = [7], sizes = [1], strides = [1]} : vector<16xf32> to vector<1xf32>
      %squeeze3A_330 = vector.extract %slice3A_329[0] : f32 from vector<1xf32>
      %mul3A_331 = arith.constant 26 : i32
      %mul3A_332 = arith.muli %scan3A_149, %mul3A_331 : i32
      %add3A_333 = arith.constant 1664 : i32
      %add3A_334 = arith.addi %add3A_333, %mul3A_332 : i32
      %add3A_335 = arith.constant 7 : i32
      %add3A_336 = arith.addi %add3A_334, %add3A_335 : i32
      %get3A_337 = arith.index_cast %add3A_336 : i32 to index
      %get3A_338 = arith.constant 0 : index
      %get3A_339 = tpu.vector_load %arg9[%get3A_337, %get3A_338] {strides = array<i32>} : memref<2496x32xf32, #tpu.memory_space<vmem>>, vector<16xf32>,
      %mul3A_340 = vector.broadcast %squeeze3A_330 : f32 to vector<16xf32>
      %mul3A_341 = arith.mulf %get3A_339, %mul3A_340 : vector<16xf32>
      %get3A_342 = arith.index_cast %add3A_336 : i32 to index
      %get3A_343 = arith.constant 16 : index
      %get3A_344 = tpu.vector_load %arg9[%get3A_342, %get3A_343] {strides = array<i32>} : memref<2496x32xf32, #tpu.memory_space<vmem>>, vector<16xf32>,
      %mul3A_345 = vector.broadcast %squeeze3A_330 : f32 to vector<16xf32>
      %mul3A_346 = arith.mulf %get3A_344, %mul3A_345 : vector<16xf32>
      %add3A_347 = arith.addf %add3A_323, %mul3A_341 : vector<16xf32>
      %add3A_348 = arith.addf %add3A_324, %mul3A_346 : vector<16xf32>
      %mul3A_349 = arith.mulf %mul3A_341, %mul3A_341 : vector<16xf32>
      %add3A_350 = arith.addf %add3A_326, %mul3A_349 : vector<16xf32>
      %mul3A_351 = arith.mulf %mul3A_346, %mul3A_346 : vector<16xf32>
      %add3A_352 = arith.addf %add3A_328, %mul3A_351 : vector<16xf32>
      %slice3A_353 = vector.extract_strided_slice %get3A_157 {offsets = [8], sizes = [1], strides = [1]} : vector<16xf32> to vector<1xf32>
      %squeeze3A_354 = vector.extract %slice3A_353[0] : f32 from vector<1xf32>
      %mul3A_355 = arith.constant 26 : i32
      %mul3A_356 = arith.muli %scan3A_149, %mul3A_355 : i32
      %add3A_357 = arith.constant 1664 : i32
      %add3A_358 = arith.addi %add3A_357, %mul3A_356 : i32
      %add3A_359 = arith.constant 8 : i32
      %add3A_360 = arith.addi %add3A_358, %add3A_359 : i32
      %get3A_361 = arith.index_cast %add3A_360 : i32 to index
      %get3A_362 = arith.constant 0 : index
      %get3A_363 = tpu.vector_load %arg9[%get3A_361, %get3A_362] {strides = array<i32>} : memref<2496x32xf32, #tpu.memory_space<vmem>>, vector<16xf32>,
      %mul3A_364 = vector.broadcast %squeeze3A_354 : f32 to vector<16xf32>
      %mul3A_365 = arith.mulf %get3A_363, %mul3A_364 : vector<16xf32>
      %get3A_366 = arith.index_cast %add3A_360 : i32 to index
      %get3A_367 = arith.constant 16 : index
      %get3A_368 = tpu.vector_load %arg9[%get3A_366, %get3A_367] {strides = array<i32>} : memref<2496x32xf32, #tpu.memory_space<vmem>>, vector<16xf32>,
      %mul3A_369 = vector.broadcast %squeeze3A_354 : f32 to vector<16xf32>
      %mul3A_370 = arith.mulf %get3A_368, %mul3A_369 : vector<16xf32>
      %add3A_371 = arith.addf %add3A_347, %mul3A_365 : vector<16xf32>
      %add3A_372 = arith.addf %add3A_348, %mul3A_370 : vector<16xf32>
      %mul3A_373 = arith.mulf %mul3A_365, %mul3A_365 : vector<16xf32>
      %add3A_374 = arith.addf %add3A_350, %mul3A_373 : vector<16xf32>
      %mul3A_375 = arith.mulf %mul3A_370, %mul3A_370 : vector<16xf32>
      %add3A_376 = arith.addf %add3A_352, %mul3A_375 : vector<16xf32>
      %slice3A_377 = vector.extract_strided_slice %get3A_157 {offsets = [9], sizes = [1], strides = [1]} : vector<16xf32> to vector<1xf32>
      %squeeze3A_378 = vector.extract %slice3A_377[0] : f32 from vector<1xf32>
      %mul3A_379 = arith.constant 26 : i32
      %mul3A_380 = arith.muli %scan3A_149, %mul3A_379 : i32
      %add3A_381 = arith.constant 1664 : i32
      %add3A_382 = arith.addi %add3A_381, %mul3A_380 : i32
      %add3A_383 = arith.constant 9 : i32
      %add3A_384 = arith.addi %add3A_382, %add3A_383 : i32
      %get3A_385 = arith.index_cast %add3A_384 : i32 to index
      %get3A_386 = arith.constant 0 : index
      %get3A_387 = tpu.vector_load %arg9[%get3A_385, %get3A_386] {strides = array<i32>} : memref<2496x32xf32, #tpu.memory_space<vmem>>, vector<16xf32>,
      %mul3A_388 = vector.broadcast %squeeze3A_378 : f32 to vector<16xf32>
      %mul3A_389 = arith.mulf %get3A_387, %mul3A_388 : vector<16xf32>
      %get3A_390 = arith.index_cast %add3A_384 : i32 to index
      %get3A_391 = arith.constant 16 : index
      %get3A_392 = tpu.vector_load %arg9[%get3A_390, %get3A_391] {strides = array<i32>} : memref<2496x32xf32, #tpu.memory_space<vmem>>, vector<16xf32>,
      %mul3A_393 = vector.broadcast %squeeze3A_378 : f32 to vector<16xf32>
      %mul3A_394 = arith.mulf %get3A_392, %mul3A_393 : vector<16xf32>
      %add3A_395 = arith.addf %add3A_371, %mul3A_389 : vector<16xf32>
      %add3A_396 = arith.addf %add3A_372, %mul3A_394 : vector<16xf32>
      %mul3A_397 = arith.mulf %mul3A_389, %mul3A_389 : vector<16xf32>
      %add3A_398 = arith.addf %add3A_374, %mul3A_397 : vector<16xf32>
      %mul3A_399 = arith.mulf %mul3A_394, %mul3A_394 : vector<16xf32>
      %add3A_400 = arith.addf %add3A_376, %mul3A_399 : vector<16xf32>
      %slice3A_401 = vector.extract_strided_slice %get3A_157 {offsets = [10], sizes = [1], strides = [1]} : vector<16xf32> to vector<1xf32>
      %squeeze3A_402 = vector.extract %slice3A_401[0] : f32 from vector<1xf32>
      %mul3A_403 = arith.constant 26 : i32
      %mul3A_404 = arith.muli %scan3A_149, %mul3A_403 : i32
      %add3A_405 = arith.constant 1664 : i32
      %add3A_406 = arith.addi %add3A_405, %mul3A_404 : i32
      %add3A_407 = arith.constant 10 : i32
      %add3A_408 = arith.addi %add3A_406, %add3A_407 : i32
      %get3A_409 = arith.index_cast %add3A_408 : i32 to index
      %get3A_410 = arith.constant 0 : index
      %get3A_411 = tpu.vector_load %arg9[%get3A_409, %get3A_410] {strides = array<i32>} : memref<2496x32xf32, #tpu.memory_space<vmem>>, vector<16xf32>,
      %mul3A_412 = vector.broadcast %squeeze3A_402 : f32 to vector<16xf32>
      %mul3A_413 = arith.mulf %get3A_411, %mul3A_412 : vector<16xf32>
      %get3A_414 = arith.index_cast %add3A_408 : i32 to index
      %get3A_415 = arith.constant 16 : index
      %get3A_416 = tpu.vector_load %arg9[%get3A_414, %get3A_415] {strides = array<i32>} : memref<2496x32xf32, #tpu.memory_space<vmem>>, vector<16xf32>,
      %mul3A_417 = vector.broadcast %squeeze3A_402 : f32 to vector<16xf32>
      %mul3A_418 = arith.mulf %get3A_416, %mul3A_417 : vector<16xf32>
      %add3A_419 = arith.addf %add3A_395, %mul3A_413 : vector<16xf32>
      %add3A_420 = arith.addf %add3A_396, %mul3A_418 : vector<16xf32>
      %mul3A_421 = arith.mulf %mul3A_413, %mul3A_413 : vector<16xf32>
      %add3A_422 = arith.addf %add3A_398, %mul3A_421 : vector<16xf32>
      %mul3A_423 = arith.mulf %mul3A_418, %mul3A_418 : vector<16xf32>
      %add3A_424 = arith.addf %add3A_400, %mul3A_423 : vector<16xf32>
      %slice3A_425 = vector.extract_strided_slice %get3A_157 {offsets = [11], sizes = [1], strides = [1]} : vector<16xf32> to vector<1xf32>
      %squeeze3A_426 = vector.extract %slice3A_425[0] : f32 from vector<1xf32>
      %mul3A_427 = arith.constant 26 : i32
      %mul3A_428 = arith.muli %scan3A_149, %mul3A_427 : i32
      %add3A_429 = arith.constant 1664 : i32
      %add3A_430 = arith.addi %add3A_429, %mul3A_428 : i32
      %add3A_431 = arith.constant 11 : i32
      %add3A_432 = arith.addi %add3A_430, %add3A_431 : i32
      %get3A_433 = arith.index_cast %add3A_432 : i32 to index
      %get3A_434 = arith.constant 0 : index
      %get3A_435 = tpu.vector_load %arg9[%get3A_433, %get3A_434] {strides = array<i32>} : memref<2496x32xf32, #tpu.memory_space<vmem>>, vector<16xf32>,
      %mul3A_436 = vector.broadcast %squeeze3A_426 : f32 to vector<16xf32>
      %mul3A_437 = arith.mulf %get3A_435, %mul3A_436 : vector<16xf32>
      %get3A_438 = arith.index_cast %add3A_432 : i32 to index
      %get3A_439 = arith.constant 16 : index
      %get3A_440 = tpu.vector_load %arg9[%get3A_438, %get3A_439] {strides = array<i32>} : memref<2496x32xf32, #tpu.memory_space<vmem>>, vector<16xf32>,
      %mul3A_441 = vector.broadcast %squeeze3A_426 : f32 to vector<16xf32>
      %mul3A_442 = arith.mulf %get3A_440, %mul3A_441 : vector<16xf32>
      %add3A_443 = arith.addf %add3A_419, %mul3A_437 : vector<16xf32>
      %add3A_444 = arith.addf %add3A_420, %mul3A_442 : vector<16xf32>
      %mul3A_445 = arith.mulf %mul3A_437, %mul3A_437 : vector<16xf32>
      %add3A_446 = arith.addf %add3A_422, %mul3A_445 : vector<16xf32>
      %mul3A_447 = arith.mulf %mul3A_442, %mul3A_442 : vector<16xf32>
      %add3A_448 = arith.addf %add3A_424, %mul3A_447 : vector<16xf32>
      %slice3A_449 = vector.extract_strided_slice %get3A_157 {offsets = [12], sizes = [1], strides = [1]} : vector<16xf32> to vector<1xf32>
      %squeeze3A_450 = vector.extract %slice3A_449[0] : f32 from vector<1xf32>
      %mul3A_451 = arith.constant 26 : i32
      %mul3A_452 = arith.muli %scan3A_149, %mul3A_451 : i32
      %add3A_453 = arith.constant 1664 : i32
      %add3A_454 = arith.addi %add3A_453, %mul3A_452 : i32
      %add3A_455 = arith.constant 12 : i32
      %add3A_456 = arith.addi %add3A_454, %add3A_455 : i32
      %get3A_457 = arith.index_cast %add3A_456 : i32 to index
      %get3A_458 = arith.constant 0 : index
      %get3A_459 = tpu.vector_load %arg9[%get3A_457, %get3A_458] {strides = array<i32>} : memref<2496x32xf32, #tpu.memory_space<vmem>>, vector<16xf32>,
      %mul3A_460 = vector.broadcast %squeeze3A_450 : f32 to vector<16xf32>
      %mul3A_461 = arith.mulf %get3A_459, %mul3A_460 : vector<16xf32>
      %get3A_462 = arith.index_cast %add3A_456 : i32 to index
      %get3A_463 = arith.constant 16 : index
      %get3A_464 = tpu.vector_load %arg9[%get3A_462, %get3A_463] {strides = array<i32>} : memref<2496x32xf32, #tpu.memory_space<vmem>>, vector<16xf32>,
      %mul3A_465 = vector.broadcast %squeeze3A_450 : f32 to vector<16xf32>
      %mul3A_466 = arith.mulf %get3A_464, %mul3A_465 : vector<16xf32>
      %add3A_467 = arith.addf %add3A_443, %mul3A_461 : vector<16xf32>
      %add3A_468 = arith.addf %add3A_444, %mul3A_466 : vector<16xf32>
      %mul3A_469 = arith.mulf %mul3A_461, %mul3A_461 : vector<16xf32>
      %add3A_470 = arith.addf %add3A_446, %mul3A_469 : vector<16xf32>
      %mul3A_471 = arith.mulf %mul3A_466, %mul3A_466 : vector<16xf32>
      %add3A_472 = arith.addf %add3A_448, %mul3A_471 : vector<16xf32>
      %slice3A_473 = vector.extract_strided_slice %get3A_157 {offsets = [13], sizes = [1], strides = [1]} : vector<16xf32> to vector<1xf32>
      %squeeze3A_474 = vector.extract %slice3A_473[0] : f32 from vector<1xf32>
      %mul3A_475 = arith.constant 26 : i32
      %mul3A_476 = arith.muli %scan3A_149, %mul3A_475 : i32
      %add3A_477 = arith.constant 1664 : i32
      %add3A_478 = arith.addi %add3A_477, %mul3A_476 : i32
      %add3A_479 = arith.constant 13 : i32
      %add3A_480 = arith.addi %add3A_478, %add3A_479 : i32
      %get3A_481 = arith.index_cast %add3A_480 : i32 to index
      %get3A_482 = arith.constant 0 : index
      %get3A_483 = tpu.vector_load %arg9[%get3A_481, %get3A_482] {strides = array<i32>} : memref<2496x32xf32, #tpu.memory_space<vmem>>, vector<16xf32>,
      %mul3A_484 = vector.broadcast %squeeze3A_474 : f32 to vector<16xf32>
      %mul3A_485 = arith.mulf %get3A_483, %mul3A_484 : vector<16xf32>
      %get3A_486 = arith.index_cast %add3A_480 : i32 to index
      %get3A_487 = arith.constant 16 : index
      %get3A_488 = tpu.vector_load %arg9[%get3A_486, %get3A_487] {strides = array<i32>} : memref<2496x32xf32, #tpu.memory_space<vmem>>, vector<16xf32>,
      %mul3A_489 = vector.broadcast %squeeze3A_474 : f32 to vector<16xf32>
      %mul3A_490 = arith.mulf %get3A_488, %mul3A_489 : vector<16xf32>
      %add3A_491 = arith.addf %add3A_467, %mul3A_485 : vector<16xf32>
      %add3A_492 = arith.addf %add3A_468, %mul3A_490 : vector<16xf32>
      %mul3A_493 = arith.mulf %mul3A_485, %mul3A_485 : vector<16xf32>
      %add3A_494 = arith.addf %add3A_470, %mul3A_493 : vector<16xf32>
      %mul3A_495 = arith.mulf %mul3A_490, %mul3A_490 : vector<16xf32>
      %add3A_496 = arith.addf %add3A_472, %mul3A_495 : vector<16xf32>
      %slice3A_497 = vector.extract_strided_slice %get3A_157 {offsets = [14], sizes = [1], strides = [1]} : vector<16xf32> to vector<1xf32>
      %squeeze3A_498 = vector.extract %slice3A_497[0] : f32 from vector<1xf32>
      %mul3A_499 = arith.constant 26 : i32
      %mul3A_500 = arith.muli %scan3A_149, %mul3A_499 : i32
      %add3A_501 = arith.constant 1664 : i32
      %add3A_502 = arith.addi %add3A_501, %mul3A_500 : i32
      %add3A_503 = arith.constant 14 : i32
      %add3A_504 = arith.addi %add3A_502, %add3A_503 : i32
      %get3A_505 = arith.index_cast %add3A_504 : i32 to index
      %get3A_506 = arith.constant 0 : index
      %get3A_507 = tpu.vector_load %arg9[%get3A_505, %get3A_506] {strides = array<i32>} : memref<2496x32xf32, #tpu.memory_space<vmem>>, vector<16xf32>,
      %mul3A_508 = vector.broadcast %squeeze3A_498 : f32 to vector<16xf32>
      %mul3A_509 = arith.mulf %get3A_507, %mul3A_508 : vector<16xf32>
      %get3A_510 = arith.index_cast %add3A_504 : i32 to index
      %get3A_511 = arith.constant 16 : index
      %get3A_512 = tpu.vector_load %arg9[%get3A_510, %get3A_511] {strides = array<i32>} : memref<2496x32xf32, #tpu.memory_space<vmem>>, vector<16xf32>,
      %mul3A_513 = vector.broadcast %squeeze3A_498 : f32 to vector<16xf32>
      %mul3A_514 = arith.mulf %get3A_512, %mul3A_513 : vector<16xf32>
      %add3A_515 = arith.addf %add3A_491, %mul3A_509 : vector<16xf32>
      %add3A_516 = arith.addf %add3A_492, %mul3A_514 : vector<16xf32>
      %mul3A_517 = arith.mulf %mul3A_509, %mul3A_509 : vector<16xf32>
      %add3A_518 = arith.addf %add3A_494, %mul3A_517 : vector<16xf32>
      %mul3A_519 = arith.mulf %mul3A_514, %mul3A_514 : vector<16xf32>
      %add3A_520 = arith.addf %add3A_496, %mul3A_519 : vector<16xf32>
      %slice3A_521 = vector.extract_strided_slice %get3A_157 {offsets = [15], sizes = [1], strides = [1]} : vector<16xf32> to vector<1xf32>
      %squeeze3A_522 = vector.extract %slice3A_521[0] : f32 from vector<1xf32>
      %mul3A_523 = arith.constant 26 : i32
      %mul3A_524 = arith.muli %scan3A_149, %mul3A_523 : i32
      %add3A_525 = arith.constant 1664 : i32
      %add3A_526 = arith.addi %add3A_525, %mul3A_524 : i32
      %add3A_527 = arith.constant 15 : i32
      %add3A_528 = arith.addi %add3A_526, %add3A_527 : i32
      %get3A_529 = arith.index_cast %add3A_528 : i32 to index
      %get3A_530 = arith.constant 0 : index
      %get3A_531 = tpu.vector_load %arg9[%get3A_529, %get3A_530] {strides = array<i32>} : memref<2496x32xf32, #tpu.memory_space<vmem>>, vector<16xf32>,
      %mul3A_532 = vector.broadcast %squeeze3A_522 : f32 to vector<16xf32>
      %mul3A_533 = arith.mulf %get3A_531, %mul3A_532 : vector<16xf32>
      %get3A_534 = arith.index_cast %add3A_528 : i32 to index
      %get3A_535 = arith.constant 16 : index
      %get3A_536 = tpu.vector_load %arg9[%get3A_534, %get3A_535] {strides = array<i32>} : memref<2496x32xf32, #tpu.memory_space<vmem>>, vector<16xf32>,
      %mul3A_537 = vector.broadcast %squeeze3A_522 : f32 to vector<16xf32>
      %mul3A_538 = arith.mulf %get3A_536, %mul3A_537 : vector<16xf32>
      %add3A_539 = arith.addf %add3A_515, %mul3A_533 : vector<16xf32>
      %add3A_540 = arith.addf %add3A_516, %mul3A_538 : vector<16xf32>
      %mul3A_541 = arith.mulf %mul3A_533, %mul3A_533 : vector<16xf32>
      %add3A_542 = arith.addf %add3A_518, %mul3A_541 : vector<16xf32>
      %mul3A_543 = arith.mulf %mul3A_538, %mul3A_538 : vector<16xf32>
      %add3A_544 = arith.addf %add3A_520, %mul3A_543 : vector<16xf32>
      %slice3A_545 = vector.extract_strided_slice %mul3A_162 {offsets = [0], sizes = [1], strides = [1]} : vector<16xf32> to vector<1xf32>
      %squeeze3A_546 = vector.extract %slice3A_545[0] : f32 from vector<1xf32>
      %mul3A_547 = arith.constant 26 : i32
      %mul3A_548 = arith.muli %scan3A_149, %mul3A_547 : i32
      %add3A_549 = arith.constant 1664 : i32
      %add3A_550 = arith.addi %add3A_549, %mul3A_548 : i32
      %add3A_551 = arith.constant 16 : i32
      %add3A_552 = arith.addi %add3A_550, %add3A_551 : i32
      %get3A_553 = arith.index_cast %add3A_552 : i32 to index
      %get3A_554 = arith.constant 0 : index
      %get3A_555 = tpu.vector_load %arg9[%get3A_553, %get3A_554] {strides = array<i32>} : memref<2496x32xf32, #tpu.memory_space<vmem>>, vector<16xf32>,
      %mul3A_556 = vector.broadcast %squeeze3A_546 : f32 to vector<16xf32>
      %mul3A_557 = arith.mulf %get3A_555, %mul3A_556 : vector<16xf32>
      %get3A_558 = arith.index_cast %add3A_552 : i32 to index
      %get3A_559 = arith.constant 16 : index
      %get3A_560 = tpu.vector_load %arg9[%get3A_558, %get3A_559] {strides = array<i32>} : memref<2496x32xf32, #tpu.memory_space<vmem>>, vector<16xf32>,
      %mul3A_561 = vector.broadcast %squeeze3A_546 : f32 to vector<16xf32>
      %mul3A_562 = arith.mulf %get3A_560, %mul3A_561 : vector<16xf32>
      %add3A_563 = arith.addf %add3A_539, %mul3A_557 : vector<16xf32>
      %add3A_564 = arith.addf %add3A_540, %mul3A_562 : vector<16xf32>
      %mul3A_565 = arith.mulf %mul3A_557, %mul3A_557 : vector<16xf32>
      %add3A_566 = arith.addf %add3A_542, %mul3A_565 : vector<16xf32>
      %mul3A_567 = arith.mulf %mul3A_562, %mul3A_562 : vector<16xf32>
      %add3A_568 = arith.addf %add3A_544, %mul3A_567 : vector<16xf32>
      %slice3A_569 = vector.extract_strided_slice %mul3A_162 {offsets = [1], sizes = [1], strides = [1]} : vector<16xf32> to vector<1xf32>
      %squeeze3A_570 = vector.extract %slice3A_569[0] : f32 from vector<1xf32>
      %mul3A_571 = arith.constant 26 : i32
      %mul3A_572 = arith.muli %scan3A_149, %mul3A_571 : i32
      %add3A_573 = arith.constant 1664 : i32
      %add3A_574 = arith.addi %add3A_573, %mul3A_572 : i32
      %add3A_575 = arith.constant 17 : i32
      %add3A_576 = arith.addi %add3A_574, %add3A_575 : i32
      %get3A_577 = arith.index_cast %add3A_576 : i32 to index
      %get3A_578 = arith.constant 0 : index
      %get3A_579 = tpu.vector_load %arg9[%get3A_577, %get3A_578] {strides = array<i32>} : memref<2496x32xf32, #tpu.memory_space<vmem>>, vector<16xf32>,
      %mul3A_580 = vector.broadcast %squeeze3A_570 : f32 to vector<16xf32>
      %mul3A_581 = arith.mulf %get3A_579, %mul3A_580 : vector<16xf32>
      %get3A_582 = arith.index_cast %add3A_576 : i32 to index
      %get3A_583 = arith.constant 16 : index
      %get3A_584 = tpu.vector_load %arg9[%get3A_582, %get3A_583] {strides = array<i32>} : memref<2496x32xf32, #tpu.memory_space<vmem>>, vector<16xf32>,
      %mul3A_585 = vector.broadcast %squeeze3A_570 : f32 to vector<16xf32>
      %mul3A_586 = arith.mulf %get3A_584, %mul3A_585 : vector<16xf32>
      %add3A_587 = arith.addf %add3A_563, %mul3A_581 : vector<16xf32>
      %add3A_588 = arith.addf %add3A_564, %mul3A_586 : vector<16xf32>
      %mul3A_589 = arith.mulf %mul3A_581, %mul3A_581 : vector<16xf32>
      %add3A_590 = arith.addf %add3A_566, %mul3A_589 : vector<16xf32>
      %mul3A_591 = arith.mulf %mul3A_586, %mul3A_586 : vector<16xf32>
      %add3A_592 = arith.addf %add3A_568, %mul3A_591 : vector<16xf32>
      %slice3A_593 = vector.extract_strided_slice %mul3A_162 {offsets = [2], sizes = [1], strides = [1]} : vector<16xf32> to vector<1xf32>
      %squeeze3A_594 = vector.extract %slice3A_593[0] : f32 from vector<1xf32>
      %mul3A_595 = arith.constant 26 : i32
      %mul3A_596 = arith.muli %scan3A_149, %mul3A_595 : i32
      %add3A_597 = arith.constant 1664 : i32
      %add3A_598 = arith.addi %add3A_597, %mul3A_596 : i32
      %add3A_599 = arith.constant 18 : i32
      %add3A_600 = arith.addi %add3A_598, %add3A_599 : i32
      %get3A_601 = arith.index_cast %add3A_600 : i32 to index
      %get3A_602 = arith.constant 0 : index
      %get3A_603 = tpu.vector_load %arg9[%get3A_601, %get3A_602] {strides = array<i32>} : memref<2496x32xf32, #tpu.memory_space<vmem>>, vector<16xf32>,
      %mul3A_604 = vector.broadcast %squeeze3A_594 : f32 to vector<16xf32>
      %mul3A_605 = arith.mulf %get3A_603, %mul3A_604 : vector<16xf32>
      %get3A_606 = arith.index_cast %add3A_600 : i32 to index
      %get3A_607 = arith.constant 16 : index
      %get3A_608 = tpu.vector_load %arg9[%get3A_606, %get3A_607] {strides = array<i32>} : memref<2496x32xf32, #tpu.memory_space<vmem>>, vector<16xf32>,
      %mul3A_609 = vector.broadcast %squeeze3A_594 : f32 to vector<16xf32>
      %mul3A_610 = arith.mulf %get3A_608, %mul3A_609 : vector<16xf32>
      %add3A_611 = arith.addf %add3A_587, %mul3A_605 : vector<16xf32>
      %add3A_612 = arith.addf %add3A_588, %mul3A_610 : vector<16xf32>
      %mul3A_613 = arith.mulf %mul3A_605, %mul3A_605 : vector<16xf32>
      %add3A_614 = arith.addf %add3A_590, %mul3A_613 : vector<16xf32>
      %mul3A_615 = arith.mulf %mul3A_610, %mul3A_610 : vector<16xf32>
      %add3A_616 = arith.addf %add3A_592, %mul3A_615 : vector<16xf32>
      %slice3A_617 = vector.extract_strided_slice %mul3A_162 {offsets = [3], sizes = [1], strides = [1]} : vector<16xf32> to vector<1xf32>
      %squeeze3A_618 = vector.extract %slice3A_617[0] : f32 from vector<1xf32>
      %mul3A_619 = arith.constant 26 : i32
      %mul3A_620 = arith.muli %scan3A_149, %mul3A_619 : i32
      %add3A_621 = arith.constant 1664 : i32
      %add3A_622 = arith.addi %add3A_621, %mul3A_620 : i32
      %add3A_623 = arith.constant 19 : i32
      %add3A_624 = arith.addi %add3A_622, %add3A_623 : i32
      %get3A_625 = arith.index_cast %add3A_624 : i32 to index
      %get3A_626 = arith.constant 0 : index
      %get3A_627 = tpu.vector_load %arg9[%get3A_625, %get3A_626] {strides = array<i32>} : memref<2496x32xf32, #tpu.memory_space<vmem>>, vector<16xf32>,
      %mul3A_628 = vector.broadcast %squeeze3A_618 : f32 to vector<16xf32>
      %mul3A_629 = arith.mulf %get3A_627, %mul3A_628 : vector<16xf32>
      %get3A_630 = arith.index_cast %add3A_624 : i32 to index
      %get3A_631 = arith.constant 16 : index
      %get3A_632 = tpu.vector_load %arg9[%get3A_630, %get3A_631] {strides = array<i32>} : memref<2496x32xf32, #tpu.memory_space<vmem>>, vector<16xf32>,
      %mul3A_633 = vector.broadcast %squeeze3A_618 : f32 to vector<16xf32>
      %mul3A_634 = arith.mulf %get3A_632, %mul3A_633 : vector<16xf32>
      %add3A_635 = arith.addf %add3A_611, %mul3A_629 : vector<16xf32>
      %add3A_636 = arith.addf %add3A_612, %mul3A_634 : vector<16xf32>
      %mul3A_637 = arith.mulf %mul3A_629, %mul3A_629 : vector<16xf32>
      %add3A_638 = arith.addf %add3A_614, %mul3A_637 : vector<16xf32>
      %mul3A_639 = arith.mulf %mul3A_634, %mul3A_634 : vector<16xf32>
      %add3A_640 = arith.addf %add3A_616, %mul3A_639 : vector<16xf32>
      %slice3A_641 = vector.extract_strided_slice %mul3A_162 {offsets = [4], sizes = [1], strides = [1]} : vector<16xf32> to vector<1xf32>
      %squeeze3A_642 = vector.extract %slice3A_641[0] : f32 from vector<1xf32>
      %mul3A_643 = arith.constant 26 : i32
      %mul3A_644 = arith.muli %scan3A_149, %mul3A_643 : i32
      %add3A_645 = arith.constant 1664 : i32
      %add3A_646 = arith.addi %add3A_645, %mul3A_644 : i32
      %add3A_647 = arith.constant 20 : i32
      %add3A_648 = arith.addi %add3A_646, %add3A_647 : i32
      %get3A_649 = arith.index_cast %add3A_648 : i32 to index
      %get3A_650 = arith.constant 0 : index
      %get3A_651 = tpu.vector_load %arg9[%get3A_649, %get3A_650] {strides = array<i32>} : memref<2496x32xf32, #tpu.memory_space<vmem>>, vector<16xf32>,
      %mul3A_652 = vector.broadcast %squeeze3A_642 : f32 to vector<16xf32>
      %mul3A_653 = arith.mulf %get3A_651, %mul3A_652 : vector<16xf32>
      %get3A_654 = arith.index_cast %add3A_648 : i32 to index
      %get3A_655 = arith.constant 16 : index
      %get3A_656 = tpu.vector_load %arg9[%get3A_654, %get3A_655] {strides = array<i32>} : memref<2496x32xf32, #tpu.memory_space<vmem>>, vector<16xf32>,
      %mul3A_657 = vector.broadcast %squeeze3A_642 : f32 to vector<16xf32>
      %mul3A_658 = arith.mulf %get3A_656, %mul3A_657 : vector<16xf32>
      %add3A_659 = arith.addf %add3A_635, %mul3A_653 : vector<16xf32>
      %add3A_660 = arith.addf %add3A_636, %mul3A_658 : vector<16xf32>
      %mul3A_661 = arith.mulf %mul3A_653, %mul3A_653 : vector<16xf32>
      %add3A_662 = arith.addf %add3A_638, %mul3A_661 : vector<16xf32>
      %mul3A_663 = arith.mulf %mul3A_658, %mul3A_658 : vector<16xf32>
      %add3A_664 = arith.addf %add3A_640, %mul3A_663 : vector<16xf32>
      %slice3A_665 = vector.extract_strided_slice %mul3A_162 {offsets = [5], sizes = [1], strides = [1]} : vector<16xf32> to vector<1xf32>
      %squeeze3A_666 = vector.extract %slice3A_665[0] : f32 from vector<1xf32>
      %mul3A_667 = arith.constant 26 : i32
      %mul3A_668 = arith.muli %scan3A_149, %mul3A_667 : i32
      %add3A_669 = arith.constant 1664 : i32
      %add3A_670 = arith.addi %add3A_669, %mul3A_668 : i32
      %add3A_671 = arith.constant 21 : i32
      %add3A_672 = arith.addi %add3A_670, %add3A_671 : i32
      %get3A_673 = arith.index_cast %add3A_672 : i32 to index
      %get3A_674 = arith.constant 0 : index
      %get3A_675 = tpu.vector_load %arg9[%get3A_673, %get3A_674] {strides = array<i32>} : memref<2496x32xf32, #tpu.memory_space<vmem>>, vector<16xf32>,
      %mul3A_676 = vector.broadcast %squeeze3A_666 : f32 to vector<16xf32>
      %mul3A_677 = arith.mulf %get3A_675, %mul3A_676 : vector<16xf32>
      %get3A_678 = arith.index_cast %add3A_672 : i32 to index
      %get3A_679 = arith.constant 16 : index
      %get3A_680 = tpu.vector_load %arg9[%get3A_678, %get3A_679] {strides = array<i32>} : memref<2496x32xf32, #tpu.memory_space<vmem>>, vector<16xf32>,
      %mul3A_681 = vector.broadcast %squeeze3A_666 : f32 to vector<16xf32>
      %mul3A_682 = arith.mulf %get3A_680, %mul3A_681 : vector<16xf32>
      %add3A_683 = arith.addf %add3A_659, %mul3A_677 : vector<16xf32>
      %add3A_684 = arith.addf %add3A_660, %mul3A_682 : vector<16xf32>
      %mul3A_685 = arith.mulf %mul3A_677, %mul3A_677 : vector<16xf32>
      %add3A_686 = arith.addf %add3A_662, %mul3A_685 : vector<16xf32>
      %mul3A_687 = arith.mulf %mul3A_682, %mul3A_682 : vector<16xf32>
      %add3A_688 = arith.addf %add3A_664, %mul3A_687 : vector<16xf32>
      %slice3A_689 = vector.extract_strided_slice %mul3A_162 {offsets = [6], sizes = [1], strides = [1]} : vector<16xf32> to vector<1xf32>
      %squeeze3A_690 = vector.extract %slice3A_689[0] : f32 from vector<1xf32>
      %mul3A_691 = arith.constant 26 : i32
      %mul3A_692 = arith.muli %scan3A_149, %mul3A_691 : i32
      %add3A_693 = arith.constant 1664 : i32
      %add3A_694 = arith.addi %add3A_693, %mul3A_692 : i32
      %add3A_695 = arith.constant 22 : i32
      %add3A_696 = arith.addi %add3A_694, %add3A_695 : i32
      %get3A_697 = arith.index_cast %add3A_696 : i32 to index
      %get3A_698 = arith.constant 0 : index
      %get3A_699 = tpu.vector_load %arg9[%get3A_697, %get3A_698] {strides = array<i32>} : memref<2496x32xf32, #tpu.memory_space<vmem>>, vector<16xf32>,
      %mul3A_700 = vector.broadcast %squeeze3A_690 : f32 to vector<16xf32>
      %mul3A_701 = arith.mulf %get3A_699, %mul3A_700 : vector<16xf32>
      %get3A_702 = arith.index_cast %add3A_696 : i32 to index
      %get3A_703 = arith.constant 16 : index
      %get3A_704 = tpu.vector_load %arg9[%get3A_702, %get3A_703] {strides = array<i32>} : memref<2496x32xf32, #tpu.memory_space<vmem>>, vector<16xf32>,
      %mul3A_705 = vector.broadcast %squeeze3A_690 : f32 to vector<16xf32>
      %mul3A_706 = arith.mulf %get3A_704, %mul3A_705 : vector<16xf32>
      %add3A_707 = arith.addf %add3A_683, %mul3A_701 : vector<16xf32>
      %add3A_708 = arith.addf %add3A_684, %mul3A_706 : vector<16xf32>
      %mul3A_709 = arith.mulf %mul3A_701, %mul3A_701 : vector<16xf32>
      %add3A_710 = arith.addf %add3A_686, %mul3A_709 : vector<16xf32>
      %mul3A_711 = arith.mulf %mul3A_706, %mul3A_706 : vector<16xf32>
      %add3A_712 = arith.addf %add3A_688, %mul3A_711 : vector<16xf32>
      %slice3A_713 = vector.extract_strided_slice %mul3A_162 {offsets = [7], sizes = [1], strides = [1]} : vector<16xf32> to vector<1xf32>
      %squeeze3A_714 = vector.extract %slice3A_713[0] : f32 from vector<1xf32>
      %mul3A_715 = arith.constant 26 : i32
      %mul3A_716 = arith.muli %scan3A_149, %mul3A_715 : i32
      %add3A_717 = arith.constant 1664 : i32
      %add3A_718 = arith.addi %add3A_717, %mul3A_716 : i32
      %add3A_719 = arith.constant 23 : i32
      %add3A_720 = arith.addi %add3A_718, %add3A_719 : i32
      %get3A_721 = arith.index_cast %add3A_720 : i32 to index
      %get3A_722 = arith.constant 0 : index
      %get3A_723 = tpu.vector_load %arg9[%get3A_721, %get3A_722] {strides = array<i32>} : memref<2496x32xf32, #tpu.memory_space<vmem>>, vector<16xf32>,
      %mul3A_724 = vector.broadcast %squeeze3A_714 : f32 to vector<16xf32>
      %mul3A_725 = arith.mulf %get3A_723, %mul3A_724 : vector<16xf32>
      %get3A_726 = arith.index_cast %add3A_720 : i32 to index
      %get3A_727 = arith.constant 16 : index
      %get3A_728 = tpu.vector_load %arg9[%get3A_726, %get3A_727] {strides = array<i32>} : memref<2496x32xf32, #tpu.memory_space<vmem>>, vector<16xf32>,
      %mul3A_729 = vector.broadcast %squeeze3A_714 : f32 to vector<16xf32>
      %mul3A_730 = arith.mulf %get3A_728, %mul3A_729 : vector<16xf32>
      %add3A_731 = arith.addf %add3A_707, %mul3A_725 : vector<16xf32>
      %add3A_732 = arith.addf %add3A_708, %mul3A_730 : vector<16xf32>
      %mul3A_733 = arith.mulf %mul3A_725, %mul3A_725 : vector<16xf32>
      %add3A_734 = arith.addf %add3A_710, %mul3A_733 : vector<16xf32>
      %mul3A_735 = arith.mulf %mul3A_730, %mul3A_730 : vector<16xf32>
      %add3A_736 = arith.addf %add3A_712, %mul3A_735 : vector<16xf32>
      %slice3A_737 = vector.extract_strided_slice %mul3A_162 {offsets = [8], sizes = [1], strides = [1]} : vector<16xf32> to vector<1xf32>
      %squeeze3A_738 = vector.extract %slice3A_737[0] : f32 from vector<1xf32>
      %mul3A_739 = arith.constant 26 : i32
      %mul3A_740 = arith.muli %scan3A_149, %mul3A_739 : i32
      %add3A_741 = arith.constant 1664 : i32
      %add3A_742 = arith.addi %add3A_741, %mul3A_740 : i32
      %add3A_743 = arith.constant 24 : i32
      %add3A_744 = arith.addi %add3A_742, %add3A_743 : i32
      %get3A_745 = arith.index_cast %add3A_744 : i32 to index
      %get3A_746 = arith.constant 0 : index
      %get3A_747 = tpu.vector_load %arg9[%get3A_745, %get3A_746] {strides = array<i32>} : memref<2496x32xf32, #tpu.memory_space<vmem>>, vector<16xf32>,
      %mul3A_748 = vector.broadcast %squeeze3A_738 : f32 to vector<16xf32>
      %mul3A_749 = arith.mulf %get3A_747, %mul3A_748 : vector<16xf32>
      %get3A_750 = arith.index_cast %add3A_744 : i32 to index
      %get3A_751 = arith.constant 16 : index
      %get3A_752 = tpu.vector_load %arg9[%get3A_750, %get3A_751] {strides = array<i32>} : memref<2496x32xf32, #tpu.memory_space<vmem>>, vector<16xf32>,
      %mul3A_753 = vector.broadcast %squeeze3A_738 : f32 to vector<16xf32>
      %mul3A_754 = arith.mulf %get3A_752, %mul3A_753 : vector<16xf32>
      %add3A_755 = arith.addf %add3A_731, %mul3A_749 : vector<16xf32>
      %add3A_756 = arith.addf %add3A_732, %mul3A_754 : vector<16xf32>
      %mul3A_757 = arith.mulf %mul3A_749, %mul3A_749 : vector<16xf32>
      %add3A_758 = arith.addf %add3A_734, %mul3A_757 : vector<16xf32>
      %mul3A_759 = arith.mulf %mul3A_754, %mul3A_754 : vector<16xf32>
      %add3A_760 = arith.addf %add3A_736, %mul3A_759 : vector<16xf32>
      %slice3A_761 = vector.extract_strided_slice %mul3A_162 {offsets = [9], sizes = [1], strides = [1]} : vector<16xf32> to vector<1xf32>
      %squeeze3A_762 = vector.extract %slice3A_761[0] : f32 from vector<1xf32>
      %mul3A_763 = arith.constant 26 : i32
      %mul3A_764 = arith.muli %scan3A_149, %mul3A_763 : i32
      %add3A_765 = arith.constant 1664 : i32
      %add3A_766 = arith.addi %add3A_765, %mul3A_764 : i32
      %add3A_767 = arith.constant 25 : i32
      %add3A_768 = arith.addi %add3A_766, %add3A_767 : i32
      %get3A_769 = arith.index_cast %add3A_768 : i32 to index
      %get3A_770 = arith.constant 0 : index
      %get3A_771 = tpu.vector_load %arg9[%get3A_769, %get3A_770] {strides = array<i32>} : memref<2496x32xf32, #tpu.memory_space<vmem>>, vector<16xf32>,
      %mul3A_772 = vector.broadcast %squeeze3A_762 : f32 to vector<16xf32>
      %mul3A_773 = arith.mulf %get3A_771, %mul3A_772 : vector<16xf32>
      %get3A_774 = arith.index_cast %add3A_768 : i32 to index
      %get3A_775 = arith.constant 16 : index
      %get3A_776 = tpu.vector_load %arg9[%get3A_774, %get3A_775] {strides = array<i32>} : memref<2496x32xf32, #tpu.memory_space<vmem>>, vector<16xf32>,
      %mul3A_777 = vector.broadcast %squeeze3A_762 : f32 to vector<16xf32>
      %mul3A_778 = arith.mulf %get3A_776, %mul3A_777 : vector<16xf32>
      %add3A_779 = arith.addf %add3A_755, %mul3A_773 : vector<16xf32>
      %add3A_780 = arith.addf %add3A_756, %mul3A_778 : vector<16xf32>
      %mul3A_781 = arith.mulf %mul3A_773, %mul3A_773 : vector<16xf32>
      %add3A_782 = arith.addf %add3A_758, %mul3A_781 : vector<16xf32>
      %mul3A_783 = arith.mulf %mul3A_778, %mul3A_778 : vector<16xf32>
      %add3A_784 = arith.addf %add3A_760, %mul3A_783 : vector<16xf32>
      %mul3A_785 = arith.mulf %add3A_779, %add3A_779 : vector<16xf32>
      %sub3A = arith.subf %mul3A_785, %add3A_782 : vector<16xf32>
      %mul3A_786 = arith.mulf %add3A_780, %add3A_780 : vector<16xf32>
      %sub3A_787 = arith.subf %mul3A_786, %add3A_784 : vector<16xf32>
      %add3A_788 = arith.addf %sub3A, %sub3A_787 : vector<16xf32>
      %mul3A_789 = arith.constant 5.000000e-01 : f32
      %mul3A_790 = vector.broadcast %mul3A_789 : f32 to vector<16xf32>
      %mul3A_791 = arith.mulf %add3A_788, %mul3A_790 : vector<16xf32>
      %broadcast_in_dim3A_792 = vector.shape_cast %xor3A_27 : vector<16xi32> to vector<16x1xi32>
      %gather3A = vector.shape_cast %broadcast_in_dim3A_792 : vector<16x1xi32> to vector<16xi32>
      %gather3A_793 = tpu.dynamic_gather %mul3A_791[%gather3A] in [0] : vector<16xf32>, vector<16xi32> -> vector<16xf32>
      %add3A_794 = arith.addf %mul3A_791, %gather3A_793 : vector<16xf32>
      %broadcast_in_dim3A_795 = vector.shape_cast %xor3A_30 : vector<16xi32> to vector<16x1xi32>
      %gather3A_796 = vector.shape_cast %broadcast_in_dim3A_795 : vector<16x1xi32> to vector<16xi32>
      %gather3A_797 = tpu.dynamic_gather %add3A_794[%gather3A_796] in [0] : vector<16xf32>, vector<16xi32> -> vector<16xf32>
      %add3A_798 = arith.addf %add3A_794, %gather3A_797 : vector<16xf32>
      %broadcast_in_dim3A_799 = vector.shape_cast %xor3A_33 : vector<16xi32> to vector<16x1xi32>
      %gather3A_800 = vector.shape_cast %broadcast_in_dim3A_799 : vector<16x1xi32> to vector<16xi32>
      %gather3A_801 = tpu.dynamic_gather %add3A_798[%gather3A_800] in [0] : vector<16xf32>, vector<16xi32> -> vector<16xf32>
      %add3A_802 = arith.addf %add3A_798, %gather3A_801 : vector<16xf32>
      %broadcast_in_dim3A_803 = vector.shape_cast %xor3A_36 : vector<16xi32> to vector<16x1xi32>
      %gather3A_804 = vector.shape_cast %broadcast_in_dim3A_803 : vector<16x1xi32> to vector<16xi32>
      %gather3A_805 = tpu.dynamic_gather %add3A_802[%gather3A_804] in [0] : vector<16xf32>, vector<16xi32> -> vector<16xf32>
      %add3A_806 = arith.addf %add3A_802, %gather3A_805 : vector<16xf32>
      %eq3A = vector.broadcast %scan3A_149 : i32 to vector<16xi32>
      %eq3A_807 = arith.cmpi eq, %iota3A, %eq3A : vector<16xi32>
      %select_n3A_808 = arith.select %eq3A_807, %add3A_806, %scan3A_150 : vector<16xi1>, vector<16xf32>
      %sub3A_809 = arith.constant 16 : i32
      %sub3A_810 = arith.subi %scan3A_149, %sub3A_809 : i32
      %eq3A_811 = vector.broadcast %sub3A_810 : i32 to vector<16xi32>
      %eq3A_812 = arith.cmpi eq, %iota3A, %eq3A_811 : vector<16xi32>
      %select_n3A_813 = arith.select %eq3A_812, %add3A_806, %scan3A_151 : vector<16xi1>, vector<16xf32>
      scf.yield %select_n3A_808, %select_n3A_813 : vector<16xf32>, vector<16xf32>
    }
    %scan3A_112 = arith.constant 32 : i32
    %get3A_113 = arith.constant 64 : index
    %get3A_114 = tpu.vector_load %arg10[%get3A_113] {strides = array<i32>} : memref<128xf32, #tpu.memory_space<vmem>>, vector<16xf32>,
    %add3A_115 = arith.addf %scan3A_111#0, %get3A_114 : vector<16xf32>
    %swap3A_116 = arith.constant 64 : index
    %swap3A_117 = tpu.vector_load %arg11[%swap3A_116] {strides = array<i32>} : memref<128xf32, #tpu.memory_space<vmem>>, vector<16xf32>,
    tpu.vector_store %arg11[%swap3A_116], %add3A_115 {strides = array<i32>} : memref<128xf32, #tpu.memory_space<vmem>>, vector<16xf32>,
    %get3A_118 = arith.constant 80 : index
    %get3A_119 = tpu.vector_load %arg10[%get3A_118] {strides = array<i32>} : memref<128xf32, #tpu.memory_space<vmem>>, vector<16xf32>,
    %add3A_120 = arith.addf %scan3A_111#1, %get3A_119 : vector<16xf32>
    %swap3A_121 = arith.constant 80 : index
    %swap3A_122 = tpu.vector_load %arg11[%swap3A_121] {strides = array<i32>} : memref<128xf32, #tpu.memory_space<vmem>>, vector<16xf32>,
    tpu.vector_store %arg11[%swap3A_121], %add3A_120 {strides = array<i32>} : memref<128xf32, #tpu.memory_space<vmem>>, vector<16xf32>,
    %dma_wait3A_123 = arith.constant 0 : i32
    %dma_wait3A_124 = arith.constant 0 : i32
    %dma_wait3A_125 = tpu.memref_slice %arg9[%dma_wait3A_123, %dma_wait3A_124] : memref<2496x32xf32, #tpu.memory_space<vmem>> -> memref<832x32xf32, #tpu.memory_space<vmem>>
    %dma_wait3A_126 = arith.constant 2496 : i32
    %dma_wait3A_127 = tpu.memref_slice %arg7[%dma_wait3A_126] : memref<3344xi32, #tpu.memory_space<vmem>> -> memref<832xi32, #tpu.memory_space<vmem>>
    %dma_wait3A_128 = arith.constant 0 : i32
    %dma_wait3A_129 = arith.constant 0 : i32
    %dma_wait3A_130 = tpu.memref_slice %arg4[%dma_wait3A_128, %dma_wait3A_129] : memref<100000x32xf32, #tpu.memory_space<hbm>> -> memref<100000x32xf32, #tpu.memory_space<hbm>>
    tpu.wait_indirect_dma semaphore(%arg12 : memref<!tpu.dma_semaphore, #tpu.memory_space<semaphore_mem>>) src(%dma_wait3A_130 : memref<100000x32xf32, #tpu.memory_space<hbm>>) dst(%dma_wait3A_125 : memref<832x32xf32, #tpu.memory_space<vmem>>)
    %scan3A_131 = arith.constant 0 : i32
    %scan3A_132 = arith.constant 32 : i32
    %scan3A_133 = arith.addi %scan3A_131, %scan3A_132 : i32
    %scan3A_134 = arith.constant 1 : i32
    %scan3A_135:2 = scf.for %scan3A_149 = %scan3A_131 to %scan3A_133 step %scan3A_134 iter_args(%scan3A_150 = %broadcast_in_dim3A_38, %scan3A_151 = %broadcast_in_dim3A_38) -> (vector<16xf32>, vector<16xf32>)  : i32 {
      %add3A_152 = arith.constant 96 : i32
      %add3A_153 = arith.addi %add3A_152, %scan3A_149 : i32
      %mul3A_154 = arith.constant 26 : i32
      %mul3A_155 = arith.muli %add3A_153, %mul3A_154 : i32
      %get3A_156 = arith.index_cast %mul3A_155 : i32 to index
      %get3A_157 = tpu.vector_load %arg8[%get3A_156] {strides = array<i32>} : memref<3344xf32, #tpu.memory_space<vmem>>, vector<16xf32>,
      %add3A_158 = arith.constant 16 : i32
      %add3A_159 = arith.addi %mul3A_155, %add3A_158 : i32
      %get3A_160 = arith.index_cast %add3A_159 : i32 to index
      %get3A_161 = tpu.vector_load %arg8[%get3A_160] {strides = array<i32>} : memref<3344xf32, #tpu.memory_space<vmem>>, vector<16xf32>,
      %mul3A_162 = arith.mulf %get3A_161, %select_n3A : vector<16xf32>
      %slice3A = vector.extract_strided_slice %get3A_157 {offsets = [0], sizes = [1], strides = [1]} : vector<16xf32> to vector<1xf32>
      %squeeze3A = vector.extract %slice3A[0] : f32 from vector<1xf32>
      %mul3A_163 = arith.constant 26 : i32
      %mul3A_164 = arith.muli %scan3A_149, %mul3A_163 : i32
      %add3A_165 = arith.constant 0 : i32
      %add3A_166 = arith.addi %add3A_165, %mul3A_164 : i32
      %add3A_167 = arith.constant 0 : i32
      %add3A_168 = arith.addi %add3A_166, %add3A_167 : i32
      %get3A_169 = arith.index_cast %add3A_168 : i32 to index
      %get3A_170 = arith.constant 0 : index
      %get3A_171 = tpu.vector_load %arg9[%get3A_169, %get3A_170] {strides = array<i32>} : memref<2496x32xf32, #tpu.memory_space<vmem>>, vector<16xf32>,
      %mul3A_172 = vector.broadcast %squeeze3A : f32 to vector<16xf32>
      %mul3A_173 = arith.mulf %get3A_171, %mul3A_172 : vector<16xf32>
      %get3A_174 = arith.index_cast %add3A_168 : i32 to index
      %get3A_175 = arith.constant 16 : index
      %get3A_176 = tpu.vector_load %arg9[%get3A_174, %get3A_175] {strides = array<i32>} : memref<2496x32xf32, #tpu.memory_space<vmem>>, vector<16xf32>,
      %mul3A_177 = vector.broadcast %squeeze3A : f32 to vector<16xf32>
      %mul3A_178 = arith.mulf %get3A_176, %mul3A_177 : vector<16xf32>
      %add3A_179 = arith.addf %broadcast_in_dim3A_38, %mul3A_173 : vector<16xf32>
      %add3A_180 = arith.addf %broadcast_in_dim3A_38, %mul3A_178 : vector<16xf32>
      %mul3A_181 = arith.mulf %mul3A_173, %mul3A_173 : vector<16xf32>
      %add3A_182 = arith.addf %broadcast_in_dim3A_38, %mul3A_181 : vector<16xf32>
      %mul3A_183 = arith.mulf %mul3A_178, %mul3A_178 : vector<16xf32>
      %add3A_184 = arith.addf %broadcast_in_dim3A_38, %mul3A_183 : vector<16xf32>
      %slice3A_185 = vector.extract_strided_slice %get3A_157 {offsets = [1], sizes = [1], strides = [1]} : vector<16xf32> to vector<1xf32>
      %squeeze3A_186 = vector.extract %slice3A_185[0] : f32 from vector<1xf32>
      %mul3A_187 = arith.constant 26 : i32
      %mul3A_188 = arith.muli %scan3A_149, %mul3A_187 : i32
      %add3A_189 = arith.constant 0 : i32
      %add3A_190 = arith.addi %add3A_189, %mul3A_188 : i32
      %add3A_191 = arith.constant 1 : i32
      %add3A_192 = arith.addi %add3A_190, %add3A_191 : i32
      %get3A_193 = arith.index_cast %add3A_192 : i32 to index
      %get3A_194 = arith.constant 0 : index
      %get3A_195 = tpu.vector_load %arg9[%get3A_193, %get3A_194] {strides = array<i32>} : memref<2496x32xf32, #tpu.memory_space<vmem>>, vector<16xf32>,
      %mul3A_196 = vector.broadcast %squeeze3A_186 : f32 to vector<16xf32>
      %mul3A_197 = arith.mulf %get3A_195, %mul3A_196 : vector<16xf32>
      %get3A_198 = arith.index_cast %add3A_192 : i32 to index
      %get3A_199 = arith.constant 16 : index
      %get3A_200 = tpu.vector_load %arg9[%get3A_198, %get3A_199] {strides = array<i32>} : memref<2496x32xf32, #tpu.memory_space<vmem>>, vector<16xf32>,
      %mul3A_201 = vector.broadcast %squeeze3A_186 : f32 to vector<16xf32>
      %mul3A_202 = arith.mulf %get3A_200, %mul3A_201 : vector<16xf32>
      %add3A_203 = arith.addf %add3A_179, %mul3A_197 : vector<16xf32>
      %add3A_204 = arith.addf %add3A_180, %mul3A_202 : vector<16xf32>
      %mul3A_205 = arith.mulf %mul3A_197, %mul3A_197 : vector<16xf32>
      %add3A_206 = arith.addf %add3A_182, %mul3A_205 : vector<16xf32>
      %mul3A_207 = arith.mulf %mul3A_202, %mul3A_202 : vector<16xf32>
      %add3A_208 = arith.addf %add3A_184, %mul3A_207 : vector<16xf32>
      %slice3A_209 = vector.extract_strided_slice %get3A_157 {offsets = [2], sizes = [1], strides = [1]} : vector<16xf32> to vector<1xf32>
      %squeeze3A_210 = vector.extract %slice3A_209[0] : f32 from vector<1xf32>
      %mul3A_211 = arith.constant 26 : i32
      %mul3A_212 = arith.muli %scan3A_149, %mul3A_211 : i32
      %add3A_213 = arith.constant 0 : i32
      %add3A_214 = arith.addi %add3A_213, %mul3A_212 : i32
      %add3A_215 = arith.constant 2 : i32
      %add3A_216 = arith.addi %add3A_214, %add3A_215 : i32
      %get3A_217 = arith.index_cast %add3A_216 : i32 to index
      %get3A_218 = arith.constant 0 : index
      %get3A_219 = tpu.vector_load %arg9[%get3A_217, %get3A_218] {strides = array<i32>} : memref<2496x32xf32, #tpu.memory_space<vmem>>, vector<16xf32>,
      %mul3A_220 = vector.broadcast %squeeze3A_210 : f32 to vector<16xf32>
      %mul3A_221 = arith.mulf %get3A_219, %mul3A_220 : vector<16xf32>
      %get3A_222 = arith.index_cast %add3A_216 : i32 to index
      %get3A_223 = arith.constant 16 : index
      %get3A_224 = tpu.vector_load %arg9[%get3A_222, %get3A_223] {strides = array<i32>} : memref<2496x32xf32, #tpu.memory_space<vmem>>, vector<16xf32>,
      %mul3A_225 = vector.broadcast %squeeze3A_210 : f32 to vector<16xf32>
      %mul3A_226 = arith.mulf %get3A_224, %mul3A_225 : vector<16xf32>
      %add3A_227 = arith.addf %add3A_203, %mul3A_221 : vector<16xf32>
      %add3A_228 = arith.addf %add3A_204, %mul3A_226 : vector<16xf32>
      %mul3A_229 = arith.mulf %mul3A_221, %mul3A_221 : vector<16xf32>
      %add3A_230 = arith.addf %add3A_206, %mul3A_229 : vector<16xf32>
      %mul3A_231 = arith.mulf %mul3A_226, %mul3A_226 : vector<16xf32>
      %add3A_232 = arith.addf %add3A_208, %mul3A_231 : vector<16xf32>
      %slice3A_233 = vector.extract_strided_slice %get3A_157 {offsets = [3], sizes = [1], strides = [1]} : vector<16xf32> to vector<1xf32>
      %squeeze3A_234 = vector.extract %slice3A_233[0] : f32 from vector<1xf32>
      %mul3A_235 = arith.constant 26 : i32
      %mul3A_236 = arith.muli %scan3A_149, %mul3A_235 : i32
      %add3A_237 = arith.constant 0 : i32
      %add3A_238 = arith.addi %add3A_237, %mul3A_236 : i32
      %add3A_239 = arith.constant 3 : i32
      %add3A_240 = arith.addi %add3A_238, %add3A_239 : i32
      %get3A_241 = arith.index_cast %add3A_240 : i32 to index
      %get3A_242 = arith.constant 0 : index
      %get3A_243 = tpu.vector_load %arg9[%get3A_241, %get3A_242] {strides = array<i32>} : memref<2496x32xf32, #tpu.memory_space<vmem>>, vector<16xf32>,
      %mul3A_244 = vector.broadcast %squeeze3A_234 : f32 to vector<16xf32>
      %mul3A_245 = arith.mulf %get3A_243, %mul3A_244 : vector<16xf32>
      %get3A_246 = arith.index_cast %add3A_240 : i32 to index
      %get3A_247 = arith.constant 16 : index
      %get3A_248 = tpu.vector_load %arg9[%get3A_246, %get3A_247] {strides = array<i32>} : memref<2496x32xf32, #tpu.memory_space<vmem>>, vector<16xf32>,
      %mul3A_249 = vector.broadcast %squeeze3A_234 : f32 to vector<16xf32>
      %mul3A_250 = arith.mulf %get3A_248, %mul3A_249 : vector<16xf32>
      %add3A_251 = arith.addf %add3A_227, %mul3A_245 : vector<16xf32>
      %add3A_252 = arith.addf %add3A_228, %mul3A_250 : vector<16xf32>
      %mul3A_253 = arith.mulf %mul3A_245, %mul3A_245 : vector<16xf32>
      %add3A_254 = arith.addf %add3A_230, %mul3A_253 : vector<16xf32>
      %mul3A_255 = arith.mulf %mul3A_250, %mul3A_250 : vector<16xf32>
      %add3A_256 = arith.addf %add3A_232, %mul3A_255 : vector<16xf32>
      %slice3A_257 = vector.extract_strided_slice %get3A_157 {offsets = [4], sizes = [1], strides = [1]} : vector<16xf32> to vector<1xf32>
      %squeeze3A_258 = vector.extract %slice3A_257[0] : f32 from vector<1xf32>
      %mul3A_259 = arith.constant 26 : i32
      %mul3A_260 = arith.muli %scan3A_149, %mul3A_259 : i32
      %add3A_261 = arith.constant 0 : i32
      %add3A_262 = arith.addi %add3A_261, %mul3A_260 : i32
      %add3A_263 = arith.constant 4 : i32
      %add3A_264 = arith.addi %add3A_262, %add3A_263 : i32
      %get3A_265 = arith.index_cast %add3A_264 : i32 to index
      %get3A_266 = arith.constant 0 : index
      %get3A_267 = tpu.vector_load %arg9[%get3A_265, %get3A_266] {strides = array<i32>} : memref<2496x32xf32, #tpu.memory_space<vmem>>, vector<16xf32>,
      %mul3A_268 = vector.broadcast %squeeze3A_258 : f32 to vector<16xf32>
      %mul3A_269 = arith.mulf %get3A_267, %mul3A_268 : vector<16xf32>
      %get3A_270 = arith.index_cast %add3A_264 : i32 to index
      %get3A_271 = arith.constant 16 : index
      %get3A_272 = tpu.vector_load %arg9[%get3A_270, %get3A_271] {strides = array<i32>} : memref<2496x32xf32, #tpu.memory_space<vmem>>, vector<16xf32>,
      %mul3A_273 = vector.broadcast %squeeze3A_258 : f32 to vector<16xf32>
      %mul3A_274 = arith.mulf %get3A_272, %mul3A_273 : vector<16xf32>
      %add3A_275 = arith.addf %add3A_251, %mul3A_269 : vector<16xf32>
      %add3A_276 = arith.addf %add3A_252, %mul3A_274 : vector<16xf32>
      %mul3A_277 = arith.mulf %mul3A_269, %mul3A_269 : vector<16xf32>
      %add3A_278 = arith.addf %add3A_254, %mul3A_277 : vector<16xf32>
      %mul3A_279 = arith.mulf %mul3A_274, %mul3A_274 : vector<16xf32>
      %add3A_280 = arith.addf %add3A_256, %mul3A_279 : vector<16xf32>
      %slice3A_281 = vector.extract_strided_slice %get3A_157 {offsets = [5], sizes = [1], strides = [1]} : vector<16xf32> to vector<1xf32>
      %squeeze3A_282 = vector.extract %slice3A_281[0] : f32 from vector<1xf32>
      %mul3A_283 = arith.constant 26 : i32
      %mul3A_284 = arith.muli %scan3A_149, %mul3A_283 : i32
      %add3A_285 = arith.constant 0 : i32
      %add3A_286 = arith.addi %add3A_285, %mul3A_284 : i32
      %add3A_287 = arith.constant 5 : i32
      %add3A_288 = arith.addi %add3A_286, %add3A_287 : i32
      %get3A_289 = arith.index_cast %add3A_288 : i32 to index
      %get3A_290 = arith.constant 0 : index
      %get3A_291 = tpu.vector_load %arg9[%get3A_289, %get3A_290] {strides = array<i32>} : memref<2496x32xf32, #tpu.memory_space<vmem>>, vector<16xf32>,
      %mul3A_292 = vector.broadcast %squeeze3A_282 : f32 to vector<16xf32>
      %mul3A_293 = arith.mulf %get3A_291, %mul3A_292 : vector<16xf32>
      %get3A_294 = arith.index_cast %add3A_288 : i32 to index
      %get3A_295 = arith.constant 16 : index
      %get3A_296 = tpu.vector_load %arg9[%get3A_294, %get3A_295] {strides = array<i32>} : memref<2496x32xf32, #tpu.memory_space<vmem>>, vector<16xf32>,
      %mul3A_297 = vector.broadcast %squeeze3A_282 : f32 to vector<16xf32>
      %mul3A_298 = arith.mulf %get3A_296, %mul3A_297 : vector<16xf32>
      %add3A_299 = arith.addf %add3A_275, %mul3A_293 : vector<16xf32>
      %add3A_300 = arith.addf %add3A_276, %mul3A_298 : vector<16xf32>
      %mul3A_301 = arith.mulf %mul3A_293, %mul3A_293 : vector<16xf32>
      %add3A_302 = arith.addf %add3A_278, %mul3A_301 : vector<16xf32>
      %mul3A_303 = arith.mulf %mul3A_298, %mul3A_298 : vector<16xf32>
      %add3A_304 = arith.addf %add3A_280, %mul3A_303 : vector<16xf32>
      %slice3A_305 = vector.extract_strided_slice %get3A_157 {offsets = [6], sizes = [1], strides = [1]} : vector<16xf32> to vector<1xf32>
      %squeeze3A_306 = vector.extract %slice3A_305[0] : f32 from vector<1xf32>
      %mul3A_307 = arith.constant 26 : i32
      %mul3A_308 = arith.muli %scan3A_149, %mul3A_307 : i32
      %add3A_309 = arith.constant 0 : i32
      %add3A_310 = arith.addi %add3A_309, %mul3A_308 : i32
      %add3A_311 = arith.constant 6 : i32
      %add3A_312 = arith.addi %add3A_310, %add3A_311 : i32
      %get3A_313 = arith.index_cast %add3A_312 : i32 to index
      %get3A_314 = arith.constant 0 : index
      %get3A_315 = tpu.vector_load %arg9[%get3A_313, %get3A_314] {strides = array<i32>} : memref<2496x32xf32, #tpu.memory_space<vmem>>, vector<16xf32>,
      %mul3A_316 = vector.broadcast %squeeze3A_306 : f32 to vector<16xf32>
      %mul3A_317 = arith.mulf %get3A_315, %mul3A_316 : vector<16xf32>
      %get3A_318 = arith.index_cast %add3A_312 : i32 to index
      %get3A_319 = arith.constant 16 : index
      %get3A_320 = tpu.vector_load %arg9[%get3A_318, %get3A_319] {strides = array<i32>} : memref<2496x32xf32, #tpu.memory_space<vmem>>, vector<16xf32>,
      %mul3A_321 = vector.broadcast %squeeze3A_306 : f32 to vector<16xf32>
      %mul3A_322 = arith.mulf %get3A_320, %mul3A_321 : vector<16xf32>
      %add3A_323 = arith.addf %add3A_299, %mul3A_317 : vector<16xf32>
      %add3A_324 = arith.addf %add3A_300, %mul3A_322 : vector<16xf32>
      %mul3A_325 = arith.mulf %mul3A_317, %mul3A_317 : vector<16xf32>
      %add3A_326 = arith.addf %add3A_302, %mul3A_325 : vector<16xf32>
      %mul3A_327 = arith.mulf %mul3A_322, %mul3A_322 : vector<16xf32>
      %add3A_328 = arith.addf %add3A_304, %mul3A_327 : vector<16xf32>
      %slice3A_329 = vector.extract_strided_slice %get3A_157 {offsets = [7], sizes = [1], strides = [1]} : vector<16xf32> to vector<1xf32>
      %squeeze3A_330 = vector.extract %slice3A_329[0] : f32 from vector<1xf32>
      %mul3A_331 = arith.constant 26 : i32
      %mul3A_332 = arith.muli %scan3A_149, %mul3A_331 : i32
      %add3A_333 = arith.constant 0 : i32
      %add3A_334 = arith.addi %add3A_333, %mul3A_332 : i32
      %add3A_335 = arith.constant 7 : i32
      %add3A_336 = arith.addi %add3A_334, %add3A_335 : i32
      %get3A_337 = arith.index_cast %add3A_336 : i32 to index
      %get3A_338 = arith.constant 0 : index
      %get3A_339 = tpu.vector_load %arg9[%get3A_337, %get3A_338] {strides = array<i32>} : memref<2496x32xf32, #tpu.memory_space<vmem>>, vector<16xf32>,
      %mul3A_340 = vector.broadcast %squeeze3A_330 : f32 to vector<16xf32>
      %mul3A_341 = arith.mulf %get3A_339, %mul3A_340 : vector<16xf32>
      %get3A_342 = arith.index_cast %add3A_336 : i32 to index
      %get3A_343 = arith.constant 16 : index
      %get3A_344 = tpu.vector_load %arg9[%get3A_342, %get3A_343] {strides = array<i32>} : memref<2496x32xf32, #tpu.memory_space<vmem>>, vector<16xf32>,
      %mul3A_345 = vector.broadcast %squeeze3A_330 : f32 to vector<16xf32>
      %mul3A_346 = arith.mulf %get3A_344, %mul3A_345 : vector<16xf32>
      %add3A_347 = arith.addf %add3A_323, %mul3A_341 : vector<16xf32>
      %add3A_348 = arith.addf %add3A_324, %mul3A_346 : vector<16xf32>
      %mul3A_349 = arith.mulf %mul3A_341, %mul3A_341 : vector<16xf32>
      %add3A_350 = arith.addf %add3A_326, %mul3A_349 : vector<16xf32>
      %mul3A_351 = arith.mulf %mul3A_346, %mul3A_346 : vector<16xf32>
      %add3A_352 = arith.addf %add3A_328, %mul3A_351 : vector<16xf32>
      %slice3A_353 = vector.extract_strided_slice %get3A_157 {offsets = [8], sizes = [1], strides = [1]} : vector<16xf32> to vector<1xf32>
      %squeeze3A_354 = vector.extract %slice3A_353[0] : f32 from vector<1xf32>
      %mul3A_355 = arith.constant 26 : i32
      %mul3A_356 = arith.muli %scan3A_149, %mul3A_355 : i32
      %add3A_357 = arith.constant 0 : i32
      %add3A_358 = arith.addi %add3A_357, %mul3A_356 : i32
      %add3A_359 = arith.constant 8 : i32
      %add3A_360 = arith.addi %add3A_358, %add3A_359 : i32
      %get3A_361 = arith.index_cast %add3A_360 : i32 to index
      %get3A_362 = arith.constant 0 : index
      %get3A_363 = tpu.vector_load %arg9[%get3A_361, %get3A_362] {strides = array<i32>} : memref<2496x32xf32, #tpu.memory_space<vmem>>, vector<16xf32>,
      %mul3A_364 = vector.broadcast %squeeze3A_354 : f32 to vector<16xf32>
      %mul3A_365 = arith.mulf %get3A_363, %mul3A_364 : vector<16xf32>
      %get3A_366 = arith.index_cast %add3A_360 : i32 to index
      %get3A_367 = arith.constant 16 : index
      %get3A_368 = tpu.vector_load %arg9[%get3A_366, %get3A_367] {strides = array<i32>} : memref<2496x32xf32, #tpu.memory_space<vmem>>, vector<16xf32>,
      %mul3A_369 = vector.broadcast %squeeze3A_354 : f32 to vector<16xf32>
      %mul3A_370 = arith.mulf %get3A_368, %mul3A_369 : vector<16xf32>
      %add3A_371 = arith.addf %add3A_347, %mul3A_365 : vector<16xf32>
      %add3A_372 = arith.addf %add3A_348, %mul3A_370 : vector<16xf32>
      %mul3A_373 = arith.mulf %mul3A_365, %mul3A_365 : vector<16xf32>
      %add3A_374 = arith.addf %add3A_350, %mul3A_373 : vector<16xf32>
      %mul3A_375 = arith.mulf %mul3A_370, %mul3A_370 : vector<16xf32>
      %add3A_376 = arith.addf %add3A_352, %mul3A_375 : vector<16xf32>
      %slice3A_377 = vector.extract_strided_slice %get3A_157 {offsets = [9], sizes = [1], strides = [1]} : vector<16xf32> to vector<1xf32>
      %squeeze3A_378 = vector.extract %slice3A_377[0] : f32 from vector<1xf32>
      %mul3A_379 = arith.constant 26 : i32
      %mul3A_380 = arith.muli %scan3A_149, %mul3A_379 : i32
      %add3A_381 = arith.constant 0 : i32
      %add3A_382 = arith.addi %add3A_381, %mul3A_380 : i32
      %add3A_383 = arith.constant 9 : i32
      %add3A_384 = arith.addi %add3A_382, %add3A_383 : i32
      %get3A_385 = arith.index_cast %add3A_384 : i32 to index
      %get3A_386 = arith.constant 0 : index
      %get3A_387 = tpu.vector_load %arg9[%get3A_385, %get3A_386] {strides = array<i32>} : memref<2496x32xf32, #tpu.memory_space<vmem>>, vector<16xf32>,
      %mul3A_388 = vector.broadcast %squeeze3A_378 : f32 to vector<16xf32>
      %mul3A_389 = arith.mulf %get3A_387, %mul3A_388 : vector<16xf32>
      %get3A_390 = arith.index_cast %add3A_384 : i32 to index
      %get3A_391 = arith.constant 16 : index
      %get3A_392 = tpu.vector_load %arg9[%get3A_390, %get3A_391] {strides = array<i32>} : memref<2496x32xf32, #tpu.memory_space<vmem>>, vector<16xf32>,
      %mul3A_393 = vector.broadcast %squeeze3A_378 : f32 to vector<16xf32>
      %mul3A_394 = arith.mulf %get3A_392, %mul3A_393 : vector<16xf32>
      %add3A_395 = arith.addf %add3A_371, %mul3A_389 : vector<16xf32>
      %add3A_396 = arith.addf %add3A_372, %mul3A_394 : vector<16xf32>
      %mul3A_397 = arith.mulf %mul3A_389, %mul3A_389 : vector<16xf32>
      %add3A_398 = arith.addf %add3A_374, %mul3A_397 : vector<16xf32>
      %mul3A_399 = arith.mulf %mul3A_394, %mul3A_394 : vector<16xf32>
      %add3A_400 = arith.addf %add3A_376, %mul3A_399 : vector<16xf32>
      %slice3A_401 = vector.extract_strided_slice %get3A_157 {offsets = [10], sizes = [1], strides = [1]} : vector<16xf32> to vector<1xf32>
      %squeeze3A_402 = vector.extract %slice3A_401[0] : f32 from vector<1xf32>
      %mul3A_403 = arith.constant 26 : i32
      %mul3A_404 = arith.muli %scan3A_149, %mul3A_403 : i32
      %add3A_405 = arith.constant 0 : i32
      %add3A_406 = arith.addi %add3A_405, %mul3A_404 : i32
      %add3A_407 = arith.constant 10 : i32
      %add3A_408 = arith.addi %add3A_406, %add3A_407 : i32
      %get3A_409 = arith.index_cast %add3A_408 : i32 to index
      %get3A_410 = arith.constant 0 : index
      %get3A_411 = tpu.vector_load %arg9[%get3A_409, %get3A_410] {strides = array<i32>} : memref<2496x32xf32, #tpu.memory_space<vmem>>, vector<16xf32>,
      %mul3A_412 = vector.broadcast %squeeze3A_402 : f32 to vector<16xf32>
      %mul3A_413 = arith.mulf %get3A_411, %mul3A_412 : vector<16xf32>
      %get3A_414 = arith.index_cast %add3A_408 : i32 to index
      %get3A_415 = arith.constant 16 : index
      %get3A_416 = tpu.vector_load %arg9[%get3A_414, %get3A_415] {strides = array<i32>} : memref<2496x32xf32, #tpu.memory_space<vmem>>, vector<16xf32>,
      %mul3A_417 = vector.broadcast %squeeze3A_402 : f32 to vector<16xf32>
      %mul3A_418 = arith.mulf %get3A_416, %mul3A_417 : vector<16xf32>
      %add3A_419 = arith.addf %add3A_395, %mul3A_413 : vector<16xf32>
      %add3A_420 = arith.addf %add3A_396, %mul3A_418 : vector<16xf32>
      %mul3A_421 = arith.mulf %mul3A_413, %mul3A_413 : vector<16xf32>
      %add3A_422 = arith.addf %add3A_398, %mul3A_421 : vector<16xf32>
      %mul3A_423 = arith.mulf %mul3A_418, %mul3A_418 : vector<16xf32>
      %add3A_424 = arith.addf %add3A_400, %mul3A_423 : vector<16xf32>
      %slice3A_425 = vector.extract_strided_slice %get3A_157 {offsets = [11], sizes = [1], strides = [1]} : vector<16xf32> to vector<1xf32>
      %squeeze3A_426 = vector.extract %slice3A_425[0] : f32 from vector<1xf32>
      %mul3A_427 = arith.constant 26 : i32
      %mul3A_428 = arith.muli %scan3A_149, %mul3A_427 : i32
      %add3A_429 = arith.constant 0 : i32
      %add3A_430 = arith.addi %add3A_429, %mul3A_428 : i32
      %add3A_431 = arith.constant 11 : i32
      %add3A_432 = arith.addi %add3A_430, %add3A_431 : i32
      %get3A_433 = arith.index_cast %add3A_432 : i32 to index
      %get3A_434 = arith.constant 0 : index
      %get3A_435 = tpu.vector_load %arg9[%get3A_433, %get3A_434] {strides = array<i32>} : memref<2496x32xf32, #tpu.memory_space<vmem>>, vector<16xf32>,
      %mul3A_436 = vector.broadcast %squeeze3A_426 : f32 to vector<16xf32>
      %mul3A_437 = arith.mulf %get3A_435, %mul3A_436 : vector<16xf32>
      %get3A_438 = arith.index_cast %add3A_432 : i32 to index
      %get3A_439 = arith.constant 16 : index
      %get3A_440 = tpu.vector_load %arg9[%get3A_438, %get3A_439] {strides = array<i32>} : memref<2496x32xf32, #tpu.memory_space<vmem>>, vector<16xf32>,
      %mul3A_441 = vector.broadcast %squeeze3A_426 : f32 to vector<16xf32>
      %mul3A_442 = arith.mulf %get3A_440, %mul3A_441 : vector<16xf32>
      %add3A_443 = arith.addf %add3A_419, %mul3A_437 : vector<16xf32>
      %add3A_444 = arith.addf %add3A_420, %mul3A_442 : vector<16xf32>
      %mul3A_445 = arith.mulf %mul3A_437, %mul3A_437 : vector<16xf32>
      %add3A_446 = arith.addf %add3A_422, %mul3A_445 : vector<16xf32>
      %mul3A_447 = arith.mulf %mul3A_442, %mul3A_442 : vector<16xf32>
      %add3A_448 = arith.addf %add3A_424, %mul3A_447 : vector<16xf32>
      %slice3A_449 = vector.extract_strided_slice %get3A_157 {offsets = [12], sizes = [1], strides = [1]} : vector<16xf32> to vector<1xf32>
      %squeeze3A_450 = vector.extract %slice3A_449[0] : f32 from vector<1xf32>
      %mul3A_451 = arith.constant 26 : i32
      %mul3A_452 = arith.muli %scan3A_149, %mul3A_451 : i32
      %add3A_453 = arith.constant 0 : i32
      %add3A_454 = arith.addi %add3A_453, %mul3A_452 : i32
      %add3A_455 = arith.constant 12 : i32
      %add3A_456 = arith.addi %add3A_454, %add3A_455 : i32
      %get3A_457 = arith.index_cast %add3A_456 : i32 to index
      %get3A_458 = arith.constant 0 : index
      %get3A_459 = tpu.vector_load %arg9[%get3A_457, %get3A_458] {strides = array<i32>} : memref<2496x32xf32, #tpu.memory_space<vmem>>, vector<16xf32>,
      %mul3A_460 = vector.broadcast %squeeze3A_450 : f32 to vector<16xf32>
      %mul3A_461 = arith.mulf %get3A_459, %mul3A_460 : vector<16xf32>
      %get3A_462 = arith.index_cast %add3A_456 : i32 to index
      %get3A_463 = arith.constant 16 : index
      %get3A_464 = tpu.vector_load %arg9[%get3A_462, %get3A_463] {strides = array<i32>} : memref<2496x32xf32, #tpu.memory_space<vmem>>, vector<16xf32>,
      %mul3A_465 = vector.broadcast %squeeze3A_450 : f32 to vector<16xf32>
      %mul3A_466 = arith.mulf %get3A_464, %mul3A_465 : vector<16xf32>
      %add3A_467 = arith.addf %add3A_443, %mul3A_461 : vector<16xf32>
      %add3A_468 = arith.addf %add3A_444, %mul3A_466 : vector<16xf32>
      %mul3A_469 = arith.mulf %mul3A_461, %mul3A_461 : vector<16xf32>
      %add3A_470 = arith.addf %add3A_446, %mul3A_469 : vector<16xf32>
      %mul3A_471 = arith.mulf %mul3A_466, %mul3A_466 : vector<16xf32>
      %add3A_472 = arith.addf %add3A_448, %mul3A_471 : vector<16xf32>
      %slice3A_473 = vector.extract_strided_slice %get3A_157 {offsets = [13], sizes = [1], strides = [1]} : vector<16xf32> to vector<1xf32>
      %squeeze3A_474 = vector.extract %slice3A_473[0] : f32 from vector<1xf32>
      %mul3A_475 = arith.constant 26 : i32
      %mul3A_476 = arith.muli %scan3A_149, %mul3A_475 : i32
      %add3A_477 = arith.constant 0 : i32
      %add3A_478 = arith.addi %add3A_477, %mul3A_476 : i32
      %add3A_479 = arith.constant 13 : i32
      %add3A_480 = arith.addi %add3A_478, %add3A_479 : i32
      %get3A_481 = arith.index_cast %add3A_480 : i32 to index
      %get3A_482 = arith.constant 0 : index
      %get3A_483 = tpu.vector_load %arg9[%get3A_481, %get3A_482] {strides = array<i32>} : memref<2496x32xf32, #tpu.memory_space<vmem>>, vector<16xf32>,
      %mul3A_484 = vector.broadcast %squeeze3A_474 : f32 to vector<16xf32>
      %mul3A_485 = arith.mulf %get3A_483, %mul3A_484 : vector<16xf32>
      %get3A_486 = arith.index_cast %add3A_480 : i32 to index
      %get3A_487 = arith.constant 16 : index
      %get3A_488 = tpu.vector_load %arg9[%get3A_486, %get3A_487] {strides = array<i32>} : memref<2496x32xf32, #tpu.memory_space<vmem>>, vector<16xf32>,
      %mul3A_489 = vector.broadcast %squeeze3A_474 : f32 to vector<16xf32>
      %mul3A_490 = arith.mulf %get3A_488, %mul3A_489 : vector<16xf32>
      %add3A_491 = arith.addf %add3A_467, %mul3A_485 : vector<16xf32>
      %add3A_492 = arith.addf %add3A_468, %mul3A_490 : vector<16xf32>
      %mul3A_493 = arith.mulf %mul3A_485, %mul3A_485 : vector<16xf32>
      %add3A_494 = arith.addf %add3A_470, %mul3A_493 : vector<16xf32>
      %mul3A_495 = arith.mulf %mul3A_490, %mul3A_490 : vector<16xf32>
      %add3A_496 = arith.addf %add3A_472, %mul3A_495 : vector<16xf32>
      %slice3A_497 = vector.extract_strided_slice %get3A_157 {offsets = [14], sizes = [1], strides = [1]} : vector<16xf32> to vector<1xf32>
      %squeeze3A_498 = vector.extract %slice3A_497[0] : f32 from vector<1xf32>
      %mul3A_499 = arith.constant 26 : i32
      %mul3A_500 = arith.muli %scan3A_149, %mul3A_499 : i32
      %add3A_501 = arith.constant 0 : i32
      %add3A_502 = arith.addi %add3A_501, %mul3A_500 : i32
      %add3A_503 = arith.constant 14 : i32
      %add3A_504 = arith.addi %add3A_502, %add3A_503 : i32
      %get3A_505 = arith.index_cast %add3A_504 : i32 to index
      %get3A_506 = arith.constant 0 : index
      %get3A_507 = tpu.vector_load %arg9[%get3A_505, %get3A_506] {strides = array<i32>} : memref<2496x32xf32, #tpu.memory_space<vmem>>, vector<16xf32>,
      %mul3A_508 = vector.broadcast %squeeze3A_498 : f32 to vector<16xf32>
      %mul3A_509 = arith.mulf %get3A_507, %mul3A_508 : vector<16xf32>
      %get3A_510 = arith.index_cast %add3A_504 : i32 to index
      %get3A_511 = arith.constant 16 : index
      %get3A_512 = tpu.vector_load %arg9[%get3A_510, %get3A_511] {strides = array<i32>} : memref<2496x32xf32, #tpu.memory_space<vmem>>, vector<16xf32>,
      %mul3A_513 = vector.broadcast %squeeze3A_498 : f32 to vector<16xf32>
      %mul3A_514 = arith.mulf %get3A_512, %mul3A_513 : vector<16xf32>
      %add3A_515 = arith.addf %add3A_491, %mul3A_509 : vector<16xf32>
      %add3A_516 = arith.addf %add3A_492, %mul3A_514 : vector<16xf32>
      %mul3A_517 = arith.mulf %mul3A_509, %mul3A_509 : vector<16xf32>
      %add3A_518 = arith.addf %add3A_494, %mul3A_517 : vector<16xf32>
      %mul3A_519 = arith.mulf %mul3A_514, %mul3A_514 : vector<16xf32>
      %add3A_520 = arith.addf %add3A_496, %mul3A_519 : vector<16xf32>
      %slice3A_521 = vector.extract_strided_slice %get3A_157 {offsets = [15], sizes = [1], strides = [1]} : vector<16xf32> to vector<1xf32>
      %squeeze3A_522 = vector.extract %slice3A_521[0] : f32 from vector<1xf32>
      %mul3A_523 = arith.constant 26 : i32
      %mul3A_524 = arith.muli %scan3A_149, %mul3A_523 : i32
      %add3A_525 = arith.constant 0 : i32
      %add3A_526 = arith.addi %add3A_525, %mul3A_524 : i32
      %add3A_527 = arith.constant 15 : i32
      %add3A_528 = arith.addi %add3A_526, %add3A_527 : i32
      %get3A_529 = arith.index_cast %add3A_528 : i32 to index
      %get3A_530 = arith.constant 0 : index
      %get3A_531 = tpu.vector_load %arg9[%get3A_529, %get3A_530] {strides = array<i32>} : memref<2496x32xf32, #tpu.memory_space<vmem>>, vector<16xf32>,
      %mul3A_532 = vector.broadcast %squeeze3A_522 : f32 to vector<16xf32>
      %mul3A_533 = arith.mulf %get3A_531, %mul3A_532 : vector<16xf32>
      %get3A_534 = arith.index_cast %add3A_528 : i32 to index
      %get3A_535 = arith.constant 16 : index
      %get3A_536 = tpu.vector_load %arg9[%get3A_534, %get3A_535] {strides = array<i32>} : memref<2496x32xf32, #tpu.memory_space<vmem>>, vector<16xf32>,
      %mul3A_537 = vector.broadcast %squeeze3A_522 : f32 to vector<16xf32>
      %mul3A_538 = arith.mulf %get3A_536, %mul3A_537 : vector<16xf32>
      %add3A_539 = arith.addf %add3A_515, %mul3A_533 : vector<16xf32>
      %add3A_540 = arith.addf %add3A_516, %mul3A_538 : vector<16xf32>
      %mul3A_541 = arith.mulf %mul3A_533, %mul3A_533 : vector<16xf32>
      %add3A_542 = arith.addf %add3A_518, %mul3A_541 : vector<16xf32>
      %mul3A_543 = arith.mulf %mul3A_538, %mul3A_538 : vector<16xf32>
      %add3A_544 = arith.addf %add3A_520, %mul3A_543 : vector<16xf32>
      %slice3A_545 = vector.extract_strided_slice %mul3A_162 {offsets = [0], sizes = [1], strides = [1]} : vector<16xf32> to vector<1xf32>
      %squeeze3A_546 = vector.extract %slice3A_545[0] : f32 from vector<1xf32>
      %mul3A_547 = arith.constant 26 : i32
      %mul3A_548 = arith.muli %scan3A_149, %mul3A_547 : i32
      %add3A_549 = arith.constant 0 : i32
      %add3A_550 = arith.addi %add3A_549, %mul3A_548 : i32
      %add3A_551 = arith.constant 16 : i32
      %add3A_552 = arith.addi %add3A_550, %add3A_551 : i32
      %get3A_553 = arith.index_cast %add3A_552 : i32 to index
      %get3A_554 = arith.constant 0 : index
      %get3A_555 = tpu.vector_load %arg9[%get3A_553, %get3A_554] {strides = array<i32>} : memref<2496x32xf32, #tpu.memory_space<vmem>>, vector<16xf32>,
      %mul3A_556 = vector.broadcast %squeeze3A_546 : f32 to vector<16xf32>
      %mul3A_557 = arith.mulf %get3A_555, %mul3A_556 : vector<16xf32>
      %get3A_558 = arith.index_cast %add3A_552 : i32 to index
      %get3A_559 = arith.constant 16 : index
      %get3A_560 = tpu.vector_load %arg9[%get3A_558, %get3A_559] {strides = array<i32>} : memref<2496x32xf32, #tpu.memory_space<vmem>>, vector<16xf32>,
      %mul3A_561 = vector.broadcast %squeeze3A_546 : f32 to vector<16xf32>
      %mul3A_562 = arith.mulf %get3A_560, %mul3A_561 : vector<16xf32>
      %add3A_563 = arith.addf %add3A_539, %mul3A_557 : vector<16xf32>
      %add3A_564 = arith.addf %add3A_540, %mul3A_562 : vector<16xf32>
      %mul3A_565 = arith.mulf %mul3A_557, %mul3A_557 : vector<16xf32>
      %add3A_566 = arith.addf %add3A_542, %mul3A_565 : vector<16xf32>
      %mul3A_567 = arith.mulf %mul3A_562, %mul3A_562 : vector<16xf32>
      %add3A_568 = arith.addf %add3A_544, %mul3A_567 : vector<16xf32>
      %slice3A_569 = vector.extract_strided_slice %mul3A_162 {offsets = [1], sizes = [1], strides = [1]} : vector<16xf32> to vector<1xf32>
      %squeeze3A_570 = vector.extract %slice3A_569[0] : f32 from vector<1xf32>
      %mul3A_571 = arith.constant 26 : i32
      %mul3A_572 = arith.muli %scan3A_149, %mul3A_571 : i32
      %add3A_573 = arith.constant 0 : i32
      %add3A_574 = arith.addi %add3A_573, %mul3A_572 : i32
      %add3A_575 = arith.constant 17 : i32
      %add3A_576 = arith.addi %add3A_574, %add3A_575 : i32
      %get3A_577 = arith.index_cast %add3A_576 : i32 to index
      %get3A_578 = arith.constant 0 : index
      %get3A_579 = tpu.vector_load %arg9[%get3A_577, %get3A_578] {strides = array<i32>} : memref<2496x32xf32, #tpu.memory_space<vmem>>, vector<16xf32>,
      %mul3A_580 = vector.broadcast %squeeze3A_570 : f32 to vector<16xf32>
      %mul3A_581 = arith.mulf %get3A_579, %mul3A_580 : vector<16xf32>
      %get3A_582 = arith.index_cast %add3A_576 : i32 to index
      %get3A_583 = arith.constant 16 : index
      %get3A_584 = tpu.vector_load %arg9[%get3A_582, %get3A_583] {strides = array<i32>} : memref<2496x32xf32, #tpu.memory_space<vmem>>, vector<16xf32>,
      %mul3A_585 = vector.broadcast %squeeze3A_570 : f32 to vector<16xf32>
      %mul3A_586 = arith.mulf %get3A_584, %mul3A_585 : vector<16xf32>
      %add3A_587 = arith.addf %add3A_563, %mul3A_581 : vector<16xf32>
      %add3A_588 = arith.addf %add3A_564, %mul3A_586 : vector<16xf32>
      %mul3A_589 = arith.mulf %mul3A_581, %mul3A_581 : vector<16xf32>
      %add3A_590 = arith.addf %add3A_566, %mul3A_589 : vector<16xf32>
      %mul3A_591 = arith.mulf %mul3A_586, %mul3A_586 : vector<16xf32>
      %add3A_592 = arith.addf %add3A_568, %mul3A_591 : vector<16xf32>
      %slice3A_593 = vector.extract_strided_slice %mul3A_162 {offsets = [2], sizes = [1], strides = [1]} : vector<16xf32> to vector<1xf32>
      %squeeze3A_594 = vector.extract %slice3A_593[0] : f32 from vector<1xf32>
      %mul3A_595 = arith.constant 26 : i32
      %mul3A_596 = arith.muli %scan3A_149, %mul3A_595 : i32
      %add3A_597 = arith.constant 0 : i32
      %add3A_598 = arith.addi %add3A_597, %mul3A_596 : i32
      %add3A_599 = arith.constant 18 : i32
      %add3A_600 = arith.addi %add3A_598, %add3A_599 : i32
      %get3A_601 = arith.index_cast %add3A_600 : i32 to index
      %get3A_602 = arith.constant 0 : index
      %get3A_603 = tpu.vector_load %arg9[%get3A_601, %get3A_602] {strides = array<i32>} : memref<2496x32xf32, #tpu.memory_space<vmem>>, vector<16xf32>,
      %mul3A_604 = vector.broadcast %squeeze3A_594 : f32 to vector<16xf32>
      %mul3A_605 = arith.mulf %get3A_603, %mul3A_604 : vector<16xf32>
      %get3A_606 = arith.index_cast %add3A_600 : i32 to index
      %get3A_607 = arith.constant 16 : index
      %get3A_608 = tpu.vector_load %arg9[%get3A_606, %get3A_607] {strides = array<i32>} : memref<2496x32xf32, #tpu.memory_space<vmem>>, vector<16xf32>,
      %mul3A_609 = vector.broadcast %squeeze3A_594 : f32 to vector<16xf32>
      %mul3A_610 = arith.mulf %get3A_608, %mul3A_609 : vector<16xf32>
      %add3A_611 = arith.addf %add3A_587, %mul3A_605 : vector<16xf32>
      %add3A_612 = arith.addf %add3A_588, %mul3A_610 : vector<16xf32>
      %mul3A_613 = arith.mulf %mul3A_605, %mul3A_605 : vector<16xf32>
      %add3A_614 = arith.addf %add3A_590, %mul3A_613 : vector<16xf32>
      %mul3A_615 = arith.mulf %mul3A_610, %mul3A_610 : vector<16xf32>
      %add3A_616 = arith.addf %add3A_592, %mul3A_615 : vector<16xf32>
      %slice3A_617 = vector.extract_strided_slice %mul3A_162 {offsets = [3], sizes = [1], strides = [1]} : vector<16xf32> to vector<1xf32>
      %squeeze3A_618 = vector.extract %slice3A_617[0] : f32 from vector<1xf32>
      %mul3A_619 = arith.constant 26 : i32
      %mul3A_620 = arith.muli %scan3A_149, %mul3A_619 : i32
      %add3A_621 = arith.constant 0 : i32
      %add3A_622 = arith.addi %add3A_621, %mul3A_620 : i32
      %add3A_623 = arith.constant 19 : i32
      %add3A_624 = arith.addi %add3A_622, %add3A_623 : i32
      %get3A_625 = arith.index_cast %add3A_624 : i32 to index
      %get3A_626 = arith.constant 0 : index
      %get3A_627 = tpu.vector_load %arg9[%get3A_625, %get3A_626] {strides = array<i32>} : memref<2496x32xf32, #tpu.memory_space<vmem>>, vector<16xf32>,
      %mul3A_628 = vector.broadcast %squeeze3A_618 : f32 to vector<16xf32>
      %mul3A_629 = arith.mulf %get3A_627, %mul3A_628 : vector<16xf32>
      %get3A_630 = arith.index_cast %add3A_624 : i32 to index
      %get3A_631 = arith.constant 16 : index
      %get3A_632 = tpu.vector_load %arg9[%get3A_630, %get3A_631] {strides = array<i32>} : memref<2496x32xf32, #tpu.memory_space<vmem>>, vector<16xf32>,
      %mul3A_633 = vector.broadcast %squeeze3A_618 : f32 to vector<16xf32>
      %mul3A_634 = arith.mulf %get3A_632, %mul3A_633 : vector<16xf32>
      %add3A_635 = arith.addf %add3A_611, %mul3A_629 : vector<16xf32>
      %add3A_636 = arith.addf %add3A_612, %mul3A_634 : vector<16xf32>
      %mul3A_637 = arith.mulf %mul3A_629, %mul3A_629 : vector<16xf32>
      %add3A_638 = arith.addf %add3A_614, %mul3A_637 : vector<16xf32>
      %mul3A_639 = arith.mulf %mul3A_634, %mul3A_634 : vector<16xf32>
      %add3A_640 = arith.addf %add3A_616, %mul3A_639 : vector<16xf32>
      %slice3A_641 = vector.extract_strided_slice %mul3A_162 {offsets = [4], sizes = [1], strides = [1]} : vector<16xf32> to vector<1xf32>
      %squeeze3A_642 = vector.extract %slice3A_641[0] : f32 from vector<1xf32>
      %mul3A_643 = arith.constant 26 : i32
      %mul3A_644 = arith.muli %scan3A_149, %mul3A_643 : i32
      %add3A_645 = arith.constant 0 : i32
      %add3A_646 = arith.addi %add3A_645, %mul3A_644 : i32
      %add3A_647 = arith.constant 20 : i32
      %add3A_648 = arith.addi %add3A_646, %add3A_647 : i32
      %get3A_649 = arith.index_cast %add3A_648 : i32 to index
      %get3A_650 = arith.constant 0 : index
      %get3A_651 = tpu.vector_load %arg9[%get3A_649, %get3A_650] {strides = array<i32>} : memref<2496x32xf32, #tpu.memory_space<vmem>>, vector<16xf32>,
      %mul3A_652 = vector.broadcast %squeeze3A_642 : f32 to vector<16xf32>
      %mul3A_653 = arith.mulf %get3A_651, %mul3A_652 : vector<16xf32>
      %get3A_654 = arith.index_cast %add3A_648 : i32 to index
      %get3A_655 = arith.constant 16 : index
      %get3A_656 = tpu.vector_load %arg9[%get3A_654, %get3A_655] {strides = array<i32>} : memref<2496x32xf32, #tpu.memory_space<vmem>>, vector<16xf32>,
      %mul3A_657 = vector.broadcast %squeeze3A_642 : f32 to vector<16xf32>
      %mul3A_658 = arith.mulf %get3A_656, %mul3A_657 : vector<16xf32>
      %add3A_659 = arith.addf %add3A_635, %mul3A_653 : vector<16xf32>
      %add3A_660 = arith.addf %add3A_636, %mul3A_658 : vector<16xf32>
      %mul3A_661 = arith.mulf %mul3A_653, %mul3A_653 : vector<16xf32>
      %add3A_662 = arith.addf %add3A_638, %mul3A_661 : vector<16xf32>
      %mul3A_663 = arith.mulf %mul3A_658, %mul3A_658 : vector<16xf32>
      %add3A_664 = arith.addf %add3A_640, %mul3A_663 : vector<16xf32>
      %slice3A_665 = vector.extract_strided_slice %mul3A_162 {offsets = [5], sizes = [1], strides = [1]} : vector<16xf32> to vector<1xf32>
      %squeeze3A_666 = vector.extract %slice3A_665[0] : f32 from vector<1xf32>
      %mul3A_667 = arith.constant 26 : i32
      %mul3A_668 = arith.muli %scan3A_149, %mul3A_667 : i32
      %add3A_669 = arith.constant 0 : i32
      %add3A_670 = arith.addi %add3A_669, %mul3A_668 : i32
      %add3A_671 = arith.constant 21 : i32
      %add3A_672 = arith.addi %add3A_670, %add3A_671 : i32
      %get3A_673 = arith.index_cast %add3A_672 : i32 to index
      %get3A_674 = arith.constant 0 : index
      %get3A_675 = tpu.vector_load %arg9[%get3A_673, %get3A_674] {strides = array<i32>} : memref<2496x32xf32, #tpu.memory_space<vmem>>, vector<16xf32>,
      %mul3A_676 = vector.broadcast %squeeze3A_666 : f32 to vector<16xf32>
      %mul3A_677 = arith.mulf %get3A_675, %mul3A_676 : vector<16xf32>
      %get3A_678 = arith.index_cast %add3A_672 : i32 to index
      %get3A_679 = arith.constant 16 : index
      %get3A_680 = tpu.vector_load %arg9[%get3A_678, %get3A_679] {strides = array<i32>} : memref<2496x32xf32, #tpu.memory_space<vmem>>, vector<16xf32>,
      %mul3A_681 = vector.broadcast %squeeze3A_666 : f32 to vector<16xf32>
      %mul3A_682 = arith.mulf %get3A_680, %mul3A_681 : vector<16xf32>
      %add3A_683 = arith.addf %add3A_659, %mul3A_677 : vector<16xf32>
      %add3A_684 = arith.addf %add3A_660, %mul3A_682 : vector<16xf32>
      %mul3A_685 = arith.mulf %mul3A_677, %mul3A_677 : vector<16xf32>
      %add3A_686 = arith.addf %add3A_662, %mul3A_685 : vector<16xf32>
      %mul3A_687 = arith.mulf %mul3A_682, %mul3A_682 : vector<16xf32>
      %add3A_688 = arith.addf %add3A_664, %mul3A_687 : vector<16xf32>
      %slice3A_689 = vector.extract_strided_slice %mul3A_162 {offsets = [6], sizes = [1], strides = [1]} : vector<16xf32> to vector<1xf32>
      %squeeze3A_690 = vector.extract %slice3A_689[0] : f32 from vector<1xf32>
      %mul3A_691 = arith.constant 26 : i32
      %mul3A_692 = arith.muli %scan3A_149, %mul3A_691 : i32
      %add3A_693 = arith.constant 0 : i32
      %add3A_694 = arith.addi %add3A_693, %mul3A_692 : i32
      %add3A_695 = arith.constant 22 : i32
      %add3A_696 = arith.addi %add3A_694, %add3A_695 : i32
      %get3A_697 = arith.index_cast %add3A_696 : i32 to index
      %get3A_698 = arith.constant 0 : index
      %get3A_699 = tpu.vector_load %arg9[%get3A_697, %get3A_698] {strides = array<i32>} : memref<2496x32xf32, #tpu.memory_space<vmem>>, vector<16xf32>,
      %mul3A_700 = vector.broadcast %squeeze3A_690 : f32 to vector<16xf32>
      %mul3A_701 = arith.mulf %get3A_699, %mul3A_700 : vector<16xf32>
      %get3A_702 = arith.index_cast %add3A_696 : i32 to index
      %get3A_703 = arith.constant 16 : index
      %get3A_704 = tpu.vector_load %arg9[%get3A_702, %get3A_703] {strides = array<i32>} : memref<2496x32xf32, #tpu.memory_space<vmem>>, vector<16xf32>,
      %mul3A_705 = vector.broadcast %squeeze3A_690 : f32 to vector<16xf32>
      %mul3A_706 = arith.mulf %get3A_704, %mul3A_705 : vector<16xf32>
      %add3A_707 = arith.addf %add3A_683, %mul3A_701 : vector<16xf32>
      %add3A_708 = arith.addf %add3A_684, %mul3A_706 : vector<16xf32>
      %mul3A_709 = arith.mulf %mul3A_701, %mul3A_701 : vector<16xf32>
      %add3A_710 = arith.addf %add3A_686, %mul3A_709 : vector<16xf32>
      %mul3A_711 = arith.mulf %mul3A_706, %mul3A_706 : vector<16xf32>
      %add3A_712 = arith.addf %add3A_688, %mul3A_711 : vector<16xf32>
      %slice3A_713 = vector.extract_strided_slice %mul3A_162 {offsets = [7], sizes = [1], strides = [1]} : vector<16xf32> to vector<1xf32>
      %squeeze3A_714 = vector.extract %slice3A_713[0] : f32 from vector<1xf32>
      %mul3A_715 = arith.constant 26 : i32
      %mul3A_716 = arith.muli %scan3A_149, %mul3A_715 : i32
      %add3A_717 = arith.constant 0 : i32
      %add3A_718 = arith.addi %add3A_717, %mul3A_716 : i32
      %add3A_719 = arith.constant 23 : i32
      %add3A_720 = arith.addi %add3A_718, %add3A_719 : i32
      %get3A_721 = arith.index_cast %add3A_720 : i32 to index
      %get3A_722 = arith.constant 0 : index
      %get3A_723 = tpu.vector_load %arg9[%get3A_721, %get3A_722] {strides = array<i32>} : memref<2496x32xf32, #tpu.memory_space<vmem>>, vector<16xf32>,
      %mul3A_724 = vector.broadcast %squeeze3A_714 : f32 to vector<16xf32>
      %mul3A_725 = arith.mulf %get3A_723, %mul3A_724 : vector<16xf32>
      %get3A_726 = arith.index_cast %add3A_720 : i32 to index
      %get3A_727 = arith.constant 16 : index
      %get3A_728 = tpu.vector_load %arg9[%get3A_726, %get3A_727] {strides = array<i32>} : memref<2496x32xf32, #tpu.memory_space<vmem>>, vector<16xf32>,
      %mul3A_729 = vector.broadcast %squeeze3A_714 : f32 to vector<16xf32>
      %mul3A_730 = arith.mulf %get3A_728, %mul3A_729 : vector<16xf32>
      %add3A_731 = arith.addf %add3A_707, %mul3A_725 : vector<16xf32>
      %add3A_732 = arith.addf %add3A_708, %mul3A_730 : vector<16xf32>
      %mul3A_733 = arith.mulf %mul3A_725, %mul3A_725 : vector<16xf32>
      %add3A_734 = arith.addf %add3A_710, %mul3A_733 : vector<16xf32>
      %mul3A_735 = arith.mulf %mul3A_730, %mul3A_730 : vector<16xf32>
      %add3A_736 = arith.addf %add3A_712, %mul3A_735 : vector<16xf32>
      %slice3A_737 = vector.extract_strided_slice %mul3A_162 {offsets = [8], sizes = [1], strides = [1]} : vector<16xf32> to vector<1xf32>
      %squeeze3A_738 = vector.extract %slice3A_737[0] : f32 from vector<1xf32>
      %mul3A_739 = arith.constant 26 : i32
      %mul3A_740 = arith.muli %scan3A_149, %mul3A_739 : i32
      %add3A_741 = arith.constant 0 : i32
      %add3A_742 = arith.addi %add3A_741, %mul3A_740 : i32
      %add3A_743 = arith.constant 24 : i32
      %add3A_744 = arith.addi %add3A_742, %add3A_743 : i32
      %get3A_745 = arith.index_cast %add3A_744 : i32 to index
      %get3A_746 = arith.constant 0 : index
      %get3A_747 = tpu.vector_load %arg9[%get3A_745, %get3A_746] {strides = array<i32>} : memref<2496x32xf32, #tpu.memory_space<vmem>>, vector<16xf32>,
      %mul3A_748 = vector.broadcast %squeeze3A_738 : f32 to vector<16xf32>
      %mul3A_749 = arith.mulf %get3A_747, %mul3A_748 : vector<16xf32>
      %get3A_750 = arith.index_cast %add3A_744 : i32 to index
      %get3A_751 = arith.constant 16 : index
      %get3A_752 = tpu.vector_load %arg9[%get3A_750, %get3A_751] {strides = array<i32>} : memref<2496x32xf32, #tpu.memory_space<vmem>>, vector<16xf32>,
      %mul3A_753 = vector.broadcast %squeeze3A_738 : f32 to vector<16xf32>
      %mul3A_754 = arith.mulf %get3A_752, %mul3A_753 : vector<16xf32>
      %add3A_755 = arith.addf %add3A_731, %mul3A_749 : vector<16xf32>
      %add3A_756 = arith.addf %add3A_732, %mul3A_754 : vector<16xf32>
      %mul3A_757 = arith.mulf %mul3A_749, %mul3A_749 : vector<16xf32>
      %add3A_758 = arith.addf %add3A_734, %mul3A_757 : vector<16xf32>
      %mul3A_759 = arith.mulf %mul3A_754, %mul3A_754 : vector<16xf32>
      %add3A_760 = arith.addf %add3A_736, %mul3A_759 : vector<16xf32>
      %slice3A_761 = vector.extract_strided_slice %mul3A_162 {offsets = [9], sizes = [1], strides = [1]} : vector<16xf32> to vector<1xf32>
      %squeeze3A_762 = vector.extract %slice3A_761[0] : f32 from vector<1xf32>
      %mul3A_763 = arith.constant 26 : i32
      %mul3A_764 = arith.muli %scan3A_149, %mul3A_763 : i32
      %add3A_765 = arith.constant 0 : i32
      %add3A_766 = arith.addi %add3A_765, %mul3A_764 : i32
      %add3A_767 = arith.constant 25 : i32
      %add3A_768 = arith.addi %add3A_766, %add3A_767 : i32
      %get3A_769 = arith.index_cast %add3A_768 : i32 to index
      %get3A_770 = arith.constant 0 : index
      %get3A_771 = tpu.vector_load %arg9[%get3A_769, %get3A_770] {strides = array<i32>} : memref<2496x32xf32, #tpu.memory_space<vmem>>, vector<16xf32>,
      %mul3A_772 = vector.broadcast %squeeze3A_762 : f32 to vector<16xf32>
      %mul3A_773 = arith.mulf %get3A_771, %mul3A_772 : vector<16xf32>
      %get3A_774 = arith.index_cast %add3A_768 : i32 to index
      %get3A_775 = arith.constant 16 : index
      %get3A_776 = tpu.vector_load %arg9[%get3A_774, %get3A_775] {strides = array<i32>} : memref<2496x32xf32, #tpu.memory_space<vmem>>, vector<16xf32>,
      %mul3A_777 = vector.broadcast %squeeze3A_762 : f32 to vector<16xf32>
      %mul3A_778 = arith.mulf %get3A_776, %mul3A_777 : vector<16xf32>
      %add3A_779 = arith.addf %add3A_755, %mul3A_773 : vector<16xf32>
      %add3A_780 = arith.addf %add3A_756, %mul3A_778 : vector<16xf32>
      %mul3A_781 = arith.mulf %mul3A_773, %mul3A_773 : vector<16xf32>
      %add3A_782 = arith.addf %add3A_758, %mul3A_781 : vector<16xf32>
      %mul3A_783 = arith.mulf %mul3A_778, %mul3A_778 : vector<16xf32>
      %add3A_784 = arith.addf %add3A_760, %mul3A_783 : vector<16xf32>
      %mul3A_785 = arith.mulf %add3A_779, %add3A_779 : vector<16xf32>
      %sub3A = arith.subf %mul3A_785, %add3A_782 : vector<16xf32>
      %mul3A_786 = arith.mulf %add3A_780, %add3A_780 : vector<16xf32>
      %sub3A_787 = arith.subf %mul3A_786, %add3A_784 : vector<16xf32>
      %add3A_788 = arith.addf %sub3A, %sub3A_787 : vector<16xf32>
      %mul3A_789 = arith.constant 5.000000e-01 : f32
      %mul3A_790 = vector.broadcast %mul3A_789 : f32 to vector<16xf32>
      %mul3A_791 = arith.mulf %add3A_788, %mul3A_790 : vector<16xf32>
      %broadcast_in_dim3A_792 = vector.shape_cast %xor3A_27 : vector<16xi32> to vector<16x1xi32>
      %gather3A = vector.shape_cast %broadcast_in_dim3A_792 : vector<16x1xi32> to vector<16xi32>
      %gather3A_793 = tpu.dynamic_gather %mul3A_791[%gather3A] in [0] : vector<16xf32>, vector<16xi32> -> vector<16xf32>
      %add3A_794 = arith.addf %mul3A_791, %gather3A_793 : vector<16xf32>
      %broadcast_in_dim3A_795 = vector.shape_cast %xor3A_30 : vector<16xi32> to vector<16x1xi32>
      %gather3A_796 = vector.shape_cast %broadcast_in_dim3A_795 : vector<16x1xi32> to vector<16xi32>
      %gather3A_797 = tpu.dynamic_gather %add3A_794[%gather3A_796] in [0] : vector<16xf32>, vector<16xi32> -> vector<16xf32>
      %add3A_798 = arith.addf %add3A_794, %gather3A_797 : vector<16xf32>
      %broadcast_in_dim3A_799 = vector.shape_cast %xor3A_33 : vector<16xi32> to vector<16x1xi32>
      %gather3A_800 = vector.shape_cast %broadcast_in_dim3A_799 : vector<16x1xi32> to vector<16xi32>
      %gather3A_801 = tpu.dynamic_gather %add3A_798[%gather3A_800] in [0] : vector<16xf32>, vector<16xi32> -> vector<16xf32>
      %add3A_802 = arith.addf %add3A_798, %gather3A_801 : vector<16xf32>
      %broadcast_in_dim3A_803 = vector.shape_cast %xor3A_36 : vector<16xi32> to vector<16x1xi32>
      %gather3A_804 = vector.shape_cast %broadcast_in_dim3A_803 : vector<16x1xi32> to vector<16xi32>
      %gather3A_805 = tpu.dynamic_gather %add3A_802[%gather3A_804] in [0] : vector<16xf32>, vector<16xi32> -> vector<16xf32>
      %add3A_806 = arith.addf %add3A_802, %gather3A_805 : vector<16xf32>
      %eq3A = vector.broadcast %scan3A_149 : i32 to vector<16xi32>
      %eq3A_807 = arith.cmpi eq, %iota3A, %eq3A : vector<16xi32>
      %select_n3A_808 = arith.select %eq3A_807, %add3A_806, %scan3A_150 : vector<16xi1>, vector<16xf32>
      %sub3A_809 = arith.constant 16 : i32
      %sub3A_810 = arith.subi %scan3A_149, %sub3A_809 : i32
      %eq3A_811 = vector.broadcast %sub3A_810 : i32 to vector<16xi32>
      %eq3A_812 = arith.cmpi eq, %iota3A, %eq3A_811 : vector<16xi32>
      %select_n3A_813 = arith.select %eq3A_812, %add3A_806, %scan3A_151 : vector<16xi1>, vector<16xf32>
      scf.yield %select_n3A_808, %select_n3A_813 : vector<16xf32>, vector<16xf32>
    }
    %scan3A_136 = arith.constant 32 : i32
    %get3A_137 = arith.constant 96 : index
    %get3A_138 = tpu.vector_load %arg10[%get3A_137] {strides = array<i32>} : memref<128xf32, #tpu.memory_space<vmem>>, vector<16xf32>,
    %add3A_139 = arith.addf %scan3A_135#0, %get3A_138 : vector<16xf32>
    %swap3A_140 = arith.constant 96 : index
    %swap3A_141 = tpu.vector_load %arg11[%swap3A_140] {strides = array<i32>} : memref<128xf32, #tpu.memory_space<vmem>>, vector<16xf32>,
    tpu.vector_store %arg11[%swap3A_140], %add3A_139 {strides = array<i32>} : memref<128xf32, #tpu.memory_space<vmem>>, vector<16xf32>,
    %get3A_142 = arith.constant 112 : index
    %get3A_143 = tpu.vector_load %arg10[%get3A_142] {strides = array<i32>} : memref<128xf32, #tpu.memory_space<vmem>>, vector<16xf32>,
    %add3A_144 = arith.addf %scan3A_135#1, %get3A_143 : vector<16xf32>
    %swap3A_145 = arith.constant 112 : index
    %swap3A_146 = tpu.vector_load %arg11[%swap3A_145] {strides = array<i32>} : memref<128xf32, #tpu.memory_space<vmem>>, vector<16xf32>,
    tpu.vector_store %arg11[%swap3A_145], %add3A_144 {strides = array<i32>} : memref<128xf32, #tpu.memory_space<vmem>>, vector<16xf32>,
    %mul3A_147 = arith.constant 128 : i32
    %mul3A_148 = arith.muli %add3A, %mul3A_147 : i32
    "tpu.region"() ({
      %run_scoped3A = tpu.sem_alloc : memref<!tpu.dma_semaphore, #tpu.memory_space<semaphore_mem>>
      %dma_start3A_149 = tpu.memref_slice %arg6[%mul3A_148] : memref<4096xf32, #tpu.memory_space<hbm>> -> memref<128xf32, #tpu.memory_space<hbm>>
      %dma_start3A_150 = tpu.memref_slice %arg6[%mul3A_148] : memref<4096xf32, #tpu.memory_space<hbm>> -> memref<128xf32, #tpu.memory_space<hbm>>
      tpu.enqueue_dma source(%arg11 : memref<128xf32, #tpu.memory_space<vmem>>) target(%dma_start3A_150 : memref<128xf32, #tpu.memory_space<hbm>>) target_semaphore(%run_scoped3A : memref<!tpu.dma_semaphore, #tpu.memory_space<semaphore_mem>>)
      %dma_wait3A_151 = tpu.memref_slice %arg6[%mul3A_148] : memref<4096xf32, #tpu.memory_space<hbm>> -> memref<128xf32, #tpu.memory_space<hbm>>
      %dma_wait3A_152 = tpu.memref_slice %arg6[%mul3A_148] : memref<4096xf32, #tpu.memory_space<hbm>> -> memref<128xf32, #tpu.memory_space<hbm>>
      tpu.wait_dma2 semaphore(%run_scoped3A : memref<!tpu.dma_semaphore, #tpu.memory_space<semaphore_mem>>) src(%arg11 : memref<128xf32, #tpu.memory_space<vmem>>) dst(%dma_wait3A_152 : memref<128xf32, #tpu.memory_space<hbm>>)
      tpu.yield
    }) : () -> ()
    return
  }
}

#map = affine_map<(d0, d1) -> (0)>
module attributes {stable_mosaic.version = 14 : i64} {
  func.func @_first_body(%arg0: i32, %arg1: i32, %arg2: memref<106496xi32, #tpu.memory_space<hbm>>, %arg3: memref<106496xf32, #tpu.memory_space<hbm>>, %arg4: memref<100000xf32, #tpu.memory_space<hbm>>, %arg5: memref<16xf32, #tpu.memory_space<hbm>>, %arg6: memref<4096xf32, #tpu.memory_space<hbm>>, %arg7: memref<3344xi32, #tpu.memory_space<vmem>>, %arg8: memref<3344xf32, #tpu.memory_space<vmem>>, %arg9: memref<100000xf32, #tpu.memory_space<vmem>>, %arg10: memref<128xf32, #tpu.memory_space<vmem>>, %arg11: memref<16xf32, #tpu.memory_space<vmem>>, %arg12: memref<!tpu.dma_semaphore, #tpu.memory_space<semaphore_mem>>) attributes {dimension_semantics = [#tpu.dimension_semantics<core_parallel>, #tpu.dimension_semantics<subcore_parallel>], iteration_bounds = array<i64: 2, 16>, scalar_prefetch = 0 : i64, scratch_operands = 6 : i64, tpu.core_type = #tpu.core_type<sc_vector_subcore>, window_params = [{transform_indices = #map}, {transform_indices = #map}, {transform_indices = #map}, {transform_indices = #map}, {transform_indices = #map}]} {
    %mul3A = arith.constant 2 : i32
    %mul3A_0 = arith.muli %arg1, %mul3A : i32
    %add3A = arith.addi %mul3A_0, %arg0 : i32
    tpu.enqueue_dma source(%arg4 : memref<100000xf32, #tpu.memory_space<hbm>>) target(%arg9 : memref<100000xf32, #tpu.memory_space<vmem>>) target_semaphore(%arg12 : memref<!tpu.dma_semaphore, #tpu.memory_space<semaphore_mem>>)
    %mul3A_1 = arith.constant 3328 : i32
    %mul3A_2 = arith.muli %add3A, %mul3A_1 : i32
    "tpu.region"() ({
      %run_scoped3A = tpu.sem_alloc : memref<!tpu.dma_semaphore, #tpu.memory_space<semaphore_mem>>
      %dma_start3A = arith.constant 0 : i32
      %dma_start3A_29 = tpu.memref_slice %arg7[%dma_start3A] : memref<3344xi32, #tpu.memory_space<vmem>> -> memref<3328xi32, #tpu.memory_space<vmem>>
      %dma_start3A_30 = tpu.memref_slice %arg2[%mul3A_2] : memref<106496xi32, #tpu.memory_space<hbm>> -> memref<3328xi32, #tpu.memory_space<hbm>>
      %dma_start3A_31 = arith.constant 0 : i32
      %dma_start3A_32 = tpu.memref_slice %arg7[%dma_start3A_31] : memref<3344xi32, #tpu.memory_space<vmem>> -> memref<3328xi32, #tpu.memory_space<vmem>>
      %dma_start3A_33 = tpu.memref_slice %arg2[%mul3A_2] : memref<106496xi32, #tpu.memory_space<hbm>> -> memref<3328xi32, #tpu.memory_space<hbm>>
      tpu.enqueue_dma source(%dma_start3A_33 : memref<3328xi32, #tpu.memory_space<hbm>>) target(%dma_start3A_32 : memref<3328xi32, #tpu.memory_space<vmem>>) target_semaphore(%run_scoped3A : memref<!tpu.dma_semaphore, #tpu.memory_space<semaphore_mem>>)
      %dma_wait3A = arith.constant 0 : i32
      %dma_wait3A_34 = tpu.memref_slice %arg7[%dma_wait3A] : memref<3344xi32, #tpu.memory_space<vmem>> -> memref<3328xi32, #tpu.memory_space<vmem>>
      %dma_wait3A_35 = tpu.memref_slice %arg2[%mul3A_2] : memref<106496xi32, #tpu.memory_space<hbm>> -> memref<3328xi32, #tpu.memory_space<hbm>>
      %dma_wait3A_36 = arith.constant 0 : i32
      %dma_wait3A_37 = tpu.memref_slice %arg7[%dma_wait3A_36] : memref<3344xi32, #tpu.memory_space<vmem>> -> memref<3328xi32, #tpu.memory_space<vmem>>
      %dma_wait3A_38 = tpu.memref_slice %arg2[%mul3A_2] : memref<106496xi32, #tpu.memory_space<hbm>> -> memref<3328xi32, #tpu.memory_space<hbm>>
      tpu.wait_dma2 semaphore(%run_scoped3A : memref<!tpu.dma_semaphore, #tpu.memory_space<semaphore_mem>>) src(%dma_wait3A_38 : memref<3328xi32, #tpu.memory_space<hbm>>) dst(%dma_wait3A_37 : memref<3328xi32, #tpu.memory_space<vmem>>)
      tpu.yield
    }) : () -> ()
    %mul3A_3 = arith.constant 3328 : i32
    %mul3A_4 = arith.muli %add3A, %mul3A_3 : i32
    "tpu.region"() ({
      %run_scoped3A = tpu.sem_alloc : memref<!tpu.dma_semaphore, #tpu.memory_space<semaphore_mem>>
      %dma_start3A = arith.constant 0 : i32
      %dma_start3A_29 = tpu.memref_slice %arg8[%dma_start3A] : memref<3344xf32, #tpu.memory_space<vmem>> -> memref<3328xf32, #tpu.memory_space<vmem>>
      %dma_start3A_30 = tpu.memref_slice %arg3[%mul3A_4] : memref<106496xf32, #tpu.memory_space<hbm>> -> memref<3328xf32, #tpu.memory_space<hbm>>
      %dma_start3A_31 = arith.constant 0 : i32
      %dma_start3A_32 = tpu.memref_slice %arg8[%dma_start3A_31] : memref<3344xf32, #tpu.memory_space<vmem>> -> memref<3328xf32, #tpu.memory_space<vmem>>
      %dma_start3A_33 = tpu.memref_slice %arg3[%mul3A_4] : memref<106496xf32, #tpu.memory_space<hbm>> -> memref<3328xf32, #tpu.memory_space<hbm>>
      tpu.enqueue_dma source(%dma_start3A_33 : memref<3328xf32, #tpu.memory_space<hbm>>) target(%dma_start3A_32 : memref<3328xf32, #tpu.memory_space<vmem>>) target_semaphore(%run_scoped3A : memref<!tpu.dma_semaphore, #tpu.memory_space<semaphore_mem>>)
      %dma_wait3A = arith.constant 0 : i32
      %dma_wait3A_34 = tpu.memref_slice %arg8[%dma_wait3A] : memref<3344xf32, #tpu.memory_space<vmem>> -> memref<3328xf32, #tpu.memory_space<vmem>>
      %dma_wait3A_35 = tpu.memref_slice %arg3[%mul3A_4] : memref<106496xf32, #tpu.memory_space<hbm>> -> memref<3328xf32, #tpu.memory_space<hbm>>
      %dma_wait3A_36 = arith.constant 0 : i32
      %dma_wait3A_37 = tpu.memref_slice %arg8[%dma_wait3A_36] : memref<3344xf32, #tpu.memory_space<vmem>> -> memref<3328xf32, #tpu.memory_space<vmem>>
      %dma_wait3A_38 = tpu.memref_slice %arg3[%mul3A_4] : memref<106496xf32, #tpu.memory_space<hbm>> -> memref<3328xf32, #tpu.memory_space<hbm>>
      tpu.wait_dma2 semaphore(%run_scoped3A : memref<!tpu.dma_semaphore, #tpu.memory_space<semaphore_mem>>) src(%dma_wait3A_38 : memref<3328xf32, #tpu.memory_space<hbm>>) dst(%dma_wait3A_37 : memref<3328xf32, #tpu.memory_space<vmem>>)
      tpu.yield
    }) : () -> ()
    "tpu.region"() ({
      %run_scoped3A = tpu.sem_alloc : memref<!tpu.dma_semaphore, #tpu.memory_space<semaphore_mem>>
      tpu.enqueue_dma source(%arg5 : memref<16xf32, #tpu.memory_space<hbm>>) target(%arg11 : memref<16xf32, #tpu.memory_space<vmem>>) target_semaphore(%run_scoped3A : memref<!tpu.dma_semaphore, #tpu.memory_space<semaphore_mem>>)
      tpu.wait_dma2 semaphore(%run_scoped3A : memref<!tpu.dma_semaphore, #tpu.memory_space<semaphore_mem>>) src(%arg5 : memref<16xf32, #tpu.memory_space<hbm>>) dst(%arg11 : memref<16xf32, #tpu.memory_space<vmem>>)
      tpu.yield
    }) : () -> ()
    tpu.wait_dma2 semaphore(%arg12 : memref<!tpu.dma_semaphore, #tpu.memory_space<semaphore_mem>>) src(%arg4 : memref<100000xf32, #tpu.memory_space<hbm>>) dst(%arg9 : memref<100000xf32, #tpu.memory_space<vmem>>)
    %iota3A = tpu.iota {dimensions = array<i32: 0>} : vector<16xi32>
    %lt3A = arith.constant 10 : i32
    %lt3A_5 = vector.broadcast %lt3A : i32 to vector<16xi32>
    %lt3A_6 = arith.cmpi slt, %iota3A, %lt3A_5 : vector<16xi32>
    %jit3A = arith.constant 1.000000e+00 : f32
    %jit3A_7 = arith.constant 0.000000e+00 : f32
    %broadcast_in_dim3A = vector.broadcast %jit3A : f32 to vector<16xf32>
    %broadcast_in_dim3A_8 = vector.broadcast %jit3A_7 : f32 to vector<16xf32>
    %select_n3A = arith.select %lt3A_6, %broadcast_in_dim3A, %broadcast_in_dim3A_8 : vector<16xi1>, vector<16xf32>
    %xor3A = arith.constant 1 : i32
    %xor3A_9 = vector.broadcast %xor3A : i32 to vector<16xi32>
    %xor3A_10 = arith.xori %iota3A, %xor3A_9 : vector<16xi32>
    %xor3A_11 = arith.constant 2 : i32
    %xor3A_12 = vector.broadcast %xor3A_11 : i32 to vector<16xi32>
    %xor3A_13 = arith.xori %iota3A, %xor3A_12 : vector<16xi32>
    %xor3A_14 = arith.constant 4 : i32
    %xor3A_15 = vector.broadcast %xor3A_14 : i32 to vector<16xi32>
    %xor3A_16 = arith.xori %iota3A, %xor3A_15 : vector<16xi32>
    %xor3A_17 = arith.constant 8 : i32
    %xor3A_18 = vector.broadcast %xor3A_17 : i32 to vector<16xi32>
    %xor3A_19 = arith.xori %iota3A, %xor3A_18 : vector<16xi32>
    %broadcast_in_dim3A_20 = arith.constant 0.000000e+00 : f32
    %broadcast_in_dim3A_21 = vector.broadcast %broadcast_in_dim3A_20 : f32 to vector<16xf32>
    %scan3A = arith.constant 0 : i32
    %scan3A_22 = arith.constant 0 : i32
    %scan3A_23 = arith.constant 8 : i32
    %scan3A_24 = arith.addi %scan3A_22, %scan3A_23 : i32
    %scan3A_25 = arith.constant 1 : i32
    scf.for %scan3A_29 = %scan3A_22 to %scan3A_24 step %scan3A_25  : i32 {
      %scan3A_30 = arith.constant 0 : i32
      %scan3A_31 = arith.constant 16 : i32
      %scan3A_32 = arith.addi %scan3A_30, %scan3A_31 : i32
      %scan3A_33 = arith.constant 1 : i32
      %scan3A_34 = scf.for %scan3A_41 = %scan3A_30 to %scan3A_32 step %scan3A_33 iter_args(%scan3A_42 = %broadcast_in_dim3A_21) -> (vector<16xf32>)  : i32 {
        %mul3A_43 = arith.constant 16 : i32
        %mul3A_44 = arith.muli %scan3A_29, %mul3A_43 : i32
        %add3A_45 = arith.addi %mul3A_44, %scan3A_41 : i32
        %mul3A_46 = arith.constant 26 : i32
        %mul3A_47 = arith.muli %add3A_45, %mul3A_46 : i32
        %get3A_48 = arith.index_cast %mul3A_47 : i32 to index
        %get3A_49 = tpu.vector_load %arg8[%get3A_48] {strides = array<i32>} : memref<3344xf32, #tpu.memory_space<vmem>>, vector<16xf32>,
        %add3A_50 = arith.constant 16 : i32
        %add3A_51 = arith.addi %mul3A_47, %add3A_50 : i32
        %get3A_52 = arith.index_cast %add3A_51 : i32 to index
        %get3A_53 = tpu.vector_load %arg8[%get3A_52] {strides = array<i32>} : memref<3344xf32, #tpu.memory_space<vmem>>, vector<16xf32>,
        %mul3A_54 = arith.mulf %get3A_53, %select_n3A : vector<16xf32>
        %get3A_55 = arith.index_cast %mul3A_47 : i32 to index
        %get3A_56 = tpu.vector_load %arg7[%get3A_55] {strides = array<i32>} : memref<3344xi32, #tpu.memory_space<vmem>>, vector<16xi32>,
        %lt3A_57 = arith.constant 10 : i32
        %lt3A_58 = vector.broadcast %lt3A_57 : i32 to vector<16xi32>
        %lt3A_59 = arith.cmpi slt, %iota3A, %lt3A_58 : vector<16xi32>
        %add3A_60 = arith.constant 16 : i32
        %add3A_61 = arith.addi %mul3A_47, %add3A_60 : i32
        %get3A_62 = arith.index_cast %add3A_61 : i32 to index
        %get3A_63 = tpu.vector_load %arg7[%get3A_62] {strides = array<i32>} : memref<3344xi32, #tpu.memory_space<vmem>>, vector<16xi32>,
        %jit3A_64 = arith.constant 0 : i32
        %broadcast_in_dim3A_65 = vector.broadcast %jit3A_64 : i32 to vector<16xi32>
        %select_n3A_66 = arith.select %lt3A_59, %get3A_63, %broadcast_in_dim3A_65 : vector<16xi1>, vector<16xi32>
        %gather3A = tpu.vector_load_idx %arg9[%get3A_56] : memref<100000xf32, #tpu.memory_space<vmem>>[vector<16xi32>], vector<16xf32>,
        %mul3A_67 = arith.mulf %gather3A, %get3A_49 : vector<16xf32>
        %gather3A_68 = tpu.vector_load_idx %arg9[%select_n3A_66] : memref<100000xf32, #tpu.memory_space<vmem>>[vector<16xi32>], vector<16xf32>,
        %mul3A_69 = arith.mulf %gather3A_68, %mul3A_54 : vector<16xf32>
        %add3A_70 = arith.addf %mul3A_67, %mul3A_69 : vector<16xf32>
        %eq3A = vector.broadcast %scan3A_41 : i32 to vector<16xi32>
        %eq3A_71 = arith.cmpi eq, %iota3A, %eq3A : vector<16xi32>
        %broadcast_in_dim3A_72 = vector.shape_cast %xor3A_10 : vector<16xi32> to vector<16x1xi32>
        %gather3A_73 = vector.shape_cast %broadcast_in_dim3A_72 : vector<16x1xi32> to vector<16xi32>
        %gather3A_74 = tpu.dynamic_gather %add3A_70[%gather3A_73] in [0] : vector<16xf32>, vector<16xi32> -> vector<16xf32>
        %add3A_75 = arith.addf %add3A_70, %gather3A_74 : vector<16xf32>
        %broadcast_in_dim3A_76 = vector.shape_cast %xor3A_13 : vector<16xi32> to vector<16x1xi32>
        %gather3A_77 = vector.shape_cast %broadcast_in_dim3A_76 : vector<16x1xi32> to vector<16xi32>
        %gather3A_78 = tpu.dynamic_gather %add3A_75[%gather3A_77] in [0] : vector<16xf32>, vector<16xi32> -> vector<16xf32>
        %add3A_79 = arith.addf %add3A_75, %gather3A_78 : vector<16xf32>
        %broadcast_in_dim3A_80 = vector.shape_cast %xor3A_16 : vector<16xi32> to vector<16x1xi32>
        %gather3A_81 = vector.shape_cast %broadcast_in_dim3A_80 : vector<16x1xi32> to vector<16xi32>
        %gather3A_82 = tpu.dynamic_gather %add3A_79[%gather3A_81] in [0] : vector<16xf32>, vector<16xi32> -> vector<16xf32>
        %add3A_83 = arith.addf %add3A_79, %gather3A_82 : vector<16xf32>
        %broadcast_in_dim3A_84 = vector.shape_cast %xor3A_19 : vector<16xi32> to vector<16x1xi32>
        %gather3A_85 = vector.shape_cast %broadcast_in_dim3A_84 : vector<16x1xi32> to vector<16xi32>
        %gather3A_86 = tpu.dynamic_gather %add3A_83[%gather3A_85] in [0] : vector<16xf32>, vector<16xi32> -> vector<16xf32>
        %add3A_87 = arith.addf %add3A_83, %gather3A_86 : vector<16xf32>
        %select_n3A_88 = arith.select %eq3A_71, %add3A_87, %scan3A_42 : vector<16xi1>, vector<16xf32>
        scf.yield %select_n3A_88 : vector<16xf32>
      }
      %scan3A_35 = arith.constant 16 : i32
      %get3A = arith.constant 0 : index
      %get3A_36 = tpu.vector_load %arg11[%get3A] {strides = array<i32>} : memref<16xf32, #tpu.memory_space<vmem>>, vector<16xf32>,
      %add3A_37 = arith.addf %scan3A_34, %get3A_36 : vector<16xf32>
      %mul3A_38 = arith.constant 16 : i32
      %mul3A_39 = arith.muli %scan3A_29, %mul3A_38 : i32
      %swap3A = arith.index_cast %mul3A_39 : i32 to index
      %swap3A_40 = tpu.vector_load %arg10[%swap3A] {strides = array<i32>} : memref<128xf32, #tpu.memory_space<vmem>>, vector<16xf32>,
      tpu.vector_store %arg10[%swap3A], %add3A_37 {strides = array<i32>} : memref<128xf32, #tpu.memory_space<vmem>>, vector<16xf32>,
    }
    %scan3A_26 = arith.constant 8 : i32
    %mul3A_27 = arith.constant 128 : i32
    %mul3A_28 = arith.muli %add3A, %mul3A_27 : i32
    "tpu.region"() ({
      %run_scoped3A = tpu.sem_alloc : memref<!tpu.dma_semaphore, #tpu.memory_space<semaphore_mem>>
      %dma_start3A = tpu.memref_slice %arg6[%mul3A_28] : memref<4096xf32, #tpu.memory_space<hbm>> -> memref<128xf32, #tpu.memory_space<hbm>>
      %dma_start3A_29 = tpu.memref_slice %arg6[%mul3A_28] : memref<4096xf32, #tpu.memory_space<hbm>> -> memref<128xf32, #tpu.memory_space<hbm>>
      tpu.enqueue_dma source(%arg10 : memref<128xf32, #tpu.memory_space<vmem>>) target(%dma_start3A_29 : memref<128xf32, #tpu.memory_space<hbm>>) target_semaphore(%run_scoped3A : memref<!tpu.dma_semaphore, #tpu.memory_space<semaphore_mem>>)
      %dma_wait3A = tpu.memref_slice %arg6[%mul3A_28] : memref<4096xf32, #tpu.memory_space<hbm>> -> memref<128xf32, #tpu.memory_space<hbm>>
      %dma_wait3A_30 = tpu.memref_slice %arg6[%mul3A_28] : memref<4096xf32, #tpu.memory_space<hbm>> -> memref<128xf32, #tpu.memory_space<hbm>>
      tpu.wait_dma2 semaphore(%run_scoped3A : memref<!tpu.dma_semaphore, #tpu.memory_space<semaphore_mem>>) src(%arg10 : memref<128xf32, #tpu.memory_space<vmem>>) dst(%dma_wait3A_30 : memref<128xf32, #tpu.memory_space<hbm>>)
      tpu.yield
    }) : () -> ()
    return
  }
}

</mosaic_0001>

<sc_bundles>
// kernel: _fm_call.4.cloned.1.call-start
scs
__scs_entry_jumppad:
0x0: {  	(pc) =	sbr.rel $0x88, $3  }
0x1: {  	(tag) =	ssettag $0x0;
	lr =	simm.s32 $0x1  }
0x2: {  	[smem:$0x3F9C] =	sst lr;
	_ =	strace $0xD0000000  }
0x3: {  	_ = 	snop  }
0x4: {  	_ = 	snop  }
0x5: {  	_ = 	snop  }
0x6: {  	_ = 	snop  }
0x7: {  	_ = 	snop  }
__scs_overlays_trampoline_lowered:
0x8: {  	[smem:$0x3FAB] =	sst s0  }
0x9: {  	[smem:$0x3FAC] =	sst s1  }
0xa: {  	[smem:$0x3FAD] =	sst s2  }
0xb: {  	[smem:$0x3FAE] =	sst s3  }
0xc: {  	[smem:$0x3FAF] =	sst s4  }
0xd: {  	[smem:$0x3FB0] =	sst s5  }
0xe: {  	[smem:$0x3FB1] =	sst s6  }
0xf: {  	[smem:$0x3FB2] =	sst s7  }
0x10: {  	[smem:$0x3FB3] =	sst s8  }
0x11: {  	[smem:$0x3FB4] =	sst s9;
	s0 =	simm.s32 @!p0 $0x0  }
0x12: {  	s1 =	sld [smem:$0x3F9A];
	s0 =	simm.s32 @p0 $0x1  }
0x13: {  	[smem:$0x3FB5] =	sst s0;
	s0 =	simm.s32 @!p1 $0x0  }
0x14: {  	s2 =	sld [smem:$0x3F99];
	s0 =	simm.s32 @p1 $0x1  }
0x15: {  	[smem:$0x3FB6] =	sst s0;
	s0 =	simm.s32 @!p2 $0x0  }
0x16: {  	s3 =	sld [smem:$0x3FDB];
	s0 =	simm.s32 @p2 $0x1  }
0x17: {  	s4 =	simm.s32 $0x1BF5;
	[smem:$0x3FB8] =	sst s0  }
0x18: {  	s0 =	sld [smem:$0x3F9B];
	_ =	swait.ge [sflag:s4], $0x0  }
0x19: {  	s7 =	sld [smem:$0x3F9C]  }
0x1a: {  	s8 =	sadd.s32 $0xFFFFE003, lr  }
0x1b: {  	s9 =	sadd.s32 $0xFFFFFEF7, lr;
	s5 =	simm.s32 $0xFFFFFFFF;
	p2 =	slt.u32 s8, $0xFFFFF086  }
0x1c: {  	p1 =	slt.u32 s9, $0xF7A;
	s5 =	simm.s32 @!p2 $0x0  }
0x1d: {  	s5 =	simm.s32 @p1 $0x1;
	p0 =	seq.s32 s7, s2  }
0x1e: {  	s7 =	smul.u32 @!p0 $0xF7A, s2;
	p2 =	seq.s32 @!p0 s5, $0x0  }
0x1f: {  	s9 =	smul.u32 $0xF7A, s1;
	s8 =	simm.s32 @!p0 $0x1BF5;
	p2 =	por !p2, p0  }
0x20: {  	[sflag:s8] =	ssyncset.s32 @!p0 $0xFFFFF086;
	s6 =	sadd.s32 @!p0 s3, s7;
	s7 =	simm.s32 @!p0 $0x108  }
0x21: {  	s3 =	sadd.s32 s3, s9;
	s6 =	sadd.s32 @!p0 $0x88, s6;
	s7 =	simm.s32 @p2 $0x1082  }
0x22: {  	[simem:s7], [sflag:s8] =	dma.local @!p0 [hbm:s6], $0xF7A  }
0x23: {  	s9 =	sor.u32 $0xD0000000, s2;
	s6 =	simm.s32 $0x108;
	_ =	swait.ge @!p0 [sflag:s8], $0x0  }
0x24: {  	s3 =	sadd.s32 $0x88, s3;
	s6 =	simm.s32 @!p1 $0x1082;
	[sflag:s4] =	ssyncset.s32 $0xFFFFF086  }
0x25: {  	[simem:s6], [sflag:s4] =	dma.local [hbm:s3], $0xF7A  }
0x26: {  	[smem:$0x3F9C] =	sst s1;
	(tag) =	ssettag s2;
	_ =	strace s9  }
0x27: {  	s1 =	sld [smem:$0x3FAC]  }
0x28: {  	s2 =	sld [smem:$0x3FAD]  }
0x29: {  	s4 =	sld [smem:$0x3FAF]  }
0x2a: {  	p0 =	seq.s32 s5, $0x0;
	s5 =	sld [smem:$0x3FB0]  }
0x2b: {  	s6 =	sld [smem:$0x3FB1]  }
0x2c: {  	s7 =	sld [smem:$0x3FB2]  }
0x2d: {  	s3 =	simm.s32 $0x108;
	s8 =	sld [smem:$0x3FB3]  }
0x2e: {  	s3 =	simm.s32 @!p0 $0x1082;
	s9 =	sld [smem:$0x3FB4]  }
0x2f: {  	lr =	sadd.s32 s0, s3;
	s0 =	sld [smem:$0x3FAB]  }
0x30: {  	s3 =	sld [smem:$0x3FAE]  }
0x31: {  	[smem:$0x3FB7] =	sst s10  }
0x32: {  	s10 =	sld [smem:$0x3FB5];
	_ =	sdelay $0x3  }
0x33: {  	p0 =	seq.s32 s10, $0x1;
	s10 =	sld [smem:$0x3FB7];
	_ =	sdelay $0x3  }
0x34: {  	[smem:$0x3FB7] =	sst s10  }
0x35: {  	s10 =	sld [smem:$0x3FB6];
	_ =	sdelay $0x3  }
0x36: {  	p1 =	seq.s32 s10, $0x1;
	s10 =	sld [smem:$0x3FB7];
	_ =	sdelay $0x3  }
0x37: {  	[smem:$0x3FB7] =	sst s10  }
0x38: {  	s10 =	sld [smem:$0x3FB8]  }
0x39: {  	_ = 	snop;
	(pc) =	sbr.ind lr, $3  }
0x3a: {  	_ = 	snop  }
0x3b: {  	_ = 	snop  }
0x3c: {  	p2 =	seq.s32 s10, $0x1;
	s10 =	sld [smem:$0x3FB7]  }
0x3d: {  	_ =	shalt  }
0x3e: {  	_ =	shalt  }
0x3f: {  	_ =	shalt  }
0x40: {  	_ =	shalt  }
0x41: {  	_ =	shalt  }
0x42: {  	_ =	shalt  }
0x43: {  	_ =	shalt  }
0x44: {  	_ =	shalt  }
0x45: {  	_ =	shalt  }
0x46: {  	_ =	shalt  }
0x47: {  	_ =	shalt  }
0x48: {  	_ =	shalt  }
0x49: {  	_ =	shalt  }
0x4a: {  	_ =	shalt  }
0x4b: {  	_ =	shalt  }
0x4c: {  	_ =	shalt  }
0x4d: {  	_ =	shalt  }
0x4e: {  	_ =	shalt  }
0x4f: {  	_ =	shalt  }
0x50: {  	_ =	shalt  }
0x51: {  	_ =	shalt  }
0x52: {  	_ =	shalt  }
0x53: {  	_ =	shalt  }
0x54: {  	_ =	shalt  }
0x55: {  	_ =	shalt  }
0x56: {  	_ =	shalt  }
0x57: {  	_ =	shalt  }
0x58: {  	_ =	shalt  }
0x59: {  	_ =	shalt  }
0x5a: {  	_ =	shalt  }
0x5b: {  	_ =	shalt  }
0x5c: {  	_ =	shalt  }
0x5d: {  	_ =	shalt  }
0x5e: {  	_ =	shalt  }
0x5f: {  	_ =	shalt  }
0x60: {  	_ =	shalt  }
0x61: {  	_ =	shalt  }
0x62: {  	_ =	shalt  }
0x63: {  	_ =	shalt  }
0x64: {  	_ =	shalt  }
0x65: {  	_ =	shalt  }
0x66: {  	_ =	shalt  }
0x67: {  	_ =	shalt  }
0x68: {  	_ =	shalt  }
0x69: {  	_ =	shalt  }
0x6a: {  	_ =	shalt  }
0x6b: {  	_ =	shalt  }
0x6c: {  	_ =	shalt  }
0x6d: {  	_ =	shalt  }
0x6e: {  	_ =	shalt  }
0x6f: {  	_ =	shalt  }
0x70: {  	_ =	shalt  }
0x71: {  	_ =	shalt  }
0x72: {  	_ =	shalt  }
0x73: {  	_ =	shalt  }
0x74: {  	_ =	shalt  }
0x75: {  	_ =	shalt  }
0x76: {  	_ =	shalt  }
0x77: {  	_ =	shalt  }
0x78: {  	_ =	shalt  }
0x79: {  	_ =	shalt  }
0x7a: {  	_ =	shalt  }
0x7b: {  	_ =	shalt  }
0x7c: {  	_ =	shalt  }
0x7d: {  	_ =	shalt  }
0x7e: {  	_ =	shalt  }
0x7f: {  	_ =	shalt  }
0x80: {  	_ =	shalt  }
0x81: {  	_ =	shalt  }
0x82: {  	_ =	shalt  }
0x83: {  	_ =	shalt  }
0x84: {  	_ =	shalt  }
0x85: {  	_ =	shalt  }
0x86: {  	_ =	shalt  }
0x87: {  	_ =	shalt  }
.Lfunc_end0:
.L_simem_size_0:
called_computation_lowered:
.L_overlay_start_0:
0x88: {  	s2 =	sld [smem:$0x3FD9]  }
0x89: {  	s3 =	sld [smem:$0x3FFE];
	_ =	sdelay $0x1  }
0x8a: {  	s1 =	srdreg.scid  }
0x8b: {  	s0 =	sand.u32 $0x1, s1  }
0x8c: {  	s17 =	sshll.u32 s0, $0xA;
	s2 =	sadd.s32 s3, s2  }
0x8d: {  	s2 =	sadd.s32 s2, s17  }
0x8e: {  	[smem:$0x3FC3] =	sst s2  }
0x8f: {  	_ = 	snop  }
0x90: {  	s2 =	sld [smem:$0x3FC9]  }
0x91: {  	s18 =	sld [smem:$0x3FC8]  }
0x92: {  	s4 =	sld [smem:$0x3FC7]  }
0x93: {  	s5 =	sld [smem:$0x3FC5];
	(tm) =	ssettm $0x1  }
0x94: {  	s6 =	sld [smem:$0x3FFB];
	_ =	sdelay $0x3  }
0x95: {  	_ =	strace s6  }
0x96: {  	s6 =	sld [smem:$0x3FFC];
	_ =	sdelay $0x3  }
0x97: {  	_ =	strace s6  }
0x98: {  	s6 =	sld [smem:$0x3FFD];
	_ =	sdelay $0x3  }
0x99: {  	_ =	strace s6  }
0x9a: {  	_ =	strace $0x8FFFFFFF  }
0x9b: {  	s19 =	sld [smem:$0x3FDB];
	_ =	sdelay $0x1  }
0x9c: {  	s7 =	simm.s32 $_scs_section_size  }
0x9d: {  	s8 =	simm.s32 $_size__tile_overlayer_lowered;
	s9 =	simm.s32 $_tile_overlayer_lowered  }
0x9e: {  	s22 =	simm.s32 $0x1BFF;
	s21 =	sshll.u32 s9, $0x1;
	s6 =	sadd.s32 s7, s19  }
0x9f: {  	s10 =	simm.s32 $0x0;
	s20 =	sshll.u32 s8, $0x1;
	s8 =	sadd.s32 s21, s6  }
0xa0: {  	[timem:s10], [sflag:s22] =	dma.local [hbm:s8], s20  }
0xa1: {  	_ =	swait.ge [sflag:s22], s20  }
0xa2: {  	s7 =	ssub.s32 $0x0, s20;
	[sflag:s22] =	ssyncset.done $0x0  }
0xa3: {  	[sflag:s22] =	ssyncadd.s32 s7;
	_ =	sdelay $0x1  }
0xa4: {  	s23 =	simm.s32 $0x1B8B  }
0xa5: {  	_ =	swait.ge [sflag:s23], $0x1  }
0xa6: {  	[sflag:s23] =	ssyncset.done $0x0  }
0xa7: {  	s25 =	simm.s32 $0x1B8E;
	s24 =	sld [smem:$0x3FFE];
	[sflag:s23] =	ssyncadd.s32 $0xFFFFFFFF  }
0xa8: {  	s26 =	simm.s32 $execute0_lowered;
	[smem:$0x3FD2] =	sst s25  }
0xa9: {  	s8 =	sshll.u32 s26, $0x1;
	_ =	strace $0x80000046;
	[dreg:$0x1] =	wrdreg $0xFFFFFFFF  }
0xaa: {  	s28 =	simm.s32 $_size_execute0_lowered;
	s6 =	sadd.s32 s6, s8;
	[dreg:$0x0] =	wrdreg $0x0  }
0xab: {  	s8 =	sshll.u32 s28, $0x1;
	[dreg:$0x2] =	wrdreg s6  }
0xac: {  	[dreg:$0x3] =	wrdreg s8  }
0xad: {  	[dreg:$0x4] =	wrdreg $0xC0  }
0xae: {  	_ =	task [dreg:s10], $0x5FFFF  }
0xaf: {  	[dreg:$0x1] =	wrdreg $0xFFFFFFFF  }
0xb0: {  	[dreg:$0x0] =	wrdreg $0x60  }
0xb1: {  	[dreg:$0x2] =	wrdreg s2  }
0xb2: {  	[dreg:$0x3] =	wrdreg s18  }
0xb3: {  	[dreg:$0x4] =	wrdreg s4  }
0xb4: {  	[dreg:$0x5] =	wrdreg s5  }
0xb5: {  	[dreg:$0x6] =	wrdreg s24  }
0xb6: {  	[dreg:$0x7] =	wrdreg $0x9  }
0xb7: {  	_ =	task.clear_ibuf [dreg:s10], $0x8FFFF;
	_ =	strace $0x90000046  }
0xb8: {  	s29 =	simm.s32 $0x9;
	_ =	strace $0x80000048  }
0xb9: {  	_ =	swait.ge [sflag:s29], $0x1  }
0xba: {  	[sflag:s29] =	ssyncadd.s32 $0xFFFFFFFF  }
0xbb: {  	_ =	strace $0x90000048  }
0xbc: {  	_ =	sfence  }
0xbd: {  	s30 =	sld [smem:$0x0];
	_ =	sdelay $0x2  }
0xbe: {  	s31 =	sshll.u32 s1, $0xD;
	s1 =	sshrl.u32 s1, $0x2  }
0xbf: {  	s3 =	sand.u32 $0x4000, s31;
	s1 =	sadd.s32 s1, s30  }
0xc0: {  	s0 =	sor.u32 s3, s0;
	s1 =	sshll.u32 s1, $0x11  }
0xc1: {  	s0 =	sor.u32 s1, s0  }
0xc2: {  	s0 =	sadd.s32 $0x8F2B, s0  }
0xc3: {  	[sflag:s0] =	ssyncadd.remote.s32 $0x1  }
0xc4: {  	_ =	sfence.sel $0xFFFF  }
0xc5: {  	[dreg:$0x0] =	wrdreg $0xFFFFFFFF;
	(pc) =	sbr.abs _section_cstart, $3  }
0xc6: {  	[dreg:$0x1] =	wrdreg $0xFFFFFFFF  }
0xc7: {  	_ =	task.clear_ibuf [dreg:s10], $0x2FFFF;
	_ =	strace $0x9FFFFFFF  }
0xc8: {  	(tm) =	ssettm $0x7FFFFFFF  }
0xc9: {  	_ =	shalt  }
tec
execute0_lowered:
.L_overlay_start_1:
0x0: {  	(tag) =	ssettag $0x1  }
0x1: {  	v0 =	vimm.s32 $0xEFCDAB89;
	v1 =	vimm.s32 $0x67452301  }
0x2: {  	s5 =	rddreg [dreg:$0x0];
	v2 =	vimm.s32 $0xDCFE98BA;
	v3 =	vimm.s32 $0x54761032;
	v0 =	vunpack.c.l.s4.s8 v0  }
0x3: {  	s6 =	rddreg [dreg:$0x1];
	v1 =	vunpack.c.l.s4.s8 v1;
	v2 =	vunpack.c.l.s4.s8 v2;
	v3 =	vunpack.c.l.s4.s8 v3  }
0x4: {  	s0 =	rddreg [dreg:$0x2];
	v0 =	vunpack.c.0.s8.s32 v0  }
0x5: {  	s2 =	rddreg [dreg:$0x3];
	v1 =	vunpack.c.0.s8.s32 v1;
	v2 =	vunpack.c.0.s8.s32 v2;
	v3 =	vunpack.c.0.s8.s32 v3  }
0x6: {  	s3 =	srdreg.scid;
	s1 =	stileid.u32  }
0x7: {  	s7 =	rddreg [dreg:$0x4];
	s4 =	simm.s32 $0x0;
	s12 =	simm.s32 $0x1;
	v0 =	vcombine.low v1, v0;
	v1 =	vcombine.low v3, v2;
	v3 =	vimm.s32 $0xFEDCBA98  }
0x8: {  	v4 =	vimm.s32 $0x32107654;
	v5 =	vimm.s32 $0x76543210;
	s13 =	simm.s32 $0x1A0C0;
	s8 =	sand.u32 $0x1, s3;
	s3 =	rddreg [dreg:$0x5];
	v3 =	vunpack.c.l.s4.s8 v3  }
0x9: {  	s14 =	simm.s32 $0x0;
	s9 =	sshll.u32 s1, $0x1;
	[smem:$0x7FF] =	sst s4;
	v4 =	vunpack.c.l.s4.s8 v4;
	v5 =	vunpack.c.l.s4.s8 v5;
	v2 =	vimm.s32 $0xBA98FEDC  }
0xa: {  	v6 =	vimm.f32 $0.0e+00;
	s9 =	sor.u32 s8, s9;
	s8 =	ssub.s32 $0x2, s8;
	_ =	strace $0x80000047;
	v2 =	vunpack.c.l.s4.s8 v2;
	v3 =	vunpack.c.0.s8.s32 v3  }
0xb: {  	vm0 =	vcmask $0x2700;
	s10 =	smul.u32 $0x1A0, s9;
	s9 =	sshll.u32 s9, $0x4;
	s11 =	sshrl.u32 s8, $0x1;
	v4 =	vunpack.c.0.s8.s32 v4;
	v5 =	vunpack.c.0.s8.s32 v5  }
0xc: {  	s7 =	sadd.s32 s9, s7;
	s8 =	ssub.s32 s8, s11;
	s9 =	simm.s32 $0x1A20;
	v7 =	vunpack.c.0.s8.s32 v2;
	v2 =	vsel vm0, $0x3F800000, v6;
	v6 =	vand.u32 $0xF, v3  }
0xd: {  	s11 =	simm.s32 $0x1A140;
	s5 =	sadd.s32 s5, s10;
	s6 =	sadd.s32 s6, s10;
	v5 =	vcombine.low v6, v5  }
0xe: {  	s7 =	sadd.s32 $0x800, s7;
	s8 =	smax.u32 s8, $0x1;
	s10 =	simm.s32 $0x2;
	vm0 =	vmmov $0x3ff;
	v3 =	vcombine.low v4, v7;
	v4 =	vlaneseq.u32  }
.LBB2_1:
0xf: {  	[tilespmem:s9], [sflag:$0x1] =	stream.linear.gather [hbm4b:s0+s4], $0x186A0, $0x38;
	[tilespmem:$0x1A150] =	vst v63  }
0x10: {  	_ = 	snop  }
0x11: {  	[tilespmem:s4], [sflag:$0x2] =	stream.linear.gather [hbm4b:s5+s4], $0xD00, $0x38;
	[tilespmem:$0x1A150] =	vst v63  }
0x12: {  	_ =	swait.ge [sflag:s10], $0xD00  }
0x13: {  	[sflag:s10] =	ssyncset.done $0x0  }
0x14: {  	s15 =	simm.s32 $0xD10;
	[sflag:s10] =	ssyncadd.s32 $0xFFFFF300  }
0x15: {  	[tilespmem:s15], [sflag:$0x2] =	stream.linear.gather [hbm4b:s6+s4], $0xD00, $0x38;
	[tilespmem:$0x1A150] =	vst v63  }
0x16: {  	_ =	swait.ge [sflag:s10], $0xD00  }
0x17: {  	[sflag:s10] =	ssyncset.done $0x0  }
0x18: {  	[sflag:s10] =	ssyncadd.s32 $0xFFFFF300  }
0x19: {  	[tilespmem:s11], [sflag:$0x2] =	stream.linear.gather [hbm4b:s2+s4], $0x10, $0x38;
	[tilespmem:$0x1A150] =	vst v63  }
0x1a: {  	_ =	swait.ge [sflag:s10], $0x10  }
0x1b: {  	[sflag:s10] =	ssyncset.done $0x0  }
0x1c: {  	[sflag:s10] =	ssyncadd.s32 $0xFFFFFFF0  }
0x1d: {  	_ =	swait.ge [sflag:s12], $0x186A0  }
0x1e: {  	s16 =	simm.s32 $0x0;
	[sflag:s12] =	ssyncset.done $0x0  }
0x1f: {  	s17 =	simm.s32 $0x0;
	s18 =	simm.s32 $0x0;
	[sflag:s12] =	ssyncadd.s32 $0xFFFE7960  }
.LBB2_2:
0x20: {  	s19 =	sand.u32 $0xFFE, s17  }
0x21: {  	v6 =	vld [tilespmem:s19+$0x10]  }
0x22: {  	v7 =	vld [tilespmem:s16+$0x0];
	_ =	sdelay $0x2  }
0x23: {  	s20 =	sadd.s32 $0x1A, s17  }
0x24: {  	v11 =	vld [tilespmem:s15+$0x0];
	s22 =	sand.u32 $0xFFE, s20;
	v6 =	vnsel vm0, $0x0, v6  }
0x25: {  	s21 =	sadd.s32 $0x1A, s16;
	v9 =	vld [tilespmem:s22+$0x10]  }
0x26: {  	v8 =	vld [tilespmem:s21+$0x0]  }
0x27: {  	v10 =	vld [tilespmem:s19+$0xD20]  }
0x28: {  	v7 =	vld.idx.msk [tilespmem:v7+s9+$0x0], $0xffff  }
0x29: {  	v6 =	vld.idx.msk [tilespmem:v6+s9+$0x0], $0xffff  }
0x2a: {  	s25 =	sadd.s32 $0x1A, s21;
	v9 =	vnsel vm0, $0x0, v9  }
0x2b: {  	s24 =	sadd.s32 $0x1A, s20;
	v12 =	vld [tilespmem:s25+$0x0]  }
0x2c: {  	s26 =	sand.u32 $0xFFE, s24;
	v14 =	vld [tilespmem:s22+$0xD20];
	v10 =	vmul.f32 v2, v10  }
0x2d: {  	v13 =	vld [tilespmem:s26+$0x10]  }
0x2e: {  	v8 =	vld.idx.msk [tilespmem:v8+s9+$0x0], $0xffff;
	v7 =	vmul.f32 v7, v11;
	v6 =	vmul.f32 v6, v10  }
0x2f: {  	s31 =	sadd.s32 $0x1A, s15;
	v9 =	vld.idx.msk [tilespmem:v9+s9+$0x0], $0xffff  }
0x30: {  	v6 =	vadd.f32 v6, v7;
	v7 =	vld [tilespmem:s31+$0x0];
	_ =	sdelay $0x2  }
0x31: {  	v10 =	vnsel vm0, $0x0, v13;
	v13 =	vmul.f32 v2, v14;
	v11 =	vperm.xlane v6, v0  }
0x32: {  	s19 =	sadd.s32 $0x1A, s24;
	s24 =	sadd.s32 $0x1A, s31;
	v15 =	vld [tilespmem:s26+$0xD20]  }
0x33: {  	s30 =	sand.u32 $0xFFE, s19;
	v18 =	vld [tilespmem:s24+$0x0];
	v6 =	vadd.f32 v6, v11;
	v7 =	vmul.f32 v8, v7;
	v8 =	vmul.f32 v9, v13  }
0x34: {  	s20 =	sadd.s32 $0x1A, s25;
	v14 =	vld [tilespmem:s30+$0x10]  }
0x35: {  	v9 =	vperm.xlane v6, v1;
	v7 =	vadd.f32 v8, v7;
	v8 =	vld [tilespmem:s20+$0x0]  }
0x36: {  	v16 =	vld.idx.msk [tilespmem:v12+s9+$0x0], $0xffff  }
0x37: {  	v17 =	vld.idx.msk [tilespmem:v10+s9+$0x0], $0xffff;
	v10 =	vadd.f32 v6, v9;
	_ =	sdelay $0x1  }
0x38: {  	s25 =	sadd.s32 $0x1A, s19;
	s28 =	sadd.s32 $0x1A, s20;
	v12 =	vnsel vm0, $0x0, v14;
	v9 =	vperm.xlane v7, v0;
	v19 =	vperm.xlane v10, v3  }
0x39: {  	s26 =	sand.u32 $0xFFE, s25;
	v15 =	vmul.f32 v2, v15;
	v11 =	vld [tilespmem:s28+$0x0]  }
0x3a: {  	s23 =	simm.s32 $0x0;
	s29 =	simm.s32 $0x5;
	s21 =	simm.s32 $0x2;
	v13 =	vld [tilespmem:s26+$0x10];
	v9 =	vadd.f32 v7, v9;
	v7 =	vadd.f32 v10, v19  }
0x3b: {  	s22 =	simm.s32 $0x1;
	s19 =	simm.s32 $0x4;
	v14 =	vmul.f32 v16, v18;
	s20 =	simm.s32 $0x3;
	v6 =	vimm.f32 $0.0e+00;
	v15 =	vmul.f32 v17, v15;
	v10 =	vld [tilespmem:s30+$0xD20]  }
.LBB2_3:
0x3c: {  	p0 =	sne.s32 s29, $0xF;
	v16 =	vld.idx.msk [tilespmem:v8+s9+$0x0], $0xffff;
	v20 =	vperm.xlane v9, v1;
	v17 =	vperm.xlane v7, v5  }
0x3d: {  	s24 =	sadd.s32 $0x1A, s24;
	v18 =	vld.idx.msk [tilespmem:v12+s9+$0x0], $0xffff;
	v14 =	vadd.f32 v15, v14  }
0x3e: {  	v15 =	vld [tilespmem:s24+$0x0];
	v19 =	vadd.f32 v9, v20;
	v9 =	vmov s23;
	v7 =	vadd.f32 v7, v17;
	v8 =	vmovc v11;
	s23 =	smov.u32 s22;
	s22 =	smov.u32 s21;
	s21 =	smov.u32 s20  }
.Ltmp0:
0x3f: {  	s20 =	smov.u32 s19;
	s19 =	smov.u32 s29;
	v12 =	vnsel vm0, $0x0, v13;
	vm1 =	veq.s32 v9, v4;
	(pc) =	sbr.rel @p0 .LBB2_3-.Ltmp0, $4  }
0x40: {  	s25 =	sadd.s32 $0x1A, s25;
	s28 =	sadd.s32 $0x1A, s28;
	v9 =	vperm.xlane v14, v0;
	v17 =	vperm.xlane v19, v3;
	v6 =	vsel vm1, v7, v6  }
0x41: {  	s30 =	sand.u32 $0xFFE, s25;
	v20 =	vmul.f32 v2, v10;
	v11 =	vld [tilespmem:s28+$0x0]  }
0x42: {  	v9 =	vadd.f32 v14, v9;
	v13 =	vld [tilespmem:s30+$0x10];
	v7 =	vadd.f32 v19, v17  }
0x43: {  	s29 =	sadd.s32 $0x1, s29;
	v10 =	vld [tilespmem:s26+$0xD20];
	v14 =	vmul.f32 v16, v15;
	v15 =	vmul.f32 v18, v20;
	s26 =	smov.u32 s30  }
0x44: {  	_ =	sdelay $0x3  }
0x45: {  	v8 =	vld.idx.msk [tilespmem:v8+s9+$0x0], $0xffff  }
0x46: {  	v12 =	vld.idx.msk [tilespmem:v12+s9+$0x0], $0xffff;
	v13 =	vnsel vm0, $0x0, v13  }
0x47: {  	s24 =	sadd.s32 $0x1A, s24;
	v17 =	vld [tilespmem:s26+$0xD20]  }
0x48: {  	v16 =	vld [tilespmem:s24+$0x0]  }
0x49: {  	s24 =	sadd.s32 $0x1A, s24;
	v11 =	vld.idx.msk [tilespmem:v11+s9+$0x0], $0xffff  }
0x4a: {  	v18 =	vld [tilespmem:s24+$0x0]  }
0x4b: {  	v13 =	vld.idx.msk [tilespmem:v13+s9+$0x0], $0xffff;
	_ =	sdelay $0x1  }
0x4c: {  	v10 =	vmul.f32 v2, v10  }
0x4d: {  	v17 =	vmul.f32 v2, v17  }
0x4e: {  	v8 =	vmul.f32 v8, v16;
	v10 =	vmul.f32 v12, v10  }
0x4f: {  	v14 =	vadd.f32 v15, v14;
	v11 =	vmul.f32 v11, v18;
	v41 =	vmul.f32 v13, v17  }
0x50: {  	v8 =	vadd.f32 v10, v8  }
0x51: {  	v42 =	vperm.xlane v14, v0;
	v43 =	vadd.f32 v41, v11  }
0x52: {  	v45 =	vperm.xlane v8, v0  }
0x53: {  	v46 =	vperm.xlane v9, v1;
	v44 =	vadd.f32 v14, v42;
	v47 =	vperm.xlane v43, v0  }
0x54: {  	v8 =	vadd.f32 v8, v45  }
0x55: {  	v9 =	vadd.f32 v9, v46;
	v48 =	vperm.xlane v44, v1;
	v10 =	vadd.f32 v43, v47  }
0x56: {  	v49 =	vperm.xlane v7, v5;
	v54 =	vmov s23;
	v50 =	vperm.xlane v8, v1  }
0x57: {  	v51 =	vperm.xlane v9, v3;
	v11 =	vadd.f32 v44, v48;
	v52 =	vperm.xlane v10, v1  }
0x58: {  	vm1 =	veq.s32 v54, v4;
	v7 =	vadd.f32 v7, v49;
	v8 =	vadd.f32 v8, v50  }
0x59: {  	v9 =	vadd.f32 v9, v51;
	v53 =	vperm.xlane v11, v3;
	v10 =	vadd.f32 v10, v52  }
0x5a: {  	v6 =	vsel vm1, v7, v6;
	v55 =	vperm.xlane v8, v3  }
0x5b: {  	v7 =	vperm.xlane v9, v5;
	v11 =	vadd.f32 v11, v53;
	v56 =	vperm.xlane v10, v3  }
0x5c: {  	v57 =	vmov s22;
	v60 =	vmov s21;
	v8 =	vadd.f32 v8, v55  }
0x5d: {  	v7 =	vadd.f32 v9, v7;
	v58 =	vperm.xlane v11, v5;
	v59 =	vadd.f32 v10, v56  }
0x5e: {  	v62 =	vmov s20;
	vm1 =	veq.s32 v57, v4;
	v12 =	vperm.xlane v8, v5  }
0x5f: {  	v61 =	vld [tilespmem:$0x1A140];
	v6 =	vsel vm1, v7, v6;
	v11 =	vadd.f32 v11, v58;
	v7 =	vperm.xlane v59, v5  }
0x60: {  	v63 =	vmov s19;
	s31 =	sshll.u32 s18, $0x4;
	s18 =	sadd.s32 $0x1, s18;
	vm1 =	veq.s32 v60, v4;
	v8 =	vadd.f32 v8, v12  }
0x61: {  	p0 =	sne.s32 s18, $0x8;
	v6 =	vsel vm1, v11, v6;
	vm1 =	veq.s32 v62, v4;
	v7 =	vadd.f32 v59, v7  }
.Ltmp1:
0x62: {  	v6 =	vsel vm1, v8, v6;
	vm1 =	veq.s32 v63, v4;
	(pc) =	sbr.rel @p0 .LBB2_2-.Ltmp1, $4  }
0x63: {  	v6 =	vsel vm1, v7, v6  }
0x64: {  	v6 =	vadd.f32 v61, v6  }
0x65: {  	s19 =	sand.u32 $0x3FFFFFF0, s31  }
0x66: {  	s17 =	sadd.s32 $0x1A0, s17;
	s15 =	sadd.s32 $0x1A0, s15;
	s16 =	sadd.s32 $0x1A0, s16;
	[tilespmem:s19+$0x1A0C0] =	vst v6  }
0x67: {  	s14 =	sadd.s32 $0x1, s14  }
0x68: {  	p0 =	sne.s32 s14, s8  }
.Ltmp2:
0x69: {  	_ = 	snop;
	(pc) =	sbr.rel @p0 .LBB2_1-.Ltmp2, $4  }
0x6a: {  	[hbm4b:s7+s4] =	stream.linear.scatter [tilespmem:s13], [sflag:$0x2], $0x80, $0x38;
	[tilespmem:$0x1A150] =	vst v63  }
0x6b: {  	_ =	swait.ge [sflag:s10], $0x80  }
0x6c: {  	[sflag:s10] =	ssyncset.done $0x0  }
0x6d: {  	[sflag:s10] =	ssyncadd.s32 $0xFFFFFF80  }
0x6e: {  	_ =	sfence.sel $0x180000  }
0x6f: {  	[bflag:$0x0] =	sbarrier.arrive $0xFFFF  }
0x70: {  	p0 =	sne.s32 s1, $0x0;
	_ =	strace $0x90000047  }
0x71: {  	s0 =	sadd.s32 @!p0 $0x100000, s3;
	[bflag:$0x2] =	sbarrier.arrive $0xFFFF  }
0x72: {  	[sflag:s0] =	ssyncadd.tile.s32 @!p0 $0x1;
	_ =	shalt  }
.Lfunc_end2:
_tile_overlayer_lowered:
.L_overlay_start_2:
0x73: {  	(tag) =	ssettag $0x2  }
0x74: {  	s0 =	rddreg [dreg:$0x0];
	s2 =	stileid.u32  }
0x75: {  	s1 =	rddreg [dreg:$0x1];
	p0 =	sne.s32 s2, $0x0  }
0x76: {  	s3 =	rddreg [dreg:$0x2];
	[bflag:$0x3] =	sbarrier.arrive $0xFFFF;
	s2 =	simm.s32 @!p0 $0x1C02  }
0x77: {  	[timem:s3], [sflag:s2] =	dma.local @!p0 [hbm:s0], s1  }
0x78: {  	s0 =	simm.s32 @!p0 $0x2  }
0x79: {  	_ =	swait.ge @!p0 [sflag:s0], s1  }
0x7a: {  	s1 =	ssub.s32 @!p0 $0x0, s1;
	[sflag:s0] =	ssyncset.done @!p0 $0x0  }
0x7b: {  	[sflag:s0] =	ssyncadd.s32 @!p0 s1  }
0x7c: {  	[bflag:$0x3] =	sbarrier.arrive $0xFFFF  }
0x7d: {  	_ =	shalt  }

// kernel: _fm_call.7.cloned.1.call-start
scs
__scs_entry_jumppad:
0x0: {  	(pc) =	sbr.rel $0x88, $3  }
0x1: {  	(tag) =	ssettag $0x0;
	lr =	simm.s32 $0x1  }
0x2: {  	[smem:$0x3F9C] =	sst lr;
	_ =	strace $0xD0000000  }
0x3: {  	_ = 	snop  }
0x4: {  	_ = 	snop  }
0x5: {  	_ = 	snop  }
0x6: {  	_ = 	snop  }
0x7: {  	_ = 	snop  }
__scs_overlays_trampoline_lowered:
0x8: {  	[smem:$0x3FAB] =	sst s0  }
0x9: {  	[smem:$0x3FAC] =	sst s1  }
0xa: {  	[smem:$0x3FAD] =	sst s2  }
0xb: {  	[smem:$0x3FAE] =	sst s3  }
0xc: {  	[smem:$0x3FAF] =	sst s4  }
0xd: {  	[smem:$0x3FB0] =	sst s5  }
0xe: {  	[smem:$0x3FB1] =	sst s6  }
0xf: {  	[smem:$0x3FB2] =	sst s7  }
0x10: {  	[smem:$0x3FB3] =	sst s8  }
0x11: {  	[smem:$0x3FB4] =	sst s9;
	s0 =	simm.s32 @!p0 $0x0  }
0x12: {  	s1 =	sld [smem:$0x3F9A];
	s0 =	simm.s32 @p0 $0x1  }
0x13: {  	[smem:$0x3FB5] =	sst s0;
	s0 =	simm.s32 @!p1 $0x0  }
0x14: {  	s2 =	sld [smem:$0x3F99];
	s0 =	simm.s32 @p1 $0x1  }
0x15: {  	[smem:$0x3FB6] =	sst s0;
	s0 =	simm.s32 @!p2 $0x0  }
0x16: {  	s3 =	sld [smem:$0x3FDB];
	s0 =	simm.s32 @p2 $0x1  }
0x17: {  	s4 =	simm.s32 $0x1BF5;
	[smem:$0x3FB8] =	sst s0  }
0x18: {  	s0 =	sld [smem:$0x3F9B];
	_ =	swait.ge [sflag:s4], $0x0  }
0x19: {  	s7 =	sld [smem:$0x3F9C]  }
0x1a: {  	s8 =	sadd.s32 $0xFFFFE003, lr  }
0x1b: {  	s9 =	sadd.s32 $0xFFFFFEF7, lr;
	s5 =	simm.s32 $0xFFFFFFFF;
	p2 =	slt.u32 s8, $0xFFFFF086  }
0x1c: {  	p1 =	slt.u32 s9, $0xF7A;
	s5 =	simm.s32 @!p2 $0x0  }
0x1d: {  	s5 =	simm.s32 @p1 $0x1;
	p0 =	seq.s32 s7, s2  }
0x1e: {  	s7 =	smul.u32 @!p0 $0xF7A, s2;
	p2 =	seq.s32 @!p0 s5, $0x0  }
0x1f: {  	s9 =	smul.u32 $0xF7A, s1;
	s8 =	simm.s32 @!p0 $0x1BF5;
	p2 =	por !p2, p0  }
0x20: {  	[sflag:s8] =	ssyncset.s32 @!p0 $0xFFFFF086;
	s6 =	sadd.s32 @!p0 s3, s7;
	s7 =	simm.s32 @!p0 $0x108  }
0x21: {  	s3 =	sadd.s32 s3, s9;
	s6 =	sadd.s32 @!p0 $0x88, s6;
	s7 =	simm.s32 @p2 $0x1082  }
0x22: {  	[simem:s7], [sflag:s8] =	dma.local @!p0 [hbm:s6], $0xF7A  }
0x23: {  	s9 =	sor.u32 $0xD0000000, s2;
	s6 =	simm.s32 $0x108;
	_ =	swait.ge @!p0 [sflag:s8], $0x0  }
0x24: {  	s3 =	sadd.s32 $0x88, s3;
	s6 =	simm.s32 @!p1 $0x1082;
	[sflag:s4] =	ssyncset.s32 $0xFFFFF086  }
0x25: {  	[simem:s6], [sflag:s4] =	dma.local [hbm:s3], $0xF7A  }
0x26: {  	[smem:$0x3F9C] =	sst s1;
	(tag) =	ssettag s2;
	_ =	strace s9  }
0x27: {  	s1 =	sld [smem:$0x3FAC]  }
0x28: {  	s2 =	sld [smem:$0x3FAD]  }
0x29: {  	s4 =	sld [smem:$0x3FAF]  }
0x2a: {  	p0 =	seq.s32 s5, $0x0;
	s5 =	sld [smem:$0x3FB0]  }
0x2b: {  	s6 =	sld [smem:$0x3FB1]  }
0x2c: {  	s7 =	sld [smem:$0x3FB2]  }
0x2d: {  	s3 =	simm.s32 $0x108;
	s8 =	sld [smem:$0x3FB3]  }
0x2e: {  	s3 =	simm.s32 @!p0 $0x1082;
	s9 =	sld [smem:$0x3FB4]  }
0x2f: {  	lr =	sadd.s32 s0, s3;
	s0 =	sld [smem:$0x3FAB]  }
0x30: {  	s3 =	sld [smem:$0x3FAE]  }
0x31: {  	[smem:$0x3FB7] =	sst s10  }
0x32: {  	s10 =	sld [smem:$0x3FB5];
	_ =	sdelay $0x3  }
0x33: {  	p0 =	seq.s32 s10, $0x1;
	s10 =	sld [smem:$0x3FB7];
	_ =	sdelay $0x3  }
0x34: {  	[smem:$0x3FB7] =	sst s10  }
0x35: {  	s10 =	sld [smem:$0x3FB6];
	_ =	sdelay $0x3  }
0x36: {  	p1 =	seq.s32 s10, $0x1;
	s10 =	sld [smem:$0x3FB7];
	_ =	sdelay $0x3  }
0x37: {  	[smem:$0x3FB7] =	sst s10  }
0x38: {  	s10 =	sld [smem:$0x3FB8]  }
0x39: {  	_ = 	snop;
	(pc) =	sbr.ind lr, $3  }
0x3a: {  	_ = 	snop  }
0x3b: {  	_ = 	snop  }
0x3c: {  	p2 =	seq.s32 s10, $0x1;
	s10 =	sld [smem:$0x3FB7]  }
0x3d: {  	_ =	shalt  }
0x3e: {  	_ =	shalt  }
0x3f: {  	_ =	shalt  }
0x40: {  	_ =	shalt  }
0x41: {  	_ =	shalt  }
0x42: {  	_ =	shalt  }
0x43: {  	_ =	shalt  }
0x44: {  	_ =	shalt  }
0x45: {  	_ =	shalt  }
0x46: {  	_ =	shalt  }
0x47: {  	_ =	shalt  }
0x48: {  	_ =	shalt  }
0x49: {  	_ =	shalt  }
0x4a: {  	_ =	shalt  }
0x4b: {  	_ =	shalt  }
0x4c: {  	_ =	shalt  }
0x4d: {  	_ =	shalt  }
0x4e: {  	_ =	shalt  }
0x4f: {  	_ =	shalt  }
0x50: {  	_ =	shalt  }
0x51: {  	_ =	shalt  }
0x52: {  	_ =	shalt  }
0x53: {  	_ =	shalt  }
0x54: {  	_ =	shalt  }
0x55: {  	_ =	shalt  }
0x56: {  	_ =	shalt  }
0x57: {  	_ =	shalt  }
0x58: {  	_ =	shalt  }
0x59: {  	_ =	shalt  }
0x5a: {  	_ =	shalt  }
0x5b: {  	_ =	shalt  }
0x5c: {  	_ =	shalt  }
0x5d: {  	_ =	shalt  }
0x5e: {  	_ =	shalt  }
0x5f: {  	_ =	shalt  }
0x60: {  	_ =	shalt  }
0x61: {  	_ =	shalt  }
0x62: {  	_ =	shalt  }
0x63: {  	_ =	shalt  }
0x64: {  	_ =	shalt  }
0x65: {  	_ =	shalt  }
0x66: {  	_ =	shalt  }
0x67: {  	_ =	shalt  }
0x68: {  	_ =	shalt  }
0x69: {  	_ =	shalt  }
0x6a: {  	_ =	shalt  }
0x6b: {  	_ =	shalt  }
0x6c: {  	_ =	shalt  }
0x6d: {  	_ =	shalt  }
0x6e: {  	_ =	shalt  }
0x6f: {  	_ =	shalt  }
0x70: {  	_ =	shalt  }
0x71: {  	_ =	shalt  }
0x72: {  	_ =	shalt  }
0x73: {  	_ =	shalt  }
0x74: {  	_ =	shalt  }
0x75: {  	_ =	shalt  }
0x76: {  	_ =	shalt  }
0x77: {  	_ =	shalt  }
0x78: {  	_ =	shalt  }
0x79: {  	_ =	shalt  }
0x7a: {  	_ =	shalt  }
0x7b: {  	_ =	shalt  }
0x7c: {  	_ =	shalt  }
0x7d: {  	_ =	shalt  }
0x7e: {  	_ =	shalt  }
0x7f: {  	_ =	shalt  }
0x80: {  	_ =	shalt  }
0x81: {  	_ =	shalt  }
0x82: {  	_ =	shalt  }
0x83: {  	_ =	shalt  }
0x84: {  	_ =	shalt  }
0x85: {  	_ =	shalt  }
0x86: {  	_ =	shalt  }
0x87: {  	_ =	shalt  }
.Lfunc_end0:
.L_simem_size_0:
called_computation.1_lowered:
.L_overlay_start_0:
0x88: {  	s2 =	sld [smem:$0x3FD9]  }
0x89: {  	s3 =	sld [smem:$0x3FFE];
	_ =	sdelay $0x1  }
0x8a: {  	s1 =	srdreg.scid  }
0x8b: {  	s0 =	sand.u32 $0x1, s1  }
0x8c: {  	s17 =	sshll.u32 s0, $0xA;
	s2 =	sadd.s32 s3, s2  }
0x8d: {  	s2 =	sadd.s32 s2, s17  }
0x8e: {  	[smem:$0x3FC3] =	sst s2  }
0x8f: {  	_ = 	snop  }
0x90: {  	s2 =	sld [smem:$0x3FC9]  }
0x91: {  	s18 =	sld [smem:$0x3FC8]  }
0x92: {  	s4 =	sld [smem:$0x3FC6]  }
0x93: {  	s5 =	sld [smem:$0x3FD0];
	(tm) =	ssettm $0x1  }
0x94: {  	s6 =	sld [smem:$0x3FFB];
	_ =	sdelay $0x3  }
0x95: {  	_ =	strace s6  }
0x96: {  	s6 =	sld [smem:$0x3FFC];
	_ =	sdelay $0x3  }
0x97: {  	_ =	strace s6  }
0x98: {  	s6 =	sld [smem:$0x3FFD];
	_ =	sdelay $0x3  }
0x99: {  	_ =	strace s6  }
0x9a: {  	_ =	strace $0x8FFFFFFF  }
0x9b: {  	s19 =	sld [smem:$0x3FDB];
	_ =	sdelay $0x1  }
0x9c: {  	s7 =	simm.s32 $_scs_section_size  }
0x9d: {  	s8 =	simm.s32 $_size__tile_overlayer_lowered;
	s9 =	simm.s32 $_tile_overlayer_lowered  }
0x9e: {  	s22 =	simm.s32 $0x1BFF;
	s21 =	sshll.u32 s9, $0x1;
	s6 =	sadd.s32 s7, s19  }
0x9f: {  	s10 =	simm.s32 $0x0;
	s20 =	sshll.u32 s8, $0x1;
	s8 =	sadd.s32 s21, s6  }
0xa0: {  	[timem:s10], [sflag:s22] =	dma.local [hbm:s8], s20  }
0xa1: {  	_ =	swait.ge [sflag:s22], s20  }
0xa2: {  	s7 =	ssub.s32 $0x0, s20;
	[sflag:s22] =	ssyncset.done $0x0  }
0xa3: {  	[sflag:s22] =	ssyncadd.s32 s7;
	_ =	sdelay $0x1  }
0xa4: {  	s23 =	simm.s32 $0x1B8B  }
0xa5: {  	_ =	swait.ge [sflag:s23], $0x1  }
0xa6: {  	[sflag:s23] =	ssyncset.done $0x0  }
0xa7: {  	s25 =	simm.s32 $0x1B8E;
	s24 =	sld [smem:$0x3FFE];
	[sflag:s23] =	ssyncadd.s32 $0xFFFFFFFF  }
0xa8: {  	s26 =	simm.s32 $execute0_lowered;
	[smem:$0x3FD2] =	sst s25  }
0xa9: {  	s8 =	sshll.u32 s26, $0x1;
	_ =	strace $0x80000049;
	[dreg:$0x1] =	wrdreg $0xFFFFFFFF  }
0xaa: {  	s28 =	simm.s32 $_size_execute0_lowered;
	s6 =	sadd.s32 s6, s8;
	[dreg:$0x0] =	wrdreg $0x0  }
0xab: {  	s8 =	sshll.u32 s28, $0x1;
	[dreg:$0x2] =	wrdreg s6  }
0xac: {  	[dreg:$0x3] =	wrdreg s8  }
0xad: {  	[dreg:$0x4] =	wrdreg $0xC0  }
0xae: {  	_ =	task [dreg:s10], $0x5FFFF  }
0xaf: {  	[dreg:$0x1] =	wrdreg $0xFFFFFFFF  }
0xb0: {  	[dreg:$0x0] =	wrdreg $0x60  }
0xb1: {  	[dreg:$0x2] =	wrdreg s2  }
0xb2: {  	[dreg:$0x3] =	wrdreg s18  }
0xb3: {  	[dreg:$0x4] =	wrdreg s4  }
0xb4: {  	[dreg:$0x5] =	wrdreg s24  }
0xb5: {  	[dreg:$0x6] =	wrdreg s5  }
0xb6: {  	[dreg:$0x7] =	wrdreg $0x9  }
0xb7: {  	_ =	task.clear_ibuf [dreg:s10], $0x8FFFF;
	_ =	strace $0x90000049  }
0xb8: {  	s29 =	simm.s32 $0x9;
	_ =	strace $0x8000004B  }
0xb9: {  	_ =	swait.ge [sflag:s29], $0x1  }
0xba: {  	[sflag:s29] =	ssyncadd.s32 $0xFFFFFFFF  }
0xbb: {  	_ =	strace $0x9000004B  }
0xbc: {  	_ =	sfence  }
0xbd: {  	s30 =	sld [smem:$0x0];
	_ =	sdelay $0x2  }
0xbe: {  	s31 =	sshll.u32 s1, $0xD;
	s1 =	sshrl.u32 s1, $0x2  }
0xbf: {  	s3 =	sand.u32 $0x4000, s31;
	s1 =	sadd.s32 s1, s30  }
0xc0: {  	s0 =	sor.u32 s3, s0;
	s1 =	sshll.u32 s1, $0x11  }
0xc1: {  	s0 =	sor.u32 s1, s0  }
0xc2: {  	s0 =	sadd.s32 $0x8F2B, s0  }
0xc3: {  	[sflag:s0] =	ssyncadd.remote.s32 $0x1  }
0xc4: {  	_ =	sfence.sel $0xFFFF  }
0xc5: {  	[dreg:$0x0] =	wrdreg $0xFFFFFFFF;
	(pc) =	sbr.abs _section_cstart, $3  }
0xc6: {  	[dreg:$0x1] =	wrdreg $0xFFFFFFFF  }
0xc7: {  	_ =	task.clear_ibuf [dreg:s10], $0x2FFFF;
	_ =	strace $0x9FFFFFFF  }
0xc8: {  	(tm) =	ssettm $0x7FFFFFFF  }
0xc9: {  	_ =	shalt  }
tec
execute0_lowered:
.L_overlay_start_1:
0x0: {  	(tag) =	ssettag $0x1  }
0x1: {  	s4 =	rddreg [dreg:$0x0]  }
0x2: {  	s5 =	rddreg [dreg:$0x1]  }
0x3: {  	s1 =	rddreg [dreg:$0x2]  }
0x4: {  	s6 =	rddreg [dreg:$0x3]  }
0x5: {  	s7 =	rddreg [dreg:$0x4];
	v0 =	vimm.s32 $0xEFCDAB89;
	v1 =	vimm.s32 $0x67452301;
	v2 =	vimm.s32 $0xDCFE98BA  }
0x6: {  	s0 =	rddreg [dreg:$0x5];
	v3 =	vimm.s32 $0x54761032;
	v4 =	vimm.s32 $0xBA98FEDC;
	v5 =	vimm.s32 $0xFEDCBA98  }
0x7: {  	s8 =	srdreg.scid;
	s2 =	stileid.u32;
	v6 =	vimm.s32 $0x32107654;
	v7 =	vimm.s32 $0x76543210;
	v0 =	vunpack.c.l.s4.s8 v0  }
0x8: {  	s3 =	simm.s32 $0x0;
	s12 =	simm.s32 $0x8220;
	s13 =	simm.s32 $0x15220;
	v1 =	vunpack.c.l.s4.s8 v1;
	v2 =	vunpack.c.l.s4.s8 v2;
	v3 =	vunpack.c.l.s4.s8 v3  }
0x9: {  	s14 =	simm.s32 $0x680;
	s15 =	simm.s32 $0xEA20;
	s16 =	simm.s32 $0x1;
	v5 =	vunpack.c.l.s4.s8 v5;
	v4 =	vunpack.c.l.s4.s8 v4;
	v6 =	vunpack.c.l.s4.s8 v6  }
0xa: {  	s17 =	simm.s32 $0x9C0;
	s18 =	simm.s32 $0x2;
	s19 =	simm.s32 $0x3;
	v7 =	vunpack.c.l.s4.s8 v7;
	v2 =	vunpack.c.0.s8.s32 v2;
	v3 =	vunpack.c.0.s8.s32 v3  }
0xb: {  	s20 =	simm.s32 $0x152A0;
	s8 =	sand.u32 $0x1, s8;
	s9 =	sshll.u32 s2, $0x1;
	v0 =	vunpack.c.0.s8.s32 v0;
	v4 =	vunpack.c.0.s8.s32 v4;
	v6 =	vunpack.c.0.s8.s32 v6  }
0xc: {  	s21 =	simm.s32 $0x0;
	[smem:$0x7FF] =	sst s3;
	s9 =	sor.u32 s8, s9;
	v1 =	vunpack.c.0.s8.s32 v1;
	v5 =	vunpack.c.0.s8.s32 v5;
	v58 =	vcombine.low v3, v2  }
0xd: {  	s8 =	ssub.s32 $0x2, s8;
	_ =	strace $0x8000004A;
	s10 =	sshll.u32 s9, $0x4;
	v7 =	vunpack.c.0.s8.s32 v7;
	v59 =	vcombine.low v6, v4  }
0xe: {  	s11 =	sshrl.u32 s8, $0x1;
	s9 =	smul.u32 $0x1A0, s9;
	s6 =	sadd.s32 s10, s6;
	v57 =	vcombine.low v1, v0;
	v63 =	vand.u32 $0xF, v5;
	[tilespmem:$0x1FFC0] =	vst v58  }
0xf: {  	s8 =	ssub.s32 s8, s11;
	s7 =	sadd.s32 s7, s10;
	s10 =	simm.s32 $0x340;
	v60 =	vcombine.low v63, v7;
	[tilespmem:$0x1FFD0] =	vst v59  }
0x10: {  	s11 =	simm.s32 $0x1A20;
	s4 =	sadd.s32 s4, s9;
	s5 =	sadd.s32 s5, s9;
	[tilespmem:$0x1FFF0] =	vst v57  }
0x11: {  	s6 =	sadd.s32 $0x800, s6;
	s8 =	smax.u32 s8, $0x1;
	s9 =	simm.s32 $0x4;
	[tilespmem:$0x1FFE0] =	vst v60  }
.LBB2_1:
0x12: {  	[tilespmem:s3], [sflag:$0x4] =	stream.linear.gather [hbm4b:s4+s3], $0xD00, $0x38;
	[tilespmem:$0x15320] =	vst v63  }
0x13: {  	_ =	swait.ge [sflag:s9], $0xD00  }
0x14: {  	[sflag:s9] =	ssyncset.done $0x0  }
0x15: {  	[sflag:s9] =	ssyncadd.s32 $0xFFFFF300  }
0x16: {  	[tilespmem:s11], [sflag:$0x1] =	stream.indirect.gather [hbm4b:s1+s10], $0x20, s3, s10, $0xb8;
	[tilespmem:$0x15320] =	vst v63  }
0x17: {  	_ = 	snop  }
0x18: {  	[tilespmem:s12], [sflag:$0x2] =	stream.indirect.gather [hbm4b:s1+s10], $0x20, s10, s10, $0xb8;
	[tilespmem:$0x15320] =	vst v63  }
0x19: {  	s24 =	simm.s32 $0xD10  }
0x1a: {  	[tilespmem:s24], [sflag:$0x4] =	stream.linear.gather [hbm4b:s5+s3], $0xD00, $0x38;
	[tilespmem:$0x15320] =	vst v63  }
0x1b: {  	_ =	swait.ge [sflag:s9], $0xD00  }
0x1c: {  	[sflag:s9] =	ssyncset.done $0x0  }
0x1d: {  	[sflag:s9] =	ssyncadd.s32 $0xFFFFF300  }
0x1e: {  	[tilespmem:s13], [sflag:$0x4] =	stream.linear.gather [hbm4b:s6+s3], $0x80, $0x38;
	[tilespmem:$0x15320] =	vst v63  }
0x1f: {  	_ =	swait.ge [sflag:s9], $0x80  }
0x20: {  	[sflag:s9] =	ssyncset.done $0x0  }
0x21: {  	[sflag:s9] =	ssyncadd.s32 $0xFFFFFF80  }
0x22: {  	[tilespmem:s15], [sflag:$0x3] =	stream.indirect.gather [hbm4b:s1+s10], $0x20, s14, s10, $0xb8;
	[tilespmem:$0x15320] =	vst v63  }
0x23: {  	_ =	swait.ge [sflag:s16], $0x6800  }
0x24: {  	[sflag:s16] =	ssyncset.done $0x0  }
0x25: {  	s22 =	simm.s32 $0x1BC0;
	[sflag:s16] =	ssyncadd.s32 $0xFFFF9800  }
0x26: {  	v5 =	vld [tilespmem:s22+$0x40]  }
0x27: {  	v6 =	vld [tilespmem:s22+$0x50]  }
0x28: {  	v7 =	vld [tilespmem:s22+$0x20]  }
0x29: {  	v11 =	vld [tilespmem:s22+$0x30]  }
0x2a: {  	v12 =	vld [tilespmem:s22+$0x0]  }
0x2b: {  	v8 =	vld [tilespmem:s24+$0x0]  }
0x2c: {  	v13 =	vld [tilespmem:s22+$0x10]  }
0x2d: {  	v14 =	vld [tilespmem:s22+$0xFFFFFFE0]  }
0x2e: {  	v15 =	vld [tilespmem:s22+$0xFFFFFFF0]  }
0x2f: {  	v16 =	vld [tilespmem:s22+$0xFFFFFFC0]  }
0x30: {  	v17 =	vld [tilespmem:s22+$0xFFFFFFD0]  }
0x31: {  	v18 =	vld [tilespmem:s22+$0xFFFFFFA0]  }
0x32: {  	v19 =	vld [tilespmem:s22+$0xFFFFFFB0];
	v21 =	vbroadcast v8, $0xE;
	v9 =	vbroadcast v8, $0xF  }
0x33: {  	v20 =	vld [tilespmem:s22+$0xFFFFFF80];
	v23 =	vbroadcast v8, $0xC;
	v24 =	vbroadcast v8, $0xD  }
0x34: {  	v22 =	vld [tilespmem:s22+$0xFFFFFF90];
	v26 =	vbroadcast v8, $0xB;
	v27 =	vbroadcast v8, $0x9  }
0x35: {  	v25 =	vld [tilespmem:s22+$0xFFFFFF60];
	v29 =	vbroadcast v8, $0xA;
	v30 =	vbroadcast v8, $0x7  }
0x36: {  	v28 =	vld [tilespmem:s22+$0xFFFFFF70];
	v32 =	vbroadcast v8, $0x8;
	v34 =	vbroadcast v8, $0x5  }
0x37: {  	v31 =	vld [tilespmem:s22+$0xFFFFFF40];
	v36 =	vbroadcast v8, $0x6;
	v38 =	vbroadcast v8, $0x4  }
0x38: {  	v33 =	vld [tilespmem:s22+$0xFFFFFF50];
	v39 =	vbroadcast v8, $0x2;
	v42 =	vbroadcast v8, $0x3  }
0x39: {  	v35 =	vld [tilespmem:s22+$0xFFFFFF20];
	v45 =	vbroadcast v8, $0x1;
	v46 =	vbroadcast v8, $0x0  }
0x3a: {  	v37 =	vld [tilespmem:s22+$0xFFFFFF30];
	v8 =	vmul.f32 v5, v9;
	v10 =	vmul.f32 v7, v21  }
0x3b: {  	s23 =	simm.s32 $0x10;
	v40 =	vld [tilespmem:s22+$0xFFFFFF00];
	v9 =	vmul.f32 v6, v9;
	v50 =	vmul.f32 v12, v24  }
0x3c: {  	s25 =	sand.u32 $0x6, s3;
	s23 =	sand.u32 $0x7F8, s23;
	v63 =	vld [tilespmem:s22+$0xFFFFFF10];
	v0 =	vmul.f32 v11, v21;
	v13 =	vmul.f32 v13, v24  }
0x3d: {  	s23 =	sor.u32 s25, s23;
	v49 =	vld [tilespmem:s22+$0xFFFFFEB0];
	v14 =	vmul.f32 v14, v23;
	v15 =	vmul.f32 v15, v23  }
0x3e: {  	v2 =	vld [tilespmem:s23+$0xD10];
	v16 =	vmul.f32 v16, v26;
	v17 =	vmul.f32 v17, v26  }
0x3f: {  	v6 =	vld [tilespmem:s22+$0xFFFFFEE0];
	v18 =	vmul.f32 v18, v29;
	v19 =	vmul.f32 v19, v29  }
0x40: {  	v7 =	vld [tilespmem:s22+$0xFFFFFEF0];
	v20 =	vmul.f32 v20, v27;
	v25 =	vmul.f32 v25, v32  }
0x41: {  	v21 =	vld [tilespmem:s22+$0xFFFFFEC0];
	v23 =	vmul.f32 v22, v27;
	v31 =	vmul.f32 v31, v30  }
0x42: {  	v24 =	vld [tilespmem:s22+$0xFFFFFED0];
	v29 =	vmul.f32 v28, v32;
	v35 =	vmul.f32 v35, v36  }
0x43: {  	v26 =	vld [tilespmem:s22+$0xFFFFFEA0];
	v33 =	vmul.f32 v33, v30;
	v37 =	vmul.f32 v37, v36  }
0x44: {  	v22 =	vld [tilespmem:s22+$0xFFFFFE80];
	v41 =	vmul.f32 v40, v34;
	v40 =	vmul.f32 v63, v34  }
0x45: {  	v27 =	vld [tilespmem:s22+$0xFFFFFE90];
	v51 =	vmul.f32 v49, v39;
	v63 =	vbroadcast v2, $0x9  }
0x46: {  	v28 =	vld [tilespmem:s22+$0xFFFFFE60];
	v34 =	vbroadcast v2, $0x4;
	v36 =	vbroadcast v2, $0x5  }
0x47: {  	v30 =	vld [tilespmem:s22+$0xFFFFFE70];
	v32 =	vbroadcast v2, $0x3;
	v1 =	vmul.f32 v9, v9  }
0x48: {  	v43 =	vmul.f32 v6, v38;
	v44 =	vmul.f32 v7, v38  }
0x49: {  	v47 =	vmul.f32 v21, v42;
	v48 =	vmul.f32 v24, v42  }
0x4a: {  	v52 =	vmul.f32 v26, v39;
	v54 =	vmul.f32 v22, v45  }
0x4b: {  	v53 =	vmul.f32 v27, v45;
	v56 =	vmul.f32 v28, v46  }
0x4c: {  	v55 =	vmul.f32 v30, v46;
	v42 =	vbroadcast v2, $0x8  }
0x4d: {  	v38 =	vbroadcast v2, $0x6;
	v39 =	vbroadcast v2, $0x7  }
0x4e: {  	v30 =	vbroadcast v2, $0x2;
	v24 =	vbroadcast v2, $0x0  }
0x4f: {  	v62 =	vimm.f32 $0.0e+00;
	v28 =	vbroadcast v2, $0x1;
	v46 =	vmul.f32 v8, v8  }
0x50: {  	s26 =	simm.s32 $0x0;
	s25 =	simm.s32 $0x1;
	s23 =	simm.s32 $0x0;
	v11 =	vimm.f32 $0.0e+00;
	[tilespmem:$0x1FFB0] =	vst v1;
	v26 =	vmul.f32 v10, v10;
	v45 =	vmovc v0;
	v27 =	vmul.f32 v0, v0  }
.LBB2_2:
0x51: {  	v3 =	vmul.f32 v56, v56;
	v56 =	vadd.f32 $0.0e+00, v56  }
0x52: {  	v5 =	vadd.f32 $0.0e+00, v55;
	v6 =	vmul.f32 v54, v54  }
0x53: {  	v55 =	vmul.f32 v55, v55;
	v7 =	vmul.f32 v53, v53;
	v54 =	vadd.f32 v54, v56  }
0x54: {  	v5 =	vadd.f32 v53, v5;
	v53 =	vmul.f32 v52, v52;
	v3 =	vadd.f32 v6, v3  }
0x55: {  	v6 =	vadd.f32 v7, v55;
	v7 =	vmul.f32 v51, v51;
	v56 =	vadd.f32 v52, v54  }
0x56: {  	v5 =	vadd.f32 v51, v5;
	v51 =	vmul.f32 v47, v47;
	v3 =	vadd.f32 v53, v3  }
0x57: {  	v6 =	vadd.f32 v7, v6;
	v7 =	vmul.f32 v48, v48;
	v47 =	vadd.f32 v47, v56  }
0x58: {  	v5 =	vadd.f32 v48, v5;
	v56 =	vmul.f32 v43, v43;
	v3 =	vadd.f32 v51, v3  }
0x59: {  	v6 =	vadd.f32 v7, v6;
	v7 =	vmul.f32 v44, v44  }
0x5a: {  	v5 =	vadd.f32 v44, v5;
	v44 =	vmul.f32 v41, v41;
	v3 =	vadd.f32 v56, v3;
	_ =	sdelay $0x1  }
0x5b: {  	v4 =	vmul.f32 v35, v35;
	v3 =	vadd.f32 v44, v3;
	_ =	sdelay $0x1  }
0x5c: {  	v1 =	vmul.f32 v31, v31;
	v3 =	vadd.f32 v4, v3  }
0x5d: {  	[tilespmem:$0x1FF90] =	vst v46;
	v46 =	vmul.f32 v25, v25  }
0x5e: {  	v6 =	vadd.f32 v7, v6;
	v7 =	vmul.f32 v40, v40;
	v1 =	vadd.f32 v1, v3  }
0x5f: {  	v61 =	vmul.f32 v20, v20;
	v55 =	vadd.f32 v43, v47  }
0x60: {  	v56 =	vmul.f32 v37, v37;
	v6 =	vadd.f32 v7, v6;
	v1 =	vadd.f32 v46, v1  }
0x61: {  	v0 =	vmul.f32 v50, v50;
	v21 =	vmovc v10;
	v10 =	vmul.f32 v18, v18;
	v52 =	vld [tilespmem:s22+$0x180];
	v41 =	vadd.f32 v41, v55  }
0x62: {  	v2 =	vmul.f32 v33, v33;
	v53 =	vld [tilespmem:s22+$0x150];
	v56 =	vadd.f32 v56, v6;
	v1 =	vadd.f32 v61, v1  }
0x63: {  	[tilespmem:$0x1FF70] =	vst v8;
	v8 =	vmul.f32 v16, v16;
	v51 =	vld [tilespmem:s22+$0x160];
	v41 =	vadd.f32 v35, v41  }
0x64: {  	[tilespmem:$0x1FF50] =	vst v0;
	v0 =	vmul.f32 v29, v29;
	v48 =	vld [tilespmem:s22+$0x140];
	v2 =	vadd.f32 v2, v56;
	v1 =	vadd.f32 v10, v1  }
0x65: {  	v49 =	vmul.f32 v13, v13;
	v47 =	vld [tilespmem:s22+$0x170];
	v5 =	vadd.f32 v40, v5;
	v41 =	vadd.f32 v31, v41  }
0x66: {  	v12 =	vmul.f32 v23, v23;
	v0 =	vadd.f32 v0, v2;
	v1 =	vadd.f32 v8, v1;
	v8 =	vld [tilespmem:$0x1FF50]  }
0x67: {  	[tilespmem:$0x1FF60] =	vst v49;
	v49 =	vmul.f32 v14, v14;
	v7 =	vld [tilespmem:s22+$0x120];
	v54 =	vadd.f32 v25, v41  }
0x68: {  	[tilespmem:$0x1FFA0] =	vst v11;
	v11 =	vmul.f32 v19, v19;
	v44 =	vld [tilespmem:s22+$0x130];
	v5 =	vadd.f32 v37, v5;
	v0 =	vadd.f32 v12, v0  }
0x69: {  	v40 =	vmul.f32 v52, v63;
	v52 =	vld [tilespmem:s22+$0xE0];
	v4 =	vadd.f32 v20, v54;
	v1 =	vadd.f32 v49, v1  }
0x6a: {  	[tilespmem:$0x1FF80] =	vst v9;
	v9 =	vmul.f32 v17, v17;
	v55 =	vld [tilespmem:s22+$0xC0];
	v5 =	vadd.f32 v33, v5;
	v0 =	vadd.f32 v11, v0  }
0x6b: {  	v22 =	vmov v13;
	v4 =	vadd.f32 v18, v4;
	v1 =	vadd.f32 v8, v1;
	v8 =	vld [tilespmem:$0x1FF60]  }
0x6c: {  	v13 =	vmovc v50;
	v50 =	vmul.f32 v15, v15;
	v6 =	vld [tilespmem:s22+$0x100];
	v5 =	vadd.f32 v29, v5;
	v0 =	vadd.f32 v9, v0  }
0x6d: {  	v20 =	vld [tilespmem:s22+$0xD0];
	v4 =	vadd.f32 v16, v4  }
0x6e: {  	v5 =	vadd.f32 v23, v5;
	v23 =	vld [tilespmem:s22+$0xA0];
	v0 =	vadd.f32 v50, v0  }
0x6f: {  	v9 =	vld [tilespmem:$0x1FF90];
	v4 =	vadd.f32 v14, v4  }
0x70: {  	v5 =	vadd.f32 v19, v5;
	v0 =	vadd.f32 v8, v0;
	v8 =	vld [tilespmem:$0x1FF70]  }
0x71: {  	v53 =	vmul.f32 v53, v39;
	v19 =	vld [tilespmem:s22+$0x80];
	v4 =	vadd.f32 v13, v4  }
0x72: {  	v35 =	vmul.f32 v51, v42;
	v5 =	vadd.f32 v17, v5;
	v17 =	vld [tilespmem:s22+$0x60];
	v1 =	vadd.f32 v26, v1  }
0x73: {  	v47 =	vmul.f32 v47, v42;
	v31 =	vmul.f32 v48, v39;
	v14 =	vld [tilespmem:s22+$0x70];
	v4 =	vadd.f32 v21, v4  }
0x74: {  	v7 =	vmul.f32 v7, v38;
	v5 =	vadd.f32 v15, v5;
	v1 =	vadd.f32 v9, v1;
	v9 =	vld [tilespmem:$0x1FFB0]  }
0x75: {  	v3 =	vmul.f32 v52, v34;
	v52 =	vmul.f32 v53, v53;
	v4 =	vadd.f32 v8, v4;
	v8 =	vld [tilespmem:$0x1FF80]  }
0x76: {  	v29 =	vmul.f32 v44, v38;
	v2 =	vmul.f32 v55, v32;
	v16 =	vld [tilespmem:s22+$0x90];
	v5 =	vadd.f32 v22, v5  }
0x77: {  	v6 =	vmul.f32 v6, v36;
	v10 =	vmul.f32 v17, v24;
	v0 =	vadd.f32 v27, v0  }
0x78: {  	v18 =	vld [tilespmem:s22+$0xB0];
	v20 =	vmul.f32 v20, v32;
	v5 =	vadd.f32 v45, v5;
	v11 =	vmul.f32 v14, v24  }
0x79: {  	v12 =	vmul.f32 v19, v28;
	v0 =	vadd.f32 v9, v0;
	v4 =	vadd.f32 v10, v4  }
0x7a: {  	v9 =	vmul.f32 v11, v11;
	v5 =	vadd.f32 v8, v5;
	v8 =	vmul.f32 v10, v10  }
0x7b: {  	v15 =	vmul.f32 v23, v30;
	v13 =	vmul.f32 v16, v28;
	v4 =	vadd.f32 v12, v4  }
0x7c: {  	v0 =	vadd.f32 v9, v0;
	v10 =	vmul.f32 v12, v12;
	v1 =	vadd.f32 v8, v1  }
0x7d: {  	v18 =	vmul.f32 v18, v30;
	v4 =	vadd.f32 v15, v4;
	v5 =	vadd.f32 v11, v5  }
0x7e: {  	v25 =	vld [tilespmem:s22+$0xF0];
	v9 =	vmul.f32 v15, v15;
	v8 =	vmul.f32 v13, v13;
	v1 =	vadd.f32 v10, v1  }
0x7f: {  	v5 =	vadd.f32 v13, v5;
	v10 =	vmul.f32 v2, v2;
	v2 =	vadd.f32 v2, v4  }
0x80: {  	v51 =	vld [tilespmem:s22+$0x110];
	v0 =	vadd.f32 v8, v0;
	v8 =	vmul.f32 v18, v18;
	v1 =	vadd.f32 v9, v1  }
0x81: {  	v38 =	vmul.f32 v3, v3;
	v5 =	vadd.f32 v18, v5;
	v2 =	vadd.f32 v3, v2  }
0x82: {  	v0 =	vadd.f32 v8, v0;
	v8 =	vmul.f32 v20, v20;
	v1 =	vadd.f32 v10, v1  }
0x83: {  	v25 =	vmul.f32 v25, v34;
	v34 =	vadd.f32 v20, v5;
	v2 =	vadd.f32 v6, v2  }
0x84: {  	v41 =	vmul.f32 v6, v6;
	v0 =	vadd.f32 v8, v0;
	v1 =	vadd.f32 v38, v1  }
0x85: {  	v56 =	vmul.f32 v51, v36;
	v9 =	vld [tilespmem:s22+$0x190];
	s22 =	sadd.s32 $0x340, s22;
	v39 =	vadd.f32 v25, v34;
	v2 =	vadd.f32 v7, v2  }
0x86: {  	v11 =	vld [tilespmem:s22+$0x50];
	v8 =	vmul.f32 v25, v25;
	v6 =	vmul.f32 v7, v7;
	v1 =	vadd.f32 v41, v1  }
0x87: {  	s24 =	sadd.s32 $0x1A, s24;
	v43 =	vmul.f32 v29, v29;
	v12 =	vld [tilespmem:s22+$0x20];
	v3 =	vadd.f32 v56, v39;
	v2 =	vadd.f32 v31, v2  }
0x88: {  	v0 =	vadd.f32 v8, v0;
	v7 =	vmul.f32 v31, v31;
	v1 =	vadd.f32 v6, v1;
	v6 =	vld [tilespmem:s24+$0x0]  }
0x89: {  	v54 =	vmul.f32 v40, v40;
	v13 =	vld [tilespmem:s22+$0x0];
	v3 =	vadd.f32 v29, v3;
	v2 =	vadd.f32 v35, v2  }
0x8a: {  	v14 =	vld [tilespmem:s22+$0x10];
	v8 =	vmul.f32 v35, v35;
	v9 =	vmul.f32 v9, v63;
	v1 =	vadd.f32 v7, v1  }
0x8b: {  	v42 =	vmul.f32 v56, v56;
	v15 =	vld [tilespmem:s22+$0xFFFFFFF0];
	v3 =	vadd.f32 v53, v3;
	v2 =	vadd.f32 v40, v2  }
0x8c: {  	v16 =	vld [tilespmem:s22+$0xFFFFFFC0];
	v53 =	vmul.f32 v47, v47;
	v1 =	vadd.f32 v8, v1;
	v8 =	vmul.f32 v9, v9  }
0x8d: {  	v17 =	vld [tilespmem:s22+$0xFFFFFFD0];
	v2 =	vmul.f32 v2, v2;
	v18 =	vbroadcast v6, $0xE  }
0x8e: {  	v19 =	vld [tilespmem:s22+$0xFFFFFFB0];
	v20 =	vbroadcast v6, $0xC;
	v21 =	vbroadcast v6, $0xD  }
0x8f: {  	v22 =	vld [tilespmem:s22+$0xFFFFFF80];
	v0 =	vadd.f32 v42, v0;
	v23 =	vbroadcast v6, $0xB;
	v56 =	vbroadcast v6, $0x9  }
0x90: {  	v7 =	vld [tilespmem:s22+$0xFFFFFFE0];
	v24 =	vbroadcast v6, $0xA;
	v26 =	vbroadcast v6, $0x7  }
0x91: {  	v33 =	vld [tilespmem:s22+$0xFFFFFF50];
	v0 =	vadd.f32 v43, v0;
	v27 =	vbroadcast v6, $0x8;
	v28 =	vbroadcast v6, $0x6  }
0x92: {  	v25 =	vld [tilespmem:s22+$0xFFFFFF60];
	v3 =	vadd.f32 v47, v3;
	v30 =	vbroadcast v6, $0x4;
	v32 =	vbroadcast v6, $0x2  }
0x93: {  	v63 =	vld [tilespmem:s22+$0xFFFFFF90];
	v0 =	vadd.f32 v52, v0;
	v34 =	vbroadcast v6, $0x3;
	v36 =	vbroadcast v6, $0x1  }
0x94: {  	v31 =	vld [tilespmem:s22+$0xFFFFFF40];
	v3 =	vadd.f32 v9, v3;
	v9 =	vbroadcast v6, $0xF;
	v50 =	vmul.f32 v13, v21  }
0x95: {  	v29 =	vld [tilespmem:s22+$0xFFFFFF70];
	v13 =	vmul.f32 v14, v21;
	v14 =	vmul.f32 v7, v20  }
0x96: {  	v35 =	vld [tilespmem:s22+$0xFFFFFF20];
	v0 =	vadd.f32 v53, v0;
	v15 =	vmul.f32 v15, v20;
	v16 =	vmul.f32 v16, v23  }
0x97: {  	v46 =	vld [tilespmem:s22+$0xFFFFFF30];
	v1 =	vadd.f32 v54, v1;
	v17 =	vmul.f32 v17, v23;
	v19 =	vmul.f32 v19, v24  }
0x98: {  	v10 =	vld [tilespmem:s22+$0x40];
	v0 =	vadd.f32 v8, v0;
	v20 =	vmul.f32 v22, v56;
	v3 =	vmul.f32 v3, v3  }
0x99: {  	v44 =	vld [tilespmem:s22+$0x30];
	v25 =	vmul.f32 v25, v27;
	v23 =	vmul.f32 v63, v56  }
0x9a: {  	v53 =	vld [tilespmem:s22+$0xFFFFFEE0];
	v31 =	vmul.f32 v31, v26;
	v1 =	vsub.f32 v2, v1;
	v0 =	vsub.f32 v3, v0  }
0x9b: {  	v29 =	vmul.f32 v29, v27;
	v35 =	vmul.f32 v35, v28  }
0x9c: {  	s26 =	sadd.s32 $0x1A, s26;
	v54 =	vld [tilespmem:s22+$0xFFFFFED0];
	v33 =	vmul.f32 v33, v26;
	v37 =	vmul.f32 v46, v28;
	v0 =	vadd.f32 v0, v1  }
0x9d: {  	s28 =	sadd.s32 $0x10, s26;
	v21 =	vld [tilespmem:s22+$0xFFFFFEF0];
	v8 =	vmul.f32 v10, v9;
	v10 =	vmul.f32 v12, v18  }
0x9e: {  	s29 =	sand.u32 $0x6, s26;
	s28 =	sand.u32 $0x7F8, s28;
	v56 =	vld [tilespmem:s22+$0xFFFFFE80];
	v9 =	vmul.f32 v11, v9;
	v0 =	vmul.f32 $5.000000000e-01, v0  }
0x9f: {  	s28 =	sor.u32 s29, s28;
	v63 =	vld [tilespmem:s22+$0xFFFFFE90];
	v12 =	vmul.f32 v44, v18;
	v43 =	vmul.f32 v53, v30  }
0xa0: {  	v28 =	vld [tilespmem:s28+$0xD10];
	v46 =	vmul.f32 v8, v8;
	v45 =	vperm.xlane v0, v57  }
0xa1: {  	v49 =	vmul.f32 v9, v9;
	v48 =	vmul.f32 v54, v34  }
0xa2: {  	v55 =	vld [tilespmem:s22+$0xFFFFFFA0];
	v1 =	vbroadcast v6, $0x5;
	v6 =	vbroadcast v6, $0x0;
	v0 =	vadd.f32 v0, v45  }
0xa3: {  	s31 =	sadd.s32 $0xFFFFFFF0, s23;
	v61 =	vlaneseq.u32;
	v52 =	vld [tilespmem:s22+$0xFFFFFF10];
	v44 =	vmul.f32 v21, v30;
	v54 =	vmul.f32 v56, v36  }
0xa4: {  	v39 =	vmov s31;
	v47 =	vld [tilespmem:s22+$0xFFFFFF00];
	v53 =	vmul.f32 v63, v36;
	v18 =	vperm.xlane v0, v58  }
0xa5: {  	vm1 =	veq.s32 v39, v61;
	v7 =	vld [tilespmem:s22+$0xFFFFFEC0];
	v42 =	vbroadcast v28, $0x8;
	v63 =	vbroadcast v28, $0x9  }
0xa6: {  	v26 =	vld [tilespmem:s22+$0xFFFFFE60];
	v38 =	vbroadcast v28, $0x6;
	v39 =	vbroadcast v28, $0x7;
	v0 =	vadd.f32 v0, v18  }
0xa7: {  	v36 =	vbroadcast v28, $0x5;
	v18 =	vmul.f32 v55, v24;
	v55 =	vld [tilespmem:s22+$0xFFFFFEA0]  }
0xa8: {  	v30 =	vbroadcast v28, $0x2;
	v24 =	vld [tilespmem:s22+$0xFFFFFEB0];
	v22 =	vperm.xlane v0, v59  }
0xa9: {  	v41 =	vmul.f32 v47, v1;
	v40 =	vmul.f32 v52, v1  }
0xaa: {  	v11 =	vld [tilespmem:$0x1FFA0];
	v47 =	vmul.f32 v7, v34;
	v0 =	vadd.f32 v0, v22;
	v22 =	vmov s23  }
0xab: {  	p0 =	sne.s32 s25, $0x1F;
	v56 =	vmul.f32 v26, v6;
	v34 =	vbroadcast v28, $0x4;
	vm0 =	veq.s32 v22, v61;
	v22 =	vld [tilespmem:s22+$0xFFFFFE70]  }
.Ltmp0:
0xac: {  	v26 =	vmul.f32 v10, v10;
	v27 =	vperm.xlane v0, v60;
	(pc) =	sbr.rel @p0 .LBB2_2-.Ltmp0, $4  }
0xad: {  	v52 =	vmul.f32 v55, v32;
	v51 =	vmul.f32 v24, v32  }
0xae: {  	v32 =	vbroadcast v28, $0x3;
	v24 =	vbroadcast v28, $0x0;
	v0 =	vadd.f32 v0, v27  }
0xaf: {  	[tilespmem:$0x1FFB0] =	vst v49;
	v28 =	vbroadcast v28, $0x1;
	v27 =	vmul.f32 v12, v12  }
0xb0: {  	v45 =	vmovc v12;
	s23 =	smov.u32 s25;
	s25 =	sadd.s32 $0x1, s25;
	v11 =	vsel vm1, v0, v11;
	v62 =	vsel vm0, v0, v62;
	v55 =	vmul.f32 v22, v6  }
0xb1: {  	v0 =	vmul.f32 v50, v50;
	v1 =	vmul.f32 v13, v13  }
0xb2: {  	v2 =	vmul.f32 v14, v14;
	v3 =	vmul.f32 v15, v15  }
0xb3: {  	v4 =	vmul.f32 v16, v16;
	v22 =	vmovc v13;
	v13 =	vadd.f32 $0.0e+00, v56;
	v12 =	vmul.f32 v56, v56  }
0xb4: {  	v21 =	vmovc v50;
	v49 =	vadd.f32 $0.0e+00, v55;
	v50 =	vmul.f32 v55, v55;
	v55 =	vmul.f32 v54, v54  }
0xb5: {  	v5 =	vmul.f32 v17, v17;
	v56 =	vmul.f32 v53, v53;
	v13 =	vadd.f32 v54, v13  }
0xb6: {  	v49 =	vadd.f32 v53, v49;
	v12 =	vadd.f32 v55, v12;
	v55 =	vmul.f32 v52, v52  }
0xb7: {  	v50 =	vadd.f32 v56, v50;
	v13 =	vadd.f32 v52, v13;
	v52 =	vmul.f32 v51, v51  }
0xb8: {  	v49 =	vadd.f32 v51, v49;
	v12 =	vadd.f32 v55, v12;
	v55 =	vmul.f32 v47, v47  }
0xb9: {  	v50 =	vadd.f32 v52, v50;
	v52 =	vmul.f32 v48, v48;
	v13 =	vadd.f32 v47, v13  }
0xba: {  	v47 =	vadd.f32 v48, v49;
	v48 =	vmul.f32 v43, v43;
	v12 =	vadd.f32 v55, v12  }
0xbb: {  	v50 =	vadd.f32 v52, v50;
	v52 =	vmul.f32 v44, v44;
	v43 =	vadd.f32 v43, v13  }
0xbc: {  	v13 =	vmul.f32 v41, v41;
	v44 =	vadd.f32 v44, v47;
	v12 =	vadd.f32 v48, v12  }
0xbd: {  	v6 =	vmul.f32 v18, v18;
	v48 =	vadd.f32 v52, v50;
	v50 =	vmul.f32 v40, v40  }
0xbe: {  	v40 =	vadd.f32 v40, v44;
	v44 =	vmul.f32 v35, v35;
	v13 =	vadd.f32 v13, v12  }
0xbf: {  	v7 =	vmul.f32 v19, v19;
	v55 =	vld [tilespmem:s22+$0x160];
	v52 =	vmul.f32 v31, v31;
	v41 =	vadd.f32 v41, v43  }
0xc0: {  	v47 =	vld [tilespmem:s22+$0x170];
	v48 =	vadd.f32 v50, v48;
	v50 =	vmul.f32 v37, v37;
	v44 =	vadd.f32 v44, v13  }
0xc1: {  	v56 =	vmul.f32 v25, v25;
	v35 =	vadd.f32 v35, v41;
	v41 =	vld [tilespmem:s22+$0x120];
	v37 =	vadd.f32 v37, v40  }
0xc2: {  	v49 =	vld [tilespmem:s22+$0x180];
	v40 =	vmul.f32 v33, v33;
	v48 =	vadd.f32 v50, v48;
	v52 =	vadd.f32 v52, v44  }
0xc3: {  	v54 =	vmul.f32 v20, v20;
	v43 =	vld [tilespmem:s22+$0x140];
	v31 =	vadd.f32 v31, v35;
	v33 =	vadd.f32 v33, v37  }
0xc4: {  	v51 =	vmul.f32 v29, v29;
	v12 =	vld [tilespmem:s22+$0x150];
	v40 =	vadd.f32 v40, v48;
	v48 =	vadd.f32 v56, v52  }
0xc5: {  	v13 =	vld [tilespmem:s22+$0x130];
	v50 =	vmul.f32 v55, v42;
	v42 =	vmul.f32 v47, v42;
	v25 =	vadd.f32 v25, v31  }
0xc6: {  	v47 =	vld [tilespmem:s22+$0x100];
	v29 =	vadd.f32 v29, v33;
	v33 =	vmul.f32 v41, v38;
	v41 =	vadd.f32 v54, v48  }
0xc7: {  	v53 =	vmul.f32 v23, v23;
	v49 =	vmul.f32 v49, v63;
	v35 =	vld [tilespmem:s22+$0x110]  }
0xc8: {  	v55 =	vld [tilespmem:s22+$0xE0];
	v37 =	vmul.f32 v43, v39;
	v20 =	vadd.f32 v20, v25;
	v6 =	vadd.f32 v6, v41  }
0xc9: {  	v39 =	vmul.f32 v12, v39;
	v31 =	vld [tilespmem:s22+$0xF0];
	v40 =	vadd.f32 v51, v40;
	v23 =	vadd.f32 v23, v29  }
0xca: {  	v12 =	vld [tilespmem:s22+$0xA0];
	v38 =	vmul.f32 v13, v38;
	v18 =	vadd.f32 v18, v20;
	v4 =	vadd.f32 v4, v6  }
0xcb: {  	v52 =	vld [tilespmem:s22+$0xC0];
	v29 =	vmul.f32 v47, v36;
	v40 =	vadd.f32 v53, v40;
	v19 =	vadd.f32 v19, v23  }
0xcc: {  	v25 =	vld [tilespmem:s22+$0xD0];
	v35 =	vmul.f32 v35, v36;
	v16 =	vadd.f32 v16, v18;
	v2 =	vadd.f32 v2, v4  }
0xcd: {  	v54 =	vld [tilespmem:s22+$0x80];
	v36 =	vmul.f32 v37, v37;
	v7 =	vadd.f32 v7, v40;
	v17 =	vadd.f32 v17, v19  }
0xce: {  	v20 =	vld [tilespmem:s22+$0xB0];
	v23 =	vmul.f32 v55, v34;
	v14 =	vadd.f32 v14, v16;
	v0 =	vadd.f32 v0, v2  }
0xcf: {  	v31 =	vmul.f32 v31, v34;
	v55 =	vld [tilespmem:s22+$0x60];
	v5 =	vadd.f32 v5, v7;
	v15 =	vadd.f32 v15, v17  }
0xd0: {  	v19 =	vmul.f32 v52, v32;
	v16 =	vld [tilespmem:s22+$0x70];
	v34 =	vadd.f32 v21, v14;
	v0 =	vadd.f32 v26, v0  }
0xd1: {  	v18 =	vld [tilespmem:s22+$0x90];
	v17 =	vmul.f32 v12, v30;
	v3 =	vadd.f32 v3, v5;
	v12 =	vadd.f32 v22, v15  }
0xd2: {  	v56 =	vmul.f32 v25, v32;
	v41 =	vadd.f32 v10, v34;
	v0 =	vadd.f32 v46, v0;
	v46 =	vld [tilespmem:$0x1FFB0]  }
0xd3: {  	v13 =	vmul.f32 v54, v28;
	v1 =	vadd.f32 v1, v3;
	v43 =	vadd.f32 v45, v12  }
0xd4: {  	v32 =	vmul.f32 v20, v30;
	v6 =	vmul.f32 v55, v24;
	v3 =	vadd.f32 v8, v41  }
0xd5: {  	v44 =	vmul.f32 v16, v24;
	v1 =	vadd.f32 v27, v1;
	v5 =	vadd.f32 v9, v43  }
0xd6: {  	v40 =	vmul.f32 v18, v28;
	v45 =	vmul.f32 v6, v6;
	v3 =	vadd.f32 v6, v3  }
0xd7: {  	v47 =	vmul.f32 v44, v44;
	v5 =	vadd.f32 v44, v5;
	v1 =	vadd.f32 v46, v1  }
0xd8: {  	v48 =	vmul.f32 v13, v13;
	v0 =	vadd.f32 v45, v0;
	v3 =	vadd.f32 v13, v3  }
0xd9: {  	v51 =	vmul.f32 v40, v40;
	v2 =	vadd.f32 v40, v5;
	v1 =	vadd.f32 v47, v1  }
0xda: {  	v52 =	vmul.f32 v17, v17;
	v0 =	vadd.f32 v48, v0;
	v3 =	vadd.f32 v17, v3  }
0xdb: {  	v53 =	vmul.f32 v32, v32;
	v2 =	vadd.f32 v32, v2;
	v1 =	vadd.f32 v51, v1  }
0xdc: {  	v54 =	vmul.f32 v19, v19;
	v0 =	vadd.f32 v52, v0;
	v3 =	vadd.f32 v19, v3  }
0xdd: {  	v55 =	vmul.f32 v56, v56;
	v2 =	vadd.f32 v56, v2;
	v1 =	vadd.f32 v53, v1  }
0xde: {  	v56 =	vmul.f32 v23, v23;
	v0 =	vadd.f32 v54, v0;
	v3 =	vadd.f32 v23, v3  }
0xdf: {  	v8 =	vmul.f32 v31, v31;
	v2 =	vadd.f32 v31, v2;
	v1 =	vadd.f32 v55, v1  }
0xe0: {  	v9 =	vmul.f32 v29, v29;
	v0 =	vadd.f32 v56, v0;
	v3 =	vadd.f32 v29, v3  }
0xe1: {  	v10 =	vmul.f32 v35, v35;
	v2 =	vadd.f32 v35, v2;
	v1 =	vadd.f32 v8, v1  }
0xe2: {  	v34 =	vld [tilespmem:s22+$0x190];
	v32 =	vmul.f32 v33, v33;
	v0 =	vadd.f32 v9, v0;
	v3 =	vadd.f32 v33, v3  }
0xe3: {  	v35 =	vmul.f32 v38, v38;
	v2 =	vadd.f32 v38, v2;
	v1 =	vadd.f32 v10, v1  }
0xe4: {  	v41 =	vmul.f32 v42, v42;
	v0 =	vadd.f32 v32, v0;
	v3 =	vadd.f32 v37, v3  }
0xe5: {  	v38 =	vmul.f32 v39, v39;
	v2 =	vadd.f32 v39, v2;
	v1 =	vadd.f32 v35, v1  }
0xe6: {  	v40 =	vmul.f32 v50, v50;
	v0 =	vadd.f32 v36, v0;
	v3 =	vadd.f32 v50, v3  }
0xe7: {  	v2 =	vadd.f32 v42, v2;
	v42 =	vmul.f32 v34, v63;
	v1 =	vadd.f32 v38, v1  }
0xe8: {  	v43 =	vmul.f32 v49, v49;
	v0 =	vadd.f32 v40, v0;
	v3 =	vadd.f32 v49, v3  }
0xe9: {  	v2 =	vadd.f32 v42, v2;
	v5 =	vmul.f32 v42, v42;
	v1 =	vadd.f32 v41, v1  }
0xea: {  	v0 =	vadd.f32 v43, v0  }
0xeb: {  	v3 =	vmul.f32 v3, v3;
	v2 =	vmul.f32 v2, v2;
	v1 =	vadd.f32 v5, v1;
	_ =	sdelay $0x1  }
0xec: {  	v0 =	vsub.f32 v3, v0;
	v1 =	vsub.f32 v2, v1;
	_ =	sdelay $0x1  }
0xed: {  	v0 =	vadd.f32 v1, v0;
	_ =	sdelay $0x1  }
0xee: {  	v0 =	vmul.f32 $5.000000000e-01, v0;
	_ =	sdelay $0x1  }
0xef: {  	v44 =	vperm.xlane v0, v57;
	_ =	sdelay $0x1  }
0xf0: {  	v0 =	vadd.f32 v0, v44;
	_ =	sdelay $0x1  }
0xf1: {  	v1 =	vperm.xlane v0, v58;
	_ =	sdelay $0x1  }
0xf2: {  	v0 =	vadd.f32 v0, v1;
	_ =	sdelay $0x1  }
0xf3: {  	v1 =	vperm.xlane v0, v59;
	_ =	sdelay $0x1  }
0xf4: {  	v0 =	vadd.f32 v0, v1;
	_ =	sdelay $0x1  }
0xf5: {  	v45 =	vld [tilespmem:$0x15220];
	v1 =	vperm.xlane v0, v60  }
0xf6: {  	v46 =	vld [tilespmem:$0x15230]  }
0xf7: {  	s30 =	sadd.s32 $0xFFFFFFF0, s23;
	v47 =	vmov s23;
	v0 =	vadd.f32 v0, v1  }
0xf8: {  	v48 =	vmov s30;
	vm0 =	veq.s32 v47, v61  }
0xf9: {  	vm1 =	veq.s32 v48, v61;
	v49 =	vsel vm0, v0, v62  }
0xfa: {  	v0 =	vsel vm1, v0, v11;
	v1 =	vadd.f32 v45, v49  }
0xfb: {  	v0 =	vadd.f32 v46, v0  }
0xfc: {  	[tilespmem:$0x152A0] =	vst v1  }
0xfd: {  	[tilespmem:$0x152B0] =	vst v0  }
0xfe: {  	[tilespmem:s11], [sflag:$0x1] =	stream.indirect.gather [hbm4b:s1+s10], $0x20, s17, s10, $0xb8;
	[tilespmem:$0x15320] =	vst v63  }
0xff: {  	_ =	swait.ge [sflag:s18], $0x6800  }
0x100: {  	[sflag:s18] =	ssyncset.done $0x0  }
0x101: {  	s24 =	simm.s32 $0x8220;
	[sflag:s18] =	ssyncadd.s32 $0xFFFF9800  }
0x102: {  	v53 =	vld [tilespmem:s24+$0x320]  }
0x103: {  	v1 =	vld [tilespmem:s24+$0x300]  }
0x104: {  	v2 =	vld [tilespmem:s24+$0x310]  }
0x105: {  	v11 =	vld [tilespmem:s24+$0x2E0]  }
0x106: {  	v52 =	vld [tilespmem:s24+$0x2F0]  }
0x107: {  	v13 =	vld [tilespmem:s24+$0x2C0]  }
0x108: {  	v51 =	vld [tilespmem:s24+$0x2D0]  }
0x109: {  	v15 =	vld [tilespmem:s24+$0x2A0]  }
0x10a: {  	s25 =	simm.s32 $0x0;
	v16 =	vld [tilespmem:s24+$0x2B0]  }
0x10b: {  	s31 =	sand.u32 $0x3FE, s25;
	v17 =	vld [tilespmem:s24+$0x280]  }
0x10c: {  	v50 =	vld [tilespmem:s31+$0x1060]  }
0x10d: {  	v18 =	vld [tilespmem:s24+$0x290]  }
0x10e: {  	v19 =	vld [tilespmem:s24+$0x260]  }
0x10f: {  	v20 =	vld [tilespmem:s24+$0x270]  }
0x110: {  	v21 =	vld [tilespmem:s24+$0x240]  }
0x111: {  	v22 =	vld [tilespmem:s24+$0x250]  }
0x112: {  	v9 =	vld [tilespmem:s31+$0x1050]  }
0x113: {  	v23 =	vld [tilespmem:s24+$0x220]  }
0x114: {  	v24 =	vld [tilespmem:s24+$0x230]  }
0x115: {  	v25 =	vld [tilespmem:s24+$0x200];
	v54 =	vbroadcast v50, $0x8;
	v55 =	vbroadcast v50, $0x9  }
0x116: {  	v26 =	vld [tilespmem:s24+$0x210];
	v14 =	vbroadcast v50, $0x6;
	v12 =	vbroadcast v50, $0x7  }
0x117: {  	v29 =	vld [tilespmem:s24+$0x1E0];
	v27 =	vbroadcast v50, $0x5;
	v28 =	vbroadcast v50, $0x3  }
0x118: {  	v32 =	vld [tilespmem:s24+$0x1F0];
	v30 =	vbroadcast v50, $0x4;
	v31 =	vbroadcast v50, $0x1  }
0x119: {  	v58 =	vld [tilespmem:s24+$0x1C0];
	v33 =	vbroadcast v50, $0x2;
	v34 =	vbroadcast v9, $0xF  }
0x11a: {  	v59 =	vld [tilespmem:s24+$0x1D0];
	v36 =	vbroadcast v50, $0x0;
	v37 =	vbroadcast v9, $0xE  }
0x11b: {  	v60 =	vld [tilespmem:s24+$0x1B0];
	v41 =	vbroadcast v9, $0xC;
	v46 =	vbroadcast v9, $0xD  }
0x11c: {  	v61 =	vld [tilespmem:s24+$0x180];
	v62 =	vbroadcast v9, $0xB;
	v7 =	vbroadcast v9, $0x9  }
0x11d: {  	v6 =	vld [tilespmem:s24+$0x190];
	v63 =	vbroadcast v9, $0xA;
	v47 =	vbroadcast v9, $0x7  }
0x11e: {  	v35 =	vld [tilespmem:s24+$0x160];
	v49 =	vbroadcast v9, $0x8;
	v42 =	vbroadcast v9, $0x5  }
0x11f: {  	v4 =	vld [tilespmem:s24+$0x170];
	v48 =	vbroadcast v9, $0x6;
	v43 =	vbroadcast v9, $0x4  }
0x120: {  	v3 =	vld [tilespmem:s24+$0x140];
	v40 =	vbroadcast v9, $0x2;
	v45 =	vbroadcast v9, $0x3  }
0x121: {  	v38 =	vld [tilespmem:s24+$0x150];
	v44 =	vbroadcast v9, $0x0;
	v39 =	vbroadcast v9, $0x1  }
0x122: {  	v56 =	vld [tilespmem:s24+$0xA0];
	v1 =	vmul.f32 v1, v54;
	v0 =	vmul.f32 v53, v55  }
0x123: {  	v50 =	vld [tilespmem:s24+$0x1A0];
	v8 =	vmul.f32 v2, v54;
	v9 =	vmul.f32 v11, v12  }
0x124: {  	v2 =	vld [tilespmem:s24+$0x120];
	v10 =	vmul.f32 v52, v12;
	v57 =	vmul.f32 v13, v14  }
0x125: {  	v11 =	vld [tilespmem:s24+$0x130];
	v5 =	vmul.f32 v51, v14;
	v15 =	vmul.f32 v15, v27  }
0x126: {  	v51 =	vld [tilespmem:s24+$0x110];
	v17 =	vmul.f32 v17, v30;
	v19 =	vmul.f32 v19, v28  }
0x127: {  	v52 =	vld [tilespmem:s24+$0xE0];
	v18 =	vmul.f32 v18, v30;
	v21 =	vmul.f32 v21, v33  }
0x128: {  	[tilespmem:$0x1FEB0] =	vst v55;
	v53 =	vld [tilespmem:s24+$0xF0];
	v20 =	vmul.f32 v20, v28;
	v23 =	vmul.f32 v23, v31  }
0x129: {  	v54 =	vld [tilespmem:s24+$0xC0];
	v22 =	vmul.f32 v22, v33;
	v25 =	vmul.f32 v25, v36;
	[tilespmem:$0x1FEA0] =	vst v1  }
0x12a: {  	v55 =	vld [tilespmem:s24+$0xD0];
	v24 =	vmul.f32 v24, v31;
	v26 =	vmul.f32 v26, v36;
	[tilespmem:$0x1FEC0] =	vst v0  }
0x12b: {  	v28 =	vmul.f32 v32, v34;
	v30 =	vmul.f32 v59, v37;
	v59 =	vld [tilespmem:s24+$0x90];
	[tilespmem:$0x1FED0] =	vst v8  }
0x12c: {  	v33 =	vmul.f32 v61, v41;
	v32 =	vmul.f32 v60, v46;
	v60 =	vld [tilespmem:s24+$0x60];
	[tilespmem:$0x1FEE0] =	vst v9  }
0x12d: {  	v35 =	vmul.f32 v35, v62;
	v36 =	vmul.f32 v4, v62;
	[tilespmem:$0x1FEF0] =	vst v10;
	v8 =	vld [tilespmem:s24+$0x100]  }
0x12e: {  	v61 =	vld [tilespmem:s24+$0x70];
	v38 =	vmul.f32 v38, v63;
	[tilespmem:$0x1FF00] =	vst v57;
	v9 =	vmul.f32 v16, v27  }
0x12f: {  	v62 =	vld [tilespmem:s24+$0x40];
	[tilespmem:$0x1FF10] =	vst v5;
	v27 =	vmul.f32 v29, v34;
	v29 =	vmul.f32 v58, v37;
	v10 =	vimm.f32 $0.0e+00  }
0x130: {  	v57 =	vld [tilespmem:s24+$0xB0];
	v34 =	vmul.f32 v6, v41;
	v37 =	vmul.f32 v3, v63;
	[tilespmem:$0x1FF30] =	vst v10  }
0x131: {  	v58 =	vld [tilespmem:s24+$0x80];
	v31 =	vmul.f32 v50, v46;
	[tilespmem:$0x1FF20] =	vst v9;
	v46 =	vmul.f32 v11, v7;
	v11 =	vimm.f32 $0.0e+00  }
0x132: {  	s26 =	simm.s32 $0x1;
	s22 =	simm.s32 $0x0;
	s23 =	simm.s32 $0x8220;
	v63 =	vld [tilespmem:s24+$0x50];
	v41 =	vmul.f32 v2, v7;
	[tilespmem:$0x1FF40] =	vst v11;
	v50 =	vmul.f32 v8, v49  }
.LBB2_4:
0x133: {  	_ = 	snop  }
0x134: {  	v1 =	vmul.f32 v52, v47;
	v2 =	vmul.f32 v51, v49  }
0x135: {  	v0 =	vld [tilespmem:s24+$0x20];
	v4 =	vmul.f32 v54, v48;
	v47 =	vmul.f32 v53, v47  }
0x136: {  	v3 =	vld [tilespmem:s24+$0x0];
	v51 =	vmul.f32 v56, v42;
	v48 =	vmul.f32 v55, v48  }
0x137: {  	v10 =	vld [tilespmem:s24+$0x10];
	v53 =	vmul.f32 v58, v43;
	v42 =	vmul.f32 v57, v42  }
0x138: {  	v11 =	vld [tilespmem:s24+$0x30];
	v54 =	vmul.f32 v60, v45;
	v43 =	vmul.f32 v59, v43  }
0x139: {  	v55 =	vmul.f32 v62, v40;
	v45 =	vmul.f32 v61, v45  }
0x13a: {  	v63 =	vmul.f32 v63, v40;
	v57 =	vmul.f32 v41, v41  }
0x13b: {  	s25 =	sadd.s32 $0x1A, s25;
	v59 =	vmul.f32 v46, v46;
	v3 =	vmul.f32 v3, v44  }
0x13c: {  	s28 =	sand.u32 $0x3FE, s25;
	v6 =	vmul.f32 v10, v44;
	v0 =	vmul.f32 v0, v39  }
0x13d: {  	v14 =	vld [tilespmem:s28+$0x1060];
	v8 =	vmul.f32 v11, v39;
	v61 =	vmul.f32 v55, v55  }
0x13e: {  	v62 =	vmul.f32 v63, v63;
	v52 =	vmul.f32 v47, v47  }
0x13f: {  	v56 =	vmul.f32 v2, v2;
	v7 =	vmul.f32 v3, v3;
	v3 =	vadd.f32 $0.0e+00, v3  }
0x140: {  	v9 =	vadd.f32 $0.0e+00, v6;
	v44 =	vmul.f32 v6, v6;
	v10 =	vmul.f32 v0, v0  }
0x141: {  	v11 =	vmul.f32 v8, v8;
	v6 =	vmul.f32 v45, v45  }
0x142: {  	v12 =	vbroadcast v14, $0x7;
	v0 =	vadd.f32 v0, v3;
	v60 =	vadd.f32 v8, v9  }
0x143: {  	v49 =	vadd.f32 v10, v7;
	v7 =	vmul.f32 v53, v53;
	v9 =	vmul.f32 v43, v43  }
0x144: {  	v44 =	vadd.f32 v11, v44;
	v10 =	vmul.f32 v51, v51;
	v11 =	vmul.f32 v42, v42  }
0x145: {  	v0 =	vadd.f32 v55, v0;
	v3 =	vadd.f32 v63, v60;
	v63 =	vmul.f32 v54, v54  }
0x146: {  	v39 =	vadd.f32 v61, v49;
	v44 =	vadd.f32 v62, v44;
	v49 =	vmul.f32 v48, v48  }
0x147: {  	v5 =	vld [tilespmem:$0x1FF20];
	v60 =	vmul.f32 v37, v37;
	v0 =	vadd.f32 v54, v0;
	v3 =	vadd.f32 v45, v3  }
0x148: {  	v62 =	vmul.f32 v38, v38;
	v39 =	vadd.f32 v63, v39;
	v8 =	vadd.f32 v6, v44  }
0x149: {  	v45 =	vmul.f32 v4, v4;
	v54 =	vmul.f32 v50, v50;
	v0 =	vadd.f32 v53, v0  }
0x14a: {  	v63 =	vmul.f32 v35, v35;
	v3 =	vadd.f32 v43, v3;
	v39 =	vadd.f32 v7, v39  }
0x14b: {  	v40 =	vadd.f32 v9, v8;
	v8 =	vmul.f32 v36, v36;
	v9 =	vmul.f32 v33, v33  }
0x14c: {  	v44 =	vld [tilespmem:$0x1FF00];
	v43 =	vmul.f32 v5, v5;
	v0 =	vadd.f32 v51, v0;
	v3 =	vadd.f32 v42, v3  }
0x14d: {  	v6 =	vld [tilespmem:$0x1FF10];
	v39 =	vadd.f32 v10, v39;
	v40 =	vadd.f32 v11, v40;
	v51 =	vmul.f32 v1, v1  }
0x14e: {  	v10 =	vmul.f32 v34, v34;
	v0 =	vadd.f32 v4, v0;
	v3 =	vadd.f32 v48, v3  }
0x14f: {  	v11 =	vmul.f32 v31, v31;
	v39 =	vadd.f32 v45, v39;
	v40 =	vadd.f32 v49, v40  }
0x150: {  	v42 =	vmul.f32 v18, v18;
	v0 =	vadd.f32 v1, v0;
	v53 =	vadd.f32 v47, v3  }
0x151: {  	v16 =	vmul.f32 v44, v44;
	v4 =	vadd.f32 v51, v39;
	v55 =	vadd.f32 v52, v40;
	v47 =	vld [tilespmem:$0x1FEF0]  }
0x152: {  	v45 =	vmul.f32 v6, v6;
	v0 =	vadd.f32 v50, v0;
	v1 =	vadd.f32 v2, v53;
	v50 =	vld [tilespmem:$0x1FED0]  }
0x153: {  	v39 =	vmul.f32 v24, v24;
	v3 =	vadd.f32 v54, v4;
	v58 =	vadd.f32 v56, v55;
	v53 =	vld [tilespmem:$0x1FEC0]  }
0x154: {  	v40 =	vmul.f32 v22, v22;
	v55 =	vld [tilespmem:s28+$0x1050];
	v0 =	vadd.f32 v41, v0;
	v1 =	vadd.f32 v46, v1  }
0x155: {  	v2 =	vadd.f32 v57, v3;
	v61 =	vadd.f32 v59, v58;
	v41 =	vmul.f32 v20, v20  }
0x156: {  	v48 =	vmul.f32 v47, v47;
	v0 =	vadd.f32 v37, v0;
	v1 =	vadd.f32 v38, v1  }
0x157: {  	v2 =	vadd.f32 v60, v2;
	v37 =	vmul.f32 v28, v28;
	v38 =	vmul.f32 v26, v26  }
0x158: {  	v46 =	vld [tilespmem:$0x1FEE0];
	v3 =	vadd.f32 v62, v61;
	v51 =	vmul.f32 v50, v50;
	v54 =	vmul.f32 v53, v53  }
0x159: {  	v61 =	vbroadcast v55, $0xC;
	v60 =	vbroadcast v55, $0xD;
	v0 =	vadd.f32 v35, v0  }
0x15a: {  	v62 =	vbroadcast v55, $0xB;
	v1 =	vadd.f32 v36, v1;
	v2 =	vadd.f32 v63, v2  }
0x15b: {  	v7 =	vld [tilespmem:$0x1FFC0];
	v3 =	vadd.f32 v8, v3;
	v35 =	vmul.f32 v32, v32;
	v36 =	vmul.f32 v30, v30  }
0x15c: {  	v49 =	vld [tilespmem:$0x1FEA0];
	v63 =	vbroadcast v55, $0xA;
	v0 =	vadd.f32 v33, v0;
	v1 =	vadd.f32 v34, v1  }
0x15d: {  	s24 =	sadd.s32 $0x340, s24;
	v52 =	vld [tilespmem:$0x1FEB0];
	v13 =	vmul.f32 v46, v46;
	v2 =	vadd.f32 v9, v2;
	v3 =	vadd.f32 v10, v3  }
0x15e: {  	v4 =	vld [tilespmem:s24+$0x170];
	v10 =	vbroadcast v14, $0x8;
	v0 =	vadd.f32 v31, v0;
	v1 =	vadd.f32 v32, v1  }
0x15f: {  	v56 =	vld [tilespmem:$0x1FF30];
	v31 =	vmul.f32 v29, v29;
	v2 =	vadd.f32 v11, v2;
	v3 =	vadd.f32 v35, v3  }
0x160: {  	v58 =	vld [tilespmem:s24+$0x1C0];
	v34 =	vbroadcast v14, $0x4;
	v0 =	vadd.f32 v29, v0;
	v1 =	vadd.f32 v30, v1  }
0x161: {  	v59 =	vld [tilespmem:s24+$0x1D0];
	v29 =	vmul.f32 v27, v27;
	v2 =	vadd.f32 v31, v2;
	v3 =	vadd.f32 v36, v3  }
0x162: {  	v57 =	vld [tilespmem:$0x1FF40];
	v11 =	vmul.f32 v49, v49;
	v0 =	vadd.f32 v27, v0;
	v1 =	vadd.f32 v28, v1  }
0x163: {  	v9 =	vld [tilespmem:s24+$0x1A0];
	v27 =	vmul.f32 v25, v25;
	v2 =	vadd.f32 v29, v2;
	v3 =	vadd.f32 v37, v3  }
0x164: {  	v32 =	vld [tilespmem:s24+$0x230];
	v36 =	vbroadcast v14, $0x1;
	v0 =	vadd.f32 v25, v0;
	v1 =	vadd.f32 v26, v1  }
0x165: {  	v35 =	vld [tilespmem:s24+$0x210];
	v25 =	vmul.f32 v23, v23;
	v2 =	vadd.f32 v27, v2;
	v3 =	vadd.f32 v38, v3  }
0x166: {  	v30 =	vld [tilespmem:s24+$0x250];
	v37 =	vbroadcast v14, $0x2;
	v0 =	vadd.f32 v23, v0;
	v1 =	vadd.f32 v24, v1  }
0x167: {  	v31 =	vld [tilespmem:s24+$0x220];
	v24 =	vmul.f32 v21, v21;
	v2 =	vadd.f32 v25, v2;
	v3 =	vadd.f32 v39, v3  }
0x168: {  	v28 =	vld [tilespmem:s24+$0x260];
	v38 =	vbroadcast v55, $0xF;
	v0 =	vadd.f32 v21, v0;
	v1 =	vadd.f32 v22, v1  }
0x169: {  	v29 =	vld [tilespmem:s24+$0x240];
	v25 =	vmul.f32 v19, v19;
	v2 =	vadd.f32 v24, v2;
	v3 =	vadd.f32 v40, v3  }
0x16a: {  	v26 =	vld [tilespmem:s23+$0x330];
	v39 =	vbroadcast v55, $0x1;
	v0 =	vadd.f32 v19, v0;
	v1 =	vadd.f32 v20, v1  }
0x16b: {  	v27 =	vld [tilespmem:s24+$0x290];
	v24 =	vmul.f32 v17, v17;
	v2 =	vadd.f32 v25, v2;
	v3 =	vadd.f32 v41, v3  }
0x16c: {  	v23 =	vld [tilespmem:s24+$0x320];
	v40 =	vbroadcast v55, $0x2;
	v0 =	vadd.f32 v17, v0;
	v1 =	vadd.f32 v18, v1  }
0x16d: {  	v21 =	vld [tilespmem:s24+$0x300];
	v25 =	vmul.f32 v15, v15;
	v2 =	vadd.f32 v24, v2;
	v3 =	vadd.f32 v42, v3  }
0x16e: {  	v19 =	vld [tilespmem:s24+$0x2E0];
	v41 =	vbroadcast v14, $0x0;
	v0 =	vadd.f32 v15, v0;
	v1 =	vadd.f32 v5, v1  }
0x16f: {  	v20 =	vld [tilespmem:s24+$0x2F0];
	v42 =	vbroadcast v55, $0x5;
	v2 =	vadd.f32 v25, v2;
	v3 =	vadd.f32 v43, v3  }
0x170: {  	v22 =	vld [tilespmem:s24+$0x310];
	v5 =	vmul.f32 v26, v52;
	v0 =	vadd.f32 v44, v0;
	v1 =	vadd.f32 v6, v1  }
0x171: {  	v17 =	vld [tilespmem:s24+$0x2C0];
	v52 =	vbroadcast v14, $0x5;
	v2 =	vadd.f32 v16, v2;
	v3 =	vadd.f32 v45, v3  }
0x172: {  	v18 =	vld [tilespmem:s24+$0x2D0];
	v43 =	vbroadcast v55, $0x4;
	v0 =	vadd.f32 v46, v0;
	v1 =	vadd.f32 v47, v1  }
0x173: {  	v24 =	vld [tilespmem:s24+$0x2B0];
	v19 =	vmul.f32 v19, v12;
	v2 =	vadd.f32 v13, v2;
	v3 =	vadd.f32 v48, v3  }
0x174: {  	v15 =	vld [tilespmem:s24+$0x2A0];
	v12 =	vmul.f32 v20, v12;
	v0 =	vadd.f32 v49, v0;
	v1 =	vadd.f32 v50, v1  }
0x175: {  	v25 =	vld [tilespmem:s24+$0x280];
	v8 =	vmul.f32 v5, v5;
	v2 =	vadd.f32 v11, v2;
	v3 =	vadd.f32 v51, v3  }
0x176: {  	v26 =	vld [tilespmem:s24+$0x270];
	v16 =	vbroadcast v14, $0x6;
	v0 =	vadd.f32 v53, v0;
	v1 =	vadd.f32 v5, v1  }
0x177: {  	v6 =	vld [tilespmem:s24+$0x190];
	v45 =	vbroadcast v55, $0x3;
	v44 =	vbroadcast v55, $0x0;
	v2 =	vadd.f32 v54, v2  }
0x178: {  	[tilespmem:$0x1FEF0] =	vst v12;
	v12 =	vld [tilespmem:s24+$0x130];
	v3 =	vadd.f32 v8, v3;
	v0 =	vmul.f32 v0, v0;
	v1 =	vmul.f32 v1, v1  }
0x179: {  	[tilespmem:$0x1FEE0] =	vst v19;
	v19 =	vld [tilespmem:$0x1FFE0];
	v46 =	vbroadcast v55, $0xE;
	v47 =	vbroadcast v55, $0x7  }
0x17a: {  	v17 =	vmul.f32 v17, v16;
	v50 =	vld [tilespmem:s24+$0x1F0];
	v0 =	vsub.f32 v0, v2;
	v1 =	vsub.f32 v1, v3  }
0x17b: {  	v48 =	vbroadcast v55, $0x6;
	v16 =	vmul.f32 v18, v16;
	v53 =	vld [tilespmem:$0x1FFF0]  }
0x17c: {  	v15 =	vmul.f32 v15, v52;
	v11 =	vld [tilespmem:s24+$0x1B0];
	[tilespmem:$0x1FF00] =	vst v17;
	v17 =	vmul.f32 v24, v52;
	v0 =	vadd.f32 v1, v0  }
0x17d: {  	v18 =	vmov s22;
	v51 =	vbroadcast v14, $0x9;
	v49 =	vbroadcast v55, $0x8;
	[tilespmem:$0x1FF10] =	vst v16;
	v8 =	vld [tilespmem:s24+$0x180]  }
0x17e: {  	v16 =	vld [tilespmem:s24+$0x100];
	[tilespmem:$0x1FF20] =	vst v17;
	v17 =	vmul.f32 v25, v34;
	v25 =	vlaneseq.u32;
	v0 =	vmul.f32 $5.000000000e-01, v0  }
0x17f: {  	v52 =	vld [tilespmem:s24+$0xE0];
	v5 =	vbroadcast v55, $0x9;
	vm0 =	veq.s32 v18, v25;
	v18 =	vmul.f32 v27, v34  }
0x180: {  	v55 =	vld [tilespmem:$0x1FFD0];
	v34 =	vmul.f32 v6, v61;
	v54 =	vperm.xlane v0, v53  }
0x181: {  	v2 =	vld [tilespmem:s24+$0x200];
	v3 =	vbroadcast v14, $0x3;
	v14 =	vmul.f32 v21, v10  }
0x182: {  	s31 =	sadd.s32 $0xFFFFFFF0, s22;
	v10 =	vmul.f32 v22, v10;
	v33 =	vmul.f32 v8, v61;
	v61 =	vld [tilespmem:s24+$0x70];
	v0 =	vadd.f32 v0, v54  }
0x183: {  	v24 =	vmov s31;
	[tilespmem:$0x1FEB0] =	vst v51;
	v1 =	vld [tilespmem:s24+$0x1E0]  }
0x184: {  	vm1 =	veq.s32 v24, v25;
	v24 =	vmul.f32 v32, v36;
	[tilespmem:$0x1FED0] =	vst v10;
	v10 =	vld [tilespmem:s24+$0x120];
	v13 =	vperm.xlane v0, v7  }
0x185: {  	v32 =	vmul.f32 v11, v60;
	[tilespmem:$0x1FEA0] =	vst v14;
	v14 =	vmul.f32 v23, v51;
	v51 =	vld [tilespmem:s24+$0x110]  }
0x186: {  	v23 =	vmul.f32 v31, v36;
	v31 =	vmul.f32 v9, v60;
	v60 =	vld [tilespmem:s24+$0x60];
	v0 =	vadd.f32 v0, v13  }
0x187: {  	v7 =	vld [tilespmem:s24+$0x160]  }
0x188: {  	[tilespmem:$0x1FEC0] =	vst v14;
	v14 =	vld [tilespmem:s24+$0x150];
	v21 =	vperm.xlane v0, v55  }
0x189: {  	v20 =	vmul.f32 v26, v3;
	v53 =	vld [tilespmem:s24+$0xF0]  }
0x18a: {  	v26 =	vmul.f32 v35, v41;
	v36 =	vmul.f32 v4, v62;
	v54 =	vld [tilespmem:s24+$0xC0];
	v0 =	vadd.f32 v0, v21  }
0x18b: {  	v25 =	vmul.f32 v2, v41;
	v27 =	vmul.f32 v1, v38;
	v13 =	vld [tilespmem:s24+$0x140]  }
0x18c: {  	v55 =	vld [tilespmem:s24+$0xD0];
	v35 =	vmul.f32 v7, v62;
	v22 =	vperm.xlane v0, v19  }
0x18d: {  	p0 =	sne.s32 s26, $0x1F;
	v62 =	vld [tilespmem:s24+$0x40];
	v21 =	vmul.f32 v29, v37;
	v29 =	vmul.f32 v58, v46  }
.Ltmp1:
0x18e: {  	v58 =	vld [tilespmem:s24+$0x80];
	v19 =	vmul.f32 v28, v3;
	v28 =	vmul.f32 v50, v38;
	v0 =	vadd.f32 v0, v22;
	(pc) =	sbr.rel @p0 .LBB2_4-.Ltmp1, $4  }
0x18f: {  	v22 =	vmul.f32 v30, v37;
	v30 =	vmul.f32 v59, v46;
	v59 =	vld [tilespmem:s24+$0x90]  }
0x190: {  	v38 =	vmul.f32 v14, v63;
	v37 =	vmul.f32 v13, v63;
	v63 =	vld [tilespmem:s24+$0x50];
	v2 =	vsel vm1, v0, v56  }
0x191: {  	v41 =	vmul.f32 v10, v5;
	v56 =	vld [tilespmem:s24+$0xA0];
	v1 =	vsel vm0, v0, v57;
	[tilespmem:$0x1FF30] =	vst v2  }
0x192: {  	s23 =	smov.u32 s24;
	s22 =	smov.u32 s26;
	s26 =	sadd.s32 $0x1, s26;
	v50 =	vmul.f32 v16, v49;
	v46 =	vmul.f32 v12, v5;
	v57 =	vld [tilespmem:s24+$0xB0];
	[tilespmem:$0x1FF40] =	vst v1  }
0x193: {  	v0 =	vmul.f32 v51, v49;
	v1 =	vld [tilespmem:s24+$0x20];
	v2 =	vmul.f32 v52, v47  }
0x194: {  	v3 =	vmul.f32 v53, v47;
	v4 =	vld [tilespmem:s24+$0x0];
	v5 =	vmul.f32 v54, v48  }
0x195: {  	v6 =	vmul.f32 v55, v48;
	v7 =	vld [tilespmem:s24+$0x10];
	v11 =	vmul.f32 v58, v43  }
0x196: {  	v10 =	vld [tilespmem:s24+$0x30];
	v12 =	vmul.f32 v60, v45;
	v14 =	vmul.f32 v62, v40  }
0x197: {  	v16 =	vmul.f32 v61, v45;
	v13 =	vmul.f32 v59, v43  }
0x198: {  	v55 =	vmul.f32 v63, v40;
	v8 =	vmul.f32 v56, v42  }
0x199: {  	v9 =	vmul.f32 v57, v42;
	v4 =	vmul.f32 v4, v44  }
0x19a: {  	v7 =	vmul.f32 v7, v44;
	v1 =	vmul.f32 v1, v39  }
0x19b: {  	v10 =	vmul.f32 v10, v39;
	v56 =	vmul.f32 v4, v4  }
0x19c: {  	v4 =	vadd.f32 $0.0e+00, v4;
	v57 =	vadd.f32 $0.0e+00, v7;
	v7 =	vmul.f32 v7, v7  }
0x19d: {  	v58 =	vmul.f32 v1, v1;
	v59 =	vmul.f32 v10, v10  }
0x19e: {  	v61 =	vmul.f32 v14, v14;
	v1 =	vadd.f32 v1, v4;
	v60 =	vadd.f32 v10, v57  }
0x19f: {  	v63 =	vmul.f32 v55, v55;
	v62 =	vadd.f32 v58, v56;
	v7 =	vadd.f32 v59, v7  }
0x1a0: {  	v44 =	vmul.f32 v16, v16;
	v1 =	vadd.f32 v14, v1;
	v4 =	vadd.f32 v55, v60  }
0x1a1: {  	v14 =	vmul.f32 v12, v12;
	v10 =	vadd.f32 v61, v62;
	v7 =	vadd.f32 v63, v7  }
0x1a2: {  	v1 =	vadd.f32 v12, v1;
	v4 =	vadd.f32 v16, v4;
	v12 =	vmul.f32 v11, v11  }
0x1a3: {  	v10 =	vadd.f32 v14, v10;
	v7 =	vadd.f32 v44, v7;
	v14 =	vmul.f32 v13, v13  }
0x1a4: {  	v45 =	vmul.f32 v8, v8;
	v1 =	vadd.f32 v11, v1;
	v4 =	vadd.f32 v13, v4  }
0x1a5: {  	v10 =	vadd.f32 v12, v10;
	v7 =	vadd.f32 v14, v7;
	v12 =	vmul.f32 v9, v9  }
0x1a6: {  	v47 =	vmul.f32 v5, v5;
	v1 =	vadd.f32 v8, v1;
	v4 =	vadd.f32 v9, v4  }
0x1a7: {  	v49 =	vmul.f32 v6, v6;
	v48 =	vadd.f32 v45, v10;
	v7 =	vadd.f32 v12, v7  }
0x1a8: {  	v51 =	vmul.f32 v2, v2;
	v1 =	vadd.f32 v5, v1;
	v4 =	vadd.f32 v6, v4  }
0x1a9: {  	v53 =	vmul.f32 v3, v3;
	v52 =	vadd.f32 v47, v48;
	v7 =	vadd.f32 v49, v7  }
0x1aa: {  	v58 =	vmul.f32 v0, v0;
	v1 =	vadd.f32 v2, v1;
	v54 =	vadd.f32 v3, v4  }
0x1ab: {  	v55 =	vmul.f32 v50, v50;
	v56 =	vadd.f32 v51, v52;
	v57 =	vadd.f32 v53, v7  }
0x1ac: {  	v59 =	vmul.f32 v41, v41;
	v1 =	vadd.f32 v50, v1;
	v0 =	vadd.f32 v0, v54  }
0x1ad: {  	v61 =	vmul.f32 v46, v46;
	v3 =	vadd.f32 v55, v56;
	v60 =	vadd.f32 v58, v57  }
0x1ae: {  	v62 =	vmul.f32 v37, v37;
	v1 =	vadd.f32 v41, v1;
	v0 =	vadd.f32 v46, v0  }
0x1af: {  	v8 =	vmul.f32 v38, v38;
	v2 =	vadd.f32 v59, v3;
	v63 =	vadd.f32 v61, v60  }
0x1b0: {  	v9 =	vmul.f32 v35, v35;
	v1 =	vadd.f32 v37, v1;
	v0 =	vadd.f32 v38, v0  }
0x1b1: {  	v10 =	vmul.f32 v36, v36;
	v2 =	vadd.f32 v62, v2;
	v3 =	vadd.f32 v8, v63  }
0x1b2: {  	v11 =	vmul.f32 v33, v33;
	v1 =	vadd.f32 v35, v1;
	v0 =	vadd.f32 v36, v0  }
0x1b3: {  	v2 =	vadd.f32 v9, v2;
	v3 =	vadd.f32 v10, v3;
	v35 =	vmul.f32 v34, v34  }
0x1b4: {  	v37 =	vmul.f32 v32, v32;
	v1 =	vadd.f32 v33, v1;
	v0 =	vadd.f32 v34, v0  }
0x1b5: {  	v36 =	vmul.f32 v31, v31;
	v2 =	vadd.f32 v11, v2;
	v3 =	vadd.f32 v35, v3  }
0x1b6: {  	v39 =	vmul.f32 v30, v30;
	v1 =	vadd.f32 v31, v1;
	v0 =	vadd.f32 v32, v0  }
0x1b7: {  	v38 =	vmul.f32 v29, v29;
	v2 =	vadd.f32 v36, v2;
	v3 =	vadd.f32 v37, v3  }
0x1b8: {  	v40 =	vmul.f32 v27, v27;
	v1 =	vadd.f32 v29, v1;
	v0 =	vadd.f32 v30, v0  }
0x1b9: {  	v41 =	vmul.f32 v28, v28;
	v2 =	vadd.f32 v38, v2;
	v3 =	vadd.f32 v39, v3  }
0x1ba: {  	v43 =	vmul.f32 v26, v26;
	v1 =	vadd.f32 v27, v1;
	v0 =	vadd.f32 v28, v0  }
0x1bb: {  	v42 =	vmul.f32 v25, v25;
	v2 =	vadd.f32 v40, v2;
	v3 =	vadd.f32 v41, v3  }
0x1bc: {  	v44 =	vmul.f32 v23, v23;
	v1 =	vadd.f32 v25, v1;
	v0 =	vadd.f32 v26, v0  }
0x1bd: {  	v45 =	vmul.f32 v24, v24;
	v2 =	vadd.f32 v42, v2;
	v3 =	vadd.f32 v43, v3  }
0x1be: {  	v47 =	vmul.f32 v22, v22;
	v1 =	vadd.f32 v23, v1;
	v0 =	vadd.f32 v24, v0  }
0x1bf: {  	v53 =	vld [tilespmem:$0x1FF20];
	v46 =	vmul.f32 v21, v21;
	v2 =	vadd.f32 v44, v2;
	v3 =	vadd.f32 v45, v3  }
0x1c0: {  	v48 =	vmul.f32 v19, v19;
	v55 =	vld [tilespmem:$0x1FF00];
	v1 =	vadd.f32 v21, v1;
	v0 =	vadd.f32 v22, v0  }
0x1c1: {  	v49 =	vmul.f32 v20, v20;
	v57 =	vld [tilespmem:s23+$0x330];
	v2 =	vadd.f32 v46, v2;
	v3 =	vadd.f32 v47, v3  }
0x1c2: {  	v51 =	vmul.f32 v18, v18;
	v58 =	vld [tilespmem:$0x1FF10];
	v1 =	vadd.f32 v19, v1;
	v0 =	vadd.f32 v20, v0  }
0x1c3: {  	v50 =	vmul.f32 v17, v17;
	v60 =	vld [tilespmem:$0x1FEE0];
	v2 =	vadd.f32 v48, v2;
	v3 =	vadd.f32 v49, v3  }
0x1c4: {  	v52 =	vmul.f32 v15, v15;
	v62 =	vld [tilespmem:$0x1FEF0];
	v1 =	vadd.f32 v17, v1;
	v0 =	vadd.f32 v18, v0  }
0x1c5: {  	v54 =	vmul.f32 v53, v53;
	v34 =	vld [tilespmem:$0x1FED0];
	v2 =	vadd.f32 v50, v2;
	v3 =	vadd.f32 v51, v3  }
0x1c6: {  	v56 =	vmul.f32 v55, v55;
	v32 =	vld [tilespmem:$0x1FEA0];
	v1 =	vadd.f32 v15, v1;
	v0 =	vadd.f32 v53, v0  }
0x1c7: {  	v59 =	vmul.f32 v58, v58;
	v36 =	vld [tilespmem:$0x1FEB0];
	v2 =	vadd.f32 v52, v2;
	v3 =	vadd.f32 v54, v3  }
0x1c8: {  	v61 =	vmul.f32 v60, v60;
	v37 =	vld [tilespmem:$0x1FEC0];
	v1 =	vadd.f32 v55, v1;
	v0 =	vadd.f32 v58, v0  }
0x1c9: {  	v63 =	vmul.f32 v62, v62;
	v2 =	vadd.f32 v56, v2;
	v3 =	vadd.f32 v59, v3  }
0x1ca: {  	v35 =	vmul.f32 v34, v34;
	v1 =	vadd.f32 v60, v1;
	v0 =	vadd.f32 v62, v0  }
0x1cb: {  	v33 =	vmul.f32 v32, v32;
	v2 =	vadd.f32 v61, v2;
	v3 =	vadd.f32 v63, v3  }
0x1cc: {  	v5 =	vmul.f32 v57, v36;
	v1 =	vadd.f32 v32, v1;
	v0 =	vadd.f32 v34, v0  }
0x1cd: {  	v38 =	vmul.f32 v37, v37;
	v2 =	vadd.f32 v33, v2;
	v3 =	vadd.f32 v35, v3  }
0x1ce: {  	v1 =	vadd.f32 v37, v1;
	v0 =	vadd.f32 v5, v0;
	v5 =	vmul.f32 v5, v5  }
0x1cf: {  	v2 =	vadd.f32 v38, v2  }
0x1d0: {  	v3 =	vadd.f32 v5, v3;
	v1 =	vmul.f32 v1, v1;
	v0 =	vmul.f32 v0, v0;
	_ =	sdelay $0x1  }
0x1d1: {  	v1 =	vsub.f32 v1, v2;
	v0 =	vsub.f32 v0, v3  }
0x1d2: {  	v39 =	vld [tilespmem:$0x1FFF0]  }
0x1d3: {  	v0 =	vadd.f32 v0, v1;
	_ =	sdelay $0x1  }
0x1d4: {  	v0 =	vmul.f32 $5.000000000e-01, v0  }
0x1d5: {  	v40 =	vld [tilespmem:$0x1FFC0]  }
0x1d6: {  	v1 =	vperm.xlane v0, v39;
	_ =	sdelay $0x1  }
0x1d7: {  	v0 =	vadd.f32 v0, v1  }
0x1d8: {  	v41 =	vld [tilespmem:$0x1FFD0]  }
0x1d9: {  	v1 =	vperm.xlane v0, v40;
	_ =	sdelay $0x1  }
0x1da: {  	v0 =	vadd.f32 v0, v1  }
0x1db: {  	v42 =	vld [tilespmem:$0x1FFE0]  }
0x1dc: {  	v1 =	vperm.xlane v0, v41;
	_ =	sdelay $0x1  }
0x1dd: {  	v43 =	vld [tilespmem:$0x15240];
	v0 =	vadd.f32 v0, v1  }
0x1de: {  	v48 =	vld [tilespmem:$0x1FF40]  }
0x1df: {  	v49 =	vld [tilespmem:$0x1FF30];
	v1 =	vperm.xlane v0, v42  }
0x1e0: {  	v44 =	vld [tilespmem:$0x15250]  }
0x1e1: {  	s30 =	sadd.s32 $0xFFFFFFF0, s22;
	v45 =	vmov s22;
	v46 =	vlaneseq.u32;
	v0 =	vadd.f32 v0, v1  }
0x1e2: {  	v47 =	vmov s30;
	vm0 =	veq.s32 v45, v46  }
0x1e3: {  	vm1 =	veq.s32 v47, v46;
	v1 =	vsel vm0, v0, v48  }
0x1e4: {  	v0 =	vsel vm1, v0, v49;
	v1 =	vadd.f32 v43, v1  }
0x1e5: {  	v0 =	vadd.f32 v44, v0  }
0x1e6: {  	[tilespmem:$0x152C0] =	vst v1  }
0x1e7: {  	[tilespmem:$0x152D0] =	vst v0  }
0x1e8: {  	_ =	swait.ge [sflag:s19], $0x6800  }
0x1e9: {  	[sflag:s19] =	ssyncset.done $0x0  }
0x1ea: {  	s24 =	simm.s32 $0xEA20;
	[sflag:s19] =	ssyncadd.s32 $0xFFFF9800  }
0x1eb: {  	v53 =	vld [tilespmem:s24+$0x320]  }
0x1ec: {  	v1 =	vld [tilespmem:s24+$0x300]  }
0x1ed: {  	v2 =	vld [tilespmem:s24+$0x310]  }
0x1ee: {  	v11 =	vld [tilespmem:s24+$0x2E0]  }
0x1ef: {  	v52 =	vld [tilespmem:s24+$0x2F0]  }
0x1f0: {  	v13 =	vld [tilespmem:s24+$0x2C0]  }
0x1f1: {  	v51 =	vld [tilespmem:s24+$0x2D0]  }
0x1f2: {  	v15 =	vld [tilespmem:s24+$0x2A0]  }
0x1f3: {  	s25 =	simm.s32 $0x0;
	v16 =	vld [tilespmem:s24+$0x2B0]  }
0x1f4: {  	s31 =	sand.u32 $0x3FE, s25;
	v17 =	vld [tilespmem:s24+$0x280]  }
0x1f5: {  	v50 =	vld [tilespmem:s31+$0x13A0]  }
0x1f6: {  	v18 =	vld [tilespmem:s24+$0x290]  }
0x1f7: {  	v19 =	vld [tilespmem:s24+$0x260]  }
0x1f8: {  	v20 =	vld [tilespmem:s24+$0x270]  }
0x1f9: {  	v21 =	vld [tilespmem:s24+$0x240]  }
0x1fa: {  	v22 =	vld [tilespmem:s24+$0x250]  }
0x1fb: {  	v9 =	vld [tilespmem:s31+$0x1390]  }
0x1fc: {  	v23 =	vld [tilespmem:s24+$0x220]  }
0x1fd: {  	v24 =	vld [tilespmem:s24+$0x230]  }
0x1fe: {  	v25 =	vld [tilespmem:s24+$0x200];
	v54 =	vbroadcast v50, $0x8;
	v55 =	vbroadcast v50, $0x9  }
0x1ff: {  	v26 =	vld [tilespmem:s24+$0x210];
	v14 =	vbroadcast v50, $0x6;
	v12 =	vbroadcast v50, $0x7  }
0x200: {  	v29 =	vld [tilespmem:s24+$0x1E0];
	v27 =	vbroadcast v50, $0x5;
	v28 =	vbroadcast v50, $0x3  }
0x201: {  	v32 =	vld [tilespmem:s24+$0x1F0];
	v30 =	vbroadcast v50, $0x4;
	v31 =	vbroadcast v50, $0x1  }
0x202: {  	v58 =	vld [tilespmem:s24+$0x1C0];
	v33 =	vbroadcast v50, $0x2;
	v34 =	vbroadcast v9, $0xF  }
0x203: {  	v59 =	vld [tilespmem:s24+$0x1D0];
	v36 =	vbroadcast v50, $0x0;
	v37 =	vbroadcast v9, $0xE  }
0x204: {  	v60 =	vld [tilespmem:s24+$0x1B0];
	v41 =	vbroadcast v9, $0xC;
	v46 =	vbroadcast v9, $0xD  }
0x205: {  	v61 =	vld [tilespmem:s24+$0x180];
	v62 =	vbroadcast v9, $0xB;
	v7 =	vbroadcast v9, $0x9  }
0x206: {  	v6 =	vld [tilespmem:s24+$0x190];
	v63 =	vbroadcast v9, $0xA;
	v47 =	vbroadcast v9, $0x7  }
0x207: {  	v35 =	vld [tilespmem:s24+$0x160];
	v49 =	vbroadcast v9, $0x8;
	v42 =	vbroadcast v9, $0x5  }
0x208: {  	v4 =	vld [tilespmem:s24+$0x170];
	v48 =	vbroadcast v9, $0x6;
	v43 =	vbroadcast v9, $0x4  }
0x209: {  	v3 =	vld [tilespmem:s24+$0x140];
	v40 =	vbroadcast v9, $0x2;
	v45 =	vbroadcast v9, $0x3  }
0x20a: {  	v38 =	vld [tilespmem:s24+$0x150];
	v44 =	vbroadcast v9, $0x0;
	v39 =	vbroadcast v9, $0x1  }
0x20b: {  	v56 =	vld [tilespmem:s24+$0xA0];
	v1 =	vmul.f32 v1, v54;
	v0 =	vmul.f32 v53, v55  }
0x20c: {  	v50 =	vld [tilespmem:s24+$0x1A0];
	v8 =	vmul.f32 v2, v54;
	v9 =	vmul.f32 v11, v12  }
0x20d: {  	v2 =	vld [tilespmem:s24+$0x120];
	v10 =	vmul.f32 v52, v12;
	v57 =	vmul.f32 v13, v14  }
0x20e: {  	v11 =	vld [tilespmem:s24+$0x130];
	v5 =	vmul.f32 v51, v14;
	v15 =	vmul.f32 v15, v27  }
0x20f: {  	v51 =	vld [tilespmem:s24+$0x110];
	v17 =	vmul.f32 v17, v30;
	v19 =	vmul.f32 v19, v28  }
0x210: {  	v52 =	vld [tilespmem:s24+$0xE0];
	v18 =	vmul.f32 v18, v30;
	v21 =	vmul.f32 v21, v33  }
0x211: {  	[tilespmem:$0x1FE00] =	vst v55;
	v53 =	vld [tilespmem:s24+$0xF0];
	v20 =	vmul.f32 v20, v28;
	v23 =	vmul.f32 v23, v31  }
0x212: {  	v54 =	vld [tilespmem:s24+$0xC0];
	v22 =	vmul.f32 v22, v33;
	v25 =	vmul.f32 v25, v36;
	[tilespmem:$0x1FDF0] =	vst v1  }
0x213: {  	v55 =	vld [tilespmem:s24+$0xD0];
	v24 =	vmul.f32 v24, v31;
	v26 =	vmul.f32 v26, v36;
	[tilespmem:$0x1FE10] =	vst v0  }
0x214: {  	v28 =	vmul.f32 v32, v34;
	v30 =	vmul.f32 v59, v37;
	v59 =	vld [tilespmem:s24+$0x90];
	[tilespmem:$0x1FE20] =	vst v8  }
0x215: {  	v33 =	vmul.f32 v61, v41;
	v32 =	vmul.f32 v60, v46;
	v60 =	vld [tilespmem:s24+$0x60];
	[tilespmem:$0x1FE30] =	vst v9  }
0x216: {  	v35 =	vmul.f32 v35, v62;
	v36 =	vmul.f32 v4, v62;
	[tilespmem:$0x1FE40] =	vst v10;
	v8 =	vld [tilespmem:s24+$0x100]  }
0x217: {  	v61 =	vld [tilespmem:s24+$0x70];
	v38 =	vmul.f32 v38, v63;
	[tilespmem:$0x1FE50] =	vst v57;
	v9 =	vmul.f32 v16, v27  }
0x218: {  	v62 =	vld [tilespmem:s24+$0x40];
	[tilespmem:$0x1FE60] =	vst v5;
	v27 =	vmul.f32 v29, v34;
	v29 =	vmul.f32 v58, v37;
	v10 =	vimm.f32 $0.0e+00  }
0x219: {  	v57 =	vld [tilespmem:s24+$0xB0];
	v34 =	vmul.f32 v6, v41;
	v37 =	vmul.f32 v3, v63;
	[tilespmem:$0x1FE80] =	vst v10  }
0x21a: {  	v58 =	vld [tilespmem:s24+$0x80];
	v31 =	vmul.f32 v50, v46;
	[tilespmem:$0x1FE70] =	vst v9;
	v46 =	vmul.f32 v11, v7;
	v11 =	vimm.f32 $0.0e+00  }
0x21b: {  	s26 =	simm.s32 $0x1;
	s23 =	simm.s32 $0xEA20;
	s22 =	simm.s32 $0x0;
	v63 =	vld [tilespmem:s24+$0x50];
	v41 =	vmul.f32 v2, v7;
	[tilespmem:$0x1FE90] =	vst v11;
	v50 =	vmul.f32 v8, v49  }
.LBB2_6:
0x21c: {  	_ = 	snop  }
0x21d: {  	v1 =	vmul.f32 v52, v47;
	v2 =	vmul.f32 v51, v49  }
0x21e: {  	v0 =	vld [tilespmem:s24+$0x20];
	v4 =	vmul.f32 v54, v48;
	v47 =	vmul.f32 v53, v47  }
0x21f: {  	v3 =	vld [tilespmem:s24+$0x0];
	v51 =	vmul.f32 v56, v42;
	v48 =	vmul.f32 v55, v48  }
0x220: {  	v10 =	vld [tilespmem:s24+$0x10];
	v53 =	vmul.f32 v58, v43;
	v42 =	vmul.f32 v57, v42  }
0x221: {  	v11 =	vld [tilespmem:s24+$0x30];
	v54 =	vmul.f32 v60, v45;
	v43 =	vmul.f32 v59, v43  }
0x222: {  	v55 =	vmul.f32 v62, v40;
	v45 =	vmul.f32 v61, v45  }
0x223: {  	v63 =	vmul.f32 v63, v40;
	v57 =	vmul.f32 v41, v41  }
0x224: {  	s25 =	sadd.s32 $0x1A, s25;
	v59 =	vmul.f32 v46, v46;
	v3 =	vmul.f32 v3, v44  }
0x225: {  	s28 =	sand.u32 $0x3FE, s25;
	v6 =	vmul.f32 v10, v44;
	v0 =	vmul.f32 v0, v39  }
0x226: {  	v14 =	vld [tilespmem:s28+$0x13A0];
	v8 =	vmul.f32 v11, v39;
	v61 =	vmul.f32 v55, v55  }
0x227: {  	v62 =	vmul.f32 v63, v63;
	v52 =	vmul.f32 v47, v47  }
0x228: {  	v56 =	vmul.f32 v2, v2;
	v7 =	vmul.f32 v3, v3;
	v3 =	vadd.f32 $0.0e+00, v3  }
0x229: {  	v9 =	vadd.f32 $0.0e+00, v6;
	v44 =	vmul.f32 v6, v6;
	v10 =	vmul.f32 v0, v0  }
0x22a: {  	v11 =	vmul.f32 v8, v8;
	v6 =	vmul.f32 v45, v45  }
0x22b: {  	v12 =	vbroadcast v14, $0x7;
	v0 =	vadd.f32 v0, v3;
	v60 =	vadd.f32 v8, v9  }
0x22c: {  	v49 =	vadd.f32 v10, v7;
	v7 =	vmul.f32 v53, v53;
	v9 =	vmul.f32 v43, v43  }
0x22d: {  	v44 =	vadd.f32 v11, v44;
	v10 =	vmul.f32 v51, v51;
	v11 =	vmul.f32 v42, v42  }
0x22e: {  	v0 =	vadd.f32 v55, v0;
	v3 =	vadd.f32 v63, v60;
	v63 =	vmul.f32 v54, v54  }
0x22f: {  	v39 =	vadd.f32 v61, v49;
	v44 =	vadd.f32 v62, v44;
	v49 =	vmul.f32 v48, v48  }
0x230: {  	v5 =	vld [tilespmem:$0x1FE70];
	v60 =	vmul.f32 v37, v37;
	v0 =	vadd.f32 v54, v0;
	v3 =	vadd.f32 v45, v3  }
0x231: {  	v62 =	vmul.f32 v38, v38;
	v39 =	vadd.f32 v63, v39;
	v8 =	vadd.f32 v6, v44  }
0x232: {  	v45 =	vmul.f32 v4, v4;
	v54 =	vmul.f32 v50, v50;
	v0 =	vadd.f32 v53, v0  }
0x233: {  	v63 =	vmul.f32 v35, v35;
	v3 =	vadd.f32 v43, v3;
	v39 =	vadd.f32 v7, v39  }
0x234: {  	v40 =	vadd.f32 v9, v8;
	v8 =	vmul.f32 v36, v36;
	v9 =	vmul.f32 v33, v33  }
0x235: {  	v44 =	vld [tilespmem:$0x1FE50];
	v43 =	vmul.f32 v5, v5;
	v0 =	vadd.f32 v51, v0;
	v3 =	vadd.f32 v42, v3  }
0x236: {  	v6 =	vld [tilespmem:$0x1FE60];
	v39 =	vadd.f32 v10, v39;
	v40 =	vadd.f32 v11, v40;
	v51 =	vmul.f32 v1, v1  }
0x237: {  	v10 =	vmul.f32 v34, v34;
	v0 =	vadd.f32 v4, v0;
	v3 =	vadd.f32 v48, v3  }
0x238: {  	v11 =	vmul.f32 v31, v31;
	v39 =	vadd.f32 v45, v39;
	v40 =	vadd.f32 v49, v40  }
0x239: {  	v42 =	vmul.f32 v18, v18;
	v0 =	vadd.f32 v1, v0;
	v53 =	vadd.f32 v47, v3  }
0x23a: {  	v16 =	vmul.f32 v44, v44;
	v4 =	vadd.f32 v51, v39;
	v55 =	vadd.f32 v52, v40;
	v47 =	vld [tilespmem:$0x1FE40]  }
0x23b: {  	v45 =	vmul.f32 v6, v6;
	v0 =	vadd.f32 v50, v0;
	v1 =	vadd.f32 v2, v53;
	v50 =	vld [tilespmem:$0x1FE20]  }
0x23c: {  	v39 =	vmul.f32 v24, v24;
	v3 =	vadd.f32 v54, v4;
	v58 =	vadd.f32 v56, v55;
	v53 =	vld [tilespmem:$0x1FE10]  }
0x23d: {  	v40 =	vmul.f32 v22, v22;
	v55 =	vld [tilespmem:s28+$0x1390];
	v0 =	vadd.f32 v41, v0;
	v1 =	vadd.f32 v46, v1  }
0x23e: {  	v2 =	vadd.f32 v57, v3;
	v61 =	vadd.f32 v59, v58;
	v41 =	vmul.f32 v20, v20  }
0x23f: {  	v48 =	vmul.f32 v47, v47;
	v0 =	vadd.f32 v37, v0;
	v1 =	vadd.f32 v38, v1  }
0x240: {  	v2 =	vadd.f32 v60, v2;
	v37 =	vmul.f32 v28, v28;
	v38 =	vmul.f32 v26, v26  }
0x241: {  	v46 =	vld [tilespmem:$0x1FE30];
	v3 =	vadd.f32 v62, v61;
	v51 =	vmul.f32 v50, v50;
	v54 =	vmul.f32 v53, v53  }
0x242: {  	v61 =	vbroadcast v55, $0xC;
	v60 =	vbroadcast v55, $0xD;
	v0 =	vadd.f32 v35, v0  }
0x243: {  	v62 =	vbroadcast v55, $0xB;
	v1 =	vadd.f32 v36, v1;
	v2 =	vadd.f32 v63, v2  }
0x244: {  	v7 =	vld [tilespmem:$0x1FFC0];
	v3 =	vadd.f32 v8, v3;
	v35 =	vmul.f32 v32, v32;
	v36 =	vmul.f32 v30, v30  }
0x245: {  	v49 =	vld [tilespmem:$0x1FDF0];
	v63 =	vbroadcast v55, $0xA;
	v0 =	vadd.f32 v33, v0;
	v1 =	vadd.f32 v34, v1  }
0x246: {  	s24 =	sadd.s32 $0x340, s24;
	v52 =	vld [tilespmem:$0x1FE00];
	v13 =	vmul.f32 v46, v46;
	v2 =	vadd.f32 v9, v2;
	v3 =	vadd.f32 v10, v3  }
0x247: {  	v4 =	vld [tilespmem:s24+$0x170];
	v10 =	vbroadcast v14, $0x8;
	v0 =	vadd.f32 v31, v0;
	v1 =	vadd.f32 v32, v1  }
0x248: {  	v56 =	vld [tilespmem:$0x1FE80];
	v31 =	vmul.f32 v29, v29;
	v2 =	vadd.f32 v11, v2;
	v3 =	vadd.f32 v35, v3  }
0x249: {  	v58 =	vld [tilespmem:s24+$0x1C0];
	v34 =	vbroadcast v14, $0x4;
	v0 =	vadd.f32 v29, v0;
	v1 =	vadd.f32 v30, v1  }
0x24a: {  	v59 =	vld [tilespmem:s24+$0x1D0];
	v29 =	vmul.f32 v27, v27;
	v2 =	vadd.f32 v31, v2;
	v3 =	vadd.f32 v36, v3  }
0x24b: {  	v57 =	vld [tilespmem:$0x1FE90];
	v11 =	vmul.f32 v49, v49;
	v0 =	vadd.f32 v27, v0;
	v1 =	vadd.f32 v28, v1  }
0x24c: {  	v9 =	vld [tilespmem:s24+$0x1A0];
	v27 =	vmul.f32 v25, v25;
	v2 =	vadd.f32 v29, v2;
	v3 =	vadd.f32 v37, v3  }
0x24d: {  	v32 =	vld [tilespmem:s24+$0x230];
	v36 =	vbroadcast v14, $0x1;
	v0 =	vadd.f32 v25, v0;
	v1 =	vadd.f32 v26, v1  }
0x24e: {  	v35 =	vld [tilespmem:s24+$0x210];
	v25 =	vmul.f32 v23, v23;
	v2 =	vadd.f32 v27, v2;
	v3 =	vadd.f32 v38, v3  }
0x24f: {  	v30 =	vld [tilespmem:s24+$0x250];
	v37 =	vbroadcast v14, $0x2;
	v0 =	vadd.f32 v23, v0;
	v1 =	vadd.f32 v24, v1  }
0x250: {  	v31 =	vld [tilespmem:s24+$0x220];
	v24 =	vmul.f32 v21, v21;
	v2 =	vadd.f32 v25, v2;
	v3 =	vadd.f32 v39, v3  }
0x251: {  	v28 =	vld [tilespmem:s24+$0x260];
	v38 =	vbroadcast v55, $0xF;
	v0 =	vadd.f32 v21, v0;
	v1 =	vadd.f32 v22, v1  }
0x252: {  	v29 =	vld [tilespmem:s24+$0x240];
	v25 =	vmul.f32 v19, v19;
	v2 =	vadd.f32 v24, v2;
	v3 =	vadd.f32 v40, v3  }
0x253: {  	v26 =	vld [tilespmem:s23+$0x330];
	v39 =	vbroadcast v55, $0x1;
	v0 =	vadd.f32 v19, v0;
	v1 =	vadd.f32 v20, v1  }
0x254: {  	v27 =	vld [tilespmem:s24+$0x290];
	v24 =	vmul.f32 v17, v17;
	v2 =	vadd.f32 v25, v2;
	v3 =	vadd.f32 v41, v3  }
0x255: {  	v23 =	vld [tilespmem:s24+$0x320];
	v40 =	vbroadcast v55, $0x2;
	v0 =	vadd.f32 v17, v0;
	v1 =	vadd.f32 v18, v1  }
0x256: {  	v21 =	vld [tilespmem:s24+$0x300];
	v25 =	vmul.f32 v15, v15;
	v2 =	vadd.f32 v24, v2;
	v3 =	vadd.f32 v42, v3  }
0x257: {  	v19 =	vld [tilespmem:s24+$0x2E0];
	v41 =	vbroadcast v14, $0x0;
	v0 =	vadd.f32 v15, v0;
	v1 =	vadd.f32 v5, v1  }
0x258: {  	v20 =	vld [tilespmem:s24+$0x2F0];
	v42 =	vbroadcast v55, $0x5;
	v2 =	vadd.f32 v25, v2;
	v3 =	vadd.f32 v43, v3  }
0x259: {  	v22 =	vld [tilespmem:s24+$0x310];
	v5 =	vmul.f32 v26, v52;
	v0 =	vadd.f32 v44, v0;
	v1 =	vadd.f32 v6, v1  }
0x25a: {  	v17 =	vld [tilespmem:s24+$0x2C0];
	v52 =	vbroadcast v14, $0x5;
	v2 =	vadd.f32 v16, v2;
	v3 =	vadd.f32 v45, v3  }
0x25b: {  	v18 =	vld [tilespmem:s24+$0x2D0];
	v43 =	vbroadcast v55, $0x4;
	v0 =	vadd.f32 v46, v0;
	v1 =	vadd.f32 v47, v1  }
0x25c: {  	v24 =	vld [tilespmem:s24+$0x2B0];
	v19 =	vmul.f32 v19, v12;
	v2 =	vadd.f32 v13, v2;
	v3 =	vadd.f32 v48, v3  }
0x25d: {  	v15 =	vld [tilespmem:s24+$0x2A0];
	v12 =	vmul.f32 v20, v12;
	v0 =	vadd.f32 v49, v0;
	v1 =	vadd.f32 v50, v1  }
0x25e: {  	v25 =	vld [tilespmem:s24+$0x280];
	v8 =	vmul.f32 v5, v5;
	v2 =	vadd.f32 v11, v2;
	v3 =	vadd.f32 v51, v3  }
0x25f: {  	v26 =	vld [tilespmem:s24+$0x270];
	v16 =	vbroadcast v14, $0x6;
	v0 =	vadd.f32 v53, v0;
	v1 =	vadd.f32 v5, v1  }
0x260: {  	v6 =	vld [tilespmem:s24+$0x190];
	v45 =	vbroadcast v55, $0x3;
	v44 =	vbroadcast v55, $0x0;
	v2 =	vadd.f32 v54, v2  }
0x261: {  	[tilespmem:$0x1FE40] =	vst v12;
	v12 =	vld [tilespmem:s24+$0x130];
	v3 =	vadd.f32 v8, v3;
	v0 =	vmul.f32 v0, v0;
	v1 =	vmul.f32 v1, v1  }
0x262: {  	[tilespmem:$0x1FE30] =	vst v19;
	v19 =	vld [tilespmem:$0x1FFE0];
	v46 =	vbroadcast v55, $0xE;
	v47 =	vbroadcast v55, $0x7  }
0x263: {  	v17 =	vmul.f32 v17, v16;
	v50 =	vld [tilespmem:s24+$0x1F0];
	v0 =	vsub.f32 v0, v2;
	v1 =	vsub.f32 v1, v3  }
0x264: {  	v48 =	vbroadcast v55, $0x6;
	v16 =	vmul.f32 v18, v16;
	v53 =	vld [tilespmem:$0x1FFF0]  }
0x265: {  	v15 =	vmul.f32 v15, v52;
	v11 =	vld [tilespmem:s24+$0x1B0];
	[tilespmem:$0x1FE50] =	vst v17;
	v17 =	vmul.f32 v24, v52;
	v0 =	vadd.f32 v1, v0  }
0x266: {  	v18 =	vmov s22;
	v51 =	vbroadcast v14, $0x9;
	v49 =	vbroadcast v55, $0x8;
	[tilespmem:$0x1FE60] =	vst v16;
	v8 =	vld [tilespmem:s24+$0x180]  }
0x267: {  	v16 =	vld [tilespmem:s24+$0x100];
	[tilespmem:$0x1FE70] =	vst v17;
	v17 =	vmul.f32 v25, v34;
	v25 =	vlaneseq.u32;
	v0 =	vmul.f32 $5.000000000e-01, v0  }
0x268: {  	v52 =	vld [tilespmem:s24+$0xE0];
	v5 =	vbroadcast v55, $0x9;
	vm0 =	veq.s32 v18, v25;
	v18 =	vmul.f32 v27, v34  }
0x269: {  	v55 =	vld [tilespmem:$0x1FFD0];
	v34 =	vmul.f32 v6, v61;
	v54 =	vperm.xlane v0, v53  }
0x26a: {  	v2 =	vld [tilespmem:s24+$0x200];
	v3 =	vbroadcast v14, $0x3;
	v14 =	vmul.f32 v21, v10  }
0x26b: {  	s31 =	sadd.s32 $0xFFFFFFF0, s22;
	v10 =	vmul.f32 v22, v10;
	v33 =	vmul.f32 v8, v61;
	v61 =	vld [tilespmem:s24+$0x70];
	v0 =	vadd.f32 v0, v54  }
0x26c: {  	v24 =	vmov s31;
	[tilespmem:$0x1FE00] =	vst v51;
	v1 =	vld [tilespmem:s24+$0x1E0]  }
0x26d: {  	vm1 =	veq.s32 v24, v25;
	v24 =	vmul.f32 v32, v36;
	[tilespmem:$0x1FE20] =	vst v10;
	v10 =	vld [tilespmem:s24+$0x120];
	v13 =	vperm.xlane v0, v7  }
0x26e: {  	v32 =	vmul.f32 v11, v60;
	[tilespmem:$0x1FDF0] =	vst v14;
	v14 =	vmul.f32 v23, v51;
	v51 =	vld [tilespmem:s24+$0x110]  }
0x26f: {  	v23 =	vmul.f32 v31, v36;
	v31 =	vmul.f32 v9, v60;
	v60 =	vld [tilespmem:s24+$0x60];
	v0 =	vadd.f32 v0, v13  }
0x270: {  	v7 =	vld [tilespmem:s24+$0x160]  }
0x271: {  	[tilespmem:$0x1FE10] =	vst v14;
	v14 =	vld [tilespmem:s24+$0x150];
	v21 =	vperm.xlane v0, v55  }
0x272: {  	v20 =	vmul.f32 v26, v3;
	v53 =	vld [tilespmem:s24+$0xF0]  }
0x273: {  	v26 =	vmul.f32 v35, v41;
	v36 =	vmul.f32 v4, v62;
	v54 =	vld [tilespmem:s24+$0xC0];
	v0 =	vadd.f32 v0, v21  }
0x274: {  	v25 =	vmul.f32 v2, v41;
	v27 =	vmul.f32 v1, v38;
	v13 =	vld [tilespmem:s24+$0x140]  }
0x275: {  	v55 =	vld [tilespmem:s24+$0xD0];
	v35 =	vmul.f32 v7, v62;
	v22 =	vperm.xlane v0, v19  }
0x276: {  	p0 =	sne.s32 s26, $0x1F;
	v62 =	vld [tilespmem:s24+$0x40];
	v21 =	vmul.f32 v29, v37;
	v29 =	vmul.f32 v58, v46  }
.Ltmp2:
0x277: {  	v58 =	vld [tilespmem:s24+$0x80];
	v19 =	vmul.f32 v28, v3;
	v28 =	vmul.f32 v50, v38;
	v0 =	vadd.f32 v0, v22;
	(pc) =	sbr.rel @p0 .LBB2_6-.Ltmp2, $4  }
0x278: {  	v22 =	vmul.f32 v30, v37;
	v30 =	vmul.f32 v59, v46;
	v59 =	vld [tilespmem:s24+$0x90]  }
0x279: {  	v38 =	vmul.f32 v14, v63;
	v37 =	vmul.f32 v13, v63;
	v63 =	vld [tilespmem:s24+$0x50];
	v2 =	vsel vm1, v0, v56  }
0x27a: {  	v41 =	vmul.f32 v10, v5;
	v56 =	vld [tilespmem:s24+$0xA0];
	v1 =	vsel vm0, v0, v57;
	[tilespmem:$0x1FE80] =	vst v2  }
0x27b: {  	s23 =	smov.u32 s24;
	s22 =	smov.u32 s26;
	s26 =	sadd.s32 $0x1, s26;
	v50 =	vmul.f32 v16, v49;
	v46 =	vmul.f32 v12, v5;
	v57 =	vld [tilespmem:s24+$0xB0];
	[tilespmem:$0x1FE90] =	vst v1  }
0x27c: {  	v0 =	vmul.f32 v51, v49;
	v1 =	vld [tilespmem:s24+$0x20];
	v2 =	vmul.f32 v52, v47  }
0x27d: {  	v3 =	vmul.f32 v53, v47;
	v4 =	vld [tilespmem:s24+$0x0];
	v5 =	vmul.f32 v54, v48  }
0x27e: {  	v6 =	vmul.f32 v55, v48;
	v7 =	vld [tilespmem:s24+$0x10];
	v11 =	vmul.f32 v58, v43  }
0x27f: {  	v10 =	vld [tilespmem:s24+$0x30];
	v12 =	vmul.f32 v60, v45;
	v14 =	vmul.f32 v62, v40  }
0x280: {  	v16 =	vmul.f32 v61, v45;
	v13 =	vmul.f32 v59, v43  }
0x281: {  	v55 =	vmul.f32 v63, v40;
	v8 =	vmul.f32 v56, v42  }
0x282: {  	v9 =	vmul.f32 v57, v42;
	v4 =	vmul.f32 v4, v44  }
0x283: {  	v7 =	vmul.f32 v7, v44;
	v1 =	vmul.f32 v1, v39  }
0x284: {  	v10 =	vmul.f32 v10, v39;
	v56 =	vmul.f32 v4, v4  }
0x285: {  	v4 =	vadd.f32 $0.0e+00, v4;
	v57 =	vadd.f32 $0.0e+00, v7;
	v7 =	vmul.f32 v7, v7  }
0x286: {  	v58 =	vmul.f32 v1, v1;
	v59 =	vmul.f32 v10, v10  }
0x287: {  	v61 =	vmul.f32 v14, v14;
	v1 =	vadd.f32 v1, v4;
	v60 =	vadd.f32 v10, v57  }
0x288: {  	v63 =	vmul.f32 v55, v55;
	v62 =	vadd.f32 v58, v56;
	v7 =	vadd.f32 v59, v7  }
0x289: {  	v44 =	vmul.f32 v16, v16;
	v1 =	vadd.f32 v14, v1;
	v4 =	vadd.f32 v55, v60  }
0x28a: {  	v14 =	vmul.f32 v12, v12;
	v10 =	vadd.f32 v61, v62;
	v7 =	vadd.f32 v63, v7  }
0x28b: {  	v1 =	vadd.f32 v12, v1;
	v4 =	vadd.f32 v16, v4;
	v12 =	vmul.f32 v11, v11  }
0x28c: {  	v10 =	vadd.f32 v14, v10;
	v7 =	vadd.f32 v44, v7;
	v14 =	vmul.f32 v13, v13  }
0x28d: {  	v45 =	vmul.f32 v8, v8;
	v1 =	vadd.f32 v11, v1;
	v4 =	vadd.f32 v13, v4  }
0x28e: {  	v10 =	vadd.f32 v12, v10;
	v7 =	vadd.f32 v14, v7;
	v12 =	vmul.f32 v9, v9  }
0x28f: {  	v47 =	vmul.f32 v5, v5;
	v1 =	vadd.f32 v8, v1;
	v4 =	vadd.f32 v9, v4  }
0x290: {  	v49 =	vmul.f32 v6, v6;
	v48 =	vadd.f32 v45, v10;
	v7 =	vadd.f32 v12, v7  }
0x291: {  	v51 =	vmul.f32 v2, v2;
	v1 =	vadd.f32 v5, v1;
	v4 =	vadd.f32 v6, v4  }
0x292: {  	v53 =	vmul.f32 v3, v3;
	v52 =	vadd.f32 v47, v48;
	v7 =	vadd.f32 v49, v7  }
0x293: {  	v58 =	vmul.f32 v0, v0;
	v1 =	vadd.f32 v2, v1;
	v54 =	vadd.f32 v3, v4  }
0x294: {  	v55 =	vmul.f32 v50, v50;
	v56 =	vadd.f32 v51, v52;
	v57 =	vadd.f32 v53, v7  }
0x295: {  	v59 =	vmul.f32 v41, v41;
	v1 =	vadd.f32 v50, v1;
	v0 =	vadd.f32 v0, v54  }
0x296: {  	v61 =	vmul.f32 v46, v46;
	v3 =	vadd.f32 v55, v56;
	v60 =	vadd.f32 v58, v57  }
0x297: {  	v62 =	vmul.f32 v37, v37;
	v1 =	vadd.f32 v41, v1;
	v0 =	vadd.f32 v46, v0  }
0x298: {  	v8 =	vmul.f32 v38, v38;
	v2 =	vadd.f32 v59, v3;
	v63 =	vadd.f32 v61, v60  }
0x299: {  	v9 =	vmul.f32 v35, v35;
	v1 =	vadd.f32 v37, v1;
	v0 =	vadd.f32 v38, v0  }
0x29a: {  	v10 =	vmul.f32 v36, v36;
	v2 =	vadd.f32 v62, v2;
	v3 =	vadd.f32 v8, v63  }
0x29b: {  	v11 =	vmul.f32 v33, v33;
	v1 =	vadd.f32 v35, v1;
	v0 =	vadd.f32 v36, v0  }
0x29c: {  	v2 =	vadd.f32 v9, v2;
	v3 =	vadd.f32 v10, v3;
	v35 =	vmul.f32 v34, v34  }
0x29d: {  	v37 =	vmul.f32 v32, v32;
	v1 =	vadd.f32 v33, v1;
	v0 =	vadd.f32 v34, v0  }
0x29e: {  	v36 =	vmul.f32 v31, v31;
	v2 =	vadd.f32 v11, v2;
	v3 =	vadd.f32 v35, v3  }
0x29f: {  	v39 =	vmul.f32 v30, v30;
	v1 =	vadd.f32 v31, v1;
	v0 =	vadd.f32 v32, v0  }
0x2a0: {  	v38 =	vmul.f32 v29, v29;
	v2 =	vadd.f32 v36, v2;
	v3 =	vadd.f32 v37, v3  }
0x2a1: {  	v40 =	vmul.f32 v27, v27;
	v1 =	vadd.f32 v29, v1;
	v0 =	vadd.f32 v30, v0  }
0x2a2: {  	v41 =	vmul.f32 v28, v28;
	v2 =	vadd.f32 v38, v2;
	v3 =	vadd.f32 v39, v3  }
0x2a3: {  	v43 =	vmul.f32 v26, v26;
	v1 =	vadd.f32 v27, v1;
	v0 =	vadd.f32 v28, v0  }
0x2a4: {  	v42 =	vmul.f32 v25, v25;
	v2 =	vadd.f32 v40, v2;
	v3 =	vadd.f32 v41, v3  }
0x2a5: {  	v44 =	vmul.f32 v23, v23;
	v1 =	vadd.f32 v25, v1;
	v0 =	vadd.f32 v26, v0  }
0x2a6: {  	v45 =	vmul.f32 v24, v24;
	v2 =	vadd.f32 v42, v2;
	v3 =	vadd.f32 v43, v3  }
0x2a7: {  	v47 =	vmul.f32 v22, v22;
	v1 =	vadd.f32 v23, v1;
	v0 =	vadd.f32 v24, v0  }
0x2a8: {  	v53 =	vld [tilespmem:$0x1FE70];
	v46 =	vmul.f32 v21, v21;
	v2 =	vadd.f32 v44, v2;
	v3 =	vadd.f32 v45, v3  }
0x2a9: {  	v48 =	vmul.f32 v19, v19;
	v55 =	vld [tilespmem:$0x1FE50];
	v1 =	vadd.f32 v21, v1;
	v0 =	vadd.f32 v22, v0  }
0x2aa: {  	v49 =	vmul.f32 v20, v20;
	v57 =	vld [tilespmem:s23+$0x330];
	v2 =	vadd.f32 v46, v2;
	v3 =	vadd.f32 v47, v3  }
0x2ab: {  	v51 =	vmul.f32 v18, v18;
	v58 =	vld [tilespmem:$0x1FE60];
	v1 =	vadd.f32 v19, v1;
	v0 =	vadd.f32 v20, v0  }
0x2ac: {  	v50 =	vmul.f32 v17, v17;
	v60 =	vld [tilespmem:$0x1FE30];
	v2 =	vadd.f32 v48, v2;
	v3 =	vadd.f32 v49, v3  }
0x2ad: {  	v52 =	vmul.f32 v15, v15;
	v62 =	vld [tilespmem:$0x1FE40];
	v1 =	vadd.f32 v17, v1;
	v0 =	vadd.f32 v18, v0  }
0x2ae: {  	v54 =	vmul.f32 v53, v53;
	v34 =	vld [tilespmem:$0x1FE20];
	v2 =	vadd.f32 v50, v2;
	v3 =	vadd.f32 v51, v3  }
0x2af: {  	v56 =	vmul.f32 v55, v55;
	v32 =	vld [tilespmem:$0x1FDF0];
	v1 =	vadd.f32 v15, v1;
	v0 =	vadd.f32 v53, v0  }
0x2b0: {  	v59 =	vmul.f32 v58, v58;
	v36 =	vld [tilespmem:$0x1FE00];
	v2 =	vadd.f32 v52, v2;
	v3 =	vadd.f32 v54, v3  }
0x2b1: {  	v61 =	vmul.f32 v60, v60;
	v37 =	vld [tilespmem:$0x1FE10];
	v1 =	vadd.f32 v55, v1;
	v0 =	vadd.f32 v58, v0  }
0x2b2: {  	v63 =	vmul.f32 v62, v62;
	v2 =	vadd.f32 v56, v2;
	v3 =	vadd.f32 v59, v3  }
0x2b3: {  	v35 =	vmul.f32 v34, v34;
	v1 =	vadd.f32 v60, v1;
	v0 =	vadd.f32 v62, v0  }
0x2b4: {  	v33 =	vmul.f32 v32, v32;
	v2 =	vadd.f32 v61, v2;
	v3 =	vadd.f32 v63, v3  }
0x2b5: {  	v5 =	vmul.f32 v57, v36;
	v1 =	vadd.f32 v32, v1;
	v0 =	vadd.f32 v34, v0  }
0x2b6: {  	v38 =	vmul.f32 v37, v37;
	v2 =	vadd.f32 v33, v2;
	v3 =	vadd.f32 v35, v3  }
0x2b7: {  	v1 =	vadd.f32 v37, v1;
	v0 =	vadd.f32 v5, v0;
	v5 =	vmul.f32 v5, v5  }
0x2b8: {  	v2 =	vadd.f32 v38, v2  }
0x2b9: {  	v3 =	vadd.f32 v5, v3;
	v1 =	vmul.f32 v1, v1;
	v0 =	vmul.f32 v0, v0;
	_ =	sdelay $0x1  }
0x2ba: {  	v1 =	vsub.f32 v1, v2;
	v0 =	vsub.f32 v0, v3  }
0x2bb: {  	v39 =	vld [tilespmem:$0x1FFF0]  }
0x2bc: {  	v0 =	vadd.f32 v0, v1;
	_ =	sdelay $0x1  }
0x2bd: {  	v0 =	vmul.f32 $5.000000000e-01, v0  }
0x2be: {  	v40 =	vld [tilespmem:$0x1FFC0]  }
0x2bf: {  	v1 =	vperm.xlane v0, v39;
	_ =	sdelay $0x1  }
0x2c0: {  	v0 =	vadd.f32 v0, v1  }
0x2c1: {  	v41 =	vld [tilespmem:$0x1FFD0]  }
0x2c2: {  	v1 =	vperm.xlane v0, v40;
	_ =	sdelay $0x1  }
0x2c3: {  	v0 =	vadd.f32 v0, v1  }
0x2c4: {  	v42 =	vld [tilespmem:$0x1FFE0]  }
0x2c5: {  	v1 =	vperm.xlane v0, v41;
	_ =	sdelay $0x1  }
0x2c6: {  	v43 =	vld [tilespmem:$0x15260];
	v0 =	vadd.f32 v0, v1  }
0x2c7: {  	v48 =	vld [tilespmem:$0x1FE90]  }
0x2c8: {  	v49 =	vld [tilespmem:$0x1FE80];
	v1 =	vperm.xlane v0, v42  }
0x2c9: {  	v44 =	vld [tilespmem:$0x15270]  }
0x2ca: {  	s30 =	sadd.s32 $0xFFFFFFF0, s22;
	v45 =	vmov s22;
	v46 =	vlaneseq.u32;
	v0 =	vadd.f32 v0, v1  }
0x2cb: {  	v47 =	vmov s30;
	vm0 =	veq.s32 v45, v46  }
0x2cc: {  	vm1 =	veq.s32 v47, v46;
	v1 =	vsel vm0, v0, v48  }
0x2cd: {  	v0 =	vsel vm1, v0, v49;
	v1 =	vadd.f32 v43, v1  }
0x2ce: {  	v0 =	vadd.f32 v44, v0  }
0x2cf: {  	[tilespmem:$0x152E0] =	vst v1  }
0x2d0: {  	[tilespmem:$0x152F0] =	vst v0  }
0x2d1: {  	_ =	swait.ge [sflag:s16], $0x6800  }
0x2d2: {  	[sflag:s16] =	ssyncset.done $0x0  }
0x2d3: {  	s24 =	simm.s32 $0x1BC0;
	[sflag:s16] =	ssyncadd.s32 $0xFFFF9800  }
0x2d4: {  	v52 =	vld [tilespmem:s24+$0x180]  }
0x2d5: {  	v1 =	vld [tilespmem:s24+$0x160]  }
0x2d6: {  	v2 =	vld [tilespmem:s24+$0x170]  }
0x2d7: {  	v12 =	vld [tilespmem:s24+$0x140]  }
0x2d8: {  	v51 =	vld [tilespmem:s24+$0x150]  }
0x2d9: {  	v14 =	vld [tilespmem:s24+$0x120]  }
0x2da: {  	v16 =	vld [tilespmem:s24+$0x130]  }
0x2db: {  	v15 =	vld [tilespmem:s24+$0x100]  }
0x2dc: {  	s25 =	simm.s32 $0x0;
	v17 =	vld [tilespmem:s24+$0x110]  }
0x2dd: {  	s31 =	sand.u32 $0x3FE, s25;
	v18 =	vld [tilespmem:s24+$0xE0]  }
0x2de: {  	v50 =	vld [tilespmem:s31+$0x16E0]  }
0x2df: {  	v20 =	vld [tilespmem:s24+$0xF0]  }
0x2e0: {  	v19 =	vld [tilespmem:s24+$0xC0]  }
0x2e1: {  	v22 =	vld [tilespmem:s24+$0xD0]  }
0x2e2: {  	v21 =	vld [tilespmem:s24+$0xA0]  }
0x2e3: {  	v24 =	vld [tilespmem:s24+$0xB0]  }
0x2e4: {  	v9 =	vld [tilespmem:s31+$0x16D0]  }
0x2e5: {  	v23 =	vld [tilespmem:s24+$0x80]  }
0x2e6: {  	v26 =	vld [tilespmem:s24+$0x90]  }
0x2e7: {  	v25 =	vld [tilespmem:s24+$0x60];
	v53 =	vbroadcast v50, $0x8;
	v54 =	vbroadcast v50, $0x9  }
0x2e8: {  	v28 =	vld [tilespmem:s24+$0x70];
	v13 =	vbroadcast v50, $0x6;
	v55 =	vbroadcast v50, $0x7  }
0x2e9: {  	v30 =	vld [tilespmem:s24+$0x40];
	v27 =	vbroadcast v50, $0x5;
	v29 =	vbroadcast v50, $0x3  }
0x2ea: {  	v33 =	vld [tilespmem:s24+$0x50];
	v31 =	vbroadcast v50, $0x4;
	v32 =	vbroadcast v50, $0x1  }
0x2eb: {  	v58 =	vld [tilespmem:s24+$0x20];
	v34 =	vbroadcast v50, $0x2;
	v35 =	vbroadcast v9, $0xF  }
0x2ec: {  	v41 =	vld [tilespmem:s24+$0x30];
	v37 =	vbroadcast v50, $0x0;
	v38 =	vbroadcast v9, $0xE  }
0x2ed: {  	v59 =	vld [tilespmem:s24+$0x0];
	v45 =	vbroadcast v9, $0xC;
	v50 =	vbroadcast v9, $0xD  }
0x2ee: {  	v60 =	vld [tilespmem:s24+$0x10];
	v62 =	vbroadcast v9, $0xB;
	v7 =	vbroadcast v9, $0x9  }
0x2ef: {  	v61 =	vld [tilespmem:s24+$0xFFFFFFE0];
	v3 =	vbroadcast v9, $0xA;
	v47 =	vbroadcast v9, $0x7  }
0x2f0: {  	v63 =	vld [tilespmem:s24+$0xFFFFFFF0];
	v49 =	vbroadcast v9, $0x8;
	v42 =	vbroadcast v9, $0x5  }
0x2f1: {  	v6 =	vld [tilespmem:s24+$0xFFFFFFC0];
	v48 =	vbroadcast v9, $0x6;
	v43 =	vbroadcast v9, $0x4  }
0x2f2: {  	v36 =	vld [tilespmem:s24+$0xFFFFFFD0];
	v39 =	vbroadcast v9, $0x2;
	v46 =	vbroadcast v9, $0x3  }
0x2f3: {  	v4 =	vld [tilespmem:s24+$0xFFFFFFA0];
	v44 =	vbroadcast v9, $0x0;
	v40 =	vbroadcast v9, $0x1  }
0x2f4: {  	v8 =	vld [tilespmem:s24+$0xFFFFFFB0];
	v1 =	vmul.f32 v1, v53;
	v0 =	vmul.f32 v52, v54  }
0x2f5: {  	v11 =	vld [tilespmem:s24+$0xFFFFFF60];
	v56 =	vmul.f32 v2, v53;
	v57 =	vmul.f32 v12, v55  }
0x2f6: {  	v2 =	vld [tilespmem:s24+$0xFFFFFF80];
	v5 =	vmul.f32 v51, v55;
	v9 =	vmul.f32 v14, v13  }
0x2f7: {  	v10 =	vmul.f32 v16, v13;
	v15 =	vmul.f32 v15, v27;
	v51 =	vld [tilespmem:s24+$0xFFFFFF70]  }
0x2f8: {  	v52 =	vld [tilespmem:s24+$0xFFFFFF40];
	v19 =	vmul.f32 v19, v29;
	v13 =	vmul.f32 v21, v34  }
0x2f9: {  	[tilespmem:$0x1FD50] =	vst v54;
	v53 =	vld [tilespmem:s24+$0xFFFFFF50];
	v23 =	vmul.f32 v23, v32;
	v25 =	vmul.f32 v25, v37  }
0x2fa: {  	v54 =	vld [tilespmem:s24+$0xFFFFFF20];
	v36 =	vmul.f32 v36, v62;
	[tilespmem:$0x1FDA0] =	vst v9;
	v9 =	vmul.f32 v17, v27  }
0x2fb: {  	v55 =	vld [tilespmem:s24+$0xFFFFFF30];
	v17 =	vmul.f32 v18, v31;
	v18 =	vmul.f32 v20, v31  }
0x2fc: {  	[tilespmem:$0x1FD40] =	vst v1;
	v1 =	vld [tilespmem:s24+$0xFFFFFF90];
	v20 =	vmul.f32 v22, v29;
	v22 =	vmul.f32 v24, v34  }
0x2fd: {  	[tilespmem:$0x1FD70] =	vst v56;
	v24 =	vmul.f32 v26, v32;
	v56 =	vld [tilespmem:s24+$0xFFFFFF00];
	v27 =	vmul.f32 v30, v35  }
0x2fe: {  	[tilespmem:$0x1FD80] =	vst v57;
	v26 =	vmul.f32 v28, v37;
	v57 =	vld [tilespmem:s24+$0xFFFFFF10];
	v29 =	vmul.f32 v58, v38  }
0x2ff: {  	[tilespmem:$0x1FD60] =	vst v0;
	v28 =	vmul.f32 v33, v35;
	v58 =	vld [tilespmem:s24+$0xFFFFFEE0];
	v31 =	vmul.f32 v59, v50  }
0x300: {  	[tilespmem:$0x1FD90] =	vst v5;
	v30 =	vmul.f32 v41, v38;
	v59 =	vld [tilespmem:s24+$0xFFFFFEF0];
	v33 =	vmul.f32 v61, v45  }
0x301: {  	[tilespmem:$0x1FDB0] =	vst v10;
	v32 =	vmul.f32 v60, v50;
	v60 =	vld [tilespmem:s24+$0xFFFFFEC0];
	v35 =	vmul.f32 v6, v62;
	v10 =	vimm.f32 $0.0e+00  }
0x302: {  	v34 =	vmul.f32 v63, v45;
	v61 =	vld [tilespmem:s24+$0xFFFFFED0];
	v50 =	vmul.f32 v11, v49;
	v11 =	vimm.f32 $0.0e+00;
	[tilespmem:$0x1FDD0] =	vst v10  }
0x303: {  	v37 =	vmul.f32 v4, v3;
	v63 =	vld [tilespmem:s24+$0xFFFFFEA0];
	v38 =	vmul.f32 v8, v3;
	[tilespmem:$0x1FDE0] =	vst v11  }
0x304: {  	s26 =	simm.s32 $0x1;
	s23 =	simm.s32 $0x1BC0;
	s22 =	simm.s32 $0x0;
	v62 =	vld [tilespmem:s24+$0xFFFFFEB0];
	[tilespmem:$0x1FDC0] =	vst v9;
	v41 =	vmul.f32 v2, v7;
	v45 =	vmul.f32 v1, v7  }
.LBB2_8:
0x305: {  	_ = 	snop  }
0x306: {  	v1 =	vmul.f32 v52, v47  }
0x307: {  	v0 =	vld [tilespmem:s24+$0xFFFFFE80];
	v2 =	vmul.f32 v51, v49;
	v4 =	vmul.f32 v54, v48  }
0x308: {  	v3 =	vld [tilespmem:s24+$0xFFFFFE60];
	v47 =	vmul.f32 v53, v47;
	v51 =	vmul.f32 v56, v42  }
0x309: {  	v10 =	vld [tilespmem:s24+$0xFFFFFE70];
	v48 =	vmul.f32 v55, v48;
	v53 =	vmul.f32 v58, v43  }
0x30a: {  	v11 =	vld [tilespmem:s24+$0xFFFFFE90];
	v42 =	vmul.f32 v57, v42;
	v54 =	vmul.f32 v60, v46  }
0x30b: {  	v43 =	vmul.f32 v59, v43;
	v55 =	vmul.f32 v63, v39  }
0x30c: {  	v46 =	vmul.f32 v61, v46;
	v63 =	vmul.f32 v62, v39  }
0x30d: {  	v57 =	vmul.f32 v41, v41;
	v59 =	vmul.f32 v45, v45  }
0x30e: {  	v3 =	vmul.f32 v3, v44;
	v6 =	vmul.f32 v10, v44  }
0x30f: {  	v0 =	vmul.f32 v0, v40;
	v8 =	vmul.f32 v11, v40  }
0x310: {  	v61 =	vmul.f32 v55, v55;
	v62 =	vmul.f32 v63, v63  }
0x311: {  	v52 =	vmul.f32 v47, v47;
	v7 =	vmul.f32 v3, v3;
	v3 =	vadd.f32 $0.0e+00, v3  }
0x312: {  	v56 =	vmul.f32 v2, v2;
	v9 =	vadd.f32 $0.0e+00, v6;
	v10 =	vmul.f32 v0, v0  }
0x313: {  	v44 =	vmul.f32 v6, v6;
	v11 =	vmul.f32 v8, v8;
	v0 =	vadd.f32 v0, v3  }
0x314: {  	v6 =	vmul.f32 v46, v46;
	v60 =	vadd.f32 v8, v9;
	v49 =	vadd.f32 v10, v7  }
0x315: {  	v44 =	vadd.f32 v11, v44;
	v7 =	vmul.f32 v53, v53;
	v9 =	vmul.f32 v43, v43  }
0x316: {  	v10 =	vmul.f32 v51, v51;
	v11 =	vmul.f32 v42, v42;
	v0 =	vadd.f32 v55, v0  }
0x317: {  	v3 =	vadd.f32 v63, v60;
	v63 =	vmul.f32 v54, v54;
	v40 =	vadd.f32 v61, v49  }
0x318: {  	v44 =	vadd.f32 v62, v44;
	v49 =	vmul.f32 v48, v48;
	v60 =	vmul.f32 v37, v37  }
0x319: {  	v5 =	vld [tilespmem:$0x1FDC0];
	v62 =	vmul.f32 v38, v38;
	v0 =	vadd.f32 v54, v0;
	v3 =	vadd.f32 v46, v3  }
0x31a: {  	v39 =	vadd.f32 v63, v40;
	v8 =	vadd.f32 v6, v44;
	v46 =	vmul.f32 v4, v4  }
0x31b: {  	v54 =	vmul.f32 v50, v50;
	v0 =	vadd.f32 v53, v0;
	v3 =	vadd.f32 v43, v3  }
0x31c: {  	v63 =	vmul.f32 v35, v35;
	v39 =	vadd.f32 v7, v39;
	v40 =	vadd.f32 v9, v8  }
0x31d: {  	v8 =	vmul.f32 v36, v36;
	v9 =	vmul.f32 v33, v33;
	v0 =	vadd.f32 v51, v0  }
0x31e: {  	v6 =	vld [tilespmem:$0x1FDA0];
	v43 =	vmul.f32 v5, v5;
	v3 =	vadd.f32 v42, v3;
	v39 =	vadd.f32 v10, v39  }
0x31f: {  	v40 =	vadd.f32 v11, v40;
	v51 =	vmul.f32 v1, v1;
	v0 =	vadd.f32 v4, v0  }
0x320: {  	v10 =	vmul.f32 v34, v34;
	v3 =	vadd.f32 v48, v3;
	v39 =	vadd.f32 v46, v39  }
0x321: {  	v44 =	vld [tilespmem:$0x1FDB0];
	v11 =	vmul.f32 v31, v31;
	v40 =	vadd.f32 v49, v40;
	v0 =	vadd.f32 v1, v0  }
0x322: {  	v42 =	vmul.f32 v18, v18;
	v53 =	vadd.f32 v47, v3;
	v4 =	vadd.f32 v51, v39;
	v47 =	vld [tilespmem:$0x1FD90]  }
0x323: {  	s25 =	sadd.s32 $0x1A, s25;
	v16 =	vmul.f32 v6, v6;
	v55 =	vadd.f32 v52, v40;
	v0 =	vadd.f32 v50, v0;
	v50 =	vld [tilespmem:$0x1FD70]  }
0x324: {  	s28 =	sand.u32 $0x3FE, s25;
	v39 =	vmul.f32 v24, v24;
	v1 =	vadd.f32 v2, v53;
	v3 =	vadd.f32 v54, v4;
	v53 =	vld [tilespmem:$0x1FD60]  }
0x325: {  	v40 =	vmul.f32 v22, v22;
	v58 =	vadd.f32 v56, v55;
	v55 =	vld [tilespmem:s28+$0x16D0];
	v0 =	vadd.f32 v41, v0  }
0x326: {  	v1 =	vadd.f32 v45, v1;
	v2 =	vadd.f32 v57, v3;
	v41 =	vmul.f32 v20, v20  }
0x327: {  	v61 =	vadd.f32 v59, v58;
	v45 =	vmul.f32 v44, v44;
	v48 =	vmul.f32 v47, v47  }
0x328: {  	v0 =	vadd.f32 v37, v0;
	v1 =	vadd.f32 v38, v1;
	v37 =	vmul.f32 v28, v28  }
0x329: {  	v14 =	vld [tilespmem:s28+$0x16E0];
	v2 =	vadd.f32 v60, v2;
	v38 =	vmul.f32 v26, v26;
	v51 =	vmul.f32 v50, v50  }
0x32a: {  	v3 =	vadd.f32 v62, v61;
	v54 =	vmul.f32 v53, v53;
	v61 =	vbroadcast v55, $0xC  }
0x32b: {  	v60 =	vbroadcast v55, $0xD;
	v0 =	vadd.f32 v35, v0;
	v1 =	vadd.f32 v36, v1  }
0x32c: {  	s24 =	sadd.s32 $0x340, s24;
	v49 =	vld [tilespmem:$0x1FD40];
	v62 =	vbroadcast v55, $0xB;
	v2 =	vadd.f32 v63, v2;
	v3 =	vadd.f32 v8, v3  }
0x32d: {  	v21 =	vld [tilespmem:s24+$0x160];
	v35 =	vmul.f32 v32, v32;
	v36 =	vmul.f32 v30, v30;
	v0 =	vadd.f32 v33, v0  }
0x32e: {  	v12 =	vld [tilespmem:s24+$0x10];
	v1 =	vadd.f32 v34, v1;
	v3 =	vadd.f32 v10, v3;
	v10 =	vbroadcast v14, $0x8  }
0x32f: {  	v7 =	vld [tilespmem:$0x1FFC0];
	v2 =	vadd.f32 v9, v2;
	v34 =	vbroadcast v14, $0x4;
	v9 =	vbroadcast v55, $0xA  }
0x330: {  	v46 =	vld [tilespmem:$0x1FD80];
	v0 =	vadd.f32 v31, v0;
	v1 =	vadd.f32 v32, v1;
	v31 =	vmul.f32 v29, v29  }
0x331: {  	v52 =	vld [tilespmem:$0x1FD50];
	v2 =	vadd.f32 v11, v2;
	v3 =	vadd.f32 v35, v3;
	v11 =	vmul.f32 v49, v49  }
0x332: {  	v4 =	vld [tilespmem:s24+$0xFFFFFFD0];
	v21 =	vmul.f32 v21, v10;
	v0 =	vadd.f32 v29, v0;
	v1 =	vadd.f32 v30, v1  }
0x333: {  	v56 =	vld [tilespmem:$0x1FDD0];
	v29 =	vmul.f32 v27, v27;
	v2 =	vadd.f32 v31, v2;
	v3 =	vadd.f32 v36, v3  }
0x334: {  	v58 =	vld [tilespmem:s24+$0x20];
	v36 =	vbroadcast v14, $0x1;
	v0 =	vadd.f32 v27, v0;
	v1 =	vadd.f32 v28, v1  }
0x335: {  	v59 =	vld [tilespmem:s24+$0x30];
	v27 =	vmul.f32 v25, v25;
	v2 =	vadd.f32 v29, v2;
	v3 =	vadd.f32 v37, v3  }
0x336: {  	v57 =	vld [tilespmem:$0x1FDE0];
	v37 =	vbroadcast v14, $0x2;
	v0 =	vadd.f32 v25, v0;
	v1 =	vadd.f32 v26, v1  }
0x337: {  	v63 =	vld [tilespmem:s24+$0x0];
	v25 =	vmul.f32 v23, v23;
	v2 =	vadd.f32 v27, v2;
	v3 =	vadd.f32 v38, v3  }
0x338: {  	v32 =	vld [tilespmem:s24+$0x90];
	v38 =	vbroadcast v55, $0xF;
	v0 =	vadd.f32 v23, v0;
	v1 =	vadd.f32 v24, v1  }
0x339: {  	v35 =	vld [tilespmem:s24+$0x70];
	v24 =	vmul.f32 v13, v13;
	v2 =	vadd.f32 v25, v2;
	v3 =	vadd.f32 v39, v3  }
0x33a: {  	v30 =	vld [tilespmem:s24+$0xB0];
	v25 =	vmul.f32 v19, v19;
	v0 =	vadd.f32 v13, v0;
	v1 =	vadd.f32 v22, v1  }
0x33b: {  	v31 =	vld [tilespmem:s24+$0x80];
	v39 =	vbroadcast v55, $0x2;
	v2 =	vadd.f32 v24, v2;
	v3 =	vadd.f32 v40, v3  }
0x33c: {  	[tilespmem:$0x1FD40] =	vst v21;
	v21 =	vld [tilespmem:s24+$0xFFFFFF80];
	v24 =	vmul.f32 v17, v17;
	v0 =	vadd.f32 v19, v0;
	v1 =	vadd.f32 v20, v1  }
0x33d: {  	v26 =	vld [tilespmem:s23+$0x190];
	v13 =	vmul.f32 v46, v46;
	v2 =	vadd.f32 v25, v2;
	v3 =	vadd.f32 v41, v3  }
0x33e: {  	v28 =	vld [tilespmem:s24+$0xC0];
	v40 =	vbroadcast v55, $0x1;
	v0 =	vadd.f32 v17, v0;
	v1 =	vadd.f32 v18, v1  }
0x33f: {  	v29 =	vld [tilespmem:s24+$0xA0];
	v25 =	vmul.f32 v15, v15;
	v2 =	vadd.f32 v24, v2;
	v3 =	vadd.f32 v42, v3  }
0x340: {  	v27 =	vld [tilespmem:s24+$0xF0];
	v41 =	vbroadcast v14, $0x0;
	v0 =	vadd.f32 v15, v0;
	v1 =	vadd.f32 v5, v1  }
0x341: {  	v23 =	vld [tilespmem:s24+$0x180];
	v42 =	vbroadcast v55, $0x5;
	v2 =	vadd.f32 v25, v2;
	v3 =	vadd.f32 v43, v3  }
0x342: {  	v22 =	vld [tilespmem:s24+$0x170];
	v5 =	vmul.f32 v26, v52;
	v0 =	vadd.f32 v6, v0;
	v1 =	vadd.f32 v44, v1  }
0x343: {  	v19 =	vld [tilespmem:s24+$0x140];
	v52 =	vbroadcast v14, $0x5;
	v2 =	vadd.f32 v16, v2;
	v3 =	vadd.f32 v45, v3  }
0x344: {  	v20 =	vld [tilespmem:s24+$0x150];
	v43 =	vbroadcast v55, $0x4;
	v0 =	vadd.f32 v46, v0;
	v1 =	vadd.f32 v47, v1  }
0x345: {  	v17 =	vld [tilespmem:s24+$0x120];
	v8 =	vmul.f32 v5, v5;
	v2 =	vadd.f32 v13, v2;
	v3 =	vadd.f32 v48, v3  }
0x346: {  	v18 =	vld [tilespmem:s24+$0x130];
	v16 =	vbroadcast v14, $0x9;
	v0 =	vadd.f32 v49, v0;
	v1 =	vadd.f32 v50, v1  }
0x347: {  	v24 =	vld [tilespmem:s24+$0x110];
	v45 =	vbroadcast v55, $0xE;
	v2 =	vadd.f32 v11, v2;
	v3 =	vadd.f32 v51, v3  }
0x348: {  	v15 =	vld [tilespmem:s24+$0x100];
	v44 =	vbroadcast v55, $0x0;
	v0 =	vadd.f32 v53, v0;
	v1 =	vadd.f32 v5, v1  }
0x349: {  	v25 =	vld [tilespmem:s24+$0xE0];
	v13 =	vbroadcast v14, $0x6;
	v47 =	vbroadcast v55, $0x7;
	v2 =	vadd.f32 v54, v2  }
0x34a: {  	v26 =	vld [tilespmem:s24+$0xD0];
	v3 =	vadd.f32 v8, v3;
	v0 =	vmul.f32 v0, v0;
	v1 =	vmul.f32 v1, v1  }
0x34b: {  	v6 =	vld [tilespmem:s24+$0xFFFFFFF0];
	[tilespmem:$0x1FD50] =	vst v16;
	v16 =	vmul.f32 v23, v16;
	v23 =	vmul.f32 v31, v36  }
0x34c: {  	v31 =	vmul.f32 v63, v60;
	v63 =	vld [tilespmem:s24+$0xFFFFFEA0];
	v0 =	vsub.f32 v0, v2;
	v1 =	vsub.f32 v1, v3  }
0x34d: {  	v48 =	vbroadcast v55, $0x6;
	v46 =	vbroadcast v55, $0x3;
	v53 =	vld [tilespmem:$0x1FFF0]  }
0x34e: {  	v15 =	vmul.f32 v15, v52;
	v11 =	vbroadcast v14, $0x7;
	v50 =	vld [tilespmem:s24+$0x50];
	v0 =	vadd.f32 v1, v0  }
0x34f: {  	v49 =	vbroadcast v55, $0x8;
	[tilespmem:$0x1FD60] =	vst v16;
	v16 =	vld [tilespmem:s24+$0xFFFFFFB0];
	v17 =	vmul.f32 v17, v13  }
0x350: {  	v13 =	vmul.f32 v18, v13;
	v51 =	vld [tilespmem:s24+$0xFFFFFF70];
	v0 =	vmul.f32 $5.000000000e-01, v0  }
0x351: {  	v18 =	vld [tilespmem:$0x1FFE0];
	v5 =	vbroadcast v55, $0x9;
	v19 =	vmul.f32 v19, v11  }
0x352: {  	v8 =	vld [tilespmem:s24+$0xFFFFFFE0];
	v11 =	vmul.f32 v20, v11;
	[tilespmem:$0x1FDA0] =	vst v17;
	v54 =	vperm.xlane v0, v53  }
0x353: {  	s31 =	sadd.s32 $0xFFFFFFF0, s22;
	v55 =	vld [tilespmem:$0x1FFD0];
	[tilespmem:$0x1FDB0] =	vst v13;
	v13 =	vmul.f32 v24, v52;
	v17 =	vmul.f32 v25, v34  }
0x354: {  	v25 =	vlaneseq.u32;
	v52 =	vld [tilespmem:s24+$0xFFFFFF40];
	v24 =	vmov s31;
	v0 =	vadd.f32 v0, v54  }
0x355: {  	vm1 =	veq.s32 v24, v25;
	v24 =	vmul.f32 v32, v36;
	v32 =	vmul.f32 v12, v60;
	v60 =	vld [tilespmem:s24+$0xFFFFFEC0];
	[tilespmem:$0x1FD90] =	vst v11  }
0x356: {  	v11 =	vld [tilespmem:s24+$0xFFFFFF90];
	[tilespmem:$0x1FDC0] =	vst v13;
	v13 =	vmov s22;
	v3 =	vbroadcast v14, $0x3;
	v14 =	vperm.xlane v0, v7  }
0x357: {  	vm0 =	veq.s32 v13, v25;
	v13 =	vmul.f32 v29, v37;
	v29 =	vmul.f32 v58, v45;
	v58 =	vld [tilespmem:s24+$0xFFFFFEE0]  }
0x358: {  	v10 =	vmul.f32 v22, v10;
	v2 =	vld [tilespmem:s24+$0x60];
	v0 =	vadd.f32 v0, v14  }
0x359: {  	v1 =	vld [tilespmem:s24+$0x40]  }
0x35a: {  	[tilespmem:$0x1FD70] =	vst v10;
	v53 =	vld [tilespmem:s24+$0xFFFFFF50];
	v10 =	vperm.xlane v0, v55  }
0x35b: {  	v36 =	vmul.f32 v4, v62;
	v7 =	vld [tilespmem:s24+$0xFFFFFFC0]  }
0x35c: {  	[tilespmem:$0x1FD80] =	vst v19;
	v33 =	vmul.f32 v8, v61;
	v19 =	vmul.f32 v28, v3;
	v54 =	vld [tilespmem:s24+$0xFFFFFF20];
	v0 =	vadd.f32 v0, v10  }
0x35d: {  	v20 =	vmul.f32 v26, v3;
	v26 =	vmul.f32 v35, v41;
	v14 =	vld [tilespmem:s24+$0xFFFFFFA0]  }
0x35e: {  	v28 =	vmul.f32 v50, v38;
	v55 =	vld [tilespmem:s24+$0xFFFFFF30];
	v22 =	vperm.xlane v0, v18  }
0x35f: {  	p0 =	sne.s32 s26, $0x1F;
	v25 =	vmul.f32 v2, v41;
	v41 =	vmul.f32 v21, v5;
	v10 =	vld [tilespmem:s24+$0xFFFFFF60]  }
.Ltmp3:
0x360: {  	v35 =	vmul.f32 v7, v62;
	v62 =	vld [tilespmem:s24+$0xFFFFFEB0];
	v18 =	vmul.f32 v27, v34;
	v0 =	vadd.f32 v0, v22;
	(pc) =	sbr.rel @p0 .LBB2_8-.Ltmp3, $4  }
0x361: {  	v27 =	vmul.f32 v1, v38;
	v34 =	vmul.f32 v6, v61;
	v61 =	vld [tilespmem:s24+$0xFFFFFED0]  }
0x362: {  	v22 =	vmul.f32 v30, v37;
	v30 =	vmul.f32 v59, v45;
	v59 =	vld [tilespmem:s24+$0xFFFFFEF0];
	v2 =	vsel vm1, v0, v56  }
0x363: {  	v38 =	vmul.f32 v16, v9;
	v37 =	vmul.f32 v14, v9;
	v56 =	vld [tilespmem:s24+$0xFFFFFF00];
	v1 =	vsel vm0, v0, v57;
	[tilespmem:$0x1FDD0] =	vst v2  }
0x364: {  	s23 =	smov.u32 s24;
	s22 =	smov.u32 s26;
	s26 =	sadd.s32 $0x1, s26;
	v45 =	vmul.f32 v11, v5;
	v50 =	vmul.f32 v10, v49;
	v57 =	vld [tilespmem:s24+$0xFFFFFF10];
	[tilespmem:$0x1FDE0] =	vst v1  }
0x365: {  	v0 =	vmul.f32 v51, v49;
	v1 =	vld [tilespmem:s24+$0xFFFFFE80]  }
0x366: {  	v2 =	vmul.f32 v52, v47;
	v3 =	vmul.f32 v53, v47;
	v4 =	vld [tilespmem:s24+$0xFFFFFE60]  }
0x367: {  	v5 =	vmul.f32 v54, v48;
	v6 =	vmul.f32 v55, v48;
	v7 =	vld [tilespmem:s24+$0xFFFFFE70]  }
0x368: {  	v10 =	vld [tilespmem:s24+$0xFFFFFE90];
	v11 =	vmul.f32 v58, v43;
	v14 =	vmul.f32 v60, v46  }
0x369: {  	v21 =	vmul.f32 v63, v39;
	v16 =	vmul.f32 v61, v46  }
0x36a: {  	v12 =	vmul.f32 v59, v43;
	v8 =	vmul.f32 v56, v42  }
0x36b: {  	v56 =	vmul.f32 v62, v39;
	v4 =	vmul.f32 v4, v44  }
0x36c: {  	v7 =	vmul.f32 v7, v44;
	v1 =	vmul.f32 v1, v40  }
0x36d: {  	v9 =	vmul.f32 v57, v42;
	v10 =	vmul.f32 v10, v40;
	v57 =	vadd.f32 $0.0e+00, v4  }
0x36e: {  	v4 =	vmul.f32 v4, v4;
	v58 =	vadd.f32 $0.0e+00, v7;
	v59 =	vmul.f32 v1, v1  }
0x36f: {  	v7 =	vmul.f32 v7, v7;
	v60 =	vmul.f32 v10, v10;
	v1 =	vadd.f32 v1, v57  }
0x370: {  	v61 =	vmul.f32 v21, v21;
	v10 =	vadd.f32 v10, v58;
	v4 =	vadd.f32 v59, v4  }
0x371: {  	v62 =	vmul.f32 v56, v56;
	v7 =	vadd.f32 v60, v7;
	v1 =	vadd.f32 v21, v1  }
0x372: {  	v63 =	vmul.f32 v14, v14;
	v10 =	vadd.f32 v56, v10;
	v4 =	vadd.f32 v61, v4  }
0x373: {  	v42 =	vmul.f32 v16, v16;
	v7 =	vadd.f32 v62, v7;
	v1 =	vadd.f32 v14, v1  }
0x374: {  	v43 =	vmul.f32 v11, v11;
	v10 =	vadd.f32 v16, v10;
	v4 =	vadd.f32 v63, v4  }
0x375: {  	v44 =	vmul.f32 v12, v12;
	v7 =	vadd.f32 v42, v7;
	v1 =	vadd.f32 v11, v1  }
0x376: {  	v46 =	vmul.f32 v8, v8;
	v10 =	vadd.f32 v12, v10;
	v4 =	vadd.f32 v43, v4  }
0x377: {  	v47 =	vmul.f32 v9, v9;
	v7 =	vadd.f32 v44, v7;
	v1 =	vadd.f32 v8, v1  }
0x378: {  	v48 =	vmul.f32 v5, v5;
	v9 =	vadd.f32 v9, v10;
	v4 =	vadd.f32 v46, v4  }
0x379: {  	v49 =	vmul.f32 v6, v6;
	v7 =	vadd.f32 v47, v7;
	v1 =	vadd.f32 v5, v1  }
0x37a: {  	v51 =	vmul.f32 v2, v2;
	v6 =	vadd.f32 v6, v9;
	v4 =	vadd.f32 v48, v4  }
0x37b: {  	v52 =	vmul.f32 v3, v3;
	v5 =	vadd.f32 v49, v7;
	v1 =	vadd.f32 v2, v1  }
0x37c: {  	v53 =	vmul.f32 v50, v50;
	v3 =	vadd.f32 v3, v6;
	v4 =	vadd.f32 v51, v4  }
0x37d: {  	v54 =	vmul.f32 v0, v0;
	v2 =	vadd.f32 v52, v5;
	v1 =	vadd.f32 v50, v1  }
0x37e: {  	v56 =	vmul.f32 v41, v41;
	v0 =	vadd.f32 v0, v3;
	v55 =	vadd.f32 v53, v4  }
0x37f: {  	v57 =	vmul.f32 v45, v45;
	v2 =	vadd.f32 v54, v2;
	v1 =	vadd.f32 v41, v1  }
0x380: {  	v58 =	vmul.f32 v37, v37;
	v0 =	vadd.f32 v45, v0;
	v3 =	vadd.f32 v56, v55  }
0x381: {  	v59 =	vmul.f32 v38, v38;
	v2 =	vadd.f32 v57, v2;
	v1 =	vadd.f32 v37, v1  }
0x382: {  	v60 =	vmul.f32 v35, v35;
	v0 =	vadd.f32 v38, v0;
	v3 =	vadd.f32 v58, v3  }
0x383: {  	v61 =	vmul.f32 v36, v36;
	v2 =	vadd.f32 v59, v2;
	v1 =	vadd.f32 v35, v1  }
0x384: {  	v62 =	vmul.f32 v33, v33;
	v0 =	vadd.f32 v36, v0;
	v3 =	vadd.f32 v60, v3  }
0x385: {  	v63 =	vmul.f32 v34, v34;
	v2 =	vadd.f32 v61, v2;
	v1 =	vadd.f32 v33, v1  }
0x386: {  	v8 =	vmul.f32 v31, v31;
	v0 =	vadd.f32 v34, v0;
	v3 =	vadd.f32 v62, v3  }
0x387: {  	v9 =	vmul.f32 v32, v32;
	v2 =	vadd.f32 v63, v2;
	v1 =	vadd.f32 v31, v1  }
0x388: {  	v10 =	vmul.f32 v29, v29;
	v0 =	vadd.f32 v32, v0;
	v3 =	vadd.f32 v8, v3  }
0x389: {  	v11 =	vmul.f32 v30, v30;
	v2 =	vadd.f32 v9, v2;
	v1 =	vadd.f32 v29, v1  }
0x38a: {  	v12 =	vmul.f32 v27, v27;
	v0 =	vadd.f32 v30, v0;
	v3 =	vadd.f32 v10, v3  }
0x38b: {  	v14 =	vmul.f32 v28, v28;
	v2 =	vadd.f32 v11, v2;
	v1 =	vadd.f32 v27, v1  }
0x38c: {  	v16 =	vmul.f32 v25, v25;
	v0 =	vadd.f32 v28, v0;
	v3 =	vadd.f32 v12, v3  }
0x38d: {  	v21 =	vmul.f32 v26, v26;
	v2 =	vadd.f32 v14, v2;
	v1 =	vadd.f32 v25, v1  }
0x38e: {  	v0 =	vadd.f32 v26, v0;
	v3 =	vadd.f32 v16, v3  }
0x38f: {  	v25 =	vmul.f32 v23, v23;
	v2 =	vadd.f32 v21, v2;
	v26 =	vmul.f32 v24, v24  }
0x390: {  	v27 =	vmul.f32 v13, v13;
	v1 =	vadd.f32 v23, v1;
	v0 =	vadd.f32 v24, v0  }
0x391: {  	v39 =	vld [tilespmem:$0x1FDB0];
	v28 =	vmul.f32 v22, v22;
	v3 =	vadd.f32 v25, v3;
	v2 =	vadd.f32 v26, v2  }
0x392: {  	v34 =	vld [tilespmem:$0x1FDC0];
	v29 =	vmul.f32 v19, v19;
	v1 =	vadd.f32 v13, v1;
	v0 =	vadd.f32 v22, v0  }
0x393: {  	v43 =	vld [tilespmem:$0x1FD90];
	v30 =	vmul.f32 v20, v20;
	v3 =	vadd.f32 v27, v3;
	v2 =	vadd.f32 v28, v2  }
0x394: {  	v36 =	vld [tilespmem:$0x1FDA0];
	v31 =	vmul.f32 v17, v17;
	v1 =	vadd.f32 v19, v1;
	v0 =	vadd.f32 v20, v0  }
0x395: {  	v47 =	vld [tilespmem:$0x1FD70];
	v32 =	vmul.f32 v18, v18;
	v3 =	vadd.f32 v29, v3;
	v2 =	vadd.f32 v30, v2  }
0x396: {  	v41 =	vld [tilespmem:$0x1FD80];
	v33 =	vmul.f32 v15, v15;
	v1 =	vadd.f32 v17, v1;
	v0 =	vadd.f32 v18, v0  }
0x397: {  	v49 =	vld [tilespmem:$0x1FD50];
	v35 =	vmul.f32 v34, v34;
	v3 =	vadd.f32 v31, v3;
	v2 =	vadd.f32 v32, v2  }
0x398: {  	v40 =	vmul.f32 v39, v39;
	v45 =	vld [tilespmem:$0x1FD40];
	v1 =	vadd.f32 v15, v1;
	v0 =	vadd.f32 v34, v0  }
0x399: {  	v38 =	vld [tilespmem:s23+$0x190];
	v37 =	vmul.f32 v36, v36;
	v3 =	vadd.f32 v33, v3;
	v2 =	vadd.f32 v35, v2  }
0x39a: {  	v44 =	vmul.f32 v43, v43;
	v50 =	vld [tilespmem:$0x1FD60];
	v1 =	vadd.f32 v36, v1;
	v0 =	vadd.f32 v39, v0  }
0x39b: {  	v42 =	vmul.f32 v41, v41;
	v3 =	vadd.f32 v37, v3;
	v2 =	vadd.f32 v40, v2  }
0x39c: {  	v48 =	vmul.f32 v47, v47;
	v1 =	vadd.f32 v41, v1;
	v0 =	vadd.f32 v43, v0  }
0x39d: {  	v46 =	vmul.f32 v45, v45;
	v3 =	vadd.f32 v42, v3;
	v2 =	vadd.f32 v44, v2  }
0x39e: {  	v5 =	vmul.f32 v38, v49;
	v1 =	vadd.f32 v45, v1;
	v0 =	vadd.f32 v47, v0  }
0x39f: {  	v51 =	vmul.f32 v50, v50;
	v3 =	vadd.f32 v46, v3;
	v2 =	vadd.f32 v48, v2  }
0x3a0: {  	v1 =	vadd.f32 v50, v1;
	v0 =	vadd.f32 v5, v0;
	v5 =	vmul.f32 v5, v5  }
0x3a1: {  	v3 =	vadd.f32 v51, v3  }
0x3a2: {  	v2 =	vadd.f32 v5, v2;
	v1 =	vmul.f32 v1, v1;
	v0 =	vmul.f32 v0, v0;
	_ =	sdelay $0x1  }
0x3a3: {  	v1 =	vsub.f32 v1, v3;
	v0 =	vsub.f32 v0, v2  }
0x3a4: {  	v57 =	vld [tilespmem:$0x1FFF0]  }
0x3a5: {  	v0 =	vadd.f32 v0, v1;
	_ =	sdelay $0x1  }
0x3a6: {  	v0 =	vmul.f32 $5.000000000e-01, v0  }
0x3a7: {  	v58 =	vld [tilespmem:$0x1FFC0]  }
0x3a8: {  	v52 =	vperm.xlane v0, v57;
	_ =	sdelay $0x1  }
0x3a9: {  	v0 =	vadd.f32 v0, v52  }
0x3aa: {  	v59 =	vld [tilespmem:$0x1FFD0]  }
0x3ab: {  	v1 =	vperm.xlane v0, v58;
	_ =	sdelay $0x1  }
0x3ac: {  	v0 =	vadd.f32 v0, v1  }
0x3ad: {  	v60 =	vld [tilespmem:$0x1FFE0]  }
0x3ae: {  	v1 =	vperm.xlane v0, v59;
	_ =	sdelay $0x1  }
0x3af: {  	v53 =	vld [tilespmem:$0x15280];
	v0 =	vadd.f32 v0, v1  }
0x3b0: {  	v62 =	vld [tilespmem:$0x1FDE0]  }
0x3b1: {  	v63 =	vld [tilespmem:$0x1FDD0];
	v1 =	vperm.xlane v0, v60  }
0x3b2: {  	v54 =	vld [tilespmem:$0x15290]  }
0x3b3: {  	s31 =	sadd.s32 $0xFFFFFFF0, s22;
	v55 =	vmov s22;
	v56 =	vlaneseq.u32;
	v0 =	vadd.f32 v0, v1  }
0x3b4: {  	vm0 =	veq.s32 v55, v56;
	v61 =	vmov s31  }
0x3b5: {  	vm1 =	veq.s32 v61, v56;
	v1 =	vsel vm0, v0, v62  }
0x3b6: {  	v0 =	vsel vm1, v0, v63;
	v1 =	vadd.f32 v53, v1  }
0x3b7: {  	s21 =	sadd.s32 $0x1, s21;
	v0 =	vadd.f32 v54, v0  }
0x3b8: {  	p0 =	sne.s32 s21, s8;
	[tilespmem:$0x15300] =	vst v1  }
.Ltmp4:
0x3b9: {  	[tilespmem:$0x15310] =	vst v0;
	(pc) =	sbr.rel @p0 .LBB2_1-.Ltmp4, $4  }
0x3ba: {  	[hbm4b:s7+s3] =	stream.linear.scatter [tilespmem:s20], [sflag:$0x4], $0x80, $0x38;
	[tilespmem:$0x15320] =	vst v63  }
0x3bb: {  	_ =	swait.ge [sflag:s9], $0x80  }
0x3bc: {  	[sflag:s9] =	ssyncset.done $0x0  }
0x3bd: {  	[sflag:s9] =	ssyncadd.s32 $0xFFFFFF80  }
0x3be: {  	_ =	sfence.sel $0x180000  }
0x3bf: {  	[bflag:$0x0] =	sbarrier.arrive $0xFFFF  }
0x3c0: {  	p0 =	sne.s32 s2, $0x0;
	_ =	strace $0x9000004A  }
0x3c1: {  	s0 =	sadd.s32 @!p0 $0x100000, s0;
	[bflag:$0x2] =	sbarrier.arrive $0xFFFF  }
0x3c2: {  	[sflag:s0] =	ssyncadd.tile.s32 @!p0 $0x1;
	_ =	shalt  }
.Lfunc_end2:
_tile_overlayer_lowered:
.L_overlay_start_2:
0x3c3: {  	(tag) =	ssettag $0x2  }
0x3c4: {  	s0 =	rddreg [dreg:$0x0];
	s2 =	stileid.u32  }
0x3c5: {  	s1 =	rddreg [dreg:$0x1];
	p0 =	sne.s32 s2, $0x0  }
0x3c6: {  	s3 =	rddreg [dreg:$0x2];
	[bflag:$0x3] =	sbarrier.arrive $0xFFFF;
	s2 =	simm.s32 @!p0 $0x1C04  }
0x3c7: {  	[timem:s3], [sflag:s2] =	dma.local @!p0 [hbm:s0], s1  }
0x3c8: {  	s0 =	simm.s32 @!p0 $0x4  }
0x3c9: {  	_ =	swait.ge @!p0 [sflag:s0], s1  }
0x3ca: {  	s1 =	ssub.s32 @!p0 $0x0, s1;
	[sflag:s0] =	ssyncset.done @!p0 $0x0  }
0x3cb: {  	[sflag:s0] =	ssyncadd.s32 @!p0 s1  }
0x3cc: {  	[bflag:$0x3] =	sbarrier.arrive $0xFFFF  }
0x3cd: {  	_ =	shalt  }

</sc_bundles>
